<compile_context>
chip_gen: v7x
topology: tpu7x:2x2x1
jax: 0.10.2.dev20260603
libtpu: 0.0.44.dev20260713+nightly
codegen_flags: <defaults>
</compile_context>

<pallas_src>
import functools

import jax
import jax.numpy as jnp
from jax import lax
from jax.experimental import pallas as pl
from jax.experimental.pallas import tpu as pltpu
from jax.experimental.pallas import tpu_sc as plsc

_N = 10000
_E = 320000
_D = 128
_R = 4

_NC = 2
_NS = 16
_NW = _NC * _NS
_EPW = _E // _NW
_C = 80
_NCH = _EPW // _C
_RN = _R * _N
_RNP = 40960
_NPT = 640
_DH = _D // 2
_NB = 4
_NI = 8



def _gidx_body(src_ref, dst_ref, typ_ref, gsrc_ref, gdst_ref):
    t = typ_ref[...] * _N
    gsrc_ref[...] = t + src_ref[...]
    gdst_ref[...] = t + dst_ref[...]


def _gidx(src2, dst2, typ2):
    return pl.pallas_call(
        _gidx_body,
        out_shape=(jax.ShapeDtypeStruct(src2.shape, jnp.int32),
                   jax.ShapeDtypeStruct(src2.shape, jnp.int32)),
    )(src2, dst2, typ2)


def _mm_body(x_ref, w_ref, b_ref, oa_ref, ob_ref):
    res = (jnp.dot(x_ref[...], w_ref[0],
                   preferred_element_type=jnp.float32) + b_ref[0, 0])
    oa_ref[0] = res[:, :_DH]
    ob_ref[0] = res[:, _DH:]


def _mm(x, wcat, bcat):
    bn = 1000
    half = jax.ShapeDtypeStruct((_R + 1, _N, _DH), jnp.float32)
    return pl.pallas_call(
        _mm_body,
        grid=(_R + 1, _N // bn),
        in_specs=[pl.BlockSpec((bn, _D), lambda r, j: (j, 0)),
                  pl.BlockSpec((1, _D, _D), lambda r, j: (r, 0, 0)),
                  pl.BlockSpec((1, 1, _D), lambda r, j: (r, 0, 0))],
        out_specs=(pl.BlockSpec((1, bn, _DH), lambda r, j: (r, j, 0)),
                   pl.BlockSpec((1, bn, _DH), lambda r, j: (r, j, 0))),
        out_shape=(half, half),
    )(x, wcat, bcat)


def _mid_body(ra_ref, rb_ref, aa_ref, ab_ref, w_ref, b_ref, oa_ref, ob_ref):
    ha = jnp.maximum(ra_ref[0] + aa_ref[0, 0] + aa_ref[0, 1], 0.0)
    hb = jnp.maximum(rb_ref[0] + ab_ref[0, 0] + ab_ref[0, 1], 0.0)
    w = w_ref[0]
    res = (jnp.dot(ha, w[:_DH, :], preferred_element_type=jnp.float32)
           + jnp.dot(hb, w[_DH:, :], preferred_element_type=jnp.float32)
           + b_ref[0, 0])
    oa_ref[0] = res[:, :_DH]
    ob_ref[0] = res[:, _DH:]


def _mid(ha, hb, agg, wcat, bcat):
    bn = 1000
    halfspec = pl.BlockSpec((1, bn, _DH), lambda r, j: (_R, j, 0))
    half = jax.ShapeDtypeStruct((_R + 1, _N, _DH), jnp.float32)
    return pl.pallas_call(
        _mid_body,
        grid=(_R + 1, _N // bn),
        in_specs=[halfspec, halfspec,
                  pl.BlockSpec((1, 2, bn, _DH), lambda r, j: (0, 0, j, 0)),
                  pl.BlockSpec((1, 2, bn, _DH), lambda r, j: (1, 0, j, 0)),
                  pl.BlockSpec((1, _D, _D), lambda r, j: (r, 0, 0)),
                  pl.BlockSpec((1, 1, _D), lambda r, j: (r, 0, 0))],
        out_specs=(pl.BlockSpec((1, bn, _DH), lambda r, j: (r, j, 0)),
                   pl.BlockSpec((1, bn, _DH), lambda r, j: (r, j, 0))),
        out_shape=(half, half),
    )(ha, hb, agg, agg, wcat, bcat)


def _inv_body(cnt_ref, inv_ref):
    s = cnt_ref[0] + cnt_ref[1]
    inv_ref[...] = 1.0 / jnp.maximum(s, 1.0)


def _inv(cnt3):
    return pl.pallas_call(
        _inv_body,
        out_shape=jax.ShapeDtypeStruct(cnt3.shape[1:], jnp.float32),
    )(cnt3)


def _fin_body(ra_ref, rb_ref, aa_ref, ab_ref, w_ref, b_ref, o_ref):
    ha = jnp.maximum(ra_ref[0] + aa_ref[0, 0] + aa_ref[0, 1], 0.0)
    hb = jnp.maximum(rb_ref[0] + ab_ref[0, 0] + ab_ref[0, 1], 0.0)
    w = w_ref[...]
    o_ref[...] = (jnp.dot(ha, w[:_DH, :], preferred_element_type=jnp.float32)
                  + jnp.dot(hb, w[_DH:, :], preferred_element_type=jnp.float32)
                  + b_ref[0])


def _fin(ha, hb, agg, wc_pad, bc_pad):
    bn = 1000
    halfspec = pl.BlockSpec((1, bn, _DH), lambda j: (_R, j, 0))
    return pl.pallas_call(
        _fin_body,
        grid=(_N // bn,),
        in_specs=[halfspec, halfspec,
                  pl.BlockSpec((1, 2, bn, _DH), lambda j: (0, 0, j, 0)),
                  pl.BlockSpec((1, 2, bn, _DH), lambda j: (1, 0, j, 0)),
                  pl.BlockSpec((_D, _D), lambda j: (0, 0)),
                  pl.BlockSpec((1, _D), lambda j: (0, 0))],
        out_specs=pl.BlockSpec((bn, _D), lambda j: (j, 0)),
        out_shape=jax.ShapeDtypeStruct((_N, _D), jnp.float32),
    )(ha, hb, agg, agg, wc_pad, bc_pad)



def _sc_mesh():
    return plsc.VectorSubcoreMesh(core_axis_name="c", subcore_axis_name="s")


_SC_PARAMS = pltpu.CompilerParams(needs_layout_passes=False,
                                  use_tc_tiling_on_sc=False)


def _counts(gdst, zeros_rnp):

    @functools.partial(
        pl.kernel,
        mesh=_sc_mesh(),
        compiler_params=_SC_PARAMS,
        out_type=jax.ShapeDtypeStruct((_NC, _RNP), jnp.float32),
        scratch_types=[
            pltpu.VMEM((_EPW,), jnp.int32),
            pltpu.VMEM((_C,), jnp.int32),
            pltpu.VMEM((_C,), jnp.float32),
            pltpu.VMEM_SHARED((_RNP,), jnp.float32),
        ],
    )
    def k(gdst_h, z_h, out_h, gidx_all, idx_v, ones_v, cnt_sh):
        c = lax.axis_index("c")
        s = lax.axis_index("s")
        wid = c * _NS + s
        pltpu.sync_copy(gdst_h.at[pl.ds(wid * _EPW, _EPW)], gidx_all)
        ones16 = jnp.full((16,), 1.0, dtype=jnp.float32)
        for i in range(_C // 16):
            ones_v[pl.ds(i * 16, 16)] = ones16

        @pl.when(s == 0)
        def _():
            pltpu.sync_copy(z_h, cnt_sh)

        plsc.subcore_barrier()

        def chunk(i, carry):
            cb = i * _C
            for k2 in range(_C // 16):
                idx_v[pl.ds(k2 * 16, 16)] = gidx_all[pl.ds(cb + k2 * 16, 16)]
            pltpu.sync_copy(ones_v, cnt_sh.at[idx_v], add=True)
            return carry

        lax.fori_loop(0, _NCH, chunk, 0)
        plsc.subcore_barrier()

        @pl.when(s == 0)
        def _():
            pltpu.sync_copy(cnt_sh, out_h.at[c])

    return k(gdst, zeros_rnp)


@functools.lru_cache(maxsize=1)
def _agg_kernel():

    @functools.partial(
        pl.kernel,
        mesh=_sc_mesh(),
        compiler_params=_SC_PARAMS,
        out_type=jax.ShapeDtypeStruct((2, _NC, _N, _DH), jnp.float32),
        scratch_types=[
            pltpu.VMEM((_NI, _C), jnp.int32),
            pltpu.VMEM((_NI, _C), jnp.int32),
            pltpu.VMEM((_NI, _C), jnp.int32),
            pltpu.VMEM((_NB, _C, _DH), jnp.float32),
            pltpu.VMEM((_NB, _C, 16), jnp.float32),
            pltpu.SemaphoreType.DMA((_NI,)),
            pltpu.SemaphoreType.DMA((_NB,)),
            pltpu.SemaphoreType.DMA((_NB,)),
            pltpu.SemaphoreType.DMA((_NB,)),
            pltpu.VMEM_SHARED((_N, _DH), jnp.float32),
        ],
    )
    def k(hra_h, hrb_h, invb_h, gsrc_h, gdst_h, dst_h, z_h, out_h,
          sidx, cidx, didx, rows_v, srow_v,
          sem_i, sem_g, sem_c, sem_s, acc_sh):
        c = lax.axis_index("c")
        s = lax.axis_index("s")
        wid = c * _NS + s
        ebase = wid * _EPW
        rb = jnp.minimum(s * _NPT, _N - _NPT)

        for half, hr_h in ((0, hra_h), (1, hrb_h)):

            def idx_dma(j, ib):
                base = ebase + j * _C
                pltpu.async_copy(gsrc_h.at[pl.ds(base, _C)],
                                 sidx.at[ib], sem_i.at[ib])
                pltpu.async_copy(gdst_h.at[pl.ds(base, _C)],
                                 cidx.at[ib], sem_i.at[ib])
                pltpu.async_copy(dst_h.at[pl.ds(base, _C)],
                                 didx.at[ib], sem_i.at[ib])

            def start_gathers(ib, vb, hr_h=hr_h):
                pltpu.make_async_copy(gsrc_h.at[pl.ds(ebase, _C)],
                                      sidx.at[ib], sem_i.at[ib]).wait()
                pltpu.make_async_copy(gdst_h.at[pl.ds(ebase, _C)],
                                      cidx.at[ib], sem_i.at[ib]).wait()
                pltpu.make_async_copy(dst_h.at[pl.ds(ebase, _C)],
                                      didx.at[ib], sem_i.at[ib]).wait()
                pltpu.async_copy(hr_h.at[sidx.at[ib]], rows_v.at[vb],
                                 sem_g.at[vb])
                pltpu.async_copy(invb_h.at[cidx.at[ib]], srow_v.at[vb],
                                 sem_c.at[vb])

            def wait_gathers(vb, ib, hr_h=hr_h):
                pltpu.make_async_copy(hr_h.at[sidx.at[ib]], rows_v.at[vb],
                                      sem_g.at[vb]).wait()
                pltpu.make_async_copy(invb_h.at[cidx.at[ib]], srow_v.at[vb],
                                      sem_c.at[vb]).wait()

            def wait_scatter(vb, ib):
                pltpu.make_async_copy(rows_v.at[vb],
                                      acc_sh.at[didx.at[ib]],
                                      sem_s.at[vb]).wait()

            pltpu.sync_copy(z_h.at[pl.ds(rb, _NPT)],
                            acc_sh.at[pl.ds(rb, _NPT)])
            plsc.subcore_barrier()
            for j in range(3):
                idx_dma(j, j)
            for j in range(2):
                start_gathers(j, j)

            def chunk(i, carry):
                vb = lax.bitwise_and(i, _NB - 1)
                ib = lax.bitwise_and(i, _NI - 1)

                @pl.when(i + 3 < _NCH)
                def _():
                    idx_dma(i + 3, lax.bitwise_and(i + 3, _NI - 1))

                @pl.when(i + 2 < _NCH)
                def _():
                    nvb = lax.bitwise_and(i + 2, _NB - 1)

                    @pl.when(i >= 2)
                    def _():
                        wait_scatter(nvb, lax.bitwise_and(i - 2, _NI - 1))
                    start_gathers(lax.bitwise_and(i + 2, _NI - 1), nvb)

                wait_gathers(vb, ib)

                def rowgrp(g, c2):
                    for jj in range(4):
                        row = g * 4 + jj
                        srow = srow_v[vb, row, :]
                        for k3 in range(_DH // 16):
                            sl = pl.ds(k3 * 16, 16)
                            rows_v[vb, row, sl] = rows_v[vb, row, sl] * srow
                    return c2

                lax.fori_loop(0, _C // 4, rowgrp, 0)
                pltpu.async_copy(rows_v.at[vb], acc_sh.at[didx.at[ib]],
                                 sem_s.at[vb], add=True)
                return carry

            lax.fori_loop(0, _NCH, chunk, 0)
            for j in range(_NB):
                i = _NCH - _NB + j
                wait_scatter(i & (_NB - 1), i & (_NI - 1))
            plsc.subcore_barrier()
            pltpu.sync_copy(acc_sh.at[pl.ds(rb, _NPT)],
                            out_h.at[half, c, pl.ds(rb, _NPT)])
            plsc.subcore_barrier()

    return k


def _agg(hra, hrb, invb, gsrc, gdst, dstv, zeros_ndh):
    return _agg_kernel()(hra, hrb, invb, gsrc, gdst, dstv, zeros_ndh)



def kernel(x, edge_index, edge_type, W1_rel, W1_root, b1,
           W2_rel, W2_root, b2, Wc, bc):
    src = edge_index[0]
    dst = edge_index[1]

    rows = _E // _D
    gsrc2, gdst2 = _gidx(src.reshape(rows, _D), dst.reshape(rows, _D),
                         edge_type.reshape(rows, _D))
    gsrc = gsrc2.reshape(_E)
    gdst = gdst2.reshape(_E)

    zeros_rnp = jnp.zeros((_RNP,), jnp.float32)
    zeros_ndh = jnp.zeros((_N, _DH), jnp.float32)

    cnt = _counts(gdst, zeros_rnp)
    inv = _inv(cnt.reshape(_NC, _RNP // _D, _D)).reshape(_RNP)
    invb = jnp.broadcast_to(inv[:, None], (_RNP, 16))

    wcat1 = jnp.concatenate([W1_rel, W1_root[None]], axis=0)
    bcat1 = jnp.zeros((_R + 1, 1, _D), jnp.float32).at[_R, 0].set(b1)
    ha1, hb1 = _mm(x, wcat1, bcat1)
    hra1 = ha1[:_R].reshape(_RN, _DH)
    hrb1 = hb1[:_R].reshape(_RN, _DH)
    agg1 = _agg(hra1, hrb1, invb, gsrc, gdst, dst, zeros_ndh)

    wcat2 = jnp.concatenate([W2_rel, W2_root[None]], axis=0)
    bcat2 = jnp.zeros((_R + 1, 1, _D), jnp.float32).at[_R, 0].set(b2)
    ha2, hb2 = _mid(ha1, hb1, agg1, wcat2, bcat2)
    hra2 = ha2[:_R].reshape(_RN, _DH)
    hrb2 = hb2[:_R].reshape(_RN, _DH)
    agg2 = _agg(hra2, hrb2, invb, gsrc, gdst, dst, zeros_ndh)

    wc_pad = jnp.pad(Wc, ((0, 0), (0, _D - Wc.shape[1])))
    bc_pad = jnp.pad(bc, (0, _D - bc.shape[0])).reshape(1, _D)
    out = _fin(ha2, hb2, agg2, wc_pad, bc_pad)
    return out[:, :Wc.shape[1]]

# --- scband reference (transcript-rebuilt; emitter-appended) ---
"""Pipeline reference for scband-fraud-rgcn-37031208026152 (READ-ONLY COPY).

The authoritative reference and input builder live on the scoring server;
editing this copy changes nothing except your own understanding.
"""

import jax, jax.numpy as jnp
import numpy as np

N = 10000
E = 320000
D_IN = 128
D_HID = 128
D_OUT = 128
R = 4


def setup_inputs(seed: int = 0) -> dict:
    key = jax.random.key(seed)
    ks = jax.random.split(key, 12)
    x = jax.random.normal(ks[0], (N, D_IN), dtype=jnp.float32)
    edge_index = jax.random.randint(ks[1], (2, E), 0, N, dtype=jnp.int32)
    edge_type = jax.random.randint(ks[2], (E,), 0, R, dtype=jnp.int32)
    s1 = 1.0 / np.sqrt(D_IN)
    s2 = 1.0 / np.sqrt(D_HID)
    s3 = 1.0 / np.sqrt(D_OUT)
    W1_rel = jax.random.normal(ks[3], (R, D_IN, D_HID), dtype=jnp.float32) * s1
    W1_root = jax.random.normal(ks[4], (D_IN, D_HID), dtype=jnp.float32) * s1
    b1 = jnp.zeros((D_HID,), dtype=jnp.float32)
    W2_rel = jax.random.normal(ks[5], (R, D_HID, D_OUT), dtype=jnp.float32) * s2
    W2_root = jax.random.normal(ks[6], (D_HID, D_OUT), dtype=jnp.float32) * s2
    b2 = jnp.zeros((D_OUT,), dtype=jnp.float32)
    Wc = jax.random.normal(ks[7], (D_OUT, 2), dtype=jnp.float32) * s3
    bc = jnp.zeros((2,), dtype=jnp.float32)
    return {"x": x, "edge_index": edge_index, "edge_type": edge_type,
            "W1_rel": W1_rel, "W1_root": W1_root, "b1": b1,
            "W2_rel": W2_rel, "W2_root": W2_root, "b2": b2,
            "Wc": Wc, "bc": bc}


def rgcn_layer(x, edge_index, edge_type, W_rel, W_root, b):
    # PyG RGCNConv with aggr='mean': per-relation mean of W_r-transformed
    # source features over incoming edges, plus root transform and bias.
    src = edge_index[0]
    dst = edge_index[1]
    n = x.shape[0]
    d_out = W_root.shape[1]
    out = x @ W_root + b
    for r in range(W_rel.shape[0]):
        mask = (edge_type == r).astype(x.dtype)
        h = x @ W_rel[r]
        msg = h[src] * mask[:, None]
        summed = jnp.zeros((n, d_out), dtype=x.dtype).at[dst].add(msg)
        cnt = jnp.zeros((n,), dtype=x.dtype).at[dst].add(mask)
        out = out + summed / jnp.clip(cnt, 1.0)[:, None]
    return out


def reference(x, edge_index, edge_type, W1_rel, W1_root, b1, W2_rel, W2_root, b2, Wc, bc):
    h = jax.nn.relu(rgcn_layer(x, edge_index, edge_type, W1_rel, W1_root, b1))
    # dropout (p=0.3) is identity at inference
    h = jax.nn.relu(rgcn_layer(h, edge_index, edge_type, W2_rel, W2_root, b2))
    logits = h @ Wc + bc
    return logits

if __name__ == "__main__":
    import jax
    _d = setup_inputs()
    print(jax.jit(kernel)(*tuple(_d.values())))

</pallas_src>

<mosaic_0001>
#map = affine_map<(d0, d1) -> (0, 0)>
#map1 = affine_map<(d0, d1) -> (0)>
#map2 = affine_map<(d0, d1) -> (0, 0, 0, 0)>
module attributes {stable_mosaic.version = 14 : i64} {
  func.func @k(%arg0: i32, %arg1: i32, %arg2: memref<40000x64xf32, #tpu.memory_space<hbm>>, %arg3: memref<40000x64xf32, #tpu.memory_space<hbm>>, %arg4: memref<40960x16xf32, #tpu.memory_space<hbm>>, %arg5: memref<320000xi32, #tpu.memory_space<hbm>>, %arg6: memref<320000xi32, #tpu.memory_space<hbm>>, %arg7: memref<320000xi32, #tpu.memory_space<hbm>>, %arg8: memref<10000x64xf32, #tpu.memory_space<hbm>>, %arg9: memref<2x2x10000x64xf32, #tpu.memory_space<hbm>>, %arg10: memref<8x80xi32, #tpu.memory_space<vmem>>, %arg11: memref<8x80xi32, #tpu.memory_space<vmem>>, %arg12: memref<8x80xi32, #tpu.memory_space<vmem>>, %arg13: memref<4x80x64xf32, #tpu.memory_space<vmem>>, %arg14: memref<4x80x16xf32, #tpu.memory_space<vmem>>, %arg15: memref<8x!tpu.dma_semaphore, #tpu.memory_space<semaphore_mem>>, %arg16: memref<4x!tpu.dma_semaphore, #tpu.memory_space<semaphore_mem>>, %arg17: memref<4x!tpu.dma_semaphore, #tpu.memory_space<semaphore_mem>>, %arg18: memref<4x!tpu.dma_semaphore, #tpu.memory_space<semaphore_mem>>, %arg19: memref<10000x64xf32, #tpu.memory_space<vmem_shared>>) attributes {dimension_semantics = [#tpu.dimension_semantics<core_parallel>, #tpu.dimension_semantics<subcore_parallel>], iteration_bounds = array<i64: 2, 16>, scalar_prefetch = 0 : i64, scratch_operands = 10 : i64, tpu.core_type = #tpu.core_type<sc_vector_subcore>, window_params = [{transform_indices = #map}, {transform_indices = #map}, {transform_indices = #map}, {transform_indices = #map1}, {transform_indices = #map1}, {transform_indices = #map1}, {transform_indices = #map}, {transform_indices = #map2}]} {
    %mul3A = arith.constant 16 : i32
    %mul3A_0 = arith.muli %arg0, %mul3A : i32
    %add3A = arith.addi %mul3A_0, %arg1 : i32
    %mul3A_1 = arith.constant 10000 : i32
    %mul3A_2 = arith.muli %add3A, %mul3A_1 : i32
    %mul3A_3 = arith.constant 640 : i32
    %mul3A_4 = arith.muli %arg1, %mul3A_3 : i32
    %min3A = arith.constant 9360 : i32
    %min3A_5 = arith.minsi %mul3A_4, %min3A : i32
    "tpu.region"() ({
      %run_scoped3A_633 = tpu.sem_alloc : memref<!tpu.dma_semaphore, #tpu.memory_space<semaphore_mem>>
      %dma_start3A_634 = arith.constant 0 : i32
      %dma_start3A_635 = tpu.memref_slice %arg19[%min3A_5, %dma_start3A_634] : memref<10000x64xf32, #tpu.memory_space<vmem_shared>> -> memref<640x64xf32, #tpu.memory_space<vmem_shared>>
      %dma_start3A_636 = arith.constant 0 : i32
      %dma_start3A_637 = tpu.memref_slice %arg8[%min3A_5, %dma_start3A_636] : memref<10000x64xf32, #tpu.memory_space<hbm>> -> memref<640x64xf32, #tpu.memory_space<hbm>>
      tpu.enqueue_dma source(%dma_start3A_637 : memref<640x64xf32, #tpu.memory_space<hbm>>) target(%dma_start3A_635 : memref<640x64xf32, #tpu.memory_space<vmem_shared>>) target_semaphore(%run_scoped3A_633 : memref<!tpu.dma_semaphore, #tpu.memory_space<semaphore_mem>>)
      %dma_wait3A_638 = arith.constant 0 : i32
      %dma_wait3A_639 = tpu.memref_slice %arg19[%min3A_5, %dma_wait3A_638] : memref<10000x64xf32, #tpu.memory_space<vmem_shared>> -> memref<640x64xf32, #tpu.memory_space<vmem_shared>>
      %dma_wait3A_640 = arith.constant 0 : i32
      %dma_wait3A_641 = tpu.memref_slice %arg8[%min3A_5, %dma_wait3A_640] : memref<10000x64xf32, #tpu.memory_space<hbm>> -> memref<640x64xf32, #tpu.memory_space<hbm>>
      tpu.wait_dma2 semaphore(%run_scoped3A_633 : memref<!tpu.dma_semaphore, #tpu.memory_space<semaphore_mem>>) src(%dma_wait3A_641 : memref<640x64xf32, #tpu.memory_space<hbm>>) dst(%dma_wait3A_639 : memref<640x64xf32, #tpu.memory_space<vmem_shared>>)
      tpu.yield
    }) : () -> ()
    %barrier3A = arith.constant 0 : index
    tpu.barrier barrier_id(%barrier3A)
    %add3A_6 = arith.constant 0 : i32
    %add3A_7 = arith.addi %mul3A_2, %add3A_6 : i32
    %dma_start3A = arith.constant 0 : i32
    %dma_start3A_8 = arith.constant 0 : i32
    %dma_start3A_9 = arith.constant 0 : i32
    %dma_start3A_10 = tpu.memref_slice %arg10[%dma_start3A, %dma_start3A_9] : memref<8x80xi32, #tpu.memory_space<vmem>> -> memref<1x80xi32, #tpu.memory_space<vmem>>
    %dma_start3A_11 = tpu.memref_squeeze %dma_start3A_10 : memref<1x80xi32, #tpu.memory_space<vmem>> -> memref<80xi32, #tpu.memory_space<vmem>>
    %dma_start3A_12 = tpu.memref_slice %arg5[%add3A_7] : memref<320000xi32, #tpu.memory_space<hbm>> -> memref<80xi32, #tpu.memory_space<hbm>>
    %dma_start3A_13 = tpu.memref_slice %arg15[%dma_start3A_8] : memref<8x!tpu.dma_semaphore, #tpu.memory_space<semaphore_mem>> -> memref<1x!tpu.dma_semaphore, #tpu.memory_space<semaphore_mem>>
    %dma_start3A_14 = tpu.memref_squeeze %dma_start3A_13 : memref<1x!tpu.dma_semaphore, #tpu.memory_space<semaphore_mem>> -> memref<!tpu.dma_semaphore, #tpu.memory_space<semaphore_mem>>
    %dma_start3A_15 = arith.constant 0 : i32
    %dma_start3A_16 = tpu.memref_slice %arg10[%dma_start3A, %dma_start3A_15] : memref<8x80xi32, #tpu.memory_space<vmem>> -> memref<1x80xi32, #tpu.memory_space<vmem>>
    %dma_start3A_17 = tpu.memref_squeeze %dma_start3A_16 : memref<1x80xi32, #tpu.memory_space<vmem>> -> memref<80xi32, #tpu.memory_space<vmem>>
    %dma_start3A_18 = tpu.memref_slice %arg5[%add3A_7] : memref<320000xi32, #tpu.memory_space<hbm>> -> memref<80xi32, #tpu.memory_space<hbm>>
    tpu.enqueue_dma source(%dma_start3A_18 : memref<80xi32, #tpu.memory_space<hbm>>) target(%dma_start3A_17 : memref<80xi32, #tpu.memory_space<vmem>>) target_semaphore(%dma_start3A_14 : memref<!tpu.dma_semaphore, #tpu.memory_space<semaphore_mem>>)
    %dma_start3A_19 = arith.constant 0 : i32
    %dma_start3A_20 = arith.constant 0 : i32
    %dma_start3A_21 = arith.constant 0 : i32
    %dma_start3A_22 = tpu.memref_slice %arg11[%dma_start3A_19, %dma_start3A_21] : memref<8x80xi32, #tpu.memory_space<vmem>> -> memref<1x80xi32, #tpu.memory_space<vmem>>
    %dma_start3A_23 = tpu.memref_squeeze %dma_start3A_22 : memref<1x80xi32, #tpu.memory_space<vmem>> -> memref<80xi32, #tpu.memory_space<vmem>>
    %dma_start3A_24 = tpu.memref_slice %arg6[%add3A_7] : memref<320000xi32, #tpu.memory_space<hbm>> -> memref<80xi32, #tpu.memory_space<hbm>>
    %dma_start3A_25 = tpu.memref_slice %arg15[%dma_start3A_20] : memref<8x!tpu.dma_semaphore, #tpu.memory_space<semaphore_mem>> -> memref<1x!tpu.dma_semaphore, #tpu.memory_space<semaphore_mem>>
    %dma_start3A_26 = tpu.memref_squeeze %dma_start3A_25 : memref<1x!tpu.dma_semaphore, #tpu.memory_space<semaphore_mem>> -> memref<!tpu.dma_semaphore, #tpu.memory_space<semaphore_mem>>
    %dma_start3A_27 = arith.constant 0 : i32
    %dma_start3A_28 = tpu.memref_slice %arg11[%dma_start3A_19, %dma_start3A_27] : memref<8x80xi32, #tpu.memory_space<vmem>> -> memref<1x80xi32, #tpu.memory_space<vmem>>
    %dma_start3A_29 = tpu.memref_squeeze %dma_start3A_28 : memref<1x80xi32, #tpu.memory_space<vmem>> -> memref<80xi32, #tpu.memory_space<vmem>>
    %dma_start3A_30 = tpu.memref_slice %arg6[%add3A_7] : memref<320000xi32, #tpu.memory_space<hbm>> -> memref<80xi32, #tpu.memory_space<hbm>>
    tpu.enqueue_dma source(%dma_start3A_30 : memref<80xi32, #tpu.memory_space<hbm>>) target(%dma_start3A_29 : memref<80xi32, #tpu.memory_space<vmem>>) target_semaphore(%dma_start3A_26 : memref<!tpu.dma_semaphore, #tpu.memory_space<semaphore_mem>>)
    %dma_start3A_31 = arith.constant 0 : i32
    %dma_start3A_32 = arith.constant 0 : i32
    %dma_start3A_33 = arith.constant 0 : i32
    %dma_start3A_34 = tpu.memref_slice %arg12[%dma_start3A_31, %dma_start3A_33] : memref<8x80xi32, #tpu.memory_space<vmem>> -> memref<1x80xi32, #tpu.memory_space<vmem>>
    %dma_start3A_35 = tpu.memref_squeeze %dma_start3A_34 : memref<1x80xi32, #tpu.memory_space<vmem>> -> memref<80xi32, #tpu.memory_space<vmem>>
    %dma_start3A_36 = tpu.memref_slice %arg7[%add3A_7] : memref<320000xi32, #tpu.memory_space<hbm>> -> memref<80xi32, #tpu.memory_space<hbm>>
    %dma_start3A_37 = tpu.memref_slice %arg15[%dma_start3A_32] : memref<8x!tpu.dma_semaphore, #tpu.memory_space<semaphore_mem>> -> memref<1x!tpu.dma_semaphore, #tpu.memory_space<semaphore_mem>>
    %dma_start3A_38 = tpu.memref_squeeze %dma_start3A_37 : memref<1x!tpu.dma_semaphore, #tpu.memory_space<semaphore_mem>> -> memref<!tpu.dma_semaphore, #tpu.memory_space<semaphore_mem>>
    %dma_start3A_39 = arith.constant 0 : i32
    %dma_start3A_40 = tpu.memref_slice %arg12[%dma_start3A_31, %dma_start3A_39] : memref<8x80xi32, #tpu.memory_space<vmem>> -> memref<1x80xi32, #tpu.memory_space<vmem>>
    %dma_start3A_41 = tpu.memref_squeeze %dma_start3A_40 : memref<1x80xi32, #tpu.memory_space<vmem>> -> memref<80xi32, #tpu.memory_space<vmem>>
    %dma_start3A_42 = tpu.memref_slice %arg7[%add3A_7] : memref<320000xi32, #tpu.memory_space<hbm>> -> memref<80xi32, #tpu.memory_space<hbm>>
    tpu.enqueue_dma source(%dma_start3A_42 : memref<80xi32, #tpu.memory_space<hbm>>) target(%dma_start3A_41 : memref<80xi32, #tpu.memory_space<vmem>>) target_semaphore(%dma_start3A_38 : memref<!tpu.dma_semaphore, #tpu.memory_space<semaphore_mem>>)
    %add3A_43 = arith.constant 80 : i32
    %add3A_44 = arith.addi %mul3A_2, %add3A_43 : i32
    %dma_start3A_45 = arith.constant 1 : i32
    %dma_start3A_46 = arith.constant 1 : i32
    %dma_start3A_47 = arith.constant 0 : i32
    %dma_start3A_48 = tpu.memref_slice %arg10[%dma_start3A_45, %dma_start3A_47] : memref<8x80xi32, #tpu.memory_space<vmem>> -> memref<1x80xi32, #tpu.memory_space<vmem>>
    %dma_start3A_49 = tpu.memref_squeeze %dma_start3A_48 : memref<1x80xi32, #tpu.memory_space<vmem>> -> memref<80xi32, #tpu.memory_space<vmem>>
    %dma_start3A_50 = tpu.memref_slice %arg5[%add3A_44] : memref<320000xi32, #tpu.memory_space<hbm>> -> memref<80xi32, #tpu.memory_space<hbm>>
    %dma_start3A_51 = tpu.memref_slice %arg15[%dma_start3A_46] : memref<8x!tpu.dma_semaphore, #tpu.memory_space<semaphore_mem>> -> memref<1x!tpu.dma_semaphore, #tpu.memory_space<semaphore_mem>>
    %dma_start3A_52 = tpu.memref_squeeze %dma_start3A_51 : memref<1x!tpu.dma_semaphore, #tpu.memory_space<semaphore_mem>> -> memref<!tpu.dma_semaphore, #tpu.memory_space<semaphore_mem>>
    %dma_start3A_53 = arith.constant 0 : i32
    %dma_start3A_54 = tpu.memref_slice %arg10[%dma_start3A_45, %dma_start3A_53] : memref<8x80xi32, #tpu.memory_space<vmem>> -> memref<1x80xi32, #tpu.memory_space<vmem>>
    %dma_start3A_55 = tpu.memref_squeeze %dma_start3A_54 : memref<1x80xi32, #tpu.memory_space<vmem>> -> memref<80xi32, #tpu.memory_space<vmem>>
    %dma_start3A_56 = tpu.memref_slice %arg5[%add3A_44] : memref<320000xi32, #tpu.memory_space<hbm>> -> memref<80xi32, #tpu.memory_space<hbm>>
    tpu.enqueue_dma source(%dma_start3A_56 : memref<80xi32, #tpu.memory_space<hbm>>) target(%dma_start3A_55 : memref<80xi32, #tpu.memory_space<vmem>>) target_semaphore(%dma_start3A_52 : memref<!tpu.dma_semaphore, #tpu.memory_space<semaphore_mem>>)
    %dma_start3A_57 = arith.constant 1 : i32
    %dma_start3A_58 = arith.constant 1 : i32
    %dma_start3A_59 = arith.constant 0 : i32
    %dma_start3A_60 = tpu.memref_slice %arg11[%dma_start3A_57, %dma_start3A_59] : memref<8x80xi32, #tpu.memory_space<vmem>> -> memref<1x80xi32, #tpu.memory_space<vmem>>
    %dma_start3A_61 = tpu.memref_squeeze %dma_start3A_60 : memref<1x80xi32, #tpu.memory_space<vmem>> -> memref<80xi32, #tpu.memory_space<vmem>>
    %dma_start3A_62 = tpu.memref_slice %arg6[%add3A_44] : memref<320000xi32, #tpu.memory_space<hbm>> -> memref<80xi32, #tpu.memory_space<hbm>>
    %dma_start3A_63 = tpu.memref_slice %arg15[%dma_start3A_58] : memref<8x!tpu.dma_semaphore, #tpu.memory_space<semaphore_mem>> -> memref<1x!tpu.dma_semaphore, #tpu.memory_space<semaphore_mem>>
    %dma_start3A_64 = tpu.memref_squeeze %dma_start3A_63 : memref<1x!tpu.dma_semaphore, #tpu.memory_space<semaphore_mem>> -> memref<!tpu.dma_semaphore, #tpu.memory_space<semaphore_mem>>
    %dma_start3A_65 = arith.constant 0 : i32
    %dma_start3A_66 = tpu.memref_slice %arg11[%dma_start3A_57, %dma_start3A_65] : memref<8x80xi32, #tpu.memory_space<vmem>> -> memref<1x80xi32, #tpu.memory_space<vmem>>
    %dma_start3A_67 = tpu.memref_squeeze %dma_start3A_66 : memref<1x80xi32, #tpu.memory_space<vmem>> -> memref<80xi32, #tpu.memory_space<vmem>>
    %dma_start3A_68 = tpu.memref_slice %arg6[%add3A_44] : memref<320000xi32, #tpu.memory_space<hbm>> -> memref<80xi32, #tpu.memory_space<hbm>>
    tpu.enqueue_dma source(%dma_start3A_68 : memref<80xi32, #tpu.memory_space<hbm>>) target(%dma_start3A_67 : memref<80xi32, #tpu.memory_space<vmem>>) target_semaphore(%dma_start3A_64 : memref<!tpu.dma_semaphore, #tpu.memory_space<semaphore_mem>>)
    %dma_start3A_69 = arith.constant 1 : i32
    %dma_start3A_70 = arith.constant 1 : i32
    %dma_start3A_71 = arith.constant 0 : i32
    %dma_start3A_72 = tpu.memref_slice %arg12[%dma_start3A_69, %dma_start3A_71] : memref<8x80xi32, #tpu.memory_space<vmem>> -> memref<1x80xi32, #tpu.memory_space<vmem>>
    %dma_start3A_73 = tpu.memref_squeeze %dma_start3A_72 : memref<1x80xi32, #tpu.memory_space<vmem>> -> memref<80xi32, #tpu.memory_space<vmem>>
    %dma_start3A_74 = tpu.memref_slice %arg7[%add3A_44] : memref<320000xi32, #tpu.memory_space<hbm>> -> memref<80xi32, #tpu.memory_space<hbm>>
    %dma_start3A_75 = tpu.memref_slice %arg15[%dma_start3A_70] : memref<8x!tpu.dma_semaphore, #tpu.memory_space<semaphore_mem>> -> memref<1x!tpu.dma_semaphore, #tpu.memory_space<semaphore_mem>>
    %dma_start3A_76 = tpu.memref_squeeze %dma_start3A_75 : memref<1x!tpu.dma_semaphore, #tpu.memory_space<semaphore_mem>> -> memref<!tpu.dma_semaphore, #tpu.memory_space<semaphore_mem>>
    %dma_start3A_77 = arith.constant 0 : i32
    %dma_start3A_78 = tpu.memref_slice %arg12[%dma_start3A_69, %dma_start3A_77] : memref<8x80xi32, #tpu.memory_space<vmem>> -> memref<1x80xi32, #tpu.memory_space<vmem>>
    %dma_start3A_79 = tpu.memref_squeeze %dma_start3A_78 : memref<1x80xi32, #tpu.memory_space<vmem>> -> memref<80xi32, #tpu.memory_space<vmem>>
    %dma_start3A_80 = tpu.memref_slice %arg7[%add3A_44] : memref<320000xi32, #tpu.memory_space<hbm>> -> memref<80xi32, #tpu.memory_space<hbm>>
    tpu.enqueue_dma source(%dma_start3A_80 : memref<80xi32, #tpu.memory_space<hbm>>) target(%dma_start3A_79 : memref<80xi32, #tpu.memory_space<vmem>>) target_semaphore(%dma_start3A_76 : memref<!tpu.dma_semaphore, #tpu.memory_space<semaphore_mem>>)
    %add3A_81 = arith.constant 160 : i32
    %add3A_82 = arith.addi %mul3A_2, %add3A_81 : i32
    %dma_start3A_83 = arith.constant 2 : i32
    %dma_start3A_84 = arith.constant 2 : i32
    %dma_start3A_85 = arith.constant 0 : i32
    %dma_start3A_86 = tpu.memref_slice %arg10[%dma_start3A_83, %dma_start3A_85] : memref<8x80xi32, #tpu.memory_space<vmem>> -> memref<1x80xi32, #tpu.memory_space<vmem>>
    %dma_start3A_87 = tpu.memref_squeeze %dma_start3A_86 : memref<1x80xi32, #tpu.memory_space<vmem>> -> memref<80xi32, #tpu.memory_space<vmem>>
    %dma_start3A_88 = tpu.memref_slice %arg5[%add3A_82] : memref<320000xi32, #tpu.memory_space<hbm>> -> memref<80xi32, #tpu.memory_space<hbm>>
    %dma_start3A_89 = tpu.memref_slice %arg15[%dma_start3A_84] : memref<8x!tpu.dma_semaphore, #tpu.memory_space<semaphore_mem>> -> memref<1x!tpu.dma_semaphore, #tpu.memory_space<semaphore_mem>>
    %dma_start3A_90 = tpu.memref_squeeze %dma_start3A_89 : memref<1x!tpu.dma_semaphore, #tpu.memory_space<semaphore_mem>> -> memref<!tpu.dma_semaphore, #tpu.memory_space<semaphore_mem>>
    %dma_start3A_91 = arith.constant 0 : i32
    %dma_start3A_92 = tpu.memref_slice %arg10[%dma_start3A_83, %dma_start3A_91] : memref<8x80xi32, #tpu.memory_space<vmem>> -> memref<1x80xi32, #tpu.memory_space<vmem>>
    %dma_start3A_93 = tpu.memref_squeeze %dma_start3A_92 : memref<1x80xi32, #tpu.memory_space<vmem>> -> memref<80xi32, #tpu.memory_space<vmem>>
    %dma_start3A_94 = tpu.memref_slice %arg5[%add3A_82] : memref<320000xi32, #tpu.memory_space<hbm>> -> memref<80xi32, #tpu.memory_space<hbm>>
    tpu.enqueue_dma source(%dma_start3A_94 : memref<80xi32, #tpu.memory_space<hbm>>) target(%dma_start3A_93 : memref<80xi32, #tpu.memory_space<vmem>>) target_semaphore(%dma_start3A_90 : memref<!tpu.dma_semaphore, #tpu.memory_space<semaphore_mem>>)
    %dma_start3A_95 = arith.constant 2 : i32
    %dma_start3A_96 = arith.constant 2 : i32
    %dma_start3A_97 = arith.constant 0 : i32
    %dma_start3A_98 = tpu.memref_slice %arg11[%dma_start3A_95, %dma_start3A_97] : memref<8x80xi32, #tpu.memory_space<vmem>> -> memref<1x80xi32, #tpu.memory_space<vmem>>
    %dma_start3A_99 = tpu.memref_squeeze %dma_start3A_98 : memref<1x80xi32, #tpu.memory_space<vmem>> -> memref<80xi32, #tpu.memory_space<vmem>>
    %dma_start3A_100 = tpu.memref_slice %arg6[%add3A_82] : memref<320000xi32, #tpu.memory_space<hbm>> -> memref<80xi32, #tpu.memory_space<hbm>>
    %dma_start3A_101 = tpu.memref_slice %arg15[%dma_start3A_96] : memref<8x!tpu.dma_semaphore, #tpu.memory_space<semaphore_mem>> -> memref<1x!tpu.dma_semaphore, #tpu.memory_space<semaphore_mem>>
    %dma_start3A_102 = tpu.memref_squeeze %dma_start3A_101 : memref<1x!tpu.dma_semaphore, #tpu.memory_space<semaphore_mem>> -> memref<!tpu.dma_semaphore, #tpu.memory_space<semaphore_mem>>
    %dma_start3A_103 = arith.constant 0 : i32
    %dma_start3A_104 = tpu.memref_slice %arg11[%dma_start3A_95, %dma_start3A_103] : memref<8x80xi32, #tpu.memory_space<vmem>> -> memref<1x80xi32, #tpu.memory_space<vmem>>
    %dma_start3A_105 = tpu.memref_squeeze %dma_start3A_104 : memref<1x80xi32, #tpu.memory_space<vmem>> -> memref<80xi32, #tpu.memory_space<vmem>>
    %dma_start3A_106 = tpu.memref_slice %arg6[%add3A_82] : memref<320000xi32, #tpu.memory_space<hbm>> -> memref<80xi32, #tpu.memory_space<hbm>>
    tpu.enqueue_dma source(%dma_start3A_106 : memref<80xi32, #tpu.memory_space<hbm>>) target(%dma_start3A_105 : memref<80xi32, #tpu.memory_space<vmem>>) target_semaphore(%dma_start3A_102 : memref<!tpu.dma_semaphore, #tpu.memory_space<semaphore_mem>>)
    %dma_start3A_107 = arith.constant 2 : i32
    %dma_start3A_108 = arith.constant 2 : i32
    %dma_start3A_109 = arith.constant 0 : i32
    %dma_start3A_110 = tpu.memref_slice %arg12[%dma_start3A_107, %dma_start3A_109] : memref<8x80xi32, #tpu.memory_space<vmem>> -> memref<1x80xi32, #tpu.memory_space<vmem>>
    %dma_start3A_111 = tpu.memref_squeeze %dma_start3A_110 : memref<1x80xi32, #tpu.memory_space<vmem>> -> memref<80xi32, #tpu.memory_space<vmem>>
    %dma_start3A_112 = tpu.memref_slice %arg7[%add3A_82] : memref<320000xi32, #tpu.memory_space<hbm>> -> memref<80xi32, #tpu.memory_space<hbm>>
    %dma_start3A_113 = tpu.memref_slice %arg15[%dma_start3A_108] : memref<8x!tpu.dma_semaphore, #tpu.memory_space<semaphore_mem>> -> memref<1x!tpu.dma_semaphore, #tpu.memory_space<semaphore_mem>>
    %dma_start3A_114 = tpu.memref_squeeze %dma_start3A_113 : memref<1x!tpu.dma_semaphore, #tpu.memory_space<semaphore_mem>> -> memref<!tpu.dma_semaphore, #tpu.memory_space<semaphore_mem>>
    %dma_start3A_115 = arith.constant 0 : i32
    %dma_start3A_116 = tpu.memref_slice %arg12[%dma_start3A_107, %dma_start3A_115] : memref<8x80xi32, #tpu.memory_space<vmem>> -> memref<1x80xi32, #tpu.memory_space<vmem>>
    %dma_start3A_117 = tpu.memref_squeeze %dma_start3A_116 : memref<1x80xi32, #tpu.memory_space<vmem>> -> memref<80xi32, #tpu.memory_space<vmem>>
    %dma_start3A_118 = tpu.memref_slice %arg7[%add3A_82] : memref<320000xi32, #tpu.memory_space<hbm>> -> memref<80xi32, #tpu.memory_space<hbm>>
    tpu.enqueue_dma source(%dma_start3A_118 : memref<80xi32, #tpu.memory_space<hbm>>) target(%dma_start3A_117 : memref<80xi32, #tpu.memory_space<vmem>>) target_semaphore(%dma_start3A_114 : memref<!tpu.dma_semaphore, #tpu.memory_space<semaphore_mem>>)
    %dma_wait3A = arith.constant 0 : i32
    %dma_wait3A_119 = arith.constant 0 : i32
    %dma_wait3A_120 = arith.constant 0 : i32
    %dma_wait3A_121 = tpu.memref_slice %arg10[%dma_wait3A, %dma_wait3A_120] : memref<8x80xi32, #tpu.memory_space<vmem>> -> memref<1x80xi32, #tpu.memory_space<vmem>>
    %dma_wait3A_122 = tpu.memref_squeeze %dma_wait3A_121 : memref<1x80xi32, #tpu.memory_space<vmem>> -> memref<80xi32, #tpu.memory_space<vmem>>
    %dma_wait3A_123 = tpu.memref_slice %arg5[%mul3A_2] : memref<320000xi32, #tpu.memory_space<hbm>> -> memref<80xi32, #tpu.memory_space<hbm>>
    %dma_wait3A_124 = tpu.memref_slice %arg15[%dma_wait3A_119] : memref<8x!tpu.dma_semaphore, #tpu.memory_space<semaphore_mem>> -> memref<1x!tpu.dma_semaphore, #tpu.memory_space<semaphore_mem>>
    %dma_wait3A_125 = tpu.memref_squeeze %dma_wait3A_124 : memref<1x!tpu.dma_semaphore, #tpu.memory_space<semaphore_mem>> -> memref<!tpu.dma_semaphore, #tpu.memory_space<semaphore_mem>>
    %dma_wait3A_126 = arith.constant 0 : i32
    %dma_wait3A_127 = tpu.memref_slice %arg10[%dma_wait3A, %dma_wait3A_126] : memref<8x80xi32, #tpu.memory_space<vmem>> -> memref<1x80xi32, #tpu.memory_space<vmem>>
    %dma_wait3A_128 = tpu.memref_squeeze %dma_wait3A_127 : memref<1x80xi32, #tpu.memory_space<vmem>> -> memref<80xi32, #tpu.memory_space<vmem>>
    %dma_wait3A_129 = tpu.memref_slice %arg5[%mul3A_2] : memref<320000xi32, #tpu.memory_space<hbm>> -> memref<80xi32, #tpu.memory_space<hbm>>
    tpu.wait_dma2 semaphore(%dma_wait3A_125 : memref<!tpu.dma_semaphore, #tpu.memory_space<semaphore_mem>>) src(%dma_wait3A_129 : memref<80xi32, #tpu.memory_space<hbm>>) dst(%dma_wait3A_128 : memref<80xi32, #tpu.memory_space<vmem>>)
    %dma_wait3A_130 = arith.constant 0 : i32
    %dma_wait3A_131 = arith.constant 0 : i32
    %dma_wait3A_132 = arith.constant 0 : i32
    %dma_wait3A_133 = tpu.memref_slice %arg11[%dma_wait3A_130, %dma_wait3A_132] : memref<8x80xi32, #tpu.memory_space<vmem>> -> memref<1x80xi32, #tpu.memory_space<vmem>>
    %dma_wait3A_134 = tpu.memref_squeeze %dma_wait3A_133 : memref<1x80xi32, #tpu.memory_space<vmem>> -> memref<80xi32, #tpu.memory_space<vmem>>
    %dma_wait3A_135 = tpu.memref_slice %arg6[%mul3A_2] : memref<320000xi32, #tpu.memory_space<hbm>> -> memref<80xi32, #tpu.memory_space<hbm>>
    %dma_wait3A_136 = tpu.memref_slice %arg15[%dma_wait3A_131] : memref<8x!tpu.dma_semaphore, #tpu.memory_space<semaphore_mem>> -> memref<1x!tpu.dma_semaphore, #tpu.memory_space<semaphore_mem>>
    %dma_wait3A_137 = tpu.memref_squeeze %dma_wait3A_136 : memref<1x!tpu.dma_semaphore, #tpu.memory_space<semaphore_mem>> -> memref<!tpu.dma_semaphore, #tpu.memory_space<semaphore_mem>>
    %dma_wait3A_138 = arith.constant 0 : i32
    %dma_wait3A_139 = tpu.memref_slice %arg11[%dma_wait3A_130, %dma_wait3A_138] : memref<8x80xi32, #tpu.memory_space<vmem>> -> memref<1x80xi32, #tpu.memory_space<vmem>>
    %dma_wait3A_140 = tpu.memref_squeeze %dma_wait3A_139 : memref<1x80xi32, #tpu.memory_space<vmem>> -> memref<80xi32, #tpu.memory_space<vmem>>
    %dma_wait3A_141 = tpu.memref_slice %arg6[%mul3A_2] : memref<320000xi32, #tpu.memory_space<hbm>> -> memref<80xi32, #tpu.memory_space<hbm>>
    tpu.wait_dma2 semaphore(%dma_wait3A_137 : memref<!tpu.dma_semaphore, #tpu.memory_space<semaphore_mem>>) src(%dma_wait3A_141 : memref<80xi32, #tpu.memory_space<hbm>>) dst(%dma_wait3A_140 : memref<80xi32, #tpu.memory_space<vmem>>)
    %dma_wait3A_142 = arith.constant 0 : i32
    %dma_wait3A_143 = arith.constant 0 : i32
    %dma_wait3A_144 = arith.constant 0 : i32
    %dma_wait3A_145 = tpu.memref_slice %arg12[%dma_wait3A_142, %dma_wait3A_144] : memref<8x80xi32, #tpu.memory_space<vmem>> -> memref<1x80xi32, #tpu.memory_space<vmem>>
    %dma_wait3A_146 = tpu.memref_squeeze %dma_wait3A_145 : memref<1x80xi32, #tpu.memory_space<vmem>> -> memref<80xi32, #tpu.memory_space<vmem>>
    %dma_wait3A_147 = tpu.memref_slice %arg7[%mul3A_2] : memref<320000xi32, #tpu.memory_space<hbm>> -> memref<80xi32, #tpu.memory_space<hbm>>
    %dma_wait3A_148 = tpu.memref_slice %arg15[%dma_wait3A_143] : memref<8x!tpu.dma_semaphore, #tpu.memory_space<semaphore_mem>> -> memref<1x!tpu.dma_semaphore, #tpu.memory_space<semaphore_mem>>
    %dma_wait3A_149 = tpu.memref_squeeze %dma_wait3A_148 : memref<1x!tpu.dma_semaphore, #tpu.memory_space<semaphore_mem>> -> memref<!tpu.dma_semaphore, #tpu.memory_space<semaphore_mem>>
    %dma_wait3A_150 = arith.constant 0 : i32
    %dma_wait3A_151 = tpu.memref_slice %arg12[%dma_wait3A_142, %dma_wait3A_150] : memref<8x80xi32, #tpu.memory_space<vmem>> -> memref<1x80xi32, #tpu.memory_space<vmem>>
    %dma_wait3A_152 = tpu.memref_squeeze %dma_wait3A_151 : memref<1x80xi32, #tpu.memory_space<vmem>> -> memref<80xi32, #tpu.memory_space<vmem>>
    %dma_wait3A_153 = tpu.memref_slice %arg7[%mul3A_2] : memref<320000xi32, #tpu.memory_space<hbm>> -> memref<80xi32, #tpu.memory_space<hbm>>
    tpu.wait_dma2 semaphore(%dma_wait3A_149 : memref<!tpu.dma_semaphore, #tpu.memory_space<semaphore_mem>>) src(%dma_wait3A_153 : memref<80xi32, #tpu.memory_space<hbm>>) dst(%dma_wait3A_152 : memref<80xi32, #tpu.memory_space<vmem>>)
    %dma_start3A_154 = arith.constant 0 : i32
    %dma_start3A_155 = arith.constant 0 : i32
    %dma_start3A_156 = arith.constant 0 : i32
    %dma_start3A_157 = arith.constant 0 : i32
    %dma_start3A_158 = arith.constant 0 : i32
    %dma_start3A_159 = tpu.memref_slice %arg13[%dma_start3A_155, %dma_start3A_157, %dma_start3A_158] : memref<4x80x64xf32, #tpu.memory_space<vmem>> -> memref<1x80x64xf32, #tpu.memory_space<vmem>>
    %dma_start3A_160 = tpu.memref_squeeze %dma_start3A_159 : memref<1x80x64xf32, #tpu.memory_space<vmem>> -> memref<80x64xf32, #tpu.memory_space<vmem>>
    %dma_start3A_161 = arith.constant 0 : i32
    %dma_start3A_162 = tpu.memref_slice %arg10[%dma_start3A_154, %dma_start3A_161] : memref<8x80xi32, #tpu.memory_space<vmem>> -> memref<1x80xi32, #tpu.memory_space<vmem>>
    %dma_start3A_163 = tpu.memref_squeeze %dma_start3A_162 : memref<1x80xi32, #tpu.memory_space<vmem>> -> memref<80xi32, #tpu.memory_space<vmem>>
    %dma_start3A_164 = arith.constant 0 : i32
    %dma_start3A_165 = arith.constant 0 : i32
    %dma_start3A_166 = tpu.memref_slice %arg2[%dma_start3A_164, %dma_start3A_165] : memref<40000x64xf32, #tpu.memory_space<hbm>> -> memref<40000x64xf32, #tpu.memory_space<hbm>>
    %dma_start3A_167 = tpu.memref_slice %arg16[%dma_start3A_156] : memref<4x!tpu.dma_semaphore, #tpu.memory_space<semaphore_mem>> -> memref<1x!tpu.dma_semaphore, #tpu.memory_space<semaphore_mem>>
    %dma_start3A_168 = tpu.memref_squeeze %dma_start3A_167 : memref<1x!tpu.dma_semaphore, #tpu.memory_space<semaphore_mem>> -> memref<!tpu.dma_semaphore, #tpu.memory_space<semaphore_mem>>
    tpu.enqueue_indirect_dma source(%dma_start3A_166 : memref<40000x64xf32, #tpu.memory_space<hbm>>) target(%dma_start3A_160 : memref<80x64xf32, #tpu.memory_space<vmem>>) offsets(%dma_start3A_163 : memref<80xi32, #tpu.memory_space<vmem>>) semaphore(%dma_start3A_168 : memref<!tpu.dma_semaphore, #tpu.memory_space<semaphore_mem>>)
    %dma_start3A_169 = arith.constant 0 : i32
    %dma_start3A_170 = arith.constant 0 : i32
    %dma_start3A_171 = arith.constant 0 : i32
    %dma_start3A_172 = arith.constant 0 : i32
    %dma_start3A_173 = arith.constant 0 : i32
    %dma_start3A_174 = tpu.memref_slice %arg14[%dma_start3A_170, %dma_start3A_172, %dma_start3A_173] : memref<4x80x16xf32, #tpu.memory_space<vmem>> -> memref<1x80x16xf32, #tpu.memory_space<vmem>>
    %dma_start3A_175 = tpu.memref_squeeze %dma_start3A_174 : memref<1x80x16xf32, #tpu.memory_space<vmem>> -> memref<80x16xf32, #tpu.memory_space<vmem>>
    %dma_start3A_176 = arith.constant 0 : i32
    %dma_start3A_177 = tpu.memref_slice %arg11[%dma_start3A_169, %dma_start3A_176] : memref<8x80xi32, #tpu.memory_space<vmem>> -> memref<1x80xi32, #tpu.memory_space<vmem>>
    %dma_start3A_178 = tpu.memref_squeeze %dma_start3A_177 : memref<1x80xi32, #tpu.memory_space<vmem>> -> memref<80xi32, #tpu.memory_space<vmem>>
    %dma_start3A_179 = arith.constant 0 : i32
    %dma_start3A_180 = arith.constant 0 : i32
    %dma_start3A_181 = tpu.memref_slice %arg4[%dma_start3A_179, %dma_start3A_180] : memref<40960x16xf32, #tpu.memory_space<hbm>> -> memref<40960x16xf32, #tpu.memory_space<hbm>>
    %dma_start3A_182 = tpu.memref_slice %arg17[%dma_start3A_171] : memref<4x!tpu.dma_semaphore, #tpu.memory_space<semaphore_mem>> -> memref<1x!tpu.dma_semaphore, #tpu.memory_space<semaphore_mem>>
    %dma_start3A_183 = tpu.memref_squeeze %dma_start3A_182 : memref<1x!tpu.dma_semaphore, #tpu.memory_space<semaphore_mem>> -> memref<!tpu.dma_semaphore, #tpu.memory_space<semaphore_mem>>
    tpu.enqueue_indirect_dma source(%dma_start3A_181 : memref<40960x16xf32, #tpu.memory_space<hbm>>) target(%dma_start3A_175 : memref<80x16xf32, #tpu.memory_space<vmem>>) offsets(%dma_start3A_178 : memref<80xi32, #tpu.memory_space<vmem>>) semaphore(%dma_start3A_183 : memref<!tpu.dma_semaphore, #tpu.memory_space<semaphore_mem>>)
    %dma_wait3A_184 = arith.constant 1 : i32
    %dma_wait3A_185 = arith.constant 1 : i32
    %dma_wait3A_186 = arith.constant 0 : i32
    %dma_wait3A_187 = tpu.memref_slice %arg10[%dma_wait3A_184, %dma_wait3A_186] : memref<8x80xi32, #tpu.memory_space<vmem>> -> memref<1x80xi32, #tpu.memory_space<vmem>>
    %dma_wait3A_188 = tpu.memref_squeeze %dma_wait3A_187 : memref<1x80xi32, #tpu.memory_space<vmem>> -> memref<80xi32, #tpu.memory_space<vmem>>
    %dma_wait3A_189 = tpu.memref_slice %arg5[%mul3A_2] : memref<320000xi32, #tpu.memory_space<hbm>> -> memref<80xi32, #tpu.memory_space<hbm>>
    %dma_wait3A_190 = tpu.memref_slice %arg15[%dma_wait3A_185] : memref<8x!tpu.dma_semaphore, #tpu.memory_space<semaphore_mem>> -> memref<1x!tpu.dma_semaphore, #tpu.memory_space<semaphore_mem>>
    %dma_wait3A_191 = tpu.memref_squeeze %dma_wait3A_190 : memref<1x!tpu.dma_semaphore, #tpu.memory_space<semaphore_mem>> -> memref<!tpu.dma_semaphore, #tpu.memory_space<semaphore_mem>>
    %dma_wait3A_192 = arith.constant 0 : i32
    %dma_wait3A_193 = tpu.memref_slice %arg10[%dma_wait3A_184, %dma_wait3A_192] : memref<8x80xi32, #tpu.memory_space<vmem>> -> memref<1x80xi32, #tpu.memory_space<vmem>>
    %dma_wait3A_194 = tpu.memref_squeeze %dma_wait3A_193 : memref<1x80xi32, #tpu.memory_space<vmem>> -> memref<80xi32, #tpu.memory_space<vmem>>
    %dma_wait3A_195 = tpu.memref_slice %arg5[%mul3A_2] : memref<320000xi32, #tpu.memory_space<hbm>> -> memref<80xi32, #tpu.memory_space<hbm>>
    tpu.wait_dma2 semaphore(%dma_wait3A_191 : memref<!tpu.dma_semaphore, #tpu.memory_space<semaphore_mem>>) src(%dma_wait3A_195 : memref<80xi32, #tpu.memory_space<hbm>>) dst(%dma_wait3A_194 : memref<80xi32, #tpu.memory_space<vmem>>)
    %dma_wait3A_196 = arith.constant 1 : i32
    %dma_wait3A_197 = arith.constant 1 : i32
    %dma_wait3A_198 = arith.constant 0 : i32
    %dma_wait3A_199 = tpu.memref_slice %arg11[%dma_wait3A_196, %dma_wait3A_198] : memref<8x80xi32, #tpu.memory_space<vmem>> -> memref<1x80xi32, #tpu.memory_space<vmem>>
    %dma_wait3A_200 = tpu.memref_squeeze %dma_wait3A_199 : memref<1x80xi32, #tpu.memory_space<vmem>> -> memref<80xi32, #tpu.memory_space<vmem>>
    %dma_wait3A_201 = tpu.memref_slice %arg6[%mul3A_2] : memref<320000xi32, #tpu.memory_space<hbm>> -> memref<80xi32, #tpu.memory_space<hbm>>
    %dma_wait3A_202 = tpu.memref_slice %arg15[%dma_wait3A_197] : memref<8x!tpu.dma_semaphore, #tpu.memory_space<semaphore_mem>> -> memref<1x!tpu.dma_semaphore, #tpu.memory_space<semaphore_mem>>
    %dma_wait3A_203 = tpu.memref_squeeze %dma_wait3A_202 : memref<1x!tpu.dma_semaphore, #tpu.memory_space<semaphore_mem>> -> memref<!tpu.dma_semaphore, #tpu.memory_space<semaphore_mem>>
    %dma_wait3A_204 = arith.constant 0 : i32
    %dma_wait3A_205 = tpu.memref_slice %arg11[%dma_wait3A_196, %dma_wait3A_204] : memref<8x80xi32, #tpu.memory_space<vmem>> -> memref<1x80xi32, #tpu.memory_space<vmem>>
    %dma_wait3A_206 = tpu.memref_squeeze %dma_wait3A_205 : memref<1x80xi32, #tpu.memory_space<vmem>> -> memref<80xi32, #tpu.memory_space<vmem>>
    %dma_wait3A_207 = tpu.memref_slice %arg6[%mul3A_2] : memref<320000xi32, #tpu.memory_space<hbm>> -> memref<80xi32, #tpu.memory_space<hbm>>
    tpu.wait_dma2 semaphore(%dma_wait3A_203 : memref<!tpu.dma_semaphore, #tpu.memory_space<semaphore_mem>>) src(%dma_wait3A_207 : memref<80xi32, #tpu.memory_space<hbm>>) dst(%dma_wait3A_206 : memref<80xi32, #tpu.memory_space<vmem>>)
    %dma_wait3A_208 = arith.constant 1 : i32
    %dma_wait3A_209 = arith.constant 1 : i32
    %dma_wait3A_210 = arith.constant 0 : i32
    %dma_wait3A_211 = tpu.memref_slice %arg12[%dma_wait3A_208, %dma_wait3A_210] : memref<8x80xi32, #tpu.memory_space<vmem>> -> memref<1x80xi32, #tpu.memory_space<vmem>>
    %dma_wait3A_212 = tpu.memref_squeeze %dma_wait3A_211 : memref<1x80xi32, #tpu.memory_space<vmem>> -> memref<80xi32, #tpu.memory_space<vmem>>
    %dma_wait3A_213 = tpu.memref_slice %arg7[%mul3A_2] : memref<320000xi32, #tpu.memory_space<hbm>> -> memref<80xi32, #tpu.memory_space<hbm>>
    %dma_wait3A_214 = tpu.memref_slice %arg15[%dma_wait3A_209] : memref<8x!tpu.dma_semaphore, #tpu.memory_space<semaphore_mem>> -> memref<1x!tpu.dma_semaphore, #tpu.memory_space<semaphore_mem>>
    %dma_wait3A_215 = tpu.memref_squeeze %dma_wait3A_214 : memref<1x!tpu.dma_semaphore, #tpu.memory_space<semaphore_mem>> -> memref<!tpu.dma_semaphore, #tpu.memory_space<semaphore_mem>>
    %dma_wait3A_216 = arith.constant 0 : i32
    %dma_wait3A_217 = tpu.memref_slice %arg12[%dma_wait3A_208, %dma_wait3A_216] : memref<8x80xi32, #tpu.memory_space<vmem>> -> memref<1x80xi32, #tpu.memory_space<vmem>>
    %dma_wait3A_218 = tpu.memref_squeeze %dma_wait3A_217 : memref<1x80xi32, #tpu.memory_space<vmem>> -> memref<80xi32, #tpu.memory_space<vmem>>
    %dma_wait3A_219 = tpu.memref_slice %arg7[%mul3A_2] : memref<320000xi32, #tpu.memory_space<hbm>> -> memref<80xi32, #tpu.memory_space<hbm>>
    tpu.wait_dma2 semaphore(%dma_wait3A_215 : memref<!tpu.dma_semaphore, #tpu.memory_space<semaphore_mem>>) src(%dma_wait3A_219 : memref<80xi32, #tpu.memory_space<hbm>>) dst(%dma_wait3A_218 : memref<80xi32, #tpu.memory_space<vmem>>)
    %dma_start3A_220 = arith.constant 1 : i32
    %dma_start3A_221 = arith.constant 1 : i32
    %dma_start3A_222 = arith.constant 1 : i32
    %dma_start3A_223 = arith.constant 0 : i32
    %dma_start3A_224 = arith.constant 0 : i32
    %dma_start3A_225 = tpu.memref_slice %arg13[%dma_start3A_221, %dma_start3A_223, %dma_start3A_224] : memref<4x80x64xf32, #tpu.memory_space<vmem>> -> memref<1x80x64xf32, #tpu.memory_space<vmem>>
    %dma_start3A_226 = tpu.memref_squeeze %dma_start3A_225 : memref<1x80x64xf32, #tpu.memory_space<vmem>> -> memref<80x64xf32, #tpu.memory_space<vmem>>
    %dma_start3A_227 = arith.constant 0 : i32
    %dma_start3A_228 = tpu.memref_slice %arg10[%dma_start3A_220, %dma_start3A_227] : memref<8x80xi32, #tpu.memory_space<vmem>> -> memref<1x80xi32, #tpu.memory_space<vmem>>
    %dma_start3A_229 = tpu.memref_squeeze %dma_start3A_228 : memref<1x80xi32, #tpu.memory_space<vmem>> -> memref<80xi32, #tpu.memory_space<vmem>>
    %dma_start3A_230 = arith.constant 0 : i32
    %dma_start3A_231 = arith.constant 0 : i32
    %dma_start3A_232 = tpu.memref_slice %arg2[%dma_start3A_230, %dma_start3A_231] : memref<40000x64xf32, #tpu.memory_space<hbm>> -> memref<40000x64xf32, #tpu.memory_space<hbm>>
    %dma_start3A_233 = tpu.memref_slice %arg16[%dma_start3A_222] : memref<4x!tpu.dma_semaphore, #tpu.memory_space<semaphore_mem>> -> memref<1x!tpu.dma_semaphore, #tpu.memory_space<semaphore_mem>>
    %dma_start3A_234 = tpu.memref_squeeze %dma_start3A_233 : memref<1x!tpu.dma_semaphore, #tpu.memory_space<semaphore_mem>> -> memref<!tpu.dma_semaphore, #tpu.memory_space<semaphore_mem>>
    tpu.enqueue_indirect_dma source(%dma_start3A_232 : memref<40000x64xf32, #tpu.memory_space<hbm>>) target(%dma_start3A_226 : memref<80x64xf32, #tpu.memory_space<vmem>>) offsets(%dma_start3A_229 : memref<80xi32, #tpu.memory_space<vmem>>) semaphore(%dma_start3A_234 : memref<!tpu.dma_semaphore, #tpu.memory_space<semaphore_mem>>)
    %dma_start3A_235 = arith.constant 1 : i32
    %dma_start3A_236 = arith.constant 1 : i32
    %dma_start3A_237 = arith.constant 1 : i32
    %dma_start3A_238 = arith.constant 0 : i32
    %dma_start3A_239 = arith.constant 0 : i32
    %dma_start3A_240 = tpu.memref_slice %arg14[%dma_start3A_236, %dma_start3A_238, %dma_start3A_239] : memref<4x80x16xf32, #tpu.memory_space<vmem>> -> memref<1x80x16xf32, #tpu.memory_space<vmem>>
    %dma_start3A_241 = tpu.memref_squeeze %dma_start3A_240 : memref<1x80x16xf32, #tpu.memory_space<vmem>> -> memref<80x16xf32, #tpu.memory_space<vmem>>
    %dma_start3A_242 = arith.constant 0 : i32
    %dma_start3A_243 = tpu.memref_slice %arg11[%dma_start3A_235, %dma_start3A_242] : memref<8x80xi32, #tpu.memory_space<vmem>> -> memref<1x80xi32, #tpu.memory_space<vmem>>
    %dma_start3A_244 = tpu.memref_squeeze %dma_start3A_243 : memref<1x80xi32, #tpu.memory_space<vmem>> -> memref<80xi32, #tpu.memory_space<vmem>>
    %dma_start3A_245 = arith.constant 0 : i32
    %dma_start3A_246 = arith.constant 0 : i32
    %dma_start3A_247 = tpu.memref_slice %arg4[%dma_start3A_245, %dma_start3A_246] : memref<40960x16xf32, #tpu.memory_space<hbm>> -> memref<40960x16xf32, #tpu.memory_space<hbm>>
    %dma_start3A_248 = tpu.memref_slice %arg17[%dma_start3A_237] : memref<4x!tpu.dma_semaphore, #tpu.memory_space<semaphore_mem>> -> memref<1x!tpu.dma_semaphore, #tpu.memory_space<semaphore_mem>>
    %dma_start3A_249 = tpu.memref_squeeze %dma_start3A_248 : memref<1x!tpu.dma_semaphore, #tpu.memory_space<semaphore_mem>> -> memref<!tpu.dma_semaphore, #tpu.memory_space<semaphore_mem>>
    tpu.enqueue_indirect_dma source(%dma_start3A_247 : memref<40960x16xf32, #tpu.memory_space<hbm>>) target(%dma_start3A_241 : memref<80x16xf32, #tpu.memory_space<vmem>>) offsets(%dma_start3A_244 : memref<80xi32, #tpu.memory_space<vmem>>) semaphore(%dma_start3A_249 : memref<!tpu.dma_semaphore, #tpu.memory_space<semaphore_mem>>)
    %scan3A = arith.constant 0 : i32
    %scan3A_250 = arith.constant 0 : i32
    %scan3A_251 = arith.constant 125 : i32
    %scan3A_252 = arith.addi %scan3A_250, %scan3A_251 : i32
    %scan3A_253 = arith.constant 1 : i32
    scf.for %scan3A_633 = %scan3A_250 to %scan3A_252 step %scan3A_253  : i32 {
      %and3A = arith.constant 3 : i32
      %and3A_634 = arith.andi %scan3A_633, %and3A : i32
      %and3A_635 = arith.constant 7 : i32
      %and3A_636 = arith.andi %scan3A_633, %and3A_635 : i32
      %add3A_637 = arith.constant 3 : i32
      %add3A_638 = arith.addi %scan3A_633, %add3A_637 : i32
      %lt3A = arith.constant 125 : i32
      %lt3A_639 = arith.cmpi slt, %add3A_638, %lt3A : i32
      %convert_element_type3A = arith.extui %lt3A_639 : i1 to i32
      %cond3A = arith.constant 0 : i32
      %cond3A_640 = arith.cmpi ne, %convert_element_type3A, %cond3A : i32
      scf.if %cond3A_640 {
        %add3A_690 = arith.constant 3 : i32
        %add3A_691 = arith.addi %scan3A_633, %add3A_690 : i32
        %add3A_692 = arith.constant 3 : i32
        %add3A_693 = arith.addi %scan3A_633, %add3A_692 : i32
        %and3A_694 = arith.constant 7 : i32
        %and3A_695 = arith.andi %add3A_693, %and3A_694 : i32
        %mul3A_696 = arith.constant 80 : i32
        %mul3A_697 = arith.muli %add3A_691, %mul3A_696 : i32
        %add3A_698 = arith.addi %mul3A_2, %mul3A_697 : i32
        %dma_start3A_699 = arith.constant 0 : i32
        %dma_start3A_700 = tpu.memref_slice %arg10[%and3A_695, %dma_start3A_699] : memref<8x80xi32, #tpu.memory_space<vmem>> -> memref<1x80xi32, #tpu.memory_space<vmem>>
        %dma_start3A_701 = tpu.memref_squeeze %dma_start3A_700 : memref<1x80xi32, #tpu.memory_space<vmem>> -> memref<80xi32, #tpu.memory_space<vmem>>
        %dma_start3A_702 = tpu.memref_slice %arg5[%add3A_698] : memref<320000xi32, #tpu.memory_space<hbm>> -> memref<80xi32, #tpu.memory_space<hbm>>
        %dma_start3A_703 = tpu.memref_slice %arg15[%and3A_695] : memref<8x!tpu.dma_semaphore, #tpu.memory_space<semaphore_mem>> -> memref<1x!tpu.dma_semaphore, #tpu.memory_space<semaphore_mem>>
        %dma_start3A_704 = tpu.memref_squeeze %dma_start3A_703 : memref<1x!tpu.dma_semaphore, #tpu.memory_space<semaphore_mem>> -> memref<!tpu.dma_semaphore, #tpu.memory_space<semaphore_mem>>
        %dma_start3A_705 = arith.constant 0 : i32
        %dma_start3A_706 = tpu.memref_slice %arg10[%and3A_695, %dma_start3A_705] : memref<8x80xi32, #tpu.memory_space<vmem>> -> memref<1x80xi32, #tpu.memory_space<vmem>>
        %dma_start3A_707 = tpu.memref_squeeze %dma_start3A_706 : memref<1x80xi32, #tpu.memory_space<vmem>> -> memref<80xi32, #tpu.memory_space<vmem>>
        %dma_start3A_708 = tpu.memref_slice %arg5[%add3A_698] : memref<320000xi32, #tpu.memory_space<hbm>> -> memref<80xi32, #tpu.memory_space<hbm>>
        tpu.enqueue_dma source(%dma_start3A_708 : memref<80xi32, #tpu.memory_space<hbm>>) target(%dma_start3A_707 : memref<80xi32, #tpu.memory_space<vmem>>) target_semaphore(%dma_start3A_704 : memref<!tpu.dma_semaphore, #tpu.memory_space<semaphore_mem>>)
        %dma_start3A_709 = arith.constant 0 : i32
        %dma_start3A_710 = tpu.memref_slice %arg11[%and3A_695, %dma_start3A_709] : memref<8x80xi32, #tpu.memory_space<vmem>> -> memref<1x80xi32, #tpu.memory_space<vmem>>
        %dma_start3A_711 = tpu.memref_squeeze %dma_start3A_710 : memref<1x80xi32, #tpu.memory_space<vmem>> -> memref<80xi32, #tpu.memory_space<vmem>>
        %dma_start3A_712 = tpu.memref_slice %arg6[%add3A_698] : memref<320000xi32, #tpu.memory_space<hbm>> -> memref<80xi32, #tpu.memory_space<hbm>>
        %dma_start3A_713 = tpu.memref_slice %arg15[%and3A_695] : memref<8x!tpu.dma_semaphore, #tpu.memory_space<semaphore_mem>> -> memref<1x!tpu.dma_semaphore, #tpu.memory_space<semaphore_mem>>
        %dma_start3A_714 = tpu.memref_squeeze %dma_start3A_713 : memref<1x!tpu.dma_semaphore, #tpu.memory_space<semaphore_mem>> -> memref<!tpu.dma_semaphore, #tpu.memory_space<semaphore_mem>>
        %dma_start3A_715 = arith.constant 0 : i32
        %dma_start3A_716 = tpu.memref_slice %arg11[%and3A_695, %dma_start3A_715] : memref<8x80xi32, #tpu.memory_space<vmem>> -> memref<1x80xi32, #tpu.memory_space<vmem>>
        %dma_start3A_717 = tpu.memref_squeeze %dma_start3A_716 : memref<1x80xi32, #tpu.memory_space<vmem>> -> memref<80xi32, #tpu.memory_space<vmem>>
        %dma_start3A_718 = tpu.memref_slice %arg6[%add3A_698] : memref<320000xi32, #tpu.memory_space<hbm>> -> memref<80xi32, #tpu.memory_space<hbm>>
        tpu.enqueue_dma source(%dma_start3A_718 : memref<80xi32, #tpu.memory_space<hbm>>) target(%dma_start3A_717 : memref<80xi32, #tpu.memory_space<vmem>>) target_semaphore(%dma_start3A_714 : memref<!tpu.dma_semaphore, #tpu.memory_space<semaphore_mem>>)
        %dma_start3A_719 = arith.constant 0 : i32
        %dma_start3A_720 = tpu.memref_slice %arg12[%and3A_695, %dma_start3A_719] : memref<8x80xi32, #tpu.memory_space<vmem>> -> memref<1x80xi32, #tpu.memory_space<vmem>>
        %dma_start3A_721 = tpu.memref_squeeze %dma_start3A_720 : memref<1x80xi32, #tpu.memory_space<vmem>> -> memref<80xi32, #tpu.memory_space<vmem>>
        %dma_start3A_722 = tpu.memref_slice %arg7[%add3A_698] : memref<320000xi32, #tpu.memory_space<hbm>> -> memref<80xi32, #tpu.memory_space<hbm>>
        %dma_start3A_723 = tpu.memref_slice %arg15[%and3A_695] : memref<8x!tpu.dma_semaphore, #tpu.memory_space<semaphore_mem>> -> memref<1x!tpu.dma_semaphore, #tpu.memory_space<semaphore_mem>>
        %dma_start3A_724 = tpu.memref_squeeze %dma_start3A_723 : memref<1x!tpu.dma_semaphore, #tpu.memory_space<semaphore_mem>> -> memref<!tpu.dma_semaphore, #tpu.memory_space<semaphore_mem>>
        %dma_start3A_725 = arith.constant 0 : i32
        %dma_start3A_726 = tpu.memref_slice %arg12[%and3A_695, %dma_start3A_725] : memref<8x80xi32, #tpu.memory_space<vmem>> -> memref<1x80xi32, #tpu.memory_space<vmem>>
        %dma_start3A_727 = tpu.memref_squeeze %dma_start3A_726 : memref<1x80xi32, #tpu.memory_space<vmem>> -> memref<80xi32, #tpu.memory_space<vmem>>
        %dma_start3A_728 = tpu.memref_slice %arg7[%add3A_698] : memref<320000xi32, #tpu.memory_space<hbm>> -> memref<80xi32, #tpu.memory_space<hbm>>
        tpu.enqueue_dma source(%dma_start3A_728 : memref<80xi32, #tpu.memory_space<hbm>>) target(%dma_start3A_727 : memref<80xi32, #tpu.memory_space<vmem>>) target_semaphore(%dma_start3A_724 : memref<!tpu.dma_semaphore, #tpu.memory_space<semaphore_mem>>)
      } else {
      }
      %add3A_641 = arith.constant 2 : i32
      %add3A_642 = arith.addi %scan3A_633, %add3A_641 : i32
      %lt3A_643 = arith.constant 125 : i32
      %lt3A_644 = arith.cmpi slt, %add3A_642, %lt3A_643 : i32
      %convert_element_type3A_645 = arith.extui %lt3A_644 : i1 to i32
      %cond3A_646 = arith.constant 0 : i32
      %cond3A_647 = arith.cmpi ne, %convert_element_type3A_645, %cond3A_646 : i32
      scf.if %cond3A_647 {
        %add3A_690 = arith.constant 2 : i32
        %add3A_691 = arith.addi %scan3A_633, %add3A_690 : i32
        %and3A_692 = arith.constant 3 : i32
        %and3A_693 = arith.andi %add3A_691, %and3A_692 : i32
        %ge3A = arith.constant 2 : i32
        %ge3A_694 = arith.cmpi sge, %scan3A_633, %ge3A : i32
        %convert_element_type3A_695 = arith.extui %ge3A_694 : i1 to i32
        %cond3A_696 = arith.constant 0 : i32
        %cond3A_697 = arith.cmpi ne, %convert_element_type3A_695, %cond3A_696 : i32
        scf.if %cond3A_697 {
          %sub3A = arith.constant 2 : i32
          %sub3A_756 = arith.subi %scan3A_633, %sub3A : i32
          %and3A_757 = arith.constant 7 : i32
          %and3A_758 = arith.andi %sub3A_756, %and3A_757 : i32
          %dma_wait3A_759 = arith.constant 0 : i32
          %dma_wait3A_760 = arith.constant 0 : i32
          %dma_wait3A_761 = tpu.memref_slice %arg13[%and3A_693, %dma_wait3A_759, %dma_wait3A_760] : memref<4x80x64xf32, #tpu.memory_space<vmem>> -> memref<1x80x64xf32, #tpu.memory_space<vmem>>
          %dma_wait3A_762 = tpu.memref_squeeze %dma_wait3A_761 : memref<1x80x64xf32, #tpu.memory_space<vmem>> -> memref<80x64xf32, #tpu.memory_space<vmem>>
          %dma_wait3A_763 = arith.constant 0 : i32
          %dma_wait3A_764 = tpu.memref_slice %arg12[%and3A_758, %dma_wait3A_763] : memref<8x80xi32, #tpu.memory_space<vmem>> -> memref<1x80xi32, #tpu.memory_space<vmem>>
          %dma_wait3A_765 = tpu.memref_squeeze %dma_wait3A_764 : memref<1x80xi32, #tpu.memory_space<vmem>> -> memref<80xi32, #tpu.memory_space<vmem>>
          %dma_wait3A_766 = arith.constant 0 : i32
          %dma_wait3A_767 = arith.constant 0 : i32
          %dma_wait3A_768 = tpu.memref_slice %arg19[%dma_wait3A_766, %dma_wait3A_767] : memref<10000x64xf32, #tpu.memory_space<vmem_shared>> -> memref<10000x64xf32, #tpu.memory_space<vmem_shared>>
          %dma_wait3A_769 = tpu.memref_slice %arg18[%and3A_693] : memref<4x!tpu.dma_semaphore, #tpu.memory_space<semaphore_mem>> -> memref<1x!tpu.dma_semaphore, #tpu.memory_space<semaphore_mem>>
          %dma_wait3A_770 = tpu.memref_squeeze %dma_wait3A_769 : memref<1x!tpu.dma_semaphore, #tpu.memory_space<semaphore_mem>> -> memref<!tpu.dma_semaphore, #tpu.memory_space<semaphore_mem>>
          tpu.wait_indirect_dma semaphore(%dma_wait3A_770 : memref<!tpu.dma_semaphore, #tpu.memory_space<semaphore_mem>>) src(%dma_wait3A_762 : memref<80x64xf32, #tpu.memory_space<vmem>>) dst(%dma_wait3A_768 : memref<10000x64xf32, #tpu.memory_space<vmem_shared>>)
        } else {
        }
        %add3A_698 = arith.constant 2 : i32
        %add3A_699 = arith.addi %scan3A_633, %add3A_698 : i32
        %and3A_700 = arith.constant 7 : i32
        %and3A_701 = arith.andi %add3A_699, %and3A_700 : i32
        %dma_wait3A_702 = arith.constant 0 : i32
        %dma_wait3A_703 = tpu.memref_slice %arg10[%and3A_701, %dma_wait3A_702] : memref<8x80xi32, #tpu.memory_space<vmem>> -> memref<1x80xi32, #tpu.memory_space<vmem>>
        %dma_wait3A_704 = tpu.memref_squeeze %dma_wait3A_703 : memref<1x80xi32, #tpu.memory_space<vmem>> -> memref<80xi32, #tpu.memory_space<vmem>>
        %dma_wait3A_705 = tpu.memref_slice %arg5[%mul3A_2] : memref<320000xi32, #tpu.memory_space<hbm>> -> memref<80xi32, #tpu.memory_space<hbm>>
        %dma_wait3A_706 = tpu.memref_slice %arg15[%and3A_701] : memref<8x!tpu.dma_semaphore, #tpu.memory_space<semaphore_mem>> -> memref<1x!tpu.dma_semaphore, #tpu.memory_space<semaphore_mem>>
        %dma_wait3A_707 = tpu.memref_squeeze %dma_wait3A_706 : memref<1x!tpu.dma_semaphore, #tpu.memory_space<semaphore_mem>> -> memref<!tpu.dma_semaphore, #tpu.memory_space<semaphore_mem>>
        %dma_wait3A_708 = arith.constant 0 : i32
        %dma_wait3A_709 = tpu.memref_slice %arg10[%and3A_701, %dma_wait3A_708] : memref<8x80xi32, #tpu.memory_space<vmem>> -> memref<1x80xi32, #tpu.memory_space<vmem>>
        %dma_wait3A_710 = tpu.memref_squeeze %dma_wait3A_709 : memref<1x80xi32, #tpu.memory_space<vmem>> -> memref<80xi32, #tpu.memory_space<vmem>>
        %dma_wait3A_711 = tpu.memref_slice %arg5[%mul3A_2] : memref<320000xi32, #tpu.memory_space<hbm>> -> memref<80xi32, #tpu.memory_space<hbm>>
        tpu.wait_dma2 semaphore(%dma_wait3A_707 : memref<!tpu.dma_semaphore, #tpu.memory_space<semaphore_mem>>) src(%dma_wait3A_711 : memref<80xi32, #tpu.memory_space<hbm>>) dst(%dma_wait3A_710 : memref<80xi32, #tpu.memory_space<vmem>>)
        %dma_wait3A_712 = arith.constant 0 : i32
        %dma_wait3A_713 = tpu.memref_slice %arg11[%and3A_701, %dma_wait3A_712] : memref<8x80xi32, #tpu.memory_space<vmem>> -> memref<1x80xi32, #tpu.memory_space<vmem>>
        %dma_wait3A_714 = tpu.memref_squeeze %dma_wait3A_713 : memref<1x80xi32, #tpu.memory_space<vmem>> -> memref<80xi32, #tpu.memory_space<vmem>>
        %dma_wait3A_715 = tpu.memref_slice %arg6[%mul3A_2] : memref<320000xi32, #tpu.memory_space<hbm>> -> memref<80xi32, #tpu.memory_space<hbm>>
        %dma_wait3A_716 = tpu.memref_slice %arg15[%and3A_701] : memref<8x!tpu.dma_semaphore, #tpu.memory_space<semaphore_mem>> -> memref<1x!tpu.dma_semaphore, #tpu.memory_space<semaphore_mem>>
        %dma_wait3A_717 = tpu.memref_squeeze %dma_wait3A_716 : memref<1x!tpu.dma_semaphore, #tpu.memory_space<semaphore_mem>> -> memref<!tpu.dma_semaphore, #tpu.memory_space<semaphore_mem>>
        %dma_wait3A_718 = arith.constant 0 : i32
        %dma_wait3A_719 = tpu.memref_slice %arg11[%and3A_701, %dma_wait3A_718] : memref<8x80xi32, #tpu.memory_space<vmem>> -> memref<1x80xi32, #tpu.memory_space<vmem>>
        %dma_wait3A_720 = tpu.memref_squeeze %dma_wait3A_719 : memref<1x80xi32, #tpu.memory_space<vmem>> -> memref<80xi32, #tpu.memory_space<vmem>>
        %dma_wait3A_721 = tpu.memref_slice %arg6[%mul3A_2] : memref<320000xi32, #tpu.memory_space<hbm>> -> memref<80xi32, #tpu.memory_space<hbm>>
        tpu.wait_dma2 semaphore(%dma_wait3A_717 : memref<!tpu.dma_semaphore, #tpu.memory_space<semaphore_mem>>) src(%dma_wait3A_721 : memref<80xi32, #tpu.memory_space<hbm>>) dst(%dma_wait3A_720 : memref<80xi32, #tpu.memory_space<vmem>>)
        %dma_wait3A_722 = arith.constant 0 : i32
        %dma_wait3A_723 = tpu.memref_slice %arg12[%and3A_701, %dma_wait3A_722] : memref<8x80xi32, #tpu.memory_space<vmem>> -> memref<1x80xi32, #tpu.memory_space<vmem>>
        %dma_wait3A_724 = tpu.memref_squeeze %dma_wait3A_723 : memref<1x80xi32, #tpu.memory_space<vmem>> -> memref<80xi32, #tpu.memory_space<vmem>>
        %dma_wait3A_725 = tpu.memref_slice %arg7[%mul3A_2] : memref<320000xi32, #tpu.memory_space<hbm>> -> memref<80xi32, #tpu.memory_space<hbm>>
        %dma_wait3A_726 = tpu.memref_slice %arg15[%and3A_701] : memref<8x!tpu.dma_semaphore, #tpu.memory_space<semaphore_mem>> -> memref<1x!tpu.dma_semaphore, #tpu.memory_space<semaphore_mem>>
        %dma_wait3A_727 = tpu.memref_squeeze %dma_wait3A_726 : memref<1x!tpu.dma_semaphore, #tpu.memory_space<semaphore_mem>> -> memref<!tpu.dma_semaphore, #tpu.memory_space<semaphore_mem>>
        %dma_wait3A_728 = arith.constant 0 : i32
        %dma_wait3A_729 = tpu.memref_slice %arg12[%and3A_701, %dma_wait3A_728] : memref<8x80xi32, #tpu.memory_space<vmem>> -> memref<1x80xi32, #tpu.memory_space<vmem>>
        %dma_wait3A_730 = tpu.memref_squeeze %dma_wait3A_729 : memref<1x80xi32, #tpu.memory_space<vmem>> -> memref<80xi32, #tpu.memory_space<vmem>>
        %dma_wait3A_731 = tpu.memref_slice %arg7[%mul3A_2] : memref<320000xi32, #tpu.memory_space<hbm>> -> memref<80xi32, #tpu.memory_space<hbm>>
        tpu.wait_dma2 semaphore(%dma_wait3A_727 : memref<!tpu.dma_semaphore, #tpu.memory_space<semaphore_mem>>) src(%dma_wait3A_731 : memref<80xi32, #tpu.memory_space<hbm>>) dst(%dma_wait3A_730 : memref<80xi32, #tpu.memory_space<vmem>>)
        %dma_start3A_732 = arith.constant 0 : i32
        %dma_start3A_733 = arith.constant 0 : i32
        %dma_start3A_734 = tpu.memref_slice %arg13[%and3A_693, %dma_start3A_732, %dma_start3A_733] : memref<4x80x64xf32, #tpu.memory_space<vmem>> -> memref<1x80x64xf32, #tpu.memory_space<vmem>>
        %dma_start3A_735 = tpu.memref_squeeze %dma_start3A_734 : memref<1x80x64xf32, #tpu.memory_space<vmem>> -> memref<80x64xf32, #tpu.memory_space<vmem>>
        %dma_start3A_736 = arith.constant 0 : i32
        %dma_start3A_737 = tpu.memref_slice %arg10[%and3A_701, %dma_start3A_736] : memref<8x80xi32, #tpu.memory_space<vmem>> -> memref<1x80xi32, #tpu.memory_space<vmem>>
        %dma_start3A_738 = tpu.memref_squeeze %dma_start3A_737 : memref<1x80xi32, #tpu.memory_space<vmem>> -> memref<80xi32, #tpu.memory_space<vmem>>
        %dma_start3A_739 = arith.constant 0 : i32
        %dma_start3A_740 = arith.constant 0 : i32
        %dma_start3A_741 = tpu.memref_slice %arg2[%dma_start3A_739, %dma_start3A_740] : memref<40000x64xf32, #tpu.memory_space<hbm>> -> memref<40000x64xf32, #tpu.memory_space<hbm>>
        %dma_start3A_742 = tpu.memref_slice %arg16[%and3A_693] : memref<4x!tpu.dma_semaphore, #tpu.memory_space<semaphore_mem>> -> memref<1x!tpu.dma_semaphore, #tpu.memory_space<semaphore_mem>>
        %dma_start3A_743 = tpu.memref_squeeze %dma_start3A_742 : memref<1x!tpu.dma_semaphore, #tpu.memory_space<semaphore_mem>> -> memref<!tpu.dma_semaphore, #tpu.memory_space<semaphore_mem>>
        tpu.enqueue_indirect_dma source(%dma_start3A_741 : memref<40000x64xf32, #tpu.memory_space<hbm>>) target(%dma_start3A_735 : memref<80x64xf32, #tpu.memory_space<vmem>>) offsets(%dma_start3A_738 : memref<80xi32, #tpu.memory_space<vmem>>) semaphore(%dma_start3A_743 : memref<!tpu.dma_semaphore, #tpu.memory_space<semaphore_mem>>)
        %dma_start3A_744 = arith.constant 0 : i32
        %dma_start3A_745 = arith.constant 0 : i32
        %dma_start3A_746 = tpu.memref_slice %arg14[%and3A_693, %dma_start3A_744, %dma_start3A_745] : memref<4x80x16xf32, #tpu.memory_space<vmem>> -> memref<1x80x16xf32, #tpu.memory_space<vmem>>
        %dma_start3A_747 = tpu.memref_squeeze %dma_start3A_746 : memref<1x80x16xf32, #tpu.memory_space<vmem>> -> memref<80x16xf32, #tpu.memory_space<vmem>>
        %dma_start3A_748 = arith.constant 0 : i32
        %dma_start3A_749 = tpu.memref_slice %arg11[%and3A_701, %dma_start3A_748] : memref<8x80xi32, #tpu.memory_space<vmem>> -> memref<1x80xi32, #tpu.memory_space<vmem>>
        %dma_start3A_750 = tpu.memref_squeeze %dma_start3A_749 : memref<1x80xi32, #tpu.memory_space<vmem>> -> memref<80xi32, #tpu.memory_space<vmem>>
        %dma_start3A_751 = arith.constant 0 : i32
        %dma_start3A_752 = arith.constant 0 : i32
        %dma_start3A_753 = tpu.memref_slice %arg4[%dma_start3A_751, %dma_start3A_752] : memref<40960x16xf32, #tpu.memory_space<hbm>> -> memref<40960x16xf32, #tpu.memory_space<hbm>>
        %dma_start3A_754 = tpu.memref_slice %arg17[%and3A_693] : memref<4x!tpu.dma_semaphore, #tpu.memory_space<semaphore_mem>> -> memref<1x!tpu.dma_semaphore, #tpu.memory_space<semaphore_mem>>
        %dma_start3A_755 = tpu.memref_squeeze %dma_start3A_754 : memref<1x!tpu.dma_semaphore, #tpu.memory_space<semaphore_mem>> -> memref<!tpu.dma_semaphore, #tpu.memory_space<semaphore_mem>>
        tpu.enqueue_indirect_dma source(%dma_start3A_753 : memref<40960x16xf32, #tpu.memory_space<hbm>>) target(%dma_start3A_747 : memref<80x16xf32, #tpu.memory_space<vmem>>) offsets(%dma_start3A_750 : memref<80xi32, #tpu.memory_space<vmem>>) semaphore(%dma_start3A_755 : memref<!tpu.dma_semaphore, #tpu.memory_space<semaphore_mem>>)
      } else {
      }
      %dma_wait3A_648 = arith.constant 0 : i32
      %dma_wait3A_649 = arith.constant 0 : i32
      %dma_wait3A_650 = tpu.memref_slice %arg13[%and3A_634, %dma_wait3A_648, %dma_wait3A_649] : memref<4x80x64xf32, #tpu.memory_space<vmem>> -> memref<1x80x64xf32, #tpu.memory_space<vmem>>
      %dma_wait3A_651 = tpu.memref_squeeze %dma_wait3A_650 : memref<1x80x64xf32, #tpu.memory_space<vmem>> -> memref<80x64xf32, #tpu.memory_space<vmem>>
      %dma_wait3A_652 = arith.constant 0 : i32
      %dma_wait3A_653 = tpu.memref_slice %arg10[%and3A_636, %dma_wait3A_652] : memref<8x80xi32, #tpu.memory_space<vmem>> -> memref<1x80xi32, #tpu.memory_space<vmem>>
      %dma_wait3A_654 = tpu.memref_squeeze %dma_wait3A_653 : memref<1x80xi32, #tpu.memory_space<vmem>> -> memref<80xi32, #tpu.memory_space<vmem>>
      %dma_wait3A_655 = arith.constant 0 : i32
      %dma_wait3A_656 = arith.constant 0 : i32
      %dma_wait3A_657 = tpu.memref_slice %arg2[%dma_wait3A_655, %dma_wait3A_656] : memref<40000x64xf32, #tpu.memory_space<hbm>> -> memref<40000x64xf32, #tpu.memory_space<hbm>>
      %dma_wait3A_658 = tpu.memref_slice %arg16[%and3A_634] : memref<4x!tpu.dma_semaphore, #tpu.memory_space<semaphore_mem>> -> memref<1x!tpu.dma_semaphore, #tpu.memory_space<semaphore_mem>>
      %dma_wait3A_659 = tpu.memref_squeeze %dma_wait3A_658 : memref<1x!tpu.dma_semaphore, #tpu.memory_space<semaphore_mem>> -> memref<!tpu.dma_semaphore, #tpu.memory_space<semaphore_mem>>
      tpu.wait_indirect_dma semaphore(%dma_wait3A_659 : memref<!tpu.dma_semaphore, #tpu.memory_space<semaphore_mem>>) src(%dma_wait3A_657 : memref<40000x64xf32, #tpu.memory_space<hbm>>) dst(%dma_wait3A_651 : memref<80x64xf32, #tpu.memory_space<vmem>>)
      %dma_wait3A_660 = arith.constant 0 : i32
      %dma_wait3A_661 = arith.constant 0 : i32
      %dma_wait3A_662 = tpu.memref_slice %arg14[%and3A_634, %dma_wait3A_660, %dma_wait3A_661] : memref<4x80x16xf32, #tpu.memory_space<vmem>> -> memref<1x80x16xf32, #tpu.memory_space<vmem>>
      %dma_wait3A_663 = tpu.memref_squeeze %dma_wait3A_662 : memref<1x80x16xf32, #tpu.memory_space<vmem>> -> memref<80x16xf32, #tpu.memory_space<vmem>>
      %dma_wait3A_664 = arith.constant 0 : i32
      %dma_wait3A_665 = tpu.memref_slice %arg11[%and3A_636, %dma_wait3A_664] : memref<8x80xi32, #tpu.memory_space<vmem>> -> memref<1x80xi32, #tpu.memory_space<vmem>>
      %dma_wait3A_666 = tpu.memref_squeeze %dma_wait3A_665 : memref<1x80xi32, #tpu.memory_space<vmem>> -> memref<80xi32, #tpu.memory_space<vmem>>
      %dma_wait3A_667 = arith.constant 0 : i32
      %dma_wait3A_668 = arith.constant 0 : i32
      %dma_wait3A_669 = tpu.memref_slice %arg4[%dma_wait3A_667, %dma_wait3A_668] : memref<40960x16xf32, #tpu.memory_space<hbm>> -> memref<40960x16xf32, #tpu.memory_space<hbm>>
      %dma_wait3A_670 = tpu.memref_slice %arg17[%and3A_634] : memref<4x!tpu.dma_semaphore, #tpu.memory_space<semaphore_mem>> -> memref<1x!tpu.dma_semaphore, #tpu.memory_space<semaphore_mem>>
      %dma_wait3A_671 = tpu.memref_squeeze %dma_wait3A_670 : memref<1x!tpu.dma_semaphore, #tpu.memory_space<semaphore_mem>> -> memref<!tpu.dma_semaphore, #tpu.memory_space<semaphore_mem>>
      tpu.wait_indirect_dma semaphore(%dma_wait3A_671 : memref<!tpu.dma_semaphore, #tpu.memory_space<semaphore_mem>>) src(%dma_wait3A_669 : memref<40960x16xf32, #tpu.memory_space<hbm>>) dst(%dma_wait3A_663 : memref<80x16xf32, #tpu.memory_space<vmem>>)
      %scan3A_672 = arith.constant 0 : i32
      %scan3A_673 = arith.constant 0 : i32
      %scan3A_674 = arith.constant 20 : i32
      %scan3A_675 = arith.addi %scan3A_673, %scan3A_674 : i32
      %scan3A_676 = arith.constant 1 : i32
      scf.for %scan3A_690 = %scan3A_673 to %scan3A_675 step %scan3A_676  : i32 {
        %mul3A_691 = arith.constant 4 : i32
        %mul3A_692 = arith.muli %scan3A_690, %mul3A_691 : i32
        %add3A_693 = arith.constant 0 : i32
        %add3A_694 = arith.addi %mul3A_692, %add3A_693 : i32
        %get3A = arith.index_cast %and3A_634 : i32 to index
        %get3A_695 = arith.index_cast %add3A_694 : i32 to index
        %get3A_696 = arith.constant 0 : index
        %get3A_697 = tpu.vector_load %arg14[%get3A, %get3A_695, %get3A_696] {strides = array<i32>} : memref<4x80x16xf32, #tpu.memory_space<vmem>>, vector<16xf32>,
        %get3A_698 = arith.index_cast %and3A_634 : i32 to index
        %get3A_699 = arith.index_cast %add3A_694 : i32 to index
        %get3A_700 = arith.constant 0 : index
        %get3A_701 = tpu.vector_load %arg13[%get3A_698, %get3A_699, %get3A_700] {strides = array<i32>} : memref<4x80x64xf32, #tpu.memory_space<vmem>>, vector<16xf32>,
        %mul3A_702 = arith.mulf %get3A_701, %get3A_697 : vector<16xf32>
        %swap3A = arith.index_cast %and3A_634 : i32 to index
        %swap3A_703 = arith.index_cast %add3A_694 : i32 to index
        %swap3A_704 = arith.constant 0 : index
        %swap3A_705 = tpu.vector_load %arg13[%swap3A, %swap3A_703, %swap3A_704] {strides = array<i32>} : memref<4x80x64xf32, #tpu.memory_space<vmem>>, vector<16xf32>,
        tpu.vector_store %arg13[%swap3A, %swap3A_703, %swap3A_704], %mul3A_702 {strides = array<i32>} : memref<4x80x64xf32, #tpu.memory_space<vmem>>, vector<16xf32>,
        %get3A_706 = arith.index_cast %and3A_634 : i32 to index
        %get3A_707 = arith.index_cast %add3A_694 : i32 to index
        %get3A_708 = arith.constant 16 : index
        %get3A_709 = tpu.vector_load %arg13[%get3A_706, %get3A_707, %get3A_708] {strides = array<i32>} : memref<4x80x64xf32, #tpu.memory_space<vmem>>, vector<16xf32>,
        %mul3A_710 = arith.mulf %get3A_709, %get3A_697 : vector<16xf32>
        %swap3A_711 = arith.index_cast %and3A_634 : i32 to index
        %swap3A_712 = arith.index_cast %add3A_694 : i32 to index
        %swap3A_713 = arith.constant 16 : index
        %swap3A_714 = tpu.vector_load %arg13[%swap3A_711, %swap3A_712, %swap3A_713] {strides = array<i32>} : memref<4x80x64xf32, #tpu.memory_space<vmem>>, vector<16xf32>,
        tpu.vector_store %arg13[%swap3A_711, %swap3A_712, %swap3A_713], %mul3A_710 {strides = array<i32>} : memref<4x80x64xf32, #tpu.memory_space<vmem>>, vector<16xf32>,
        %get3A_715 = arith.index_cast %and3A_634 : i32 to index
        %get3A_716 = arith.index_cast %add3A_694 : i32 to index
        %get3A_717 = arith.constant 32 : index
        %get3A_718 = tpu.vector_load %arg13[%get3A_715, %get3A_716, %get3A_717] {strides = array<i32>} : memref<4x80x64xf32, #tpu.memory_space<vmem>>, vector<16xf32>,
        %mul3A_719 = arith.mulf %get3A_718, %get3A_697 : vector<16xf32>
        %swap3A_720 = arith.index_cast %and3A_634 : i32 to index
        %swap3A_721 = arith.index_cast %add3A_694 : i32 to index
        %swap3A_722 = arith.constant 32 : index
        %swap3A_723 = tpu.vector_load %arg13[%swap3A_720, %swap3A_721, %swap3A_722] {strides = array<i32>} : memref<4x80x64xf32, #tpu.memory_space<vmem>>, vector<16xf32>,
        tpu.vector_store %arg13[%swap3A_720, %swap3A_721, %swap3A_722], %mul3A_719 {strides = array<i32>} : memref<4x80x64xf32, #tpu.memory_space<vmem>>, vector<16xf32>,
        %get3A_724 = arith.index_cast %and3A_634 : i32 to index
        %get3A_725 = arith.index_cast %add3A_694 : i32 to index
        %get3A_726 = arith.constant 48 : index
        %get3A_727 = tpu.vector_load %arg13[%get3A_724, %get3A_725, %get3A_726] {strides = array<i32>} : memref<4x80x64xf32, #tpu.memory_space<vmem>>, vector<16xf32>,
        %mul3A_728 = arith.mulf %get3A_727, %get3A_697 : vector<16xf32>
        %swap3A_729 = arith.index_cast %and3A_634 : i32 to index
        %swap3A_730 = arith.index_cast %add3A_694 : i32 to index
        %swap3A_731 = arith.constant 48 : index
        %swap3A_732 = tpu.vector_load %arg13[%swap3A_729, %swap3A_730, %swap3A_731] {strides = array<i32>} : memref<4x80x64xf32, #tpu.memory_space<vmem>>, vector<16xf32>,
        tpu.vector_store %arg13[%swap3A_729, %swap3A_730, %swap3A_731], %mul3A_728 {strides = array<i32>} : memref<4x80x64xf32, #tpu.memory_space<vmem>>, vector<16xf32>,
        %mul3A_733 = arith.constant 4 : i32
        %mul3A_734 = arith.muli %scan3A_690, %mul3A_733 : i32
        %add3A_735 = arith.constant 1 : i32
        %add3A_736 = arith.addi %mul3A_734, %add3A_735 : i32
        %get3A_737 = arith.index_cast %and3A_634 : i32 to index
        %get3A_738 = arith.index_cast %add3A_736 : i32 to index
        %get3A_739 = arith.constant 0 : index
        %get3A_740 = tpu.vector_load %arg14[%get3A_737, %get3A_738, %get3A_739] {strides = array<i32>} : memref<4x80x16xf32, #tpu.memory_space<vmem>>, vector<16xf32>,
        %get3A_741 = arith.index_cast %and3A_634 : i32 to index
        %get3A_742 = arith.index_cast %add3A_736 : i32 to index
        %get3A_743 = arith.constant 0 : index
        %get3A_744 = tpu.vector_load %arg13[%get3A_741, %get3A_742, %get3A_743] {strides = array<i32>} : memref<4x80x64xf32, #tpu.memory_space<vmem>>, vector<16xf32>,
        %mul3A_745 = arith.mulf %get3A_744, %get3A_740 : vector<16xf32>
        %swap3A_746 = arith.index_cast %and3A_634 : i32 to index
        %swap3A_747 = arith.index_cast %add3A_736 : i32 to index
        %swap3A_748 = arith.constant 0 : index
        %swap3A_749 = tpu.vector_load %arg13[%swap3A_746, %swap3A_747, %swap3A_748] {strides = array<i32>} : memref<4x80x64xf32, #tpu.memory_space<vmem>>, vector<16xf32>,
        tpu.vector_store %arg13[%swap3A_746, %swap3A_747, %swap3A_748], %mul3A_745 {strides = array<i32>} : memref<4x80x64xf32, #tpu.memory_space<vmem>>, vector<16xf32>,
        %get3A_750 = arith.index_cast %and3A_634 : i32 to index
        %get3A_751 = arith.index_cast %add3A_736 : i32 to index
        %get3A_752 = arith.constant 16 : index
        %get3A_753 = tpu.vector_load %arg13[%get3A_750, %get3A_751, %get3A_752] {strides = array<i32>} : memref<4x80x64xf32, #tpu.memory_space<vmem>>, vector<16xf32>,
        %mul3A_754 = arith.mulf %get3A_753, %get3A_740 : vector<16xf32>
        %swap3A_755 = arith.index_cast %and3A_634 : i32 to index
        %swap3A_756 = arith.index_cast %add3A_736 : i32 to index
        %swap3A_757 = arith.constant 16 : index
        %swap3A_758 = tpu.vector_load %arg13[%swap3A_755, %swap3A_756, %swap3A_757] {strides = array<i32>} : memref<4x80x64xf32, #tpu.memory_space<vmem>>, vector<16xf32>,
        tpu.vector_store %arg13[%swap3A_755, %swap3A_756, %swap3A_757], %mul3A_754 {strides = array<i32>} : memref<4x80x64xf32, #tpu.memory_space<vmem>>, vector<16xf32>,
        %get3A_759 = arith.index_cast %and3A_634 : i32 to index
        %get3A_760 = arith.index_cast %add3A_736 : i32 to index
        %get3A_761 = arith.constant 32 : index
        %get3A_762 = tpu.vector_load %arg13[%get3A_759, %get3A_760, %get3A_761] {strides = array<i32>} : memref<4x80x64xf32, #tpu.memory_space<vmem>>, vector<16xf32>,
        %mul3A_763 = arith.mulf %get3A_762, %get3A_740 : vector<16xf32>
        %swap3A_764 = arith.index_cast %and3A_634 : i32 to index
        %swap3A_765 = arith.index_cast %add3A_736 : i32 to index
        %swap3A_766 = arith.constant 32 : index
        %swap3A_767 = tpu.vector_load %arg13[%swap3A_764, %swap3A_765, %swap3A_766] {strides = array<i32>} : memref<4x80x64xf32, #tpu.memory_space<vmem>>, vector<16xf32>,
        tpu.vector_store %arg13[%swap3A_764, %swap3A_765, %swap3A_766], %mul3A_763 {strides = array<i32>} : memref<4x80x64xf32, #tpu.memory_space<vmem>>, vector<16xf32>,
        %get3A_768 = arith.index_cast %and3A_634 : i32 to index
        %get3A_769 = arith.index_cast %add3A_736 : i32 to index
        %get3A_770 = arith.constant 48 : index
        %get3A_771 = tpu.vector_load %arg13[%get3A_768, %get3A_769, %get3A_770] {strides = array<i32>} : memref<4x80x64xf32, #tpu.memory_space<vmem>>, vector<16xf32>,
        %mul3A_772 = arith.mulf %get3A_771, %get3A_740 : vector<16xf32>
        %swap3A_773 = arith.index_cast %and3A_634 : i32 to index
        %swap3A_774 = arith.index_cast %add3A_736 : i32 to index
        %swap3A_775 = arith.constant 48 : index
        %swap3A_776 = tpu.vector_load %arg13[%swap3A_773, %swap3A_774, %swap3A_775] {strides = array<i32>} : memref<4x80x64xf32, #tpu.memory_space<vmem>>, vector<16xf32>,
        tpu.vector_store %arg13[%swap3A_773, %swap3A_774, %swap3A_775], %mul3A_772 {strides = array<i32>} : memref<4x80x64xf32, #tpu.memory_space<vmem>>, vector<16xf32>,
        %mul3A_777 = arith.constant 4 : i32
        %mul3A_778 = arith.muli %scan3A_690, %mul3A_777 : i32
        %add3A_779 = arith.constant 2 : i32
        %add3A_780 = arith.addi %mul3A_778, %add3A_779 : i32
        %get3A_781 = arith.index_cast %and3A_634 : i32 to index
        %get3A_782 = arith.index_cast %add3A_780 : i32 to index
        %get3A_783 = arith.constant 0 : index
        %get3A_784 = tpu.vector_load %arg14[%get3A_781, %get3A_782, %get3A_783] {strides = array<i32>} : memref<4x80x16xf32, #tpu.memory_space<vmem>>, vector<16xf32>,
        %get3A_785 = arith.index_cast %and3A_634 : i32 to index
        %get3A_786 = arith.index_cast %add3A_780 : i32 to index
        %get3A_787 = arith.constant 0 : index
        %get3A_788 = tpu.vector_load %arg13[%get3A_785, %get3A_786, %get3A_787] {strides = array<i32>} : memref<4x80x64xf32, #tpu.memory_space<vmem>>, vector<16xf32>,
        %mul3A_789 = arith.mulf %get3A_788, %get3A_784 : vector<16xf32>
        %swap3A_790 = arith.index_cast %and3A_634 : i32 to index
        %swap3A_791 = arith.index_cast %add3A_780 : i32 to index
        %swap3A_792 = arith.constant 0 : index
        %swap3A_793 = tpu.vector_load %arg13[%swap3A_790, %swap3A_791, %swap3A_792] {strides = array<i32>} : memref<4x80x64xf32, #tpu.memory_space<vmem>>, vector<16xf32>,
        tpu.vector_store %arg13[%swap3A_790, %swap3A_791, %swap3A_792], %mul3A_789 {strides = array<i32>} : memref<4x80x64xf32, #tpu.memory_space<vmem>>, vector<16xf32>,
        %get3A_794 = arith.index_cast %and3A_634 : i32 to index
        %get3A_795 = arith.index_cast %add3A_780 : i32 to index
        %get3A_796 = arith.constant 16 : index
        %get3A_797 = tpu.vector_load %arg13[%get3A_794, %get3A_795, %get3A_796] {strides = array<i32>} : memref<4x80x64xf32, #tpu.memory_space<vmem>>, vector<16xf32>,
        %mul3A_798 = arith.mulf %get3A_797, %get3A_784 : vector<16xf32>
        %swap3A_799 = arith.index_cast %and3A_634 : i32 to index
        %swap3A_800 = arith.index_cast %add3A_780 : i32 to index
        %swap3A_801 = arith.constant 16 : index
        %swap3A_802 = tpu.vector_load %arg13[%swap3A_799, %swap3A_800, %swap3A_801] {strides = array<i32>} : memref<4x80x64xf32, #tpu.memory_space<vmem>>, vector<16xf32>,
        tpu.vector_store %arg13[%swap3A_799, %swap3A_800, %swap3A_801], %mul3A_798 {strides = array<i32>} : memref<4x80x64xf32, #tpu.memory_space<vmem>>, vector<16xf32>,
        %get3A_803 = arith.index_cast %and3A_634 : i32 to index
        %get3A_804 = arith.index_cast %add3A_780 : i32 to index
        %get3A_805 = arith.constant 32 : index
        %get3A_806 = tpu.vector_load %arg13[%get3A_803, %get3A_804, %get3A_805] {strides = array<i32>} : memref<4x80x64xf32, #tpu.memory_space<vmem>>, vector<16xf32>,
        %mul3A_807 = arith.mulf %get3A_806, %get3A_784 : vector<16xf32>
        %swap3A_808 = arith.index_cast %and3A_634 : i32 to index
        %swap3A_809 = arith.index_cast %add3A_780 : i32 to index
        %swap3A_810 = arith.constant 32 : index
        %swap3A_811 = tpu.vector_load %arg13[%swap3A_808, %swap3A_809, %swap3A_810] {strides = array<i32>} : memref<4x80x64xf32, #tpu.memory_space<vmem>>, vector<16xf32>,
        tpu.vector_store %arg13[%swap3A_808, %swap3A_809, %swap3A_810], %mul3A_807 {strides = array<i32>} : memref<4x80x64xf32, #tpu.memory_space<vmem>>, vector<16xf32>,
        %get3A_812 = arith.index_cast %and3A_634 : i32 to index
        %get3A_813 = arith.index_cast %add3A_780 : i32 to index
        %get3A_814 = arith.constant 48 : index
        %get3A_815 = tpu.vector_load %arg13[%get3A_812, %get3A_813, %get3A_814] {strides = array<i32>} : memref<4x80x64xf32, #tpu.memory_space<vmem>>, vector<16xf32>,
        %mul3A_816 = arith.mulf %get3A_815, %get3A_784 : vector<16xf32>
        %swap3A_817 = arith.index_cast %and3A_634 : i32 to index
        %swap3A_818 = arith.index_cast %add3A_780 : i32 to index
        %swap3A_819 = arith.constant 48 : index
        %swap3A_820 = tpu.vector_load %arg13[%swap3A_817, %swap3A_818, %swap3A_819] {strides = array<i32>} : memref<4x80x64xf32, #tpu.memory_space<vmem>>, vector<16xf32>,
        tpu.vector_store %arg13[%swap3A_817, %swap3A_818, %swap3A_819], %mul3A_816 {strides = array<i32>} : memref<4x80x64xf32, #tpu.memory_space<vmem>>, vector<16xf32>,
        %mul3A_821 = arith.constant 4 : i32
        %mul3A_822 = arith.muli %scan3A_690, %mul3A_821 : i32
        %add3A_823 = arith.constant 3 : i32
        %add3A_824 = arith.addi %mul3A_822, %add3A_823 : i32
        %get3A_825 = arith.index_cast %and3A_634 : i32 to index
        %get3A_826 = arith.index_cast %add3A_824 : i32 to index
        %get3A_827 = arith.constant 0 : index
        %get3A_828 = tpu.vector_load %arg14[%get3A_825, %get3A_826, %get3A_827] {strides = array<i32>} : memref<4x80x16xf32, #tpu.memory_space<vmem>>, vector<16xf32>,
        %get3A_829 = arith.index_cast %and3A_634 : i32 to index
        %get3A_830 = arith.index_cast %add3A_824 : i32 to index
        %get3A_831 = arith.constant 0 : index
        %get3A_832 = tpu.vector_load %arg13[%get3A_829, %get3A_830, %get3A_831] {strides = array<i32>} : memref<4x80x64xf32, #tpu.memory_space<vmem>>, vector<16xf32>,
        %mul3A_833 = arith.mulf %get3A_832, %get3A_828 : vector<16xf32>
        %swap3A_834 = arith.index_cast %and3A_634 : i32 to index
        %swap3A_835 = arith.index_cast %add3A_824 : i32 to index
        %swap3A_836 = arith.constant 0 : index
        %swap3A_837 = tpu.vector_load %arg13[%swap3A_834, %swap3A_835, %swap3A_836] {strides = array<i32>} : memref<4x80x64xf32, #tpu.memory_space<vmem>>, vector<16xf32>,
        tpu.vector_store %arg13[%swap3A_834, %swap3A_835, %swap3A_836], %mul3A_833 {strides = array<i32>} : memref<4x80x64xf32, #tpu.memory_space<vmem>>, vector<16xf32>,
        %get3A_838 = arith.index_cast %and3A_634 : i32 to index
        %get3A_839 = arith.index_cast %add3A_824 : i32 to index
        %get3A_840 = arith.constant 16 : index
        %get3A_841 = tpu.vector_load %arg13[%get3A_838, %get3A_839, %get3A_840] {strides = array<i32>} : memref<4x80x64xf32, #tpu.memory_space<vmem>>, vector<16xf32>,
        %mul3A_842 = arith.mulf %get3A_841, %get3A_828 : vector<16xf32>
        %swap3A_843 = arith.index_cast %and3A_634 : i32 to index
        %swap3A_844 = arith.index_cast %add3A_824 : i32 to index
        %swap3A_845 = arith.constant 16 : index
        %swap3A_846 = tpu.vector_load %arg13[%swap3A_843, %swap3A_844, %swap3A_845] {strides = array<i32>} : memref<4x80x64xf32, #tpu.memory_space<vmem>>, vector<16xf32>,
        tpu.vector_store %arg13[%swap3A_843, %swap3A_844, %swap3A_845], %mul3A_842 {strides = array<i32>} : memref<4x80x64xf32, #tpu.memory_space<vmem>>, vector<16xf32>,
        %get3A_847 = arith.index_cast %and3A_634 : i32 to index
        %get3A_848 = arith.index_cast %add3A_824 : i32 to index
        %get3A_849 = arith.constant 32 : index
        %get3A_850 = tpu.vector_load %arg13[%get3A_847, %get3A_848, %get3A_849] {strides = array<i32>} : memref<4x80x64xf32, #tpu.memory_space<vmem>>, vector<16xf32>,
        %mul3A_851 = arith.mulf %get3A_850, %get3A_828 : vector<16xf32>
        %swap3A_852 = arith.index_cast %and3A_634 : i32 to index
        %swap3A_853 = arith.index_cast %add3A_824 : i32 to index
        %swap3A_854 = arith.constant 32 : index
        %swap3A_855 = tpu.vector_load %arg13[%swap3A_852, %swap3A_853, %swap3A_854] {strides = array<i32>} : memref<4x80x64xf32, #tpu.memory_space<vmem>>, vector<16xf32>,
        tpu.vector_store %arg13[%swap3A_852, %swap3A_853, %swap3A_854], %mul3A_851 {strides = array<i32>} : memref<4x80x64xf32, #tpu.memory_space<vmem>>, vector<16xf32>,
        %get3A_856 = arith.index_cast %and3A_634 : i32 to index
        %get3A_857 = arith.index_cast %add3A_824 : i32 to index
        %get3A_858 = arith.constant 48 : index
        %get3A_859 = tpu.vector_load %arg13[%get3A_856, %get3A_857, %get3A_858] {strides = array<i32>} : memref<4x80x64xf32, #tpu.memory_space<vmem>>, vector<16xf32>,
        %mul3A_860 = arith.mulf %get3A_859, %get3A_828 : vector<16xf32>
        %swap3A_861 = arith.index_cast %and3A_634 : i32 to index
        %swap3A_862 = arith.index_cast %add3A_824 : i32 to index
        %swap3A_863 = arith.constant 48 : index
        %swap3A_864 = tpu.vector_load %arg13[%swap3A_861, %swap3A_862, %swap3A_863] {strides = array<i32>} : memref<4x80x64xf32, #tpu.memory_space<vmem>>, vector<16xf32>,
        tpu.vector_store %arg13[%swap3A_861, %swap3A_862, %swap3A_863], %mul3A_860 {strides = array<i32>} : memref<4x80x64xf32, #tpu.memory_space<vmem>>, vector<16xf32>,
      }
      %scan3A_677 = arith.constant 20 : i32
      %dma_start3A_678 = arith.constant 0 : i32
      %dma_start3A_679 = arith.constant 0 : i32
      %dma_start3A_680 = tpu.memref_slice %arg13[%and3A_634, %dma_start3A_678, %dma_start3A_679] : memref<4x80x64xf32, #tpu.memory_space<vmem>> -> memref<1x80x64xf32, #tpu.memory_space<vmem>>
      %dma_start3A_681 = tpu.memref_squeeze %dma_start3A_680 : memref<1x80x64xf32, #tpu.memory_space<vmem>> -> memref<80x64xf32, #tpu.memory_space<vmem>>
      %dma_start3A_682 = arith.constant 0 : i32
      %dma_start3A_683 = tpu.memref_slice %arg12[%and3A_636, %dma_start3A_682] : memref<8x80xi32, #tpu.memory_space<vmem>> -> memref<1x80xi32, #tpu.memory_space<vmem>>
      %dma_start3A_684 = tpu.memref_squeeze %dma_start3A_683 : memref<1x80xi32, #tpu.memory_space<vmem>> -> memref<80xi32, #tpu.memory_space<vmem>>
      %dma_start3A_685 = arith.constant 0 : i32
      %dma_start3A_686 = arith.constant 0 : i32
      %dma_start3A_687 = tpu.memref_slice %arg19[%dma_start3A_685, %dma_start3A_686] : memref<10000x64xf32, #tpu.memory_space<vmem_shared>> -> memref<10000x64xf32, #tpu.memory_space<vmem_shared>>
      %dma_start3A_688 = tpu.memref_slice %arg18[%and3A_634] : memref<4x!tpu.dma_semaphore, #tpu.memory_space<semaphore_mem>> -> memref<1x!tpu.dma_semaphore, #tpu.memory_space<semaphore_mem>>
      %dma_start3A_689 = tpu.memref_squeeze %dma_start3A_688 : memref<1x!tpu.dma_semaphore, #tpu.memory_space<semaphore_mem>> -> memref<!tpu.dma_semaphore, #tpu.memory_space<semaphore_mem>>
      tpu.enqueue_indirect_dma source(%dma_start3A_681 : memref<80x64xf32, #tpu.memory_space<vmem>>) target(%dma_start3A_687 : memref<10000x64xf32, #tpu.memory_space<vmem_shared>>) offsets(%dma_start3A_684 : memref<80xi32, #tpu.memory_space<vmem>>) semaphore(%dma_start3A_689 : memref<!tpu.dma_semaphore, #tpu.memory_space<semaphore_mem>>) {add = true}
    }
    %scan3A_254 = arith.constant 125 : i32
    %dma_wait3A_255 = arith.constant 1 : i32
    %dma_wait3A_256 = arith.constant 1 : i32
    %dma_wait3A_257 = arith.constant 1 : i32
    %dma_wait3A_258 = arith.constant 0 : i32
    %dma_wait3A_259 = arith.constant 0 : i32
    %dma_wait3A_260 = tpu.memref_slice %arg13[%dma_wait3A_255, %dma_wait3A_258, %dma_wait3A_259] : memref<4x80x64xf32, #tpu.memory_space<vmem>> -> memref<1x80x64xf32, #tpu.memory_space<vmem>>
    %dma_wait3A_261 = tpu.memref_squeeze %dma_wait3A_260 : memref<1x80x64xf32, #tpu.memory_space<vmem>> -> memref<80x64xf32, #tpu.memory_space<vmem>>
    %dma_wait3A_262 = arith.constant 0 : i32
    %dma_wait3A_263 = tpu.memref_slice %arg12[%dma_wait3A_256, %dma_wait3A_262] : memref<8x80xi32, #tpu.memory_space<vmem>> -> memref<1x80xi32, #tpu.memory_space<vmem>>
    %dma_wait3A_264 = tpu.memref_squeeze %dma_wait3A_263 : memref<1x80xi32, #tpu.memory_space<vmem>> -> memref<80xi32, #tpu.memory_space<vmem>>
    %dma_wait3A_265 = arith.constant 0 : i32
    %dma_wait3A_266 = arith.constant 0 : i32
    %dma_wait3A_267 = tpu.memref_slice %arg19[%dma_wait3A_265, %dma_wait3A_266] : memref<10000x64xf32, #tpu.memory_space<vmem_shared>> -> memref<10000x64xf32, #tpu.memory_space<vmem_shared>>
    %dma_wait3A_268 = tpu.memref_slice %arg18[%dma_wait3A_257] : memref<4x!tpu.dma_semaphore, #tpu.memory_space<semaphore_mem>> -> memref<1x!tpu.dma_semaphore, #tpu.memory_space<semaphore_mem>>
    %dma_wait3A_269 = tpu.memref_squeeze %dma_wait3A_268 : memref<1x!tpu.dma_semaphore, #tpu.memory_space<semaphore_mem>> -> memref<!tpu.dma_semaphore, #tpu.memory_space<semaphore_mem>>
    tpu.wait_indirect_dma semaphore(%dma_wait3A_269 : memref<!tpu.dma_semaphore, #tpu.memory_space<semaphore_mem>>) src(%dma_wait3A_261 : memref<80x64xf32, #tpu.memory_space<vmem>>) dst(%dma_wait3A_267 : memref<10000x64xf32, #tpu.memory_space<vmem_shared>>)
    %dma_wait3A_270 = arith.constant 2 : i32
    %dma_wait3A_271 = arith.constant 2 : i32
    %dma_wait3A_272 = arith.constant 2 : i32
    %dma_wait3A_273 = arith.constant 0 : i32
    %dma_wait3A_274 = arith.constant 0 : i32
    %dma_wait3A_275 = tpu.memref_slice %arg13[%dma_wait3A_270, %dma_wait3A_273, %dma_wait3A_274] : memref<4x80x64xf32, #tpu.memory_space<vmem>> -> memref<1x80x64xf32, #tpu.memory_space<vmem>>
    %dma_wait3A_276 = tpu.memref_squeeze %dma_wait3A_275 : memref<1x80x64xf32, #tpu.memory_space<vmem>> -> memref<80x64xf32, #tpu.memory_space<vmem>>
    %dma_wait3A_277 = arith.constant 0 : i32
    %dma_wait3A_278 = tpu.memref_slice %arg12[%dma_wait3A_271, %dma_wait3A_277] : memref<8x80xi32, #tpu.memory_space<vmem>> -> memref<1x80xi32, #tpu.memory_space<vmem>>
    %dma_wait3A_279 = tpu.memref_squeeze %dma_wait3A_278 : memref<1x80xi32, #tpu.memory_space<vmem>> -> memref<80xi32, #tpu.memory_space<vmem>>
    %dma_wait3A_280 = arith.constant 0 : i32
    %dma_wait3A_281 = arith.constant 0 : i32
    %dma_wait3A_282 = tpu.memref_slice %arg19[%dma_wait3A_280, %dma_wait3A_281] : memref<10000x64xf32, #tpu.memory_space<vmem_shared>> -> memref<10000x64xf32, #tpu.memory_space<vmem_shared>>
    %dma_wait3A_283 = tpu.memref_slice %arg18[%dma_wait3A_272] : memref<4x!tpu.dma_semaphore, #tpu.memory_space<semaphore_mem>> -> memref<1x!tpu.dma_semaphore, #tpu.memory_space<semaphore_mem>>
    %dma_wait3A_284 = tpu.memref_squeeze %dma_wait3A_283 : memref<1x!tpu.dma_semaphore, #tpu.memory_space<semaphore_mem>> -> memref<!tpu.dma_semaphore, #tpu.memory_space<semaphore_mem>>
    tpu.wait_indirect_dma semaphore(%dma_wait3A_284 : memref<!tpu.dma_semaphore, #tpu.memory_space<semaphore_mem>>) src(%dma_wait3A_276 : memref<80x64xf32, #tpu.memory_space<vmem>>) dst(%dma_wait3A_282 : memref<10000x64xf32, #tpu.memory_space<vmem_shared>>)
    %dma_wait3A_285 = arith.constant 3 : i32
    %dma_wait3A_286 = arith.constant 3 : i32
    %dma_wait3A_287 = arith.constant 3 : i32
    %dma_wait3A_288 = arith.constant 0 : i32
    %dma_wait3A_289 = arith.constant 0 : i32
    %dma_wait3A_290 = tpu.memref_slice %arg13[%dma_wait3A_285, %dma_wait3A_288, %dma_wait3A_289] : memref<4x80x64xf32, #tpu.memory_space<vmem>> -> memref<1x80x64xf32, #tpu.memory_space<vmem>>
    %dma_wait3A_291 = tpu.memref_squeeze %dma_wait3A_290 : memref<1x80x64xf32, #tpu.memory_space<vmem>> -> memref<80x64xf32, #tpu.memory_space<vmem>>
    %dma_wait3A_292 = arith.constant 0 : i32
    %dma_wait3A_293 = tpu.memref_slice %arg12[%dma_wait3A_286, %dma_wait3A_292] : memref<8x80xi32, #tpu.memory_space<vmem>> -> memref<1x80xi32, #tpu.memory_space<vmem>>
    %dma_wait3A_294 = tpu.memref_squeeze %dma_wait3A_293 : memref<1x80xi32, #tpu.memory_space<vmem>> -> memref<80xi32, #tpu.memory_space<vmem>>
    %dma_wait3A_295 = arith.constant 0 : i32
    %dma_wait3A_296 = arith.constant 0 : i32
    %dma_wait3A_297 = tpu.memref_slice %arg19[%dma_wait3A_295, %dma_wait3A_296] : memref<10000x64xf32, #tpu.memory_space<vmem_shared>> -> memref<10000x64xf32, #tpu.memory_space<vmem_shared>>
    %dma_wait3A_298 = tpu.memref_slice %arg18[%dma_wait3A_287] : memref<4x!tpu.dma_semaphore, #tpu.memory_space<semaphore_mem>> -> memref<1x!tpu.dma_semaphore, #tpu.memory_space<semaphore_mem>>
    %dma_wait3A_299 = tpu.memref_squeeze %dma_wait3A_298 : memref<1x!tpu.dma_semaphore, #tpu.memory_space<semaphore_mem>> -> memref<!tpu.dma_semaphore, #tpu.memory_space<semaphore_mem>>
    tpu.wait_indirect_dma semaphore(%dma_wait3A_299 : memref<!tpu.dma_semaphore, #tpu.memory_space<semaphore_mem>>) src(%dma_wait3A_291 : memref<80x64xf32, #tpu.memory_space<vmem>>) dst(%dma_wait3A_297 : memref<10000x64xf32, #tpu.memory_space<vmem_shared>>)
    %dma_wait3A_300 = arith.constant 0 : i32
    %dma_wait3A_301 = arith.constant 4 : i32
    %dma_wait3A_302 = arith.constant 0 : i32
    %dma_wait3A_303 = arith.constant 0 : i32
    %dma_wait3A_304 = arith.constant 0 : i32
    %dma_wait3A_305 = tpu.memref_slice %arg13[%dma_wait3A_300, %dma_wait3A_303, %dma_wait3A_304] : memref<4x80x64xf32, #tpu.memory_space<vmem>> -> memref<1x80x64xf32, #tpu.memory_space<vmem>>
    %dma_wait3A_306 = tpu.memref_squeeze %dma_wait3A_305 : memref<1x80x64xf32, #tpu.memory_space<vmem>> -> memref<80x64xf32, #tpu.memory_space<vmem>>
    %dma_wait3A_307 = arith.constant 0 : i32
    %dma_wait3A_308 = tpu.memref_slice %arg12[%dma_wait3A_301, %dma_wait3A_307] : memref<8x80xi32, #tpu.memory_space<vmem>> -> memref<1x80xi32, #tpu.memory_space<vmem>>
    %dma_wait3A_309 = tpu.memref_squeeze %dma_wait3A_308 : memref<1x80xi32, #tpu.memory_space<vmem>> -> memref<80xi32, #tpu.memory_space<vmem>>
    %dma_wait3A_310 = arith.constant 0 : i32
    %dma_wait3A_311 = arith.constant 0 : i32
    %dma_wait3A_312 = tpu.memref_slice %arg19[%dma_wait3A_310, %dma_wait3A_311] : memref<10000x64xf32, #tpu.memory_space<vmem_shared>> -> memref<10000x64xf32, #tpu.memory_space<vmem_shared>>
    %dma_wait3A_313 = tpu.memref_slice %arg18[%dma_wait3A_302] : memref<4x!tpu.dma_semaphore, #tpu.memory_space<semaphore_mem>> -> memref<1x!tpu.dma_semaphore, #tpu.memory_space<semaphore_mem>>
    %dma_wait3A_314 = tpu.memref_squeeze %dma_wait3A_313 : memref<1x!tpu.dma_semaphore, #tpu.memory_space<semaphore_mem>> -> memref<!tpu.dma_semaphore, #tpu.memory_space<semaphore_mem>>
    tpu.wait_indirect_dma semaphore(%dma_wait3A_314 : memref<!tpu.dma_semaphore, #tpu.memory_space<semaphore_mem>>) src(%dma_wait3A_306 : memref<80x64xf32, #tpu.memory_space<vmem>>) dst(%dma_wait3A_312 : memref<10000x64xf32, #tpu.memory_space<vmem_shared>>)
    %barrier3A_315 = arith.constant 0 : index
    tpu.barrier barrier_id(%barrier3A_315)
    %run_scoped3A = arith.constant 0 : i32
    "tpu.region"() ({
      %run_scoped3A_633 = tpu.sem_alloc : memref<!tpu.dma_semaphore, #tpu.memory_space<semaphore_mem>>
      %dma_start3A_634 = arith.constant 0 : i32
      %dma_start3A_635 = tpu.memref_slice %arg9[%run_scoped3A, %arg0, %min3A_5, %dma_start3A_634] : memref<2x2x10000x64xf32, #tpu.memory_space<hbm>> -> memref<1x1x640x64xf32, #tpu.memory_space<hbm>>
      %dma_start3A_636 = tpu.memref_squeeze %dma_start3A_635 : memref<1x1x640x64xf32, #tpu.memory_space<hbm>> -> memref<640x64xf32, #tpu.memory_space<hbm>>
      %dma_start3A_637 = arith.constant 0 : i32
      %dma_start3A_638 = tpu.memref_slice %arg19[%min3A_5, %dma_start3A_637] : memref<10000x64xf32, #tpu.memory_space<vmem_shared>> -> memref<640x64xf32, #tpu.memory_space<vmem_shared>>
      tpu.enqueue_dma source(%dma_start3A_638 : memref<640x64xf32, #tpu.memory_space<vmem_shared>>) target(%dma_start3A_636 : memref<640x64xf32, #tpu.memory_space<hbm>>) target_semaphore(%run_scoped3A_633 : memref<!tpu.dma_semaphore, #tpu.memory_space<semaphore_mem>>)
      %dma_wait3A_639 = arith.constant 0 : i32
      %dma_wait3A_640 = tpu.memref_slice %arg9[%run_scoped3A, %arg0, %min3A_5, %dma_wait3A_639] : memref<2x2x10000x64xf32, #tpu.memory_space<hbm>> -> memref<1x1x640x64xf32, #tpu.memory_space<hbm>>
      %dma_wait3A_641 = tpu.memref_squeeze %dma_wait3A_640 : memref<1x1x640x64xf32, #tpu.memory_space<hbm>> -> memref<640x64xf32, #tpu.memory_space<hbm>>
      %dma_wait3A_642 = arith.constant 0 : i32
      %dma_wait3A_643 = tpu.memref_slice %arg19[%min3A_5, %dma_wait3A_642] : memref<10000x64xf32, #tpu.memory_space<vmem_shared>> -> memref<640x64xf32, #tpu.memory_space<vmem_shared>>
      tpu.wait_dma2 semaphore(%run_scoped3A_633 : memref<!tpu.dma_semaphore, #tpu.memory_space<semaphore_mem>>) src(%dma_wait3A_643 : memref<640x64xf32, #tpu.memory_space<vmem_shared>>) dst(%dma_wait3A_641 : memref<640x64xf32, #tpu.memory_space<hbm>>)
      tpu.yield
    }) : () -> ()
    %barrier3A_316 = arith.constant 0 : index
    tpu.barrier barrier_id(%barrier3A_316)
    "tpu.region"() ({
      %run_scoped3A_633 = tpu.sem_alloc : memref<!tpu.dma_semaphore, #tpu.memory_space<semaphore_mem>>
      %dma_start3A_634 = arith.constant 0 : i32
      %dma_start3A_635 = tpu.memref_slice %arg19[%min3A_5, %dma_start3A_634] : memref<10000x64xf32, #tpu.memory_space<vmem_shared>> -> memref<640x64xf32, #tpu.memory_space<vmem_shared>>
      %dma_start3A_636 = arith.constant 0 : i32
      %dma_start3A_637 = tpu.memref_slice %arg8[%min3A_5, %dma_start3A_636] : memref<10000x64xf32, #tpu.memory_space<hbm>> -> memref<640x64xf32, #tpu.memory_space<hbm>>
      tpu.enqueue_dma source(%dma_start3A_637 : memref<640x64xf32, #tpu.memory_space<hbm>>) target(%dma_start3A_635 : memref<640x64xf32, #tpu.memory_space<vmem_shared>>) target_semaphore(%run_scoped3A_633 : memref<!tpu.dma_semaphore, #tpu.memory_space<semaphore_mem>>)
      %dma_wait3A_638 = arith.constant 0 : i32
      %dma_wait3A_639 = tpu.memref_slice %arg19[%min3A_5, %dma_wait3A_638] : memref<10000x64xf32, #tpu.memory_space<vmem_shared>> -> memref<640x64xf32, #tpu.memory_space<vmem_shared>>
      %dma_wait3A_640 = arith.constant 0 : i32
      %dma_wait3A_641 = tpu.memref_slice %arg8[%min3A_5, %dma_wait3A_640] : memref<10000x64xf32, #tpu.memory_space<hbm>> -> memref<640x64xf32, #tpu.memory_space<hbm>>
      tpu.wait_dma2 semaphore(%run_scoped3A_633 : memref<!tpu.dma_semaphore, #tpu.memory_space<semaphore_mem>>) src(%dma_wait3A_641 : memref<640x64xf32, #tpu.memory_space<hbm>>) dst(%dma_wait3A_639 : memref<640x64xf32, #tpu.memory_space<vmem_shared>>)
      tpu.yield
    }) : () -> ()
    %barrier3A_317 = arith.constant 0 : index
    tpu.barrier barrier_id(%barrier3A_317)
    %add3A_318 = arith.constant 0 : i32
    %add3A_319 = arith.addi %mul3A_2, %add3A_318 : i32
    %dma_start3A_320 = arith.constant 0 : i32
    %dma_start3A_321 = arith.constant 0 : i32
    %dma_start3A_322 = arith.constant 0 : i32
    %dma_start3A_323 = tpu.memref_slice %arg10[%dma_start3A_320, %dma_start3A_322] : memref<8x80xi32, #tpu.memory_space<vmem>> -> memref<1x80xi32, #tpu.memory_space<vmem>>
    %dma_start3A_324 = tpu.memref_squeeze %dma_start3A_323 : memref<1x80xi32, #tpu.memory_space<vmem>> -> memref<80xi32, #tpu.memory_space<vmem>>
    %dma_start3A_325 = tpu.memref_slice %arg5[%add3A_319] : memref<320000xi32, #tpu.memory_space<hbm>> -> memref<80xi32, #tpu.memory_space<hbm>>
    %dma_start3A_326 = tpu.memref_slice %arg15[%dma_start3A_321] : memref<8x!tpu.dma_semaphore, #tpu.memory_space<semaphore_mem>> -> memref<1x!tpu.dma_semaphore, #tpu.memory_space<semaphore_mem>>
    %dma_start3A_327 = tpu.memref_squeeze %dma_start3A_326 : memref<1x!tpu.dma_semaphore, #tpu.memory_space<semaphore_mem>> -> memref<!tpu.dma_semaphore, #tpu.memory_space<semaphore_mem>>
    %dma_start3A_328 = arith.constant 0 : i32
    %dma_start3A_329 = tpu.memref_slice %arg10[%dma_start3A_320, %dma_start3A_328] : memref<8x80xi32, #tpu.memory_space<vmem>> -> memref<1x80xi32, #tpu.memory_space<vmem>>
    %dma_start3A_330 = tpu.memref_squeeze %dma_start3A_329 : memref<1x80xi32, #tpu.memory_space<vmem>> -> memref<80xi32, #tpu.memory_space<vmem>>
    %dma_start3A_331 = tpu.memref_slice %arg5[%add3A_319] : memref<320000xi32, #tpu.memory_space<hbm>> -> memref<80xi32, #tpu.memory_space<hbm>>
    tpu.enqueue_dma source(%dma_start3A_331 : memref<80xi32, #tpu.memory_space<hbm>>) target(%dma_start3A_330 : memref<80xi32, #tpu.memory_space<vmem>>) target_semaphore(%dma_start3A_327 : memref<!tpu.dma_semaphore, #tpu.memory_space<semaphore_mem>>)
    %dma_start3A_332 = arith.constant 0 : i32
    %dma_start3A_333 = arith.constant 0 : i32
    %dma_start3A_334 = arith.constant 0 : i32
    %dma_start3A_335 = tpu.memref_slice %arg11[%dma_start3A_332, %dma_start3A_334] : memref<8x80xi32, #tpu.memory_space<vmem>> -> memref<1x80xi32, #tpu.memory_space<vmem>>
    %dma_start3A_336 = tpu.memref_squeeze %dma_start3A_335 : memref<1x80xi32, #tpu.memory_space<vmem>> -> memref<80xi32, #tpu.memory_space<vmem>>
    %dma_start3A_337 = tpu.memref_slice %arg6[%add3A_319] : memref<320000xi32, #tpu.memory_space<hbm>> -> memref<80xi32, #tpu.memory_space<hbm>>
    %dma_start3A_338 = tpu.memref_slice %arg15[%dma_start3A_333] : memref<8x!tpu.dma_semaphore, #tpu.memory_space<semaphore_mem>> -> memref<1x!tpu.dma_semaphore, #tpu.memory_space<semaphore_mem>>
    %dma_start3A_339 = tpu.memref_squeeze %dma_start3A_338 : memref<1x!tpu.dma_semaphore, #tpu.memory_space<semaphore_mem>> -> memref<!tpu.dma_semaphore, #tpu.memory_space<semaphore_mem>>
    %dma_start3A_340 = arith.constant 0 : i32
    %dma_start3A_341 = tpu.memref_slice %arg11[%dma_start3A_332, %dma_start3A_340] : memref<8x80xi32, #tpu.memory_space<vmem>> -> memref<1x80xi32, #tpu.memory_space<vmem>>
    %dma_start3A_342 = tpu.memref_squeeze %dma_start3A_341 : memref<1x80xi32, #tpu.memory_space<vmem>> -> memref<80xi32, #tpu.memory_space<vmem>>
    %dma_start3A_343 = tpu.memref_slice %arg6[%add3A_319] : memref<320000xi32, #tpu.memory_space<hbm>> -> memref<80xi32, #tpu.memory_space<hbm>>
    tpu.enqueue_dma source(%dma_start3A_343 : memref<80xi32, #tpu.memory_space<hbm>>) target(%dma_start3A_342 : memref<80xi32, #tpu.memory_space<vmem>>) target_semaphore(%dma_start3A_339 : memref<!tpu.dma_semaphore, #tpu.memory_space<semaphore_mem>>)
    %dma_start3A_344 = arith.constant 0 : i32
    %dma_start3A_345 = arith.constant 0 : i32
    %dma_start3A_346 = arith.constant 0 : i32
    %dma_start3A_347 = tpu.memref_slice %arg12[%dma_start3A_344, %dma_start3A_346] : memref<8x80xi32, #tpu.memory_space<vmem>> -> memref<1x80xi32, #tpu.memory_space<vmem>>
    %dma_start3A_348 = tpu.memref_squeeze %dma_start3A_347 : memref<1x80xi32, #tpu.memory_space<vmem>> -> memref<80xi32, #tpu.memory_space<vmem>>
    %dma_start3A_349 = tpu.memref_slice %arg7[%add3A_319] : memref<320000xi32, #tpu.memory_space<hbm>> -> memref<80xi32, #tpu.memory_space<hbm>>
    %dma_start3A_350 = tpu.memref_slice %arg15[%dma_start3A_345] : memref<8x!tpu.dma_semaphore, #tpu.memory_space<semaphore_mem>> -> memref<1x!tpu.dma_semaphore, #tpu.memory_space<semaphore_mem>>
    %dma_start3A_351 = tpu.memref_squeeze %dma_start3A_350 : memref<1x!tpu.dma_semaphore, #tpu.memory_space<semaphore_mem>> -> memref<!tpu.dma_semaphore, #tpu.memory_space<semaphore_mem>>
    %dma_start3A_352 = arith.constant 0 : i32
    %dma_start3A_353 = tpu.memref_slice %arg12[%dma_start3A_344, %dma_start3A_352] : memref<8x80xi32, #tpu.memory_space<vmem>> -> memref<1x80xi32, #tpu.memory_space<vmem>>
    %dma_start3A_354 = tpu.memref_squeeze %dma_start3A_353 : memref<1x80xi32, #tpu.memory_space<vmem>> -> memref<80xi32, #tpu.memory_space<vmem>>
    %dma_start3A_355 = tpu.memref_slice %arg7[%add3A_319] : memref<320000xi32, #tpu.memory_space<hbm>> -> memref<80xi32, #tpu.memory_space<hbm>>
    tpu.enqueue_dma source(%dma_start3A_355 : memref<80xi32, #tpu.memory_space<hbm>>) target(%dma_start3A_354 : memref<80xi32, #tpu.memory_space<vmem>>) target_semaphore(%dma_start3A_351 : memref<!tpu.dma_semaphore, #tpu.memory_space<semaphore_mem>>)
    %add3A_356 = arith.constant 80 : i32
    %add3A_357 = arith.addi %mul3A_2, %add3A_356 : i32
    %dma_start3A_358 = arith.constant 1 : i32
    %dma_start3A_359 = arith.constant 1 : i32
    %dma_start3A_360 = arith.constant 0 : i32
    %dma_start3A_361 = tpu.memref_slice %arg10[%dma_start3A_358, %dma_start3A_360] : memref<8x80xi32, #tpu.memory_space<vmem>> -> memref<1x80xi32, #tpu.memory_space<vmem>>
    %dma_start3A_362 = tpu.memref_squeeze %dma_start3A_361 : memref<1x80xi32, #tpu.memory_space<vmem>> -> memref<80xi32, #tpu.memory_space<vmem>>
    %dma_start3A_363 = tpu.memref_slice %arg5[%add3A_357] : memref<320000xi32, #tpu.memory_space<hbm>> -> memref<80xi32, #tpu.memory_space<hbm>>
    %dma_start3A_364 = tpu.memref_slice %arg15[%dma_start3A_359] : memref<8x!tpu.dma_semaphore, #tpu.memory_space<semaphore_mem>> -> memref<1x!tpu.dma_semaphore, #tpu.memory_space<semaphore_mem>>
    %dma_start3A_365 = tpu.memref_squeeze %dma_start3A_364 : memref<1x!tpu.dma_semaphore, #tpu.memory_space<semaphore_mem>> -> memref<!tpu.dma_semaphore, #tpu.memory_space<semaphore_mem>>
    %dma_start3A_366 = arith.constant 0 : i32
    %dma_start3A_367 = tpu.memref_slice %arg10[%dma_start3A_358, %dma_start3A_366] : memref<8x80xi32, #tpu.memory_space<vmem>> -> memref<1x80xi32, #tpu.memory_space<vmem>>
    %dma_start3A_368 = tpu.memref_squeeze %dma_start3A_367 : memref<1x80xi32, #tpu.memory_space<vmem>> -> memref<80xi32, #tpu.memory_space<vmem>>
    %dma_start3A_369 = tpu.memref_slice %arg5[%add3A_357] : memref<320000xi32, #tpu.memory_space<hbm>> -> memref<80xi32, #tpu.memory_space<hbm>>
    tpu.enqueue_dma source(%dma_start3A_369 : memref<80xi32, #tpu.memory_space<hbm>>) target(%dma_start3A_368 : memref<80xi32, #tpu.memory_space<vmem>>) target_semaphore(%dma_start3A_365 : memref<!tpu.dma_semaphore, #tpu.memory_space<semaphore_mem>>)
    %dma_start3A_370 = arith.constant 1 : i32
    %dma_start3A_371 = arith.constant 1 : i32
    %dma_start3A_372 = arith.constant 0 : i32
    %dma_start3A_373 = tpu.memref_slice %arg11[%dma_start3A_370, %dma_start3A_372] : memref<8x80xi32, #tpu.memory_space<vmem>> -> memref<1x80xi32, #tpu.memory_space<vmem>>
    %dma_start3A_374 = tpu.memref_squeeze %dma_start3A_373 : memref<1x80xi32, #tpu.memory_space<vmem>> -> memref<80xi32, #tpu.memory_space<vmem>>
    %dma_start3A_375 = tpu.memref_slice %arg6[%add3A_357] : memref<320000xi32, #tpu.memory_space<hbm>> -> memref<80xi32, #tpu.memory_space<hbm>>
    %dma_start3A_376 = tpu.memref_slice %arg15[%dma_start3A_371] : memref<8x!tpu.dma_semaphore, #tpu.memory_space<semaphore_mem>> -> memref<1x!tpu.dma_semaphore, #tpu.memory_space<semaphore_mem>>
    %dma_start3A_377 = tpu.memref_squeeze %dma_start3A_376 : memref<1x!tpu.dma_semaphore, #tpu.memory_space<semaphore_mem>> -> memref<!tpu.dma_semaphore, #tpu.memory_space<semaphore_mem>>
    %dma_start3A_378 = arith.constant 0 : i32
    %dma_start3A_379 = tpu.memref_slice %arg11[%dma_start3A_370, %dma_start3A_378] : memref<8x80xi32, #tpu.memory_space<vmem>> -> memref<1x80xi32, #tpu.memory_space<vmem>>
    %dma_start3A_380 = tpu.memref_squeeze %dma_start3A_379 : memref<1x80xi32, #tpu.memory_space<vmem>> -> memref<80xi32, #tpu.memory_space<vmem>>
    %dma_start3A_381 = tpu.memref_slice %arg6[%add3A_357] : memref<320000xi32, #tpu.memory_space<hbm>> -> memref<80xi32, #tpu.memory_space<hbm>>
    tpu.enqueue_dma source(%dma_start3A_381 : memref<80xi32, #tpu.memory_space<hbm>>) target(%dma_start3A_380 : memref<80xi32, #tpu.memory_space<vmem>>) target_semaphore(%dma_start3A_377 : memref<!tpu.dma_semaphore, #tpu.memory_space<semaphore_mem>>)
    %dma_start3A_382 = arith.constant 1 : i32
    %dma_start3A_383 = arith.constant 1 : i32
    %dma_start3A_384 = arith.constant 0 : i32
    %dma_start3A_385 = tpu.memref_slice %arg12[%dma_start3A_382, %dma_start3A_384] : memref<8x80xi32, #tpu.memory_space<vmem>> -> memref<1x80xi32, #tpu.memory_space<vmem>>
    %dma_start3A_386 = tpu.memref_squeeze %dma_start3A_385 : memref<1x80xi32, #tpu.memory_space<vmem>> -> memref<80xi32, #tpu.memory_space<vmem>>
    %dma_start3A_387 = tpu.memref_slice %arg7[%add3A_357] : memref<320000xi32, #tpu.memory_space<hbm>> -> memref<80xi32, #tpu.memory_space<hbm>>
    %dma_start3A_388 = tpu.memref_slice %arg15[%dma_start3A_383] : memref<8x!tpu.dma_semaphore, #tpu.memory_space<semaphore_mem>> -> memref<1x!tpu.dma_semaphore, #tpu.memory_space<semaphore_mem>>
    %dma_start3A_389 = tpu.memref_squeeze %dma_start3A_388 : memref<1x!tpu.dma_semaphore, #tpu.memory_space<semaphore_mem>> -> memref<!tpu.dma_semaphore, #tpu.memory_space<semaphore_mem>>
    %dma_start3A_390 = arith.constant 0 : i32
    %dma_start3A_391 = tpu.memref_slice %arg12[%dma_start3A_382, %dma_start3A_390] : memref<8x80xi32, #tpu.memory_space<vmem>> -> memref<1x80xi32, #tpu.memory_space<vmem>>
    %dma_start3A_392 = tpu.memref_squeeze %dma_start3A_391 : memref<1x80xi32, #tpu.memory_space<vmem>> -> memref<80xi32, #tpu.memory_space<vmem>>
    %dma_start3A_393 = tpu.memref_slice %arg7[%add3A_357] : memref<320000xi32, #tpu.memory_space<hbm>> -> memref<80xi32, #tpu.memory_space<hbm>>
    tpu.enqueue_dma source(%dma_start3A_393 : memref<80xi32, #tpu.memory_space<hbm>>) target(%dma_start3A_392 : memref<80xi32, #tpu.memory_space<vmem>>) target_semaphore(%dma_start3A_389 : memref<!tpu.dma_semaphore, #tpu.memory_space<semaphore_mem>>)
    %add3A_394 = arith.constant 160 : i32
    %add3A_395 = arith.addi %mul3A_2, %add3A_394 : i32
    %dma_start3A_396 = arith.constant 2 : i32
    %dma_start3A_397 = arith.constant 2 : i32
    %dma_start3A_398 = arith.constant 0 : i32
    %dma_start3A_399 = tpu.memref_slice %arg10[%dma_start3A_396, %dma_start3A_398] : memref<8x80xi32, #tpu.memory_space<vmem>> -> memref<1x80xi32, #tpu.memory_space<vmem>>
    %dma_start3A_400 = tpu.memref_squeeze %dma_start3A_399 : memref<1x80xi32, #tpu.memory_space<vmem>> -> memref<80xi32, #tpu.memory_space<vmem>>
    %dma_start3A_401 = tpu.memref_slice %arg5[%add3A_395] : memref<320000xi32, #tpu.memory_space<hbm>> -> memref<80xi32, #tpu.memory_space<hbm>>
    %dma_start3A_402 = tpu.memref_slice %arg15[%dma_start3A_397] : memref<8x!tpu.dma_semaphore, #tpu.memory_space<semaphore_mem>> -> memref<1x!tpu.dma_semaphore, #tpu.memory_space<semaphore_mem>>
    %dma_start3A_403 = tpu.memref_squeeze %dma_start3A_402 : memref<1x!tpu.dma_semaphore, #tpu.memory_space<semaphore_mem>> -> memref<!tpu.dma_semaphore, #tpu.memory_space<semaphore_mem>>
    %dma_start3A_404 = arith.constant 0 : i32
    %dma_start3A_405 = tpu.memref_slice %arg10[%dma_start3A_396, %dma_start3A_404] : memref<8x80xi32, #tpu.memory_space<vmem>> -> memref<1x80xi32, #tpu.memory_space<vmem>>
    %dma_start3A_406 = tpu.memref_squeeze %dma_start3A_405 : memref<1x80xi32, #tpu.memory_space<vmem>> -> memref<80xi32, #tpu.memory_space<vmem>>
    %dma_start3A_407 = tpu.memref_slice %arg5[%add3A_395] : memref<320000xi32, #tpu.memory_space<hbm>> -> memref<80xi32, #tpu.memory_space<hbm>>
    tpu.enqueue_dma source(%dma_start3A_407 : memref<80xi32, #tpu.memory_space<hbm>>) target(%dma_start3A_406 : memref<80xi32, #tpu.memory_space<vmem>>) target_semaphore(%dma_start3A_403 : memref<!tpu.dma_semaphore, #tpu.memory_space<semaphore_mem>>)
    %dma_start3A_408 = arith.constant 2 : i32
    %dma_start3A_409 = arith.constant 2 : i32
    %dma_start3A_410 = arith.constant 0 : i32
    %dma_start3A_411 = tpu.memref_slice %arg11[%dma_start3A_408, %dma_start3A_410] : memref<8x80xi32, #tpu.memory_space<vmem>> -> memref<1x80xi32, #tpu.memory_space<vmem>>
    %dma_start3A_412 = tpu.memref_squeeze %dma_start3A_411 : memref<1x80xi32, #tpu.memory_space<vmem>> -> memref<80xi32, #tpu.memory_space<vmem>>
    %dma_start3A_413 = tpu.memref_slice %arg6[%add3A_395] : memref<320000xi32, #tpu.memory_space<hbm>> -> memref<80xi32, #tpu.memory_space<hbm>>
    %dma_start3A_414 = tpu.memref_slice %arg15[%dma_start3A_409] : memref<8x!tpu.dma_semaphore, #tpu.memory_space<semaphore_mem>> -> memref<1x!tpu.dma_semaphore, #tpu.memory_space<semaphore_mem>>
    %dma_start3A_415 = tpu.memref_squeeze %dma_start3A_414 : memref<1x!tpu.dma_semaphore, #tpu.memory_space<semaphore_mem>> -> memref<!tpu.dma_semaphore, #tpu.memory_space<semaphore_mem>>
    %dma_start3A_416 = arith.constant 0 : i32
    %dma_start3A_417 = tpu.memref_slice %arg11[%dma_start3A_408, %dma_start3A_416] : memref<8x80xi32, #tpu.memory_space<vmem>> -> memref<1x80xi32, #tpu.memory_space<vmem>>
    %dma_start3A_418 = tpu.memref_squeeze %dma_start3A_417 : memref<1x80xi32, #tpu.memory_space<vmem>> -> memref<80xi32, #tpu.memory_space<vmem>>
    %dma_start3A_419 = tpu.memref_slice %arg6[%add3A_395] : memref<320000xi32, #tpu.memory_space<hbm>> -> memref<80xi32, #tpu.memory_space<hbm>>
    tpu.enqueue_dma source(%dma_start3A_419 : memref<80xi32, #tpu.memory_space<hbm>>) target(%dma_start3A_418 : memref<80xi32, #tpu.memory_space<vmem>>) target_semaphore(%dma_start3A_415 : memref<!tpu.dma_semaphore, #tpu.memory_space<semaphore_mem>>)
    %dma_start3A_420 = arith.constant 2 : i32
    %dma_start3A_421 = arith.constant 2 : i32
    %dma_start3A_422 = arith.constant 0 : i32
    %dma_start3A_423 = tpu.memref_slice %arg12[%dma_start3A_420, %dma_start3A_422] : memref<8x80xi32, #tpu.memory_space<vmem>> -> memref<1x80xi32, #tpu.memory_space<vmem>>
    %dma_start3A_424 = tpu.memref_squeeze %dma_start3A_423 : memref<1x80xi32, #tpu.memory_space<vmem>> -> memref<80xi32, #tpu.memory_space<vmem>>
    %dma_start3A_425 = tpu.memref_slice %arg7[%add3A_395] : memref<320000xi32, #tpu.memory_space<hbm>> -> memref<80xi32, #tpu.memory_space<hbm>>
    %dma_start3A_426 = tpu.memref_slice %arg15[%dma_start3A_421] : memref<8x!tpu.dma_semaphore, #tpu.memory_space<semaphore_mem>> -> memref<1x!tpu.dma_semaphore, #tpu.memory_space<semaphore_mem>>
    %dma_start3A_427 = tpu.memref_squeeze %dma_start3A_426 : memref<1x!tpu.dma_semaphore, #tpu.memory_space<semaphore_mem>> -> memref<!tpu.dma_semaphore, #tpu.memory_space<semaphore_mem>>
    %dma_start3A_428 = arith.constant 0 : i32
    %dma_start3A_429 = tpu.memref_slice %arg12[%dma_start3A_420, %dma_start3A_428] : memref<8x80xi32, #tpu.memory_space<vmem>> -> memref<1x80xi32, #tpu.memory_space<vmem>>
    %dma_start3A_430 = tpu.memref_squeeze %dma_start3A_429 : memref<1x80xi32, #tpu.memory_space<vmem>> -> memref<80xi32, #tpu.memory_space<vmem>>
    %dma_start3A_431 = tpu.memref_slice %arg7[%add3A_395] : memref<320000xi32, #tpu.memory_space<hbm>> -> memref<80xi32, #tpu.memory_space<hbm>>
    tpu.enqueue_dma source(%dma_start3A_431 : memref<80xi32, #tpu.memory_space<hbm>>) target(%dma_start3A_430 : memref<80xi32, #tpu.memory_space<vmem>>) target_semaphore(%dma_start3A_427 : memref<!tpu.dma_semaphore, #tpu.memory_space<semaphore_mem>>)
    %dma_wait3A_432 = arith.constant 0 : i32
    %dma_wait3A_433 = arith.constant 0 : i32
    %dma_wait3A_434 = arith.constant 0 : i32
    %dma_wait3A_435 = tpu.memref_slice %arg10[%dma_wait3A_432, %dma_wait3A_434] : memref<8x80xi32, #tpu.memory_space<vmem>> -> memref<1x80xi32, #tpu.memory_space<vmem>>
    %dma_wait3A_436 = tpu.memref_squeeze %dma_wait3A_435 : memref<1x80xi32, #tpu.memory_space<vmem>> -> memref<80xi32, #tpu.memory_space<vmem>>
    %dma_wait3A_437 = tpu.memref_slice %arg5[%mul3A_2] : memref<320000xi32, #tpu.memory_space<hbm>> -> memref<80xi32, #tpu.memory_space<hbm>>
    %dma_wait3A_438 = tpu.memref_slice %arg15[%dma_wait3A_433] : memref<8x!tpu.dma_semaphore, #tpu.memory_space<semaphore_mem>> -> memref<1x!tpu.dma_semaphore, #tpu.memory_space<semaphore_mem>>
    %dma_wait3A_439 = tpu.memref_squeeze %dma_wait3A_438 : memref<1x!tpu.dma_semaphore, #tpu.memory_space<semaphore_mem>> -> memref<!tpu.dma_semaphore, #tpu.memory_space<semaphore_mem>>
    %dma_wait3A_440 = arith.constant 0 : i32
    %dma_wait3A_441 = tpu.memref_slice %arg10[%dma_wait3A_432, %dma_wait3A_440] : memref<8x80xi32, #tpu.memory_space<vmem>> -> memref<1x80xi32, #tpu.memory_space<vmem>>
    %dma_wait3A_442 = tpu.memref_squeeze %dma_wait3A_441 : memref<1x80xi32, #tpu.memory_space<vmem>> -> memref<80xi32, #tpu.memory_space<vmem>>
    %dma_wait3A_443 = tpu.memref_slice %arg5[%mul3A_2] : memref<320000xi32, #tpu.memory_space<hbm>> -> memref<80xi32, #tpu.memory_space<hbm>>
    tpu.wait_dma2 semaphore(%dma_wait3A_439 : memref<!tpu.dma_semaphore, #tpu.memory_space<semaphore_mem>>) src(%dma_wait3A_443 : memref<80xi32, #tpu.memory_space<hbm>>) dst(%dma_wait3A_442 : memref<80xi32, #tpu.memory_space<vmem>>)
    %dma_wait3A_444 = arith.constant 0 : i32
    %dma_wait3A_445 = arith.constant 0 : i32
    %dma_wait3A_446 = arith.constant 0 : i32
    %dma_wait3A_447 = tpu.memref_slice %arg11[%dma_wait3A_444, %dma_wait3A_446] : memref<8x80xi32, #tpu.memory_space<vmem>> -> memref<1x80xi32, #tpu.memory_space<vmem>>
    %dma_wait3A_448 = tpu.memref_squeeze %dma_wait3A_447 : memref<1x80xi32, #tpu.memory_space<vmem>> -> memref<80xi32, #tpu.memory_space<vmem>>
    %dma_wait3A_449 = tpu.memref_slice %arg6[%mul3A_2] : memref<320000xi32, #tpu.memory_space<hbm>> -> memref<80xi32, #tpu.memory_space<hbm>>
    %dma_wait3A_450 = tpu.memref_slice %arg15[%dma_wait3A_445] : memref<8x!tpu.dma_semaphore, #tpu.memory_space<semaphore_mem>> -> memref<1x!tpu.dma_semaphore, #tpu.memory_space<semaphore_mem>>
    %dma_wait3A_451 = tpu.memref_squeeze %dma_wait3A_450 : memref<1x!tpu.dma_semaphore, #tpu.memory_space<semaphore_mem>> -> memref<!tpu.dma_semaphore, #tpu.memory_space<semaphore_mem>>
    %dma_wait3A_452 = arith.constant 0 : i32
    %dma_wait3A_453 = tpu.memref_slice %arg11[%dma_wait3A_444, %dma_wait3A_452] : memref<8x80xi32, #tpu.memory_space<vmem>> -> memref<1x80xi32, #tpu.memory_space<vmem>>
    %dma_wait3A_454 = tpu.memref_squeeze %dma_wait3A_453 : memref<1x80xi32, #tpu.memory_space<vmem>> -> memref<80xi32, #tpu.memory_space<vmem>>
    %dma_wait3A_455 = tpu.memref_slice %arg6[%mul3A_2] : memref<320000xi32, #tpu.memory_space<hbm>> -> memref<80xi32, #tpu.memory_space<hbm>>
    tpu.wait_dma2 semaphore(%dma_wait3A_451 : memref<!tpu.dma_semaphore, #tpu.memory_space<semaphore_mem>>) src(%dma_wait3A_455 : memref<80xi32, #tpu.memory_space<hbm>>) dst(%dma_wait3A_454 : memref<80xi32, #tpu.memory_space<vmem>>)
    %dma_wait3A_456 = arith.constant 0 : i32
    %dma_wait3A_457 = arith.constant 0 : i32
    %dma_wait3A_458 = arith.constant 0 : i32
    %dma_wait3A_459 = tpu.memref_slice %arg12[%dma_wait3A_456, %dma_wait3A_458] : memref<8x80xi32, #tpu.memory_space<vmem>> -> memref<1x80xi32, #tpu.memory_space<vmem>>
    %dma_wait3A_460 = tpu.memref_squeeze %dma_wait3A_459 : memref<1x80xi32, #tpu.memory_space<vmem>> -> memref<80xi32, #tpu.memory_space<vmem>>
    %dma_wait3A_461 = tpu.memref_slice %arg7[%mul3A_2] : memref<320000xi32, #tpu.memory_space<hbm>> -> memref<80xi32, #tpu.memory_space<hbm>>
    %dma_wait3A_462 = tpu.memref_slice %arg15[%dma_wait3A_457] : memref<8x!tpu.dma_semaphore, #tpu.memory_space<semaphore_mem>> -> memref<1x!tpu.dma_semaphore, #tpu.memory_space<semaphore_mem>>
    %dma_wait3A_463 = tpu.memref_squeeze %dma_wait3A_462 : memref<1x!tpu.dma_semaphore, #tpu.memory_space<semaphore_mem>> -> memref<!tpu.dma_semaphore, #tpu.memory_space<semaphore_mem>>
    %dma_wait3A_464 = arith.constant 0 : i32
    %dma_wait3A_465 = tpu.memref_slice %arg12[%dma_wait3A_456, %dma_wait3A_464] : memref<8x80xi32, #tpu.memory_space<vmem>> -> memref<1x80xi32, #tpu.memory_space<vmem>>
    %dma_wait3A_466 = tpu.memref_squeeze %dma_wait3A_465 : memref<1x80xi32, #tpu.memory_space<vmem>> -> memref<80xi32, #tpu.memory_space<vmem>>
    %dma_wait3A_467 = tpu.memref_slice %arg7[%mul3A_2] : memref<320000xi32, #tpu.memory_space<hbm>> -> memref<80xi32, #tpu.memory_space<hbm>>
    tpu.wait_dma2 semaphore(%dma_wait3A_463 : memref<!tpu.dma_semaphore, #tpu.memory_space<semaphore_mem>>) src(%dma_wait3A_467 : memref<80xi32, #tpu.memory_space<hbm>>) dst(%dma_wait3A_466 : memref<80xi32, #tpu.memory_space<vmem>>)
    %dma_start3A_468 = arith.constant 0 : i32
    %dma_start3A_469 = arith.constant 0 : i32
    %dma_start3A_470 = arith.constant 0 : i32
    %dma_start3A_471 = arith.constant 0 : i32
    %dma_start3A_472 = arith.constant 0 : i32
    %dma_start3A_473 = tpu.memref_slice %arg13[%dma_start3A_469, %dma_start3A_471, %dma_start3A_472] : memref<4x80x64xf32, #tpu.memory_space<vmem>> -> memref<1x80x64xf32, #tpu.memory_space<vmem>>
    %dma_start3A_474 = tpu.memref_squeeze %dma_start3A_473 : memref<1x80x64xf32, #tpu.memory_space<vmem>> -> memref<80x64xf32, #tpu.memory_space<vmem>>
    %dma_start3A_475 = arith.constant 0 : i32
    %dma_start3A_476 = tpu.memref_slice %arg10[%dma_start3A_468, %dma_start3A_475] : memref<8x80xi32, #tpu.memory_space<vmem>> -> memref<1x80xi32, #tpu.memory_space<vmem>>
    %dma_start3A_477 = tpu.memref_squeeze %dma_start3A_476 : memref<1x80xi32, #tpu.memory_space<vmem>> -> memref<80xi32, #tpu.memory_space<vmem>>
    %dma_start3A_478 = arith.constant 0 : i32
    %dma_start3A_479 = arith.constant 0 : i32
    %dma_start3A_480 = tpu.memref_slice %arg3[%dma_start3A_478, %dma_start3A_479] : memref<40000x64xf32, #tpu.memory_space<hbm>> -> memref<40000x64xf32, #tpu.memory_space<hbm>>
    %dma_start3A_481 = tpu.memref_slice %arg16[%dma_start3A_470] : memref<4x!tpu.dma_semaphore, #tpu.memory_space<semaphore_mem>> -> memref<1x!tpu.dma_semaphore, #tpu.memory_space<semaphore_mem>>
    %dma_start3A_482 = tpu.memref_squeeze %dma_start3A_481 : memref<1x!tpu.dma_semaphore, #tpu.memory_space<semaphore_mem>> -> memref<!tpu.dma_semaphore, #tpu.memory_space<semaphore_mem>>
    tpu.enqueue_indirect_dma source(%dma_start3A_480 : memref<40000x64xf32, #tpu.memory_space<hbm>>) target(%dma_start3A_474 : memref<80x64xf32, #tpu.memory_space<vmem>>) offsets(%dma_start3A_477 : memref<80xi32, #tpu.memory_space<vmem>>) semaphore(%dma_start3A_482 : memref<!tpu.dma_semaphore, #tpu.memory_space<semaphore_mem>>)
    %dma_start3A_483 = arith.constant 0 : i32
    %dma_start3A_484 = arith.constant 0 : i32
    %dma_start3A_485 = arith.constant 0 : i32
    %dma_start3A_486 = arith.constant 0 : i32
    %dma_start3A_487 = arith.constant 0 : i32
    %dma_start3A_488 = tpu.memref_slice %arg14[%dma_start3A_484, %dma_start3A_486, %dma_start3A_487] : memref<4x80x16xf32, #tpu.memory_space<vmem>> -> memref<1x80x16xf32, #tpu.memory_space<vmem>>
    %dma_start3A_489 = tpu.memref_squeeze %dma_start3A_488 : memref<1x80x16xf32, #tpu.memory_space<vmem>> -> memref<80x16xf32, #tpu.memory_space<vmem>>
    %dma_start3A_490 = arith.constant 0 : i32
    %dma_start3A_491 = tpu.memref_slice %arg11[%dma_start3A_483, %dma_start3A_490] : memref<8x80xi32, #tpu.memory_space<vmem>> -> memref<1x80xi32, #tpu.memory_space<vmem>>
    %dma_start3A_492 = tpu.memref_squeeze %dma_start3A_491 : memref<1x80xi32, #tpu.memory_space<vmem>> -> memref<80xi32, #tpu.memory_space<vmem>>
    %dma_start3A_493 = arith.constant 0 : i32
    %dma_start3A_494 = arith.constant 0 : i32
    %dma_start3A_495 = tpu.memref_slice %arg4[%dma_start3A_493, %dma_start3A_494] : memref<40960x16xf32, #tpu.memory_space<hbm>> -> memref<40960x16xf32, #tpu.memory_space<hbm>>
    %dma_start3A_496 = tpu.memref_slice %arg17[%dma_start3A_485] : memref<4x!tpu.dma_semaphore, #tpu.memory_space<semaphore_mem>> -> memref<1x!tpu.dma_semaphore, #tpu.memory_space<semaphore_mem>>
    %dma_start3A_497 = tpu.memref_squeeze %dma_start3A_496 : memref<1x!tpu.dma_semaphore, #tpu.memory_space<semaphore_mem>> -> memref<!tpu.dma_semaphore, #tpu.memory_space<semaphore_mem>>
    tpu.enqueue_indirect_dma source(%dma_start3A_495 : memref<40960x16xf32, #tpu.memory_space<hbm>>) target(%dma_start3A_489 : memref<80x16xf32, #tpu.memory_space<vmem>>) offsets(%dma_start3A_492 : memref<80xi32, #tpu.memory_space<vmem>>) semaphore(%dma_start3A_497 : memref<!tpu.dma_semaphore, #tpu.memory_space<semaphore_mem>>)
    %dma_wait3A_498 = arith.constant 1 : i32
    %dma_wait3A_499 = arith.constant 1 : i32
    %dma_wait3A_500 = arith.constant 0 : i32
    %dma_wait3A_501 = tpu.memref_slice %arg10[%dma_wait3A_498, %dma_wait3A_500] : memref<8x80xi32, #tpu.memory_space<vmem>> -> memref<1x80xi32, #tpu.memory_space<vmem>>
    %dma_wait3A_502 = tpu.memref_squeeze %dma_wait3A_501 : memref<1x80xi32, #tpu.memory_space<vmem>> -> memref<80xi32, #tpu.memory_space<vmem>>
    %dma_wait3A_503 = tpu.memref_slice %arg5[%mul3A_2] : memref<320000xi32, #tpu.memory_space<hbm>> -> memref<80xi32, #tpu.memory_space<hbm>>
    %dma_wait3A_504 = tpu.memref_slice %arg15[%dma_wait3A_499] : memref<8x!tpu.dma_semaphore, #tpu.memory_space<semaphore_mem>> -> memref<1x!tpu.dma_semaphore, #tpu.memory_space<semaphore_mem>>
    %dma_wait3A_505 = tpu.memref_squeeze %dma_wait3A_504 : memref<1x!tpu.dma_semaphore, #tpu.memory_space<semaphore_mem>> -> memref<!tpu.dma_semaphore, #tpu.memory_space<semaphore_mem>>
    %dma_wait3A_506 = arith.constant 0 : i32
    %dma_wait3A_507 = tpu.memref_slice %arg10[%dma_wait3A_498, %dma_wait3A_506] : memref<8x80xi32, #tpu.memory_space<vmem>> -> memref<1x80xi32, #tpu.memory_space<vmem>>
    %dma_wait3A_508 = tpu.memref_squeeze %dma_wait3A_507 : memref<1x80xi32, #tpu.memory_space<vmem>> -> memref<80xi32, #tpu.memory_space<vmem>>
    %dma_wait3A_509 = tpu.memref_slice %arg5[%mul3A_2] : memref<320000xi32, #tpu.memory_space<hbm>> -> memref<80xi32, #tpu.memory_space<hbm>>
    tpu.wait_dma2 semaphore(%dma_wait3A_505 : memref<!tpu.dma_semaphore, #tpu.memory_space<semaphore_mem>>) src(%dma_wait3A_509 : memref<80xi32, #tpu.memory_space<hbm>>) dst(%dma_wait3A_508 : memref<80xi32, #tpu.memory_space<vmem>>)
    %dma_wait3A_510 = arith.constant 1 : i32
    %dma_wait3A_511 = arith.constant 1 : i32
    %dma_wait3A_512 = arith.constant 0 : i32
    %dma_wait3A_513 = tpu.memref_slice %arg11[%dma_wait3A_510, %dma_wait3A_512] : memref<8x80xi32, #tpu.memory_space<vmem>> -> memref<1x80xi32, #tpu.memory_space<vmem>>
    %dma_wait3A_514 = tpu.memref_squeeze %dma_wait3A_513 : memref<1x80xi32, #tpu.memory_space<vmem>> -> memref<80xi32, #tpu.memory_space<vmem>>
    %dma_wait3A_515 = tpu.memref_slice %arg6[%mul3A_2] : memref<320000xi32, #tpu.memory_space<hbm>> -> memref<80xi32, #tpu.memory_space<hbm>>
    %dma_wait3A_516 = tpu.memref_slice %arg15[%dma_wait3A_511] : memref<8x!tpu.dma_semaphore, #tpu.memory_space<semaphore_mem>> -> memref<1x!tpu.dma_semaphore, #tpu.memory_space<semaphore_mem>>
    %dma_wait3A_517 = tpu.memref_squeeze %dma_wait3A_516 : memref<1x!tpu.dma_semaphore, #tpu.memory_space<semaphore_mem>> -> memref<!tpu.dma_semaphore, #tpu.memory_space<semaphore_mem>>
    %dma_wait3A_518 = arith.constant 0 : i32
    %dma_wait3A_519 = tpu.memref_slice %arg11[%dma_wait3A_510, %dma_wait3A_518] : memref<8x80xi32, #tpu.memory_space<vmem>> -> memref<1x80xi32, #tpu.memory_space<vmem>>
    %dma_wait3A_520 = tpu.memref_squeeze %dma_wait3A_519 : memref<1x80xi32, #tpu.memory_space<vmem>> -> memref<80xi32, #tpu.memory_space<vmem>>
    %dma_wait3A_521 = tpu.memref_slice %arg6[%mul3A_2] : memref<320000xi32, #tpu.memory_space<hbm>> -> memref<80xi32, #tpu.memory_space<hbm>>
    tpu.wait_dma2 semaphore(%dma_wait3A_517 : memref<!tpu.dma_semaphore, #tpu.memory_space<semaphore_mem>>) src(%dma_wait3A_521 : memref<80xi32, #tpu.memory_space<hbm>>) dst(%dma_wait3A_520 : memref<80xi32, #tpu.memory_space<vmem>>)
    %dma_wait3A_522 = arith.constant 1 : i32
    %dma_wait3A_523 = arith.constant 1 : i32
    %dma_wait3A_524 = arith.constant 0 : i32
    %dma_wait3A_525 = tpu.memref_slice %arg12[%dma_wait3A_522, %dma_wait3A_524] : memref<8x80xi32, #tpu.memory_space<vmem>> -> memref<1x80xi32, #tpu.memory_space<vmem>>
    %dma_wait3A_526 = tpu.memref_squeeze %dma_wait3A_525 : memref<1x80xi32, #tpu.memory_space<vmem>> -> memref<80xi32, #tpu.memory_space<vmem>>
    %dma_wait3A_527 = tpu.memref_slice %arg7[%mul3A_2] : memref<320000xi32, #tpu.memory_space<hbm>> -> memref<80xi32, #tpu.memory_space<hbm>>
    %dma_wait3A_528 = tpu.memref_slice %arg15[%dma_wait3A_523] : memref<8x!tpu.dma_semaphore, #tpu.memory_space<semaphore_mem>> -> memref<1x!tpu.dma_semaphore, #tpu.memory_space<semaphore_mem>>
    %dma_wait3A_529 = tpu.memref_squeeze %dma_wait3A_528 : memref<1x!tpu.dma_semaphore, #tpu.memory_space<semaphore_mem>> -> memref<!tpu.dma_semaphore, #tpu.memory_space<semaphore_mem>>
    %dma_wait3A_530 = arith.constant 0 : i32
    %dma_wait3A_531 = tpu.memref_slice %arg12[%dma_wait3A_522, %dma_wait3A_530] : memref<8x80xi32, #tpu.memory_space<vmem>> -> memref<1x80xi32, #tpu.memory_space<vmem>>
    %dma_wait3A_532 = tpu.memref_squeeze %dma_wait3A_531 : memref<1x80xi32, #tpu.memory_space<vmem>> -> memref<80xi32, #tpu.memory_space<vmem>>
    %dma_wait3A_533 = tpu.memref_slice %arg7[%mul3A_2] : memref<320000xi32, #tpu.memory_space<hbm>> -> memref<80xi32, #tpu.memory_space<hbm>>
    tpu.wait_dma2 semaphore(%dma_wait3A_529 : memref<!tpu.dma_semaphore, #tpu.memory_space<semaphore_mem>>) src(%dma_wait3A_533 : memref<80xi32, #tpu.memory_space<hbm>>) dst(%dma_wait3A_532 : memref<80xi32, #tpu.memory_space<vmem>>)
    %dma_start3A_534 = arith.constant 1 : i32
    %dma_start3A_535 = arith.constant 1 : i32
    %dma_start3A_536 = arith.constant 1 : i32
    %dma_start3A_537 = arith.constant 0 : i32
    %dma_start3A_538 = arith.constant 0 : i32
    %dma_start3A_539 = tpu.memref_slice %arg13[%dma_start3A_535, %dma_start3A_537, %dma_start3A_538] : memref<4x80x64xf32, #tpu.memory_space<vmem>> -> memref<1x80x64xf32, #tpu.memory_space<vmem>>
    %dma_start3A_540 = tpu.memref_squeeze %dma_start3A_539 : memref<1x80x64xf32, #tpu.memory_space<vmem>> -> memref<80x64xf32, #tpu.memory_space<vmem>>
    %dma_start3A_541 = arith.constant 0 : i32
    %dma_start3A_542 = tpu.memref_slice %arg10[%dma_start3A_534, %dma_start3A_541] : memref<8x80xi32, #tpu.memory_space<vmem>> -> memref<1x80xi32, #tpu.memory_space<vmem>>
    %dma_start3A_543 = tpu.memref_squeeze %dma_start3A_542 : memref<1x80xi32, #tpu.memory_space<vmem>> -> memref<80xi32, #tpu.memory_space<vmem>>
    %dma_start3A_544 = arith.constant 0 : i32
    %dma_start3A_545 = arith.constant 0 : i32
    %dma_start3A_546 = tpu.memref_slice %arg3[%dma_start3A_544, %dma_start3A_545] : memref<40000x64xf32, #tpu.memory_space<hbm>> -> memref<40000x64xf32, #tpu.memory_space<hbm>>
    %dma_start3A_547 = tpu.memref_slice %arg16[%dma_start3A_536] : memref<4x!tpu.dma_semaphore, #tpu.memory_space<semaphore_mem>> -> memref<1x!tpu.dma_semaphore, #tpu.memory_space<semaphore_mem>>
    %dma_start3A_548 = tpu.memref_squeeze %dma_start3A_547 : memref<1x!tpu.dma_semaphore, #tpu.memory_space<semaphore_mem>> -> memref<!tpu.dma_semaphore, #tpu.memory_space<semaphore_mem>>
    tpu.enqueue_indirect_dma source(%dma_start3A_546 : memref<40000x64xf32, #tpu.memory_space<hbm>>) target(%dma_start3A_540 : memref<80x64xf32, #tpu.memory_space<vmem>>) offsets(%dma_start3A_543 : memref<80xi32, #tpu.memory_space<vmem>>) semaphore(%dma_start3A_548 : memref<!tpu.dma_semaphore, #tpu.memory_space<semaphore_mem>>)
    %dma_start3A_549 = arith.constant 1 : i32
    %dma_start3A_550 = arith.constant 1 : i32
    %dma_start3A_551 = arith.constant 1 : i32
    %dma_start3A_552 = arith.constant 0 : i32
    %dma_start3A_553 = arith.constant 0 : i32
    %dma_start3A_554 = tpu.memref_slice %arg14[%dma_start3A_550, %dma_start3A_552, %dma_start3A_553] : memref<4x80x16xf32, #tpu.memory_space<vmem>> -> memref<1x80x16xf32, #tpu.memory_space<vmem>>
    %dma_start3A_555 = tpu.memref_squeeze %dma_start3A_554 : memref<1x80x16xf32, #tpu.memory_space<vmem>> -> memref<80x16xf32, #tpu.memory_space<vmem>>
    %dma_start3A_556 = arith.constant 0 : i32
    %dma_start3A_557 = tpu.memref_slice %arg11[%dma_start3A_549, %dma_start3A_556] : memref<8x80xi32, #tpu.memory_space<vmem>> -> memref<1x80xi32, #tpu.memory_space<vmem>>
    %dma_start3A_558 = tpu.memref_squeeze %dma_start3A_557 : memref<1x80xi32, #tpu.memory_space<vmem>> -> memref<80xi32, #tpu.memory_space<vmem>>
    %dma_start3A_559 = arith.constant 0 : i32
    %dma_start3A_560 = arith.constant 0 : i32
    %dma_start3A_561 = tpu.memref_slice %arg4[%dma_start3A_559, %dma_start3A_560] : memref<40960x16xf32, #tpu.memory_space<hbm>> -> memref<40960x16xf32, #tpu.memory_space<hbm>>
    %dma_start3A_562 = tpu.memref_slice %arg17[%dma_start3A_551] : memref<4x!tpu.dma_semaphore, #tpu.memory_space<semaphore_mem>> -> memref<1x!tpu.dma_semaphore, #tpu.memory_space<semaphore_mem>>
    %dma_start3A_563 = tpu.memref_squeeze %dma_start3A_562 : memref<1x!tpu.dma_semaphore, #tpu.memory_space<semaphore_mem>> -> memref<!tpu.dma_semaphore, #tpu.memory_space<semaphore_mem>>
    tpu.enqueue_indirect_dma source(%dma_start3A_561 : memref<40960x16xf32, #tpu.memory_space<hbm>>) target(%dma_start3A_555 : memref<80x16xf32, #tpu.memory_space<vmem>>) offsets(%dma_start3A_558 : memref<80xi32, #tpu.memory_space<vmem>>) semaphore(%dma_start3A_563 : memref<!tpu.dma_semaphore, #tpu.memory_space<semaphore_mem>>)
    %scan3A_564 = arith.constant 0 : i32
    %scan3A_565 = arith.constant 0 : i32
    %scan3A_566 = arith.constant 125 : i32
    %scan3A_567 = arith.addi %scan3A_565, %scan3A_566 : i32
    %scan3A_568 = arith.constant 1 : i32
    scf.for %scan3A_633 = %scan3A_565 to %scan3A_567 step %scan3A_568  : i32 {
      %and3A = arith.constant 3 : i32
      %and3A_634 = arith.andi %scan3A_633, %and3A : i32
      %and3A_635 = arith.constant 7 : i32
      %and3A_636 = arith.andi %scan3A_633, %and3A_635 : i32
      %add3A_637 = arith.constant 3 : i32
      %add3A_638 = arith.addi %scan3A_633, %add3A_637 : i32
      %lt3A = arith.constant 125 : i32
      %lt3A_639 = arith.cmpi slt, %add3A_638, %lt3A : i32
      %convert_element_type3A = arith.extui %lt3A_639 : i1 to i32
      %cond3A = arith.constant 0 : i32
      %cond3A_640 = arith.cmpi ne, %convert_element_type3A, %cond3A : i32
      scf.if %cond3A_640 {
        %add3A_690 = arith.constant 3 : i32
        %add3A_691 = arith.addi %scan3A_633, %add3A_690 : i32
        %add3A_692 = arith.constant 3 : i32
        %add3A_693 = arith.addi %scan3A_633, %add3A_692 : i32
        %and3A_694 = arith.constant 7 : i32
        %and3A_695 = arith.andi %add3A_693, %and3A_694 : i32
        %mul3A_696 = arith.constant 80 : i32
        %mul3A_697 = arith.muli %add3A_691, %mul3A_696 : i32
        %add3A_698 = arith.addi %mul3A_2, %mul3A_697 : i32
        %dma_start3A_699 = arith.constant 0 : i32
        %dma_start3A_700 = tpu.memref_slice %arg10[%and3A_695, %dma_start3A_699] : memref<8x80xi32, #tpu.memory_space<vmem>> -> memref<1x80xi32, #tpu.memory_space<vmem>>
        %dma_start3A_701 = tpu.memref_squeeze %dma_start3A_700 : memref<1x80xi32, #tpu.memory_space<vmem>> -> memref<80xi32, #tpu.memory_space<vmem>>
        %dma_start3A_702 = tpu.memref_slice %arg5[%add3A_698] : memref<320000xi32, #tpu.memory_space<hbm>> -> memref<80xi32, #tpu.memory_space<hbm>>
        %dma_start3A_703 = tpu.memref_slice %arg15[%and3A_695] : memref<8x!tpu.dma_semaphore, #tpu.memory_space<semaphore_mem>> -> memref<1x!tpu.dma_semaphore, #tpu.memory_space<semaphore_mem>>
        %dma_start3A_704 = tpu.memref_squeeze %dma_start3A_703 : memref<1x!tpu.dma_semaphore, #tpu.memory_space<semaphore_mem>> -> memref<!tpu.dma_semaphore, #tpu.memory_space<semaphore_mem>>
        %dma_start3A_705 = arith.constant 0 : i32
        %dma_start3A_706 = tpu.memref_slice %arg10[%and3A_695, %dma_start3A_705] : memref<8x80xi32, #tpu.memory_space<vmem>> -> memref<1x80xi32, #tpu.memory_space<vmem>>
        %dma_start3A_707 = tpu.memref_squeeze %dma_start3A_706 : memref<1x80xi32, #tpu.memory_space<vmem>> -> memref<80xi32, #tpu.memory_space<vmem>>
        %dma_start3A_708 = tpu.memref_slice %arg5[%add3A_698] : memref<320000xi32, #tpu.memory_space<hbm>> -> memref<80xi32, #tpu.memory_space<hbm>>
        tpu.enqueue_dma source(%dma_start3A_708 : memref<80xi32, #tpu.memory_space<hbm>>) target(%dma_start3A_707 : memref<80xi32, #tpu.memory_space<vmem>>) target_semaphore(%dma_start3A_704 : memref<!tpu.dma_semaphore, #tpu.memory_space<semaphore_mem>>)
        %dma_start3A_709 = arith.constant 0 : i32
        %dma_start3A_710 = tpu.memref_slice %arg11[%and3A_695, %dma_start3A_709] : memref<8x80xi32, #tpu.memory_space<vmem>> -> memref<1x80xi32, #tpu.memory_space<vmem>>
        %dma_start3A_711 = tpu.memref_squeeze %dma_start3A_710 : memref<1x80xi32, #tpu.memory_space<vmem>> -> memref<80xi32, #tpu.memory_space<vmem>>
        %dma_start3A_712 = tpu.memref_slice %arg6[%add3A_698] : memref<320000xi32, #tpu.memory_space<hbm>> -> memref<80xi32, #tpu.memory_space<hbm>>
        %dma_start3A_713 = tpu.memref_slice %arg15[%and3A_695] : memref<8x!tpu.dma_semaphore, #tpu.memory_space<semaphore_mem>> -> memref<1x!tpu.dma_semaphore, #tpu.memory_space<semaphore_mem>>
        %dma_start3A_714 = tpu.memref_squeeze %dma_start3A_713 : memref<1x!tpu.dma_semaphore, #tpu.memory_space<semaphore_mem>> -> memref<!tpu.dma_semaphore, #tpu.memory_space<semaphore_mem>>
        %dma_start3A_715 = arith.constant 0 : i32
        %dma_start3A_716 = tpu.memref_slice %arg11[%and3A_695, %dma_start3A_715] : memref<8x80xi32, #tpu.memory_space<vmem>> -> memref<1x80xi32, #tpu.memory_space<vmem>>
        %dma_start3A_717 = tpu.memref_squeeze %dma_start3A_716 : memref<1x80xi32, #tpu.memory_space<vmem>> -> memref<80xi32, #tpu.memory_space<vmem>>
        %dma_start3A_718 = tpu.memref_slice %arg6[%add3A_698] : memref<320000xi32, #tpu.memory_space<hbm>> -> memref<80xi32, #tpu.memory_space<hbm>>
        tpu.enqueue_dma source(%dma_start3A_718 : memref<80xi32, #tpu.memory_space<hbm>>) target(%dma_start3A_717 : memref<80xi32, #tpu.memory_space<vmem>>) target_semaphore(%dma_start3A_714 : memref<!tpu.dma_semaphore, #tpu.memory_space<semaphore_mem>>)
        %dma_start3A_719 = arith.constant 0 : i32
        %dma_start3A_720 = tpu.memref_slice %arg12[%and3A_695, %dma_start3A_719] : memref<8x80xi32, #tpu.memory_space<vmem>> -> memref<1x80xi32, #tpu.memory_space<vmem>>
        %dma_start3A_721 = tpu.memref_squeeze %dma_start3A_720 : memref<1x80xi32, #tpu.memory_space<vmem>> -> memref<80xi32, #tpu.memory_space<vmem>>
        %dma_start3A_722 = tpu.memref_slice %arg7[%add3A_698] : memref<320000xi32, #tpu.memory_space<hbm>> -> memref<80xi32, #tpu.memory_space<hbm>>
        %dma_start3A_723 = tpu.memref_slice %arg15[%and3A_695] : memref<8x!tpu.dma_semaphore, #tpu.memory_space<semaphore_mem>> -> memref<1x!tpu.dma_semaphore, #tpu.memory_space<semaphore_mem>>
        %dma_start3A_724 = tpu.memref_squeeze %dma_start3A_723 : memref<1x!tpu.dma_semaphore, #tpu.memory_space<semaphore_mem>> -> memref<!tpu.dma_semaphore, #tpu.memory_space<semaphore_mem>>
        %dma_start3A_725 = arith.constant 0 : i32
        %dma_start3A_726 = tpu.memref_slice %arg12[%and3A_695, %dma_start3A_725] : memref<8x80xi32, #tpu.memory_space<vmem>> -> memref<1x80xi32, #tpu.memory_space<vmem>>
        %dma_start3A_727 = tpu.memref_squeeze %dma_start3A_726 : memref<1x80xi32, #tpu.memory_space<vmem>> -> memref<80xi32, #tpu.memory_space<vmem>>
        %dma_start3A_728 = tpu.memref_slice %arg7[%add3A_698] : memref<320000xi32, #tpu.memory_space<hbm>> -> memref<80xi32, #tpu.memory_space<hbm>>
        tpu.enqueue_dma source(%dma_start3A_728 : memref<80xi32, #tpu.memory_space<hbm>>) target(%dma_start3A_727 : memref<80xi32, #tpu.memory_space<vmem>>) target_semaphore(%dma_start3A_724 : memref<!tpu.dma_semaphore, #tpu.memory_space<semaphore_mem>>)
      } else {
      }
      %add3A_641 = arith.constant 2 : i32
      %add3A_642 = arith.addi %scan3A_633, %add3A_641 : i32
      %lt3A_643 = arith.constant 125 : i32
      %lt3A_644 = arith.cmpi slt, %add3A_642, %lt3A_643 : i32
      %convert_element_type3A_645 = arith.extui %lt3A_644 : i1 to i32
      %cond3A_646 = arith.constant 0 : i32
      %cond3A_647 = arith.cmpi ne, %convert_element_type3A_645, %cond3A_646 : i32
      scf.if %cond3A_647 {
        %add3A_690 = arith.constant 2 : i32
        %add3A_691 = arith.addi %scan3A_633, %add3A_690 : i32
        %and3A_692 = arith.constant 3 : i32
        %and3A_693 = arith.andi %add3A_691, %and3A_692 : i32
        %ge3A = arith.constant 2 : i32
        %ge3A_694 = arith.cmpi sge, %scan3A_633, %ge3A : i32
        %convert_element_type3A_695 = arith.extui %ge3A_694 : i1 to i32
        %cond3A_696 = arith.constant 0 : i32
        %cond3A_697 = arith.cmpi ne, %convert_element_type3A_695, %cond3A_696 : i32
        scf.if %cond3A_697 {
          %sub3A = arith.constant 2 : i32
          %sub3A_756 = arith.subi %scan3A_633, %sub3A : i32
          %and3A_757 = arith.constant 7 : i32
          %and3A_758 = arith.andi %sub3A_756, %and3A_757 : i32
          %dma_wait3A_759 = arith.constant 0 : i32
          %dma_wait3A_760 = arith.constant 0 : i32
          %dma_wait3A_761 = tpu.memref_slice %arg13[%and3A_693, %dma_wait3A_759, %dma_wait3A_760] : memref<4x80x64xf32, #tpu.memory_space<vmem>> -> memref<1x80x64xf32, #tpu.memory_space<vmem>>
          %dma_wait3A_762 = tpu.memref_squeeze %dma_wait3A_761 : memref<1x80x64xf32, #tpu.memory_space<vmem>> -> memref<80x64xf32, #tpu.memory_space<vmem>>
          %dma_wait3A_763 = arith.constant 0 : i32
          %dma_wait3A_764 = tpu.memref_slice %arg12[%and3A_758, %dma_wait3A_763] : memref<8x80xi32, #tpu.memory_space<vmem>> -> memref<1x80xi32, #tpu.memory_space<vmem>>
          %dma_wait3A_765 = tpu.memref_squeeze %dma_wait3A_764 : memref<1x80xi32, #tpu.memory_space<vmem>> -> memref<80xi32, #tpu.memory_space<vmem>>
          %dma_wait3A_766 = arith.constant 0 : i32
          %dma_wait3A_767 = arith.constant 0 : i32
          %dma_wait3A_768 = tpu.memref_slice %arg19[%dma_wait3A_766, %dma_wait3A_767] : memref<10000x64xf32, #tpu.memory_space<vmem_shared>> -> memref<10000x64xf32, #tpu.memory_space<vmem_shared>>
          %dma_wait3A_769 = tpu.memref_slice %arg18[%and3A_693] : memref<4x!tpu.dma_semaphore, #tpu.memory_space<semaphore_mem>> -> memref<1x!tpu.dma_semaphore, #tpu.memory_space<semaphore_mem>>
          %dma_wait3A_770 = tpu.memref_squeeze %dma_wait3A_769 : memref<1x!tpu.dma_semaphore, #tpu.memory_space<semaphore_mem>> -> memref<!tpu.dma_semaphore, #tpu.memory_space<semaphore_mem>>
          tpu.wait_indirect_dma semaphore(%dma_wait3A_770 : memref<!tpu.dma_semaphore, #tpu.memory_space<semaphore_mem>>) src(%dma_wait3A_762 : memref<80x64xf32, #tpu.memory_space<vmem>>) dst(%dma_wait3A_768 : memref<10000x64xf32, #tpu.memory_space<vmem_shared>>)
        } else {
        }
        %add3A_698 = arith.constant 2 : i32
        %add3A_699 = arith.addi %scan3A_633, %add3A_698 : i32
        %and3A_700 = arith.constant 7 : i32
        %and3A_701 = arith.andi %add3A_699, %and3A_700 : i32
        %dma_wait3A_702 = arith.constant 0 : i32
        %dma_wait3A_703 = tpu.memref_slice %arg10[%and3A_701, %dma_wait3A_702] : memref<8x80xi32, #tpu.memory_space<vmem>> -> memref<1x80xi32, #tpu.memory_space<vmem>>
        %dma_wait3A_704 = tpu.memref_squeeze %dma_wait3A_703 : memref<1x80xi32, #tpu.memory_space<vmem>> -> memref<80xi32, #tpu.memory_space<vmem>>
        %dma_wait3A_705 = tpu.memref_slice %arg5[%mul3A_2] : memref<320000xi32, #tpu.memory_space<hbm>> -> memref<80xi32, #tpu.memory_space<hbm>>
        %dma_wait3A_706 = tpu.memref_slice %arg15[%and3A_701] : memref<8x!tpu.dma_semaphore, #tpu.memory_space<semaphore_mem>> -> memref<1x!tpu.dma_semaphore, #tpu.memory_space<semaphore_mem>>
        %dma_wait3A_707 = tpu.memref_squeeze %dma_wait3A_706 : memref<1x!tpu.dma_semaphore, #tpu.memory_space<semaphore_mem>> -> memref<!tpu.dma_semaphore, #tpu.memory_space<semaphore_mem>>
        %dma_wait3A_708 = arith.constant 0 : i32
        %dma_wait3A_709 = tpu.memref_slice %arg10[%and3A_701, %dma_wait3A_708] : memref<8x80xi32, #tpu.memory_space<vmem>> -> memref<1x80xi32, #tpu.memory_space<vmem>>
        %dma_wait3A_710 = tpu.memref_squeeze %dma_wait3A_709 : memref<1x80xi32, #tpu.memory_space<vmem>> -> memref<80xi32, #tpu.memory_space<vmem>>
        %dma_wait3A_711 = tpu.memref_slice %arg5[%mul3A_2] : memref<320000xi32, #tpu.memory_space<hbm>> -> memref<80xi32, #tpu.memory_space<hbm>>
        tpu.wait_dma2 semaphore(%dma_wait3A_707 : memref<!tpu.dma_semaphore, #tpu.memory_space<semaphore_mem>>) src(%dma_wait3A_711 : memref<80xi32, #tpu.memory_space<hbm>>) dst(%dma_wait3A_710 : memref<80xi32, #tpu.memory_space<vmem>>)
        %dma_wait3A_712 = arith.constant 0 : i32
        %dma_wait3A_713 = tpu.memref_slice %arg11[%and3A_701, %dma_wait3A_712] : memref<8x80xi32, #tpu.memory_space<vmem>> -> memref<1x80xi32, #tpu.memory_space<vmem>>
        %dma_wait3A_714 = tpu.memref_squeeze %dma_wait3A_713 : memref<1x80xi32, #tpu.memory_space<vmem>> -> memref<80xi32, #tpu.memory_space<vmem>>
        %dma_wait3A_715 = tpu.memref_slice %arg6[%mul3A_2] : memref<320000xi32, #tpu.memory_space<hbm>> -> memref<80xi32, #tpu.memory_space<hbm>>
        %dma_wait3A_716 = tpu.memref_slice %arg15[%and3A_701] : memref<8x!tpu.dma_semaphore, #tpu.memory_space<semaphore_mem>> -> memref<1x!tpu.dma_semaphore, #tpu.memory_space<semaphore_mem>>
        %dma_wait3A_717 = tpu.memref_squeeze %dma_wait3A_716 : memref<1x!tpu.dma_semaphore, #tpu.memory_space<semaphore_mem>> -> memref<!tpu.dma_semaphore, #tpu.memory_space<semaphore_mem>>
        %dma_wait3A_718 = arith.constant 0 : i32
        %dma_wait3A_719 = tpu.memref_slice %arg11[%and3A_701, %dma_wait3A_718] : memref<8x80xi32, #tpu.memory_space<vmem>> -> memref<1x80xi32, #tpu.memory_space<vmem>>
        %dma_wait3A_720 = tpu.memref_squeeze %dma_wait3A_719 : memref<1x80xi32, #tpu.memory_space<vmem>> -> memref<80xi32, #tpu.memory_space<vmem>>
        %dma_wait3A_721 = tpu.memref_slice %arg6[%mul3A_2] : memref<320000xi32, #tpu.memory_space<hbm>> -> memref<80xi32, #tpu.memory_space<hbm>>
        tpu.wait_dma2 semaphore(%dma_wait3A_717 : memref<!tpu.dma_semaphore, #tpu.memory_space<semaphore_mem>>) src(%dma_wait3A_721 : memref<80xi32, #tpu.memory_space<hbm>>) dst(%dma_wait3A_720 : memref<80xi32, #tpu.memory_space<vmem>>)
        %dma_wait3A_722 = arith.constant 0 : i32
        %dma_wait3A_723 = tpu.memref_slice %arg12[%and3A_701, %dma_wait3A_722] : memref<8x80xi32, #tpu.memory_space<vmem>> -> memref<1x80xi32, #tpu.memory_space<vmem>>
        %dma_wait3A_724 = tpu.memref_squeeze %dma_wait3A_723 : memref<1x80xi32, #tpu.memory_space<vmem>> -> memref<80xi32, #tpu.memory_space<vmem>>
        %dma_wait3A_725 = tpu.memref_slice %arg7[%mul3A_2] : memref<320000xi32, #tpu.memory_space<hbm>> -> memref<80xi32, #tpu.memory_space<hbm>>
        %dma_wait3A_726 = tpu.memref_slice %arg15[%and3A_701] : memref<8x!tpu.dma_semaphore, #tpu.memory_space<semaphore_mem>> -> memref<1x!tpu.dma_semaphore, #tpu.memory_space<semaphore_mem>>
        %dma_wait3A_727 = tpu.memref_squeeze %dma_wait3A_726 : memref<1x!tpu.dma_semaphore, #tpu.memory_space<semaphore_mem>> -> memref<!tpu.dma_semaphore, #tpu.memory_space<semaphore_mem>>
        %dma_wait3A_728 = arith.constant 0 : i32
        %dma_wait3A_729 = tpu.memref_slice %arg12[%and3A_701, %dma_wait3A_728] : memref<8x80xi32, #tpu.memory_space<vmem>> -> memref<1x80xi32, #tpu.memory_space<vmem>>
        %dma_wait3A_730 = tpu.memref_squeeze %dma_wait3A_729 : memref<1x80xi32, #tpu.memory_space<vmem>> -> memref<80xi32, #tpu.memory_space<vmem>>
        %dma_wait3A_731 = tpu.memref_slice %arg7[%mul3A_2] : memref<320000xi32, #tpu.memory_space<hbm>> -> memref<80xi32, #tpu.memory_space<hbm>>
        tpu.wait_dma2 semaphore(%dma_wait3A_727 : memref<!tpu.dma_semaphore, #tpu.memory_space<semaphore_mem>>) src(%dma_wait3A_731 : memref<80xi32, #tpu.memory_space<hbm>>) dst(%dma_wait3A_730 : memref<80xi32, #tpu.memory_space<vmem>>)
        %dma_start3A_732 = arith.constant 0 : i32
        %dma_start3A_733 = arith.constant 0 : i32
        %dma_start3A_734 = tpu.memref_slice %arg13[%and3A_693, %dma_start3A_732, %dma_start3A_733] : memref<4x80x64xf32, #tpu.memory_space<vmem>> -> memref<1x80x64xf32, #tpu.memory_space<vmem>>
        %dma_start3A_735 = tpu.memref_squeeze %dma_start3A_734 : memref<1x80x64xf32, #tpu.memory_space<vmem>> -> memref<80x64xf32, #tpu.memory_space<vmem>>
        %dma_start3A_736 = arith.constant 0 : i32
        %dma_start3A_737 = tpu.memref_slice %arg10[%and3A_701, %dma_start3A_736] : memref<8x80xi32, #tpu.memory_space<vmem>> -> memref<1x80xi32, #tpu.memory_space<vmem>>
        %dma_start3A_738 = tpu.memref_squeeze %dma_start3A_737 : memref<1x80xi32, #tpu.memory_space<vmem>> -> memref<80xi32, #tpu.memory_space<vmem>>
        %dma_start3A_739 = arith.constant 0 : i32
        %dma_start3A_740 = arith.constant 0 : i32
        %dma_start3A_741 = tpu.memref_slice %arg3[%dma_start3A_739, %dma_start3A_740] : memref<40000x64xf32, #tpu.memory_space<hbm>> -> memref<40000x64xf32, #tpu.memory_space<hbm>>
        %dma_start3A_742 = tpu.memref_slice %arg16[%and3A_693] : memref<4x!tpu.dma_semaphore, #tpu.memory_space<semaphore_mem>> -> memref<1x!tpu.dma_semaphore, #tpu.memory_space<semaphore_mem>>
        %dma_start3A_743 = tpu.memref_squeeze %dma_start3A_742 : memref<1x!tpu.dma_semaphore, #tpu.memory_space<semaphore_mem>> -> memref<!tpu.dma_semaphore, #tpu.memory_space<semaphore_mem>>
        tpu.enqueue_indirect_dma source(%dma_start3A_741 : memref<40000x64xf32, #tpu.memory_space<hbm>>) target(%dma_start3A_735 : memref<80x64xf32, #tpu.memory_space<vmem>>) offsets(%dma_start3A_738 : memref<80xi32, #tpu.memory_space<vmem>>) semaphore(%dma_start3A_743 : memref<!tpu.dma_semaphore, #tpu.memory_space<semaphore_mem>>)
        %dma_start3A_744 = arith.constant 0 : i32
        %dma_start3A_745 = arith.constant 0 : i32
        %dma_start3A_746 = tpu.memref_slice %arg14[%and3A_693, %dma_start3A_744, %dma_start3A_745] : memref<4x80x16xf32, #tpu.memory_space<vmem>> -> memref<1x80x16xf32, #tpu.memory_space<vmem>>
        %dma_start3A_747 = tpu.memref_squeeze %dma_start3A_746 : memref<1x80x16xf32, #tpu.memory_space<vmem>> -> memref<80x16xf32, #tpu.memory_space<vmem>>
        %dma_start3A_748 = arith.constant 0 : i32
        %dma_start3A_749 = tpu.memref_slice %arg11[%and3A_701, %dma_start3A_748] : memref<8x80xi32, #tpu.memory_space<vmem>> -> memref<1x80xi32, #tpu.memory_space<vmem>>
        %dma_start3A_750 = tpu.memref_squeeze %dma_start3A_749 : memref<1x80xi32, #tpu.memory_space<vmem>> -> memref<80xi32, #tpu.memory_space<vmem>>
        %dma_start3A_751 = arith.constant 0 : i32
        %dma_start3A_752 = arith.constant 0 : i32
        %dma_start3A_753 = tpu.memref_slice %arg4[%dma_start3A_751, %dma_start3A_752] : memref<40960x16xf32, #tpu.memory_space<hbm>> -> memref<40960x16xf32, #tpu.memory_space<hbm>>
        %dma_start3A_754 = tpu.memref_slice %arg17[%and3A_693] : memref<4x!tpu.dma_semaphore, #tpu.memory_space<semaphore_mem>> -> memref<1x!tpu.dma_semaphore, #tpu.memory_space<semaphore_mem>>
        %dma_start3A_755 = tpu.memref_squeeze %dma_start3A_754 : memref<1x!tpu.dma_semaphore, #tpu.memory_space<semaphore_mem>> -> memref<!tpu.dma_semaphore, #tpu.memory_space<semaphore_mem>>
        tpu.enqueue_indirect_dma source(%dma_start3A_753 : memref<40960x16xf32, #tpu.memory_space<hbm>>) target(%dma_start3A_747 : memref<80x16xf32, #tpu.memory_space<vmem>>) offsets(%dma_start3A_750 : memref<80xi32, #tpu.memory_space<vmem>>) semaphore(%dma_start3A_755 : memref<!tpu.dma_semaphore, #tpu.memory_space<semaphore_mem>>)
      } else {
      }
      %dma_wait3A_648 = arith.constant 0 : i32
      %dma_wait3A_649 = arith.constant 0 : i32
      %dma_wait3A_650 = tpu.memref_slice %arg13[%and3A_634, %dma_wait3A_648, %dma_wait3A_649] : memref<4x80x64xf32, #tpu.memory_space<vmem>> -> memref<1x80x64xf32, #tpu.memory_space<vmem>>
      %dma_wait3A_651 = tpu.memref_squeeze %dma_wait3A_650 : memref<1x80x64xf32, #tpu.memory_space<vmem>> -> memref<80x64xf32, #tpu.memory_space<vmem>>
      %dma_wait3A_652 = arith.constant 0 : i32
      %dma_wait3A_653 = tpu.memref_slice %arg10[%and3A_636, %dma_wait3A_652] : memref<8x80xi32, #tpu.memory_space<vmem>> -> memref<1x80xi32, #tpu.memory_space<vmem>>
      %dma_wait3A_654 = tpu.memref_squeeze %dma_wait3A_653 : memref<1x80xi32, #tpu.memory_space<vmem>> -> memref<80xi32, #tpu.memory_space<vmem>>
      %dma_wait3A_655 = arith.constant 0 : i32
      %dma_wait3A_656 = arith.constant 0 : i32
      %dma_wait3A_657 = tpu.memref_slice %arg3[%dma_wait3A_655, %dma_wait3A_656] : memref<40000x64xf32, #tpu.memory_space<hbm>> -> memref<40000x64xf32, #tpu.memory_space<hbm>>
      %dma_wait3A_658 = tpu.memref_slice %arg16[%and3A_634] : memref<4x!tpu.dma_semaphore, #tpu.memory_space<semaphore_mem>> -> memref<1x!tpu.dma_semaphore, #tpu.memory_space<semaphore_mem>>
      %dma_wait3A_659 = tpu.memref_squeeze %dma_wait3A_658 : memref<1x!tpu.dma_semaphore, #tpu.memory_space<semaphore_mem>> -> memref<!tpu.dma_semaphore, #tpu.memory_space<semaphore_mem>>
      tpu.wait_indirect_dma semaphore(%dma_wait3A_659 : memref<!tpu.dma_semaphore, #tpu.memory_space<semaphore_mem>>) src(%dma_wait3A_657 : memref<40000x64xf32, #tpu.memory_space<hbm>>) dst(%dma_wait3A_651 : memref<80x64xf32, #tpu.memory_space<vmem>>)
      %dma_wait3A_660 = arith.constant 0 : i32
      %dma_wait3A_661 = arith.constant 0 : i32
      %dma_wait3A_662 = tpu.memref_slice %arg14[%and3A_634, %dma_wait3A_660, %dma_wait3A_661] : memref<4x80x16xf32, #tpu.memory_space<vmem>> -> memref<1x80x16xf32, #tpu.memory_space<vmem>>
      %dma_wait3A_663 = tpu.memref_squeeze %dma_wait3A_662 : memref<1x80x16xf32, #tpu.memory_space<vmem>> -> memref<80x16xf32, #tpu.memory_space<vmem>>
      %dma_wait3A_664 = arith.constant 0 : i32
      %dma_wait3A_665 = tpu.memref_slice %arg11[%and3A_636, %dma_wait3A_664] : memref<8x80xi32, #tpu.memory_space<vmem>> -> memref<1x80xi32, #tpu.memory_space<vmem>>
      %dma_wait3A_666 = tpu.memref_squeeze %dma_wait3A_665 : memref<1x80xi32, #tpu.memory_space<vmem>> -> memref<80xi32, #tpu.memory_space<vmem>>
      %dma_wait3A_667 = arith.constant 0 : i32
      %dma_wait3A_668 = arith.constant 0 : i32
      %dma_wait3A_669 = tpu.memref_slice %arg4[%dma_wait3A_667, %dma_wait3A_668] : memref<40960x16xf32, #tpu.memory_space<hbm>> -> memref<40960x16xf32, #tpu.memory_space<hbm>>
      %dma_wait3A_670 = tpu.memref_slice %arg17[%and3A_634] : memref<4x!tpu.dma_semaphore, #tpu.memory_space<semaphore_mem>> -> memref<1x!tpu.dma_semaphore, #tpu.memory_space<semaphore_mem>>
      %dma_wait3A_671 = tpu.memref_squeeze %dma_wait3A_670 : memref<1x!tpu.dma_semaphore, #tpu.memory_space<semaphore_mem>> -> memref<!tpu.dma_semaphore, #tpu.memory_space<semaphore_mem>>
      tpu.wait_indirect_dma semaphore(%dma_wait3A_671 : memref<!tpu.dma_semaphore, #tpu.memory_space<semaphore_mem>>) src(%dma_wait3A_669 : memref<40960x16xf32, #tpu.memory_space<hbm>>) dst(%dma_wait3A_663 : memref<80x16xf32, #tpu.memory_space<vmem>>)
      %scan3A_672 = arith.constant 0 : i32
      %scan3A_673 = arith.constant 0 : i32
      %scan3A_674 = arith.constant 20 : i32
      %scan3A_675 = arith.addi %scan3A_673, %scan3A_674 : i32
      %scan3A_676 = arith.constant 1 : i32
      scf.for %scan3A_690 = %scan3A_673 to %scan3A_675 step %scan3A_676  : i32 {
        %mul3A_691 = arith.constant 4 : i32
        %mul3A_692 = arith.muli %scan3A_690, %mul3A_691 : i32
        %add3A_693 = arith.constant 0 : i32
        %add3A_694 = arith.addi %mul3A_692, %add3A_693 : i32
        %get3A = arith.index_cast %and3A_634 : i32 to index
        %get3A_695 = arith.index_cast %add3A_694 : i32 to index
        %get3A_696 = arith.constant 0 : index
        %get3A_697 = tpu.vector_load %arg14[%get3A, %get3A_695, %get3A_696] {strides = array<i32>} : memref<4x80x16xf32, #tpu.memory_space<vmem>>, vector<16xf32>,
        %get3A_698 = arith.index_cast %and3A_634 : i32 to index
        %get3A_699 = arith.index_cast %add3A_694 : i32 to index
        %get3A_700 = arith.constant 0 : index
        %get3A_701 = tpu.vector_load %arg13[%get3A_698, %get3A_699, %get3A_700] {strides = array<i32>} : memref<4x80x64xf32, #tpu.memory_space<vmem>>, vector<16xf32>,
        %mul3A_702 = arith.mulf %get3A_701, %get3A_697 : vector<16xf32>
        %swap3A = arith.index_cast %and3A_634 : i32 to index
        %swap3A_703 = arith.index_cast %add3A_694 : i32 to index
        %swap3A_704 = arith.constant 0 : index
        %swap3A_705 = tpu.vector_load %arg13[%swap3A, %swap3A_703, %swap3A_704] {strides = array<i32>} : memref<4x80x64xf32, #tpu.memory_space<vmem>>, vector<16xf32>,
        tpu.vector_store %arg13[%swap3A, %swap3A_703, %swap3A_704], %mul3A_702 {strides = array<i32>} : memref<4x80x64xf32, #tpu.memory_space<vmem>>, vector<16xf32>,
        %get3A_706 = arith.index_cast %and3A_634 : i32 to index
        %get3A_707 = arith.index_cast %add3A_694 : i32 to index
        %get3A_708 = arith.constant 16 : index
        %get3A_709 = tpu.vector_load %arg13[%get3A_706, %get3A_707, %get3A_708] {strides = array<i32>} : memref<4x80x64xf32, #tpu.memory_space<vmem>>, vector<16xf32>,
        %mul3A_710 = arith.mulf %get3A_709, %get3A_697 : vector<16xf32>
        %swap3A_711 = arith.index_cast %and3A_634 : i32 to index
        %swap3A_712 = arith.index_cast %add3A_694 : i32 to index
        %swap3A_713 = arith.constant 16 : index
        %swap3A_714 = tpu.vector_load %arg13[%swap3A_711, %swap3A_712, %swap3A_713] {strides = array<i32>} : memref<4x80x64xf32, #tpu.memory_space<vmem>>, vector<16xf32>,
        tpu.vector_store %arg13[%swap3A_711, %swap3A_712, %swap3A_713], %mul3A_710 {strides = array<i32>} : memref<4x80x64xf32, #tpu.memory_space<vmem>>, vector<16xf32>,
        %get3A_715 = arith.index_cast %and3A_634 : i32 to index
        %get3A_716 = arith.index_cast %add3A_694 : i32 to index
        %get3A_717 = arith.constant 32 : index
        %get3A_718 = tpu.vector_load %arg13[%get3A_715, %get3A_716, %get3A_717] {strides = array<i32>} : memref<4x80x64xf32, #tpu.memory_space<vmem>>, vector<16xf32>,
        %mul3A_719 = arith.mulf %get3A_718, %get3A_697 : vector<16xf32>
        %swap3A_720 = arith.index_cast %and3A_634 : i32 to index
        %swap3A_721 = arith.index_cast %add3A_694 : i32 to index
        %swap3A_722 = arith.constant 32 : index
        %swap3A_723 = tpu.vector_load %arg13[%swap3A_720, %swap3A_721, %swap3A_722] {strides = array<i32>} : memref<4x80x64xf32, #tpu.memory_space<vmem>>, vector<16xf32>,
        tpu.vector_store %arg13[%swap3A_720, %swap3A_721, %swap3A_722], %mul3A_719 {strides = array<i32>} : memref<4x80x64xf32, #tpu.memory_space<vmem>>, vector<16xf32>,
        %get3A_724 = arith.index_cast %and3A_634 : i32 to index
        %get3A_725 = arith.index_cast %add3A_694 : i32 to index
        %get3A_726 = arith.constant 48 : index
        %get3A_727 = tpu.vector_load %arg13[%get3A_724, %get3A_725, %get3A_726] {strides = array<i32>} : memref<4x80x64xf32, #tpu.memory_space<vmem>>, vector<16xf32>,
        %mul3A_728 = arith.mulf %get3A_727, %get3A_697 : vector<16xf32>
        %swap3A_729 = arith.index_cast %and3A_634 : i32 to index
        %swap3A_730 = arith.index_cast %add3A_694 : i32 to index
        %swap3A_731 = arith.constant 48 : index
        %swap3A_732 = tpu.vector_load %arg13[%swap3A_729, %swap3A_730, %swap3A_731] {strides = array<i32>} : memref<4x80x64xf32, #tpu.memory_space<vmem>>, vector<16xf32>,
        tpu.vector_store %arg13[%swap3A_729, %swap3A_730, %swap3A_731], %mul3A_728 {strides = array<i32>} : memref<4x80x64xf32, #tpu.memory_space<vmem>>, vector<16xf32>,
        %mul3A_733 = arith.constant 4 : i32
        %mul3A_734 = arith.muli %scan3A_690, %mul3A_733 : i32
        %add3A_735 = arith.constant 1 : i32
        %add3A_736 = arith.addi %mul3A_734, %add3A_735 : i32
        %get3A_737 = arith.index_cast %and3A_634 : i32 to index
        %get3A_738 = arith.index_cast %add3A_736 : i32 to index
        %get3A_739 = arith.constant 0 : index
        %get3A_740 = tpu.vector_load %arg14[%get3A_737, %get3A_738, %get3A_739] {strides = array<i32>} : memref<4x80x16xf32, #tpu.memory_space<vmem>>, vector<16xf32>,
        %get3A_741 = arith.index_cast %and3A_634 : i32 to index
        %get3A_742 = arith.index_cast %add3A_736 : i32 to index
        %get3A_743 = arith.constant 0 : index
        %get3A_744 = tpu.vector_load %arg13[%get3A_741, %get3A_742, %get3A_743] {strides = array<i32>} : memref<4x80x64xf32, #tpu.memory_space<vmem>>, vector<16xf32>,
        %mul3A_745 = arith.mulf %get3A_744, %get3A_740 : vector<16xf32>
        %swap3A_746 = arith.index_cast %and3A_634 : i32 to index
        %swap3A_747 = arith.index_cast %add3A_736 : i32 to index
        %swap3A_748 = arith.constant 0 : index
        %swap3A_749 = tpu.vector_load %arg13[%swap3A_746, %swap3A_747, %swap3A_748] {strides = array<i32>} : memref<4x80x64xf32, #tpu.memory_space<vmem>>, vector<16xf32>,
        tpu.vector_store %arg13[%swap3A_746, %swap3A_747, %swap3A_748], %mul3A_745 {strides = array<i32>} : memref<4x80x64xf32, #tpu.memory_space<vmem>>, vector<16xf32>,
        %get3A_750 = arith.index_cast %and3A_634 : i32 to index
        %get3A_751 = arith.index_cast %add3A_736 : i32 to index
        %get3A_752 = arith.constant 16 : index
        %get3A_753 = tpu.vector_load %arg13[%get3A_750, %get3A_751, %get3A_752] {strides = array<i32>} : memref<4x80x64xf32, #tpu.memory_space<vmem>>, vector<16xf32>,
        %mul3A_754 = arith.mulf %get3A_753, %get3A_740 : vector<16xf32>
        %swap3A_755 = arith.index_cast %and3A_634 : i32 to index
        %swap3A_756 = arith.index_cast %add3A_736 : i32 to index
        %swap3A_757 = arith.constant 16 : index
        %swap3A_758 = tpu.vector_load %arg13[%swap3A_755, %swap3A_756, %swap3A_757] {strides = array<i32>} : memref<4x80x64xf32, #tpu.memory_space<vmem>>, vector<16xf32>,
        tpu.vector_store %arg13[%swap3A_755, %swap3A_756, %swap3A_757], %mul3A_754 {strides = array<i32>} : memref<4x80x64xf32, #tpu.memory_space<vmem>>, vector<16xf32>,
        %get3A_759 = arith.index_cast %and3A_634 : i32 to index
        %get3A_760 = arith.index_cast %add3A_736 : i32 to index
        %get3A_761 = arith.constant 32 : index
        %get3A_762 = tpu.vector_load %arg13[%get3A_759, %get3A_760, %get3A_761] {strides = array<i32>} : memref<4x80x64xf32, #tpu.memory_space<vmem>>, vector<16xf32>,
        %mul3A_763 = arith.mulf %get3A_762, %get3A_740 : vector<16xf32>
        %swap3A_764 = arith.index_cast %and3A_634 : i32 to index
        %swap3A_765 = arith.index_cast %add3A_736 : i32 to index
        %swap3A_766 = arith.constant 32 : index
        %swap3A_767 = tpu.vector_load %arg13[%swap3A_764, %swap3A_765, %swap3A_766] {strides = array<i32>} : memref<4x80x64xf32, #tpu.memory_space<vmem>>, vector<16xf32>,
        tpu.vector_store %arg13[%swap3A_764, %swap3A_765, %swap3A_766], %mul3A_763 {strides = array<i32>} : memref<4x80x64xf32, #tpu.memory_space<vmem>>, vector<16xf32>,
        %get3A_768 = arith.index_cast %and3A_634 : i32 to index
        %get3A_769 = arith.index_cast %add3A_736 : i32 to index
        %get3A_770 = arith.constant 48 : index
        %get3A_771 = tpu.vector_load %arg13[%get3A_768, %get3A_769, %get3A_770] {strides = array<i32>} : memref<4x80x64xf32, #tpu.memory_space<vmem>>, vector<16xf32>,
        %mul3A_772 = arith.mulf %get3A_771, %get3A_740 : vector<16xf32>
        %swap3A_773 = arith.index_cast %and3A_634 : i32 to index
        %swap3A_774 = arith.index_cast %add3A_736 : i32 to index
        %swap3A_775 = arith.constant 48 : index
        %swap3A_776 = tpu.vector_load %arg13[%swap3A_773, %swap3A_774, %swap3A_775] {strides = array<i32>} : memref<4x80x64xf32, #tpu.memory_space<vmem>>, vector<16xf32>,
        tpu.vector_store %arg13[%swap3A_773, %swap3A_774, %swap3A_775], %mul3A_772 {strides = array<i32>} : memref<4x80x64xf32, #tpu.memory_space<vmem>>, vector<16xf32>,
        %mul3A_777 = arith.constant 4 : i32
        %mul3A_778 = arith.muli %scan3A_690, %mul3A_777 : i32
        %add3A_779 = arith.constant 2 : i32
        %add3A_780 = arith.addi %mul3A_778, %add3A_779 : i32
        %get3A_781 = arith.index_cast %and3A_634 : i32 to index
        %get3A_782 = arith.index_cast %add3A_780 : i32 to index
        %get3A_783 = arith.constant 0 : index
        %get3A_784 = tpu.vector_load %arg14[%get3A_781, %get3A_782, %get3A_783] {strides = array<i32>} : memref<4x80x16xf32, #tpu.memory_space<vmem>>, vector<16xf32>,
        %get3A_785 = arith.index_cast %and3A_634 : i32 to index
        %get3A_786 = arith.index_cast %add3A_780 : i32 to index
        %get3A_787 = arith.constant 0 : index
        %get3A_788 = tpu.vector_load %arg13[%get3A_785, %get3A_786, %get3A_787] {strides = array<i32>} : memref<4x80x64xf32, #tpu.memory_space<vmem>>, vector<16xf32>,
        %mul3A_789 = arith.mulf %get3A_788, %get3A_784 : vector<16xf32>
        %swap3A_790 = arith.index_cast %and3A_634 : i32 to index
        %swap3A_791 = arith.index_cast %add3A_780 : i32 to index
        %swap3A_792 = arith.constant 0 : index
        %swap3A_793 = tpu.vector_load %arg13[%swap3A_790, %swap3A_791, %swap3A_792] {strides = array<i32>} : memref<4x80x64xf32, #tpu.memory_space<vmem>>, vector<16xf32>,
        tpu.vector_store %arg13[%swap3A_790, %swap3A_791, %swap3A_792], %mul3A_789 {strides = array<i32>} : memref<4x80x64xf32, #tpu.memory_space<vmem>>, vector<16xf32>,
        %get3A_794 = arith.index_cast %and3A_634 : i32 to index
        %get3A_795 = arith.index_cast %add3A_780 : i32 to index
        %get3A_796 = arith.constant 16 : index
        %get3A_797 = tpu.vector_load %arg13[%get3A_794, %get3A_795, %get3A_796] {strides = array<i32>} : memref<4x80x64xf32, #tpu.memory_space<vmem>>, vector<16xf32>,
        %mul3A_798 = arith.mulf %get3A_797, %get3A_784 : vector<16xf32>
        %swap3A_799 = arith.index_cast %and3A_634 : i32 to index
        %swap3A_800 = arith.index_cast %add3A_780 : i32 to index
        %swap3A_801 = arith.constant 16 : index
        %swap3A_802 = tpu.vector_load %arg13[%swap3A_799, %swap3A_800, %swap3A_801] {strides = array<i32>} : memref<4x80x64xf32, #tpu.memory_space<vmem>>, vector<16xf32>,
        tpu.vector_store %arg13[%swap3A_799, %swap3A_800, %swap3A_801], %mul3A_798 {strides = array<i32>} : memref<4x80x64xf32, #tpu.memory_space<vmem>>, vector<16xf32>,
        %get3A_803 = arith.index_cast %and3A_634 : i32 to index
        %get3A_804 = arith.index_cast %add3A_780 : i32 to index
        %get3A_805 = arith.constant 32 : index
        %get3A_806 = tpu.vector_load %arg13[%get3A_803, %get3A_804, %get3A_805] {strides = array<i32>} : memref<4x80x64xf32, #tpu.memory_space<vmem>>, vector<16xf32>,
        %mul3A_807 = arith.mulf %get3A_806, %get3A_784 : vector<16xf32>
        %swap3A_808 = arith.index_cast %and3A_634 : i32 to index
        %swap3A_809 = arith.index_cast %add3A_780 : i32 to index
        %swap3A_810 = arith.constant 32 : index
        %swap3A_811 = tpu.vector_load %arg13[%swap3A_808, %swap3A_809, %swap3A_810] {strides = array<i32>} : memref<4x80x64xf32, #tpu.memory_space<vmem>>, vector<16xf32>,
        tpu.vector_store %arg13[%swap3A_808, %swap3A_809, %swap3A_810], %mul3A_807 {strides = array<i32>} : memref<4x80x64xf32, #tpu.memory_space<vmem>>, vector<16xf32>,
        %get3A_812 = arith.index_cast %and3A_634 : i32 to index
        %get3A_813 = arith.index_cast %add3A_780 : i32 to index
        %get3A_814 = arith.constant 48 : index
        %get3A_815 = tpu.vector_load %arg13[%get3A_812, %get3A_813, %get3A_814] {strides = array<i32>} : memref<4x80x64xf32, #tpu.memory_space<vmem>>, vector<16xf32>,
        %mul3A_816 = arith.mulf %get3A_815, %get3A_784 : vector<16xf32>
        %swap3A_817 = arith.index_cast %and3A_634 : i32 to index
        %swap3A_818 = arith.index_cast %add3A_780 : i32 to index
        %swap3A_819 = arith.constant 48 : index
        %swap3A_820 = tpu.vector_load %arg13[%swap3A_817, %swap3A_818, %swap3A_819] {strides = array<i32>} : memref<4x80x64xf32, #tpu.memory_space<vmem>>, vector<16xf32>,
        tpu.vector_store %arg13[%swap3A_817, %swap3A_818, %swap3A_819], %mul3A_816 {strides = array<i32>} : memref<4x80x64xf32, #tpu.memory_space<vmem>>, vector<16xf32>,
        %mul3A_821 = arith.constant 4 : i32
        %mul3A_822 = arith.muli %scan3A_690, %mul3A_821 : i32
        %add3A_823 = arith.constant 3 : i32
        %add3A_824 = arith.addi %mul3A_822, %add3A_823 : i32
        %get3A_825 = arith.index_cast %and3A_634 : i32 to index
        %get3A_826 = arith.index_cast %add3A_824 : i32 to index
        %get3A_827 = arith.constant 0 : index
        %get3A_828 = tpu.vector_load %arg14[%get3A_825, %get3A_826, %get3A_827] {strides = array<i32>} : memref<4x80x16xf32, #tpu.memory_space<vmem>>, vector<16xf32>,
        %get3A_829 = arith.index_cast %and3A_634 : i32 to index
        %get3A_830 = arith.index_cast %add3A_824 : i32 to index
        %get3A_831 = arith.constant 0 : index
        %get3A_832 = tpu.vector_load %arg13[%get3A_829, %get3A_830, %get3A_831] {strides = array<i32>} : memref<4x80x64xf32, #tpu.memory_space<vmem>>, vector<16xf32>,
        %mul3A_833 = arith.mulf %get3A_832, %get3A_828 : vector<16xf32>
        %swap3A_834 = arith.index_cast %and3A_634 : i32 to index
        %swap3A_835 = arith.index_cast %add3A_824 : i32 to index
        %swap3A_836 = arith.constant 0 : index
        %swap3A_837 = tpu.vector_load %arg13[%swap3A_834, %swap3A_835, %swap3A_836] {strides = array<i32>} : memref<4x80x64xf32, #tpu.memory_space<vmem>>, vector<16xf32>,
        tpu.vector_store %arg13[%swap3A_834, %swap3A_835, %swap3A_836], %mul3A_833 {strides = array<i32>} : memref<4x80x64xf32, #tpu.memory_space<vmem>>, vector<16xf32>,
        %get3A_838 = arith.index_cast %and3A_634 : i32 to index
        %get3A_839 = arith.index_cast %add3A_824 : i32 to index
        %get3A_840 = arith.constant 16 : index
        %get3A_841 = tpu.vector_load %arg13[%get3A_838, %get3A_839, %get3A_840] {strides = array<i32>} : memref<4x80x64xf32, #tpu.memory_space<vmem>>, vector<16xf32>,
        %mul3A_842 = arith.mulf %get3A_841, %get3A_828 : vector<16xf32>
        %swap3A_843 = arith.index_cast %and3A_634 : i32 to index
        %swap3A_844 = arith.index_cast %add3A_824 : i32 to index
        %swap3A_845 = arith.constant 16 : index
        %swap3A_846 = tpu.vector_load %arg13[%swap3A_843, %swap3A_844, %swap3A_845] {strides = array<i32>} : memref<4x80x64xf32, #tpu.memory_space<vmem>>, vector<16xf32>,
        tpu.vector_store %arg13[%swap3A_843, %swap3A_844, %swap3A_845], %mul3A_842 {strides = array<i32>} : memref<4x80x64xf32, #tpu.memory_space<vmem>>, vector<16xf32>,
        %get3A_847 = arith.index_cast %and3A_634 : i32 to index
        %get3A_848 = arith.index_cast %add3A_824 : i32 to index
        %get3A_849 = arith.constant 32 : index
        %get3A_850 = tpu.vector_load %arg13[%get3A_847, %get3A_848, %get3A_849] {strides = array<i32>} : memref<4x80x64xf32, #tpu.memory_space<vmem>>, vector<16xf32>,
        %mul3A_851 = arith.mulf %get3A_850, %get3A_828 : vector<16xf32>
        %swap3A_852 = arith.index_cast %and3A_634 : i32 to index
        %swap3A_853 = arith.index_cast %add3A_824 : i32 to index
        %swap3A_854 = arith.constant 32 : index
        %swap3A_855 = tpu.vector_load %arg13[%swap3A_852, %swap3A_853, %swap3A_854] {strides = array<i32>} : memref<4x80x64xf32, #tpu.memory_space<vmem>>, vector<16xf32>,
        tpu.vector_store %arg13[%swap3A_852, %swap3A_853, %swap3A_854], %mul3A_851 {strides = array<i32>} : memref<4x80x64xf32, #tpu.memory_space<vmem>>, vector<16xf32>,
        %get3A_856 = arith.index_cast %and3A_634 : i32 to index
        %get3A_857 = arith.index_cast %add3A_824 : i32 to index
        %get3A_858 = arith.constant 48 : index
        %get3A_859 = tpu.vector_load %arg13[%get3A_856, %get3A_857, %get3A_858] {strides = array<i32>} : memref<4x80x64xf32, #tpu.memory_space<vmem>>, vector<16xf32>,
        %mul3A_860 = arith.mulf %get3A_859, %get3A_828 : vector<16xf32>
        %swap3A_861 = arith.index_cast %and3A_634 : i32 to index
        %swap3A_862 = arith.index_cast %add3A_824 : i32 to index
        %swap3A_863 = arith.constant 48 : index
        %swap3A_864 = tpu.vector_load %arg13[%swap3A_861, %swap3A_862, %swap3A_863] {strides = array<i32>} : memref<4x80x64xf32, #tpu.memory_space<vmem>>, vector<16xf32>,
        tpu.vector_store %arg13[%swap3A_861, %swap3A_862, %swap3A_863], %mul3A_860 {strides = array<i32>} : memref<4x80x64xf32, #tpu.memory_space<vmem>>, vector<16xf32>,
      }
      %scan3A_677 = arith.constant 20 : i32
      %dma_start3A_678 = arith.constant 0 : i32
      %dma_start3A_679 = arith.constant 0 : i32
      %dma_start3A_680 = tpu.memref_slice %arg13[%and3A_634, %dma_start3A_678, %dma_start3A_679] : memref<4x80x64xf32, #tpu.memory_space<vmem>> -> memref<1x80x64xf32, #tpu.memory_space<vmem>>
      %dma_start3A_681 = tpu.memref_squeeze %dma_start3A_680 : memref<1x80x64xf32, #tpu.memory_space<vmem>> -> memref<80x64xf32, #tpu.memory_space<vmem>>
      %dma_start3A_682 = arith.constant 0 : i32
      %dma_start3A_683 = tpu.memref_slice %arg12[%and3A_636, %dma_start3A_682] : memref<8x80xi32, #tpu.memory_space<vmem>> -> memref<1x80xi32, #tpu.memory_space<vmem>>
      %dma_start3A_684 = tpu.memref_squeeze %dma_start3A_683 : memref<1x80xi32, #tpu.memory_space<vmem>> -> memref<80xi32, #tpu.memory_space<vmem>>
      %dma_start3A_685 = arith.constant 0 : i32
      %dma_start3A_686 = arith.constant 0 : i32
      %dma_start3A_687 = tpu.memref_slice %arg19[%dma_start3A_685, %dma_start3A_686] : memref<10000x64xf32, #tpu.memory_space<vmem_shared>> -> memref<10000x64xf32, #tpu.memory_space<vmem_shared>>
      %dma_start3A_688 = tpu.memref_slice %arg18[%and3A_634] : memref<4x!tpu.dma_semaphore, #tpu.memory_space<semaphore_mem>> -> memref<1x!tpu.dma_semaphore, #tpu.memory_space<semaphore_mem>>
      %dma_start3A_689 = tpu.memref_squeeze %dma_start3A_688 : memref<1x!tpu.dma_semaphore, #tpu.memory_space<semaphore_mem>> -> memref<!tpu.dma_semaphore, #tpu.memory_space<semaphore_mem>>
      tpu.enqueue_indirect_dma source(%dma_start3A_681 : memref<80x64xf32, #tpu.memory_space<vmem>>) target(%dma_start3A_687 : memref<10000x64xf32, #tpu.memory_space<vmem_shared>>) offsets(%dma_start3A_684 : memref<80xi32, #tpu.memory_space<vmem>>) semaphore(%dma_start3A_689 : memref<!tpu.dma_semaphore, #tpu.memory_space<semaphore_mem>>) {add = true}
    }
    %scan3A_569 = arith.constant 125 : i32
    %dma_wait3A_570 = arith.constant 1 : i32
    %dma_wait3A_571 = arith.constant 1 : i32
    %dma_wait3A_572 = arith.constant 1 : i32
    %dma_wait3A_573 = arith.constant 0 : i32
    %dma_wait3A_574 = arith.constant 0 : i32
    %dma_wait3A_575 = tpu.memref_slice %arg13[%dma_wait3A_570, %dma_wait3A_573, %dma_wait3A_574] : memref<4x80x64xf32, #tpu.memory_space<vmem>> -> memref<1x80x64xf32, #tpu.memory_space<vmem>>
    %dma_wait3A_576 = tpu.memref_squeeze %dma_wait3A_575 : memref<1x80x64xf32, #tpu.memory_space<vmem>> -> memref<80x64xf32, #tpu.memory_space<vmem>>
    %dma_wait3A_577 = arith.constant 0 : i32
    %dma_wait3A_578 = tpu.memref_slice %arg12[%dma_wait3A_571, %dma_wait3A_577] : memref<8x80xi32, #tpu.memory_space<vmem>> -> memref<1x80xi32, #tpu.memory_space<vmem>>
    %dma_wait3A_579 = tpu.memref_squeeze %dma_wait3A_578 : memref<1x80xi32, #tpu.memory_space<vmem>> -> memref<80xi32, #tpu.memory_space<vmem>>
    %dma_wait3A_580 = arith.constant 0 : i32
    %dma_wait3A_581 = arith.constant 0 : i32
    %dma_wait3A_582 = tpu.memref_slice %arg19[%dma_wait3A_580, %dma_wait3A_581] : memref<10000x64xf32, #tpu.memory_space<vmem_shared>> -> memref<10000x64xf32, #tpu.memory_space<vmem_shared>>
    %dma_wait3A_583 = tpu.memref_slice %arg18[%dma_wait3A_572] : memref<4x!tpu.dma_semaphore, #tpu.memory_space<semaphore_mem>> -> memref<1x!tpu.dma_semaphore, #tpu.memory_space<semaphore_mem>>
    %dma_wait3A_584 = tpu.memref_squeeze %dma_wait3A_583 : memref<1x!tpu.dma_semaphore, #tpu.memory_space<semaphore_mem>> -> memref<!tpu.dma_semaphore, #tpu.memory_space<semaphore_mem>>
    tpu.wait_indirect_dma semaphore(%dma_wait3A_584 : memref<!tpu.dma_semaphore, #tpu.memory_space<semaphore_mem>>) src(%dma_wait3A_576 : memref<80x64xf32, #tpu.memory_space<vmem>>) dst(%dma_wait3A_582 : memref<10000x64xf32, #tpu.memory_space<vmem_shared>>)
    %dma_wait3A_585 = arith.constant 2 : i32
    %dma_wait3A_586 = arith.constant 2 : i32
    %dma_wait3A_587 = arith.constant 2 : i32
    %dma_wait3A_588 = arith.constant 0 : i32
    %dma_wait3A_589 = arith.constant 0 : i32
    %dma_wait3A_590 = tpu.memref_slice %arg13[%dma_wait3A_585, %dma_wait3A_588, %dma_wait3A_589] : memref<4x80x64xf32, #tpu.memory_space<vmem>> -> memref<1x80x64xf32, #tpu.memory_space<vmem>>
    %dma_wait3A_591 = tpu.memref_squeeze %dma_wait3A_590 : memref<1x80x64xf32, #tpu.memory_space<vmem>> -> memref<80x64xf32, #tpu.memory_space<vmem>>
    %dma_wait3A_592 = arith.constant 0 : i32
    %dma_wait3A_593 = tpu.memref_slice %arg12[%dma_wait3A_586, %dma_wait3A_592] : memref<8x80xi32, #tpu.memory_space<vmem>> -> memref<1x80xi32, #tpu.memory_space<vmem>>
    %dma_wait3A_594 = tpu.memref_squeeze %dma_wait3A_593 : memref<1x80xi32, #tpu.memory_space<vmem>> -> memref<80xi32, #tpu.memory_space<vmem>>
    %dma_wait3A_595 = arith.constant 0 : i32
    %dma_wait3A_596 = arith.constant 0 : i32
    %dma_wait3A_597 = tpu.memref_slice %arg19[%dma_wait3A_595, %dma_wait3A_596] : memref<10000x64xf32, #tpu.memory_space<vmem_shared>> -> memref<10000x64xf32, #tpu.memory_space<vmem_shared>>
    %dma_wait3A_598 = tpu.memref_slice %arg18[%dma_wait3A_587] : memref<4x!tpu.dma_semaphore, #tpu.memory_space<semaphore_mem>> -> memref<1x!tpu.dma_semaphore, #tpu.memory_space<semaphore_mem>>
    %dma_wait3A_599 = tpu.memref_squeeze %dma_wait3A_598 : memref<1x!tpu.dma_semaphore, #tpu.memory_space<semaphore_mem>> -> memref<!tpu.dma_semaphore, #tpu.memory_space<semaphore_mem>>
    tpu.wait_indirect_dma semaphore(%dma_wait3A_599 : memref<!tpu.dma_semaphore, #tpu.memory_space<semaphore_mem>>) src(%dma_wait3A_591 : memref<80x64xf32, #tpu.memory_space<vmem>>) dst(%dma_wait3A_597 : memref<10000x64xf32, #tpu.memory_space<vmem_shared>>)
    %dma_wait3A_600 = arith.constant 3 : i32
    %dma_wait3A_601 = arith.constant 3 : i32
    %dma_wait3A_602 = arith.constant 3 : i32
    %dma_wait3A_603 = arith.constant 0 : i32
    %dma_wait3A_604 = arith.constant 0 : i32
    %dma_wait3A_605 = tpu.memref_slice %arg13[%dma_wait3A_600, %dma_wait3A_603, %dma_wait3A_604] : memref<4x80x64xf32, #tpu.memory_space<vmem>> -> memref<1x80x64xf32, #tpu.memory_space<vmem>>
    %dma_wait3A_606 = tpu.memref_squeeze %dma_wait3A_605 : memref<1x80x64xf32, #tpu.memory_space<vmem>> -> memref<80x64xf32, #tpu.memory_space<vmem>>
    %dma_wait3A_607 = arith.constant 0 : i32
    %dma_wait3A_608 = tpu.memref_slice %arg12[%dma_wait3A_601, %dma_wait3A_607] : memref<8x80xi32, #tpu.memory_space<vmem>> -> memref<1x80xi32, #tpu.memory_space<vmem>>
    %dma_wait3A_609 = tpu.memref_squeeze %dma_wait3A_608 : memref<1x80xi32, #tpu.memory_space<vmem>> -> memref<80xi32, #tpu.memory_space<vmem>>
    %dma_wait3A_610 = arith.constant 0 : i32
    %dma_wait3A_611 = arith.constant 0 : i32
    %dma_wait3A_612 = tpu.memref_slice %arg19[%dma_wait3A_610, %dma_wait3A_611] : memref<10000x64xf32, #tpu.memory_space<vmem_shared>> -> memref<10000x64xf32, #tpu.memory_space<vmem_shared>>
    %dma_wait3A_613 = tpu.memref_slice %arg18[%dma_wait3A_602] : memref<4x!tpu.dma_semaphore, #tpu.memory_space<semaphore_mem>> -> memref<1x!tpu.dma_semaphore, #tpu.memory_space<semaphore_mem>>
    %dma_wait3A_614 = tpu.memref_squeeze %dma_wait3A_613 : memref<1x!tpu.dma_semaphore, #tpu.memory_space<semaphore_mem>> -> memref<!tpu.dma_semaphore, #tpu.memory_space<semaphore_mem>>
    tpu.wait_indirect_dma semaphore(%dma_wait3A_614 : memref<!tpu.dma_semaphore, #tpu.memory_space<semaphore_mem>>) src(%dma_wait3A_606 : memref<80x64xf32, #tpu.memory_space<vmem>>) dst(%dma_wait3A_612 : memref<10000x64xf32, #tpu.memory_space<vmem_shared>>)
    %dma_wait3A_615 = arith.constant 0 : i32
    %dma_wait3A_616 = arith.constant 4 : i32
    %dma_wait3A_617 = arith.constant 0 : i32
    %dma_wait3A_618 = arith.constant 0 : i32
    %dma_wait3A_619 = arith.constant 0 : i32
    %dma_wait3A_620 = tpu.memref_slice %arg13[%dma_wait3A_615, %dma_wait3A_618, %dma_wait3A_619] : memref<4x80x64xf32, #tpu.memory_space<vmem>> -> memref<1x80x64xf32, #tpu.memory_space<vmem>>
    %dma_wait3A_621 = tpu.memref_squeeze %dma_wait3A_620 : memref<1x80x64xf32, #tpu.memory_space<vmem>> -> memref<80x64xf32, #tpu.memory_space<vmem>>
    %dma_wait3A_622 = arith.constant 0 : i32
    %dma_wait3A_623 = tpu.memref_slice %arg12[%dma_wait3A_616, %dma_wait3A_622] : memref<8x80xi32, #tpu.memory_space<vmem>> -> memref<1x80xi32, #tpu.memory_space<vmem>>
    %dma_wait3A_624 = tpu.memref_squeeze %dma_wait3A_623 : memref<1x80xi32, #tpu.memory_space<vmem>> -> memref<80xi32, #tpu.memory_space<vmem>>
    %dma_wait3A_625 = arith.constant 0 : i32
    %dma_wait3A_626 = arith.constant 0 : i32
    %dma_wait3A_627 = tpu.memref_slice %arg19[%dma_wait3A_625, %dma_wait3A_626] : memref<10000x64xf32, #tpu.memory_space<vmem_shared>> -> memref<10000x64xf32, #tpu.memory_space<vmem_shared>>
    %dma_wait3A_628 = tpu.memref_slice %arg18[%dma_wait3A_617] : memref<4x!tpu.dma_semaphore, #tpu.memory_space<semaphore_mem>> -> memref<1x!tpu.dma_semaphore, #tpu.memory_space<semaphore_mem>>
    %dma_wait3A_629 = tpu.memref_squeeze %dma_wait3A_628 : memref<1x!tpu.dma_semaphore, #tpu.memory_space<semaphore_mem>> -> memref<!tpu.dma_semaphore, #tpu.memory_space<semaphore_mem>>
    tpu.wait_indirect_dma semaphore(%dma_wait3A_629 : memref<!tpu.dma_semaphore, #tpu.memory_space<semaphore_mem>>) src(%dma_wait3A_621 : memref<80x64xf32, #tpu.memory_space<vmem>>) dst(%dma_wait3A_627 : memref<10000x64xf32, #tpu.memory_space<vmem_shared>>)
    %barrier3A_630 = arith.constant 0 : index
    tpu.barrier barrier_id(%barrier3A_630)
    %run_scoped3A_631 = arith.constant 1 : i32
    "tpu.region"() ({
      %run_scoped3A_633 = tpu.sem_alloc : memref<!tpu.dma_semaphore, #tpu.memory_space<semaphore_mem>>
      %dma_start3A_634 = arith.constant 0 : i32
      %dma_start3A_635 = tpu.memref_slice %arg9[%run_scoped3A_631, %arg0, %min3A_5, %dma_start3A_634] : memref<2x2x10000x64xf32, #tpu.memory_space<hbm>> -> memref<1x1x640x64xf32, #tpu.memory_space<hbm>>
      %dma_start3A_636 = tpu.memref_squeeze %dma_start3A_635 : memref<1x1x640x64xf32, #tpu.memory_space<hbm>> -> memref<640x64xf32, #tpu.memory_space<hbm>>
      %dma_start3A_637 = arith.constant 0 : i32
      %dma_start3A_638 = tpu.memref_slice %arg19[%min3A_5, %dma_start3A_637] : memref<10000x64xf32, #tpu.memory_space<vmem_shared>> -> memref<640x64xf32, #tpu.memory_space<vmem_shared>>
      tpu.enqueue_dma source(%dma_start3A_638 : memref<640x64xf32, #tpu.memory_space<vmem_shared>>) target(%dma_start3A_636 : memref<640x64xf32, #tpu.memory_space<hbm>>) target_semaphore(%run_scoped3A_633 : memref<!tpu.dma_semaphore, #tpu.memory_space<semaphore_mem>>)
      %dma_wait3A_639 = arith.constant 0 : i32
      %dma_wait3A_640 = tpu.memref_slice %arg9[%run_scoped3A_631, %arg0, %min3A_5, %dma_wait3A_639] : memref<2x2x10000x64xf32, #tpu.memory_space<hbm>> -> memref<1x1x640x64xf32, #tpu.memory_space<hbm>>
      %dma_wait3A_641 = tpu.memref_squeeze %dma_wait3A_640 : memref<1x1x640x64xf32, #tpu.memory_space<hbm>> -> memref<640x64xf32, #tpu.memory_space<hbm>>
      %dma_wait3A_642 = arith.constant 0 : i32
      %dma_wait3A_643 = tpu.memref_slice %arg19[%min3A_5, %dma_wait3A_642] : memref<10000x64xf32, #tpu.memory_space<vmem_shared>> -> memref<640x64xf32, #tpu.memory_space<vmem_shared>>
      tpu.wait_dma2 semaphore(%run_scoped3A_633 : memref<!tpu.dma_semaphore, #tpu.memory_space<semaphore_mem>>) src(%dma_wait3A_643 : memref<640x64xf32, #tpu.memory_space<vmem_shared>>) dst(%dma_wait3A_641 : memref<640x64xf32, #tpu.memory_space<hbm>>)
      tpu.yield
    }) : () -> ()
    %barrier3A_632 = arith.constant 0 : index
    tpu.barrier barrier_id(%barrier3A_632)
    return
  }
}

#map = affine_map<(d0, d1) -> (0)>
#map1 = affine_map<(d0, d1) -> (0, 0)>
module attributes {stable_mosaic.version = 14 : i64} {
  func.func @k(%arg0: i32, %arg1: i32, %arg2: memref<320000xi32, #tpu.memory_space<hbm>>, %arg3: memref<40960xf32, #tpu.memory_space<hbm>>, %arg4: memref<2x40960xf32, #tpu.memory_space<hbm>>, %arg5: memref<10000xi32, #tpu.memory_space<vmem>>, %arg6: memref<80xi32, #tpu.memory_space<vmem>>, %arg7: memref<80xf32, #tpu.memory_space<vmem>>, %arg8: memref<40960xf32, #tpu.memory_space<vmem_shared>>) attributes {dimension_semantics = [#tpu.dimension_semantics<core_parallel>, #tpu.dimension_semantics<subcore_parallel>], iteration_bounds = array<i64: 2, 16>, scalar_prefetch = 0 : i64, scratch_operands = 4 : i64, tpu.core_type = #tpu.core_type<sc_vector_subcore>, window_params = [{transform_indices = #map}, {transform_indices = #map}, {transform_indices = #map1}]} {
    %mul3A = arith.constant 16 : i32
    %mul3A_0 = arith.muli %arg0, %mul3A : i32
    %add3A = arith.addi %mul3A_0, %arg1 : i32
    %mul3A_1 = arith.constant 10000 : i32
    %mul3A_2 = arith.muli %add3A, %mul3A_1 : i32
    "tpu.region"() ({
      %run_scoped3A = tpu.sem_alloc : memref<!tpu.dma_semaphore, #tpu.memory_space<semaphore_mem>>
      %dma_start3A = tpu.memref_slice %arg2[%mul3A_2] : memref<320000xi32, #tpu.memory_space<hbm>> -> memref<10000xi32, #tpu.memory_space<hbm>>
      %dma_start3A_26 = tpu.memref_slice %arg2[%mul3A_2] : memref<320000xi32, #tpu.memory_space<hbm>> -> memref<10000xi32, #tpu.memory_space<hbm>>
      tpu.enqueue_dma source(%dma_start3A_26 : memref<10000xi32, #tpu.memory_space<hbm>>) target(%arg5 : memref<10000xi32, #tpu.memory_space<vmem>>) target_semaphore(%run_scoped3A : memref<!tpu.dma_semaphore, #tpu.memory_space<semaphore_mem>>)
      %dma_wait3A = tpu.memref_slice %arg2[%mul3A_2] : memref<320000xi32, #tpu.memory_space<hbm>> -> memref<10000xi32, #tpu.memory_space<hbm>>
      %dma_wait3A_27 = tpu.memref_slice %arg2[%mul3A_2] : memref<320000xi32, #tpu.memory_space<hbm>> -> memref<10000xi32, #tpu.memory_space<hbm>>
      tpu.wait_dma2 semaphore(%run_scoped3A : memref<!tpu.dma_semaphore, #tpu.memory_space<semaphore_mem>>) src(%dma_wait3A_27 : memref<10000xi32, #tpu.memory_space<hbm>>) dst(%arg5 : memref<10000xi32, #tpu.memory_space<vmem>>)
      tpu.yield
    }) : () -> ()
    %broadcast_in_dim3A = arith.constant 1.000000e+00 : f32
    %broadcast_in_dim3A_3 = vector.broadcast %broadcast_in_dim3A : f32 to vector<16xf32>
    %swap3A = arith.constant 0 : index
    %swap3A_4 = tpu.vector_load %arg7[%swap3A] {strides = array<i32>} : memref<80xf32, #tpu.memory_space<vmem>>, vector<16xf32>,
    tpu.vector_store %arg7[%swap3A], %broadcast_in_dim3A_3 {strides = array<i32>} : memref<80xf32, #tpu.memory_space<vmem>>, vector<16xf32>,
    %swap3A_5 = arith.constant 16 : index
    %swap3A_6 = tpu.vector_load %arg7[%swap3A_5] {strides = array<i32>} : memref<80xf32, #tpu.memory_space<vmem>>, vector<16xf32>,
    tpu.vector_store %arg7[%swap3A_5], %broadcast_in_dim3A_3 {strides = array<i32>} : memref<80xf32, #tpu.memory_space<vmem>>, vector<16xf32>,
    %swap3A_7 = arith.constant 32 : index
    %swap3A_8 = tpu.vector_load %arg7[%swap3A_7] {strides = array<i32>} : memref<80xf32, #tpu.memory_space<vmem>>, vector<16xf32>,
    tpu.vector_store %arg7[%swap3A_7], %broadcast_in_dim3A_3 {strides = array<i32>} : memref<80xf32, #tpu.memory_space<vmem>>, vector<16xf32>,
    %swap3A_9 = arith.constant 48 : index
    %swap3A_10 = tpu.vector_load %arg7[%swap3A_9] {strides = array<i32>} : memref<80xf32, #tpu.memory_space<vmem>>, vector<16xf32>,
    tpu.vector_store %arg7[%swap3A_9], %broadcast_in_dim3A_3 {strides = array<i32>} : memref<80xf32, #tpu.memory_space<vmem>>, vector<16xf32>,
    %swap3A_11 = arith.constant 64 : index
    %swap3A_12 = tpu.vector_load %arg7[%swap3A_11] {strides = array<i32>} : memref<80xf32, #tpu.memory_space<vmem>>, vector<16xf32>,
    tpu.vector_store %arg7[%swap3A_11], %broadcast_in_dim3A_3 {strides = array<i32>} : memref<80xf32, #tpu.memory_space<vmem>>, vector<16xf32>,
    %eq3A = arith.constant 0 : i32
    %eq3A_13 = arith.cmpi eq, %arg1, %eq3A : i32
    %convert_element_type3A = arith.extui %eq3A_13 : i1 to i32
    %cond3A = arith.constant 0 : i32
    %cond3A_14 = arith.cmpi ne, %convert_element_type3A, %cond3A : i32
    scf.if %cond3A_14 {
      "tpu.region"() ({
        %run_scoped3A = tpu.sem_alloc : memref<!tpu.dma_semaphore, #tpu.memory_space<semaphore_mem>>
        tpu.enqueue_dma source(%arg3 : memref<40960xf32, #tpu.memory_space<hbm>>) target(%arg8 : memref<40960xf32, #tpu.memory_space<vmem_shared>>) target_semaphore(%run_scoped3A : memref<!tpu.dma_semaphore, #tpu.memory_space<semaphore_mem>>)
        tpu.wait_dma2 semaphore(%run_scoped3A : memref<!tpu.dma_semaphore, #tpu.memory_space<semaphore_mem>>) src(%arg3 : memref<40960xf32, #tpu.memory_space<hbm>>) dst(%arg8 : memref<40960xf32, #tpu.memory_space<vmem_shared>>)
        tpu.yield
      }) : () -> ()
    } else {
    }
    %barrier3A = arith.constant 0 : index
    tpu.barrier barrier_id(%barrier3A)
    %scan3A = arith.constant 0 : i32
    %scan3A_15 = arith.constant 0 : i32
    %scan3A_16 = arith.constant 125 : i32
    %scan3A_17 = arith.addi %scan3A_15, %scan3A_16 : i32
    %scan3A_18 = arith.constant 1 : i32
    scf.for %scan3A_26 = %scan3A_15 to %scan3A_17 step %scan3A_18  : i32 {
      %mul3A_27 = arith.constant 80 : i32
      %mul3A_28 = arith.muli %scan3A_26, %mul3A_27 : i32
      %add3A_29 = arith.constant 0 : i32
      %add3A_30 = arith.addi %mul3A_28, %add3A_29 : i32
      %get3A = arith.index_cast %add3A_30 : i32 to index
      %get3A_31 = tpu.vector_load %arg5[%get3A] {strides = array<i32>} : memref<10000xi32, #tpu.memory_space<vmem>>, vector<16xi32>,
      %swap3A_32 = arith.constant 0 : index
      %swap3A_33 = tpu.vector_load %arg6[%swap3A_32] {strides = array<i32>} : memref<80xi32, #tpu.memory_space<vmem>>, vector<16xi32>,
      tpu.vector_store %arg6[%swap3A_32], %get3A_31 {strides = array<i32>} : memref<80xi32, #tpu.memory_space<vmem>>, vector<16xi32>,
      %add3A_34 = arith.constant 16 : i32
      %add3A_35 = arith.addi %mul3A_28, %add3A_34 : i32
      %get3A_36 = arith.index_cast %add3A_35 : i32 to index
      %get3A_37 = tpu.vector_load %arg5[%get3A_36] {strides = array<i32>} : memref<10000xi32, #tpu.memory_space<vmem>>, vector<16xi32>,
      %swap3A_38 = arith.constant 16 : index
      %swap3A_39 = tpu.vector_load %arg6[%swap3A_38] {strides = array<i32>} : memref<80xi32, #tpu.memory_space<vmem>>, vector<16xi32>,
      tpu.vector_store %arg6[%swap3A_38], %get3A_37 {strides = array<i32>} : memref<80xi32, #tpu.memory_space<vmem>>, vector<16xi32>,
      %add3A_40 = arith.constant 32 : i32
      %add3A_41 = arith.addi %mul3A_28, %add3A_40 : i32
      %get3A_42 = arith.index_cast %add3A_41 : i32 to index
      %get3A_43 = tpu.vector_load %arg5[%get3A_42] {strides = array<i32>} : memref<10000xi32, #tpu.memory_space<vmem>>, vector<16xi32>,
      %swap3A_44 = arith.constant 32 : index
      %swap3A_45 = tpu.vector_load %arg6[%swap3A_44] {strides = array<i32>} : memref<80xi32, #tpu.memory_space<vmem>>, vector<16xi32>,
      tpu.vector_store %arg6[%swap3A_44], %get3A_43 {strides = array<i32>} : memref<80xi32, #tpu.memory_space<vmem>>, vector<16xi32>,
      %add3A_46 = arith.constant 48 : i32
      %add3A_47 = arith.addi %mul3A_28, %add3A_46 : i32
      %get3A_48 = arith.index_cast %add3A_47 : i32 to index
      %get3A_49 = tpu.vector_load %arg5[%get3A_48] {strides = array<i32>} : memref<10000xi32, #tpu.memory_space<vmem>>, vector<16xi32>,
      %swap3A_50 = arith.constant 48 : index
      %swap3A_51 = tpu.vector_load %arg6[%swap3A_50] {strides = array<i32>} : memref<80xi32, #tpu.memory_space<vmem>>, vector<16xi32>,
      tpu.vector_store %arg6[%swap3A_50], %get3A_49 {strides = array<i32>} : memref<80xi32, #tpu.memory_space<vmem>>, vector<16xi32>,
      %add3A_52 = arith.constant 64 : i32
      %add3A_53 = arith.addi %mul3A_28, %add3A_52 : i32
      %get3A_54 = arith.index_cast %add3A_53 : i32 to index
      %get3A_55 = tpu.vector_load %arg5[%get3A_54] {strides = array<i32>} : memref<10000xi32, #tpu.memory_space<vmem>>, vector<16xi32>,
      %swap3A_56 = arith.constant 64 : index
      %swap3A_57 = tpu.vector_load %arg6[%swap3A_56] {strides = array<i32>} : memref<80xi32, #tpu.memory_space<vmem>>, vector<16xi32>,
      tpu.vector_store %arg6[%swap3A_56], %get3A_55 {strides = array<i32>} : memref<80xi32, #tpu.memory_space<vmem>>, vector<16xi32>,
      "tpu.region"() ({
        %run_scoped3A = tpu.sem_alloc : memref<!tpu.dma_semaphore, #tpu.memory_space<semaphore_mem>>
        %dma_start3A = arith.constant 0 : i32
        %dma_start3A_58 = tpu.memref_slice %arg8[%dma_start3A] : memref<40960xf32, #tpu.memory_space<vmem_shared>> -> memref<40960xf32, #tpu.memory_space<vmem_shared>>
        tpu.enqueue_indirect_dma source(%arg7 : memref<80xf32, #tpu.memory_space<vmem>>) target(%dma_start3A_58 : memref<40960xf32, #tpu.memory_space<vmem_shared>>) offsets(%arg6 : memref<80xi32, #tpu.memory_space<vmem>>) semaphore(%run_scoped3A : memref<!tpu.dma_semaphore, #tpu.memory_space<semaphore_mem>>) {add = true}
        %dma_wait3A = arith.constant 0 : i32
        %dma_wait3A_59 = tpu.memref_slice %arg8[%dma_wait3A] : memref<40960xf32, #tpu.memory_space<vmem_shared>> -> memref<40960xf32, #tpu.memory_space<vmem_shared>>
        tpu.wait_indirect_dma semaphore(%run_scoped3A : memref<!tpu.dma_semaphore, #tpu.memory_space<semaphore_mem>>) src(%arg7 : memref<80xf32, #tpu.memory_space<vmem>>) dst(%dma_wait3A_59 : memref<40960xf32, #tpu.memory_space<vmem_shared>>)
        tpu.yield
      }) : () -> ()
    }
    %scan3A_19 = arith.constant 125 : i32
    %barrier3A_20 = arith.constant 0 : index
    tpu.barrier barrier_id(%barrier3A_20)
    %eq3A_21 = arith.constant 0 : i32
    %eq3A_22 = arith.cmpi eq, %arg1, %eq3A_21 : i32
    %convert_element_type3A_23 = arith.extui %eq3A_22 : i1 to i32
    %cond3A_24 = arith.constant 0 : i32
    %cond3A_25 = arith.cmpi ne, %convert_element_type3A_23, %cond3A_24 : i32
    scf.if %cond3A_25 {
      "tpu.region"() ({
        %run_scoped3A = tpu.sem_alloc : memref<!tpu.dma_semaphore, #tpu.memory_space<semaphore_mem>>
        %dma_start3A = arith.constant 0 : i32
        %dma_start3A_26 = tpu.memref_slice %arg4[%arg0, %dma_start3A] : memref<2x40960xf32, #tpu.memory_space<hbm>> -> memref<1x40960xf32, #tpu.memory_space<hbm>>
        %dma_start3A_27 = tpu.memref_squeeze %dma_start3A_26 : memref<1x40960xf32, #tpu.memory_space<hbm>> -> memref<40960xf32, #tpu.memory_space<hbm>>
        tpu.enqueue_dma source(%arg8 : memref<40960xf32, #tpu.memory_space<vmem_shared>>) target(%dma_start3A_27 : memref<40960xf32, #tpu.memory_space<hbm>>) target_semaphore(%run_scoped3A : memref<!tpu.dma_semaphore, #tpu.memory_space<semaphore_mem>>)
        %dma_wait3A = arith.constant 0 : i32
        %dma_wait3A_28 = tpu.memref_slice %arg4[%arg0, %dma_wait3A] : memref<2x40960xf32, #tpu.memory_space<hbm>> -> memref<1x40960xf32, #tpu.memory_space<hbm>>
        %dma_wait3A_29 = tpu.memref_squeeze %dma_wait3A_28 : memref<1x40960xf32, #tpu.memory_space<hbm>> -> memref<40960xf32, #tpu.memory_space<hbm>>
        tpu.wait_dma2 semaphore(%run_scoped3A : memref<!tpu.dma_semaphore, #tpu.memory_space<semaphore_mem>>) src(%arg8 : memref<40960xf32, #tpu.memory_space<vmem_shared>>) dst(%dma_wait3A_29 : memref<40960xf32, #tpu.memory_space<hbm>>)
        tpu.yield
      }) : () -> ()
    } else {
    }
    return
  }
}

#map = affine_map<(d0, d1) -> (0, 0)>
#map1 = affine_map<(d0, d1) -> (0)>
#map2 = affine_map<(d0, d1) -> (0, 0, 0, 0)>
module attributes {stable_mosaic.version = 14 : i64} {
  func.func @k(%arg0: i32, %arg1: i32, %arg2: memref<40000x64xf32, #tpu.memory_space<hbm>>, %arg3: memref<40000x64xf32, #tpu.memory_space<hbm>>, %arg4: memref<40960x16xf32, #tpu.memory_space<hbm>>, %arg5: memref<320000xi32, #tpu.memory_space<hbm>>, %arg6: memref<320000xi32, #tpu.memory_space<hbm>>, %arg7: memref<320000xi32, #tpu.memory_space<hbm>>, %arg8: memref<10000x64xf32, #tpu.memory_space<hbm>>, %arg9: memref<2x2x10000x64xf32, #tpu.memory_space<hbm>>, %arg10: memref<8x80xi32, #tpu.memory_space<vmem>>, %arg11: memref<8x80xi32, #tpu.memory_space<vmem>>, %arg12: memref<8x80xi32, #tpu.memory_space<vmem>>, %arg13: memref<4x80x64xf32, #tpu.memory_space<vmem>>, %arg14: memref<4x80x16xf32, #tpu.memory_space<vmem>>, %arg15: memref<8x!tpu.dma_semaphore, #tpu.memory_space<semaphore_mem>>, %arg16: memref<4x!tpu.dma_semaphore, #tpu.memory_space<semaphore_mem>>, %arg17: memref<4x!tpu.dma_semaphore, #tpu.memory_space<semaphore_mem>>, %arg18: memref<4x!tpu.dma_semaphore, #tpu.memory_space<semaphore_mem>>, %arg19: memref<10000x64xf32, #tpu.memory_space<vmem_shared>>) attributes {dimension_semantics = [#tpu.dimension_semantics<core_parallel>, #tpu.dimension_semantics<subcore_parallel>], iteration_bounds = array<i64: 2, 16>, scalar_prefetch = 0 : i64, scratch_operands = 10 : i64, tpu.core_type = #tpu.core_type<sc_vector_subcore>, window_params = [{transform_indices = #map}, {transform_indices = #map}, {transform_indices = #map}, {transform_indices = #map1}, {transform_indices = #map1}, {transform_indices = #map1}, {transform_indices = #map}, {transform_indices = #map2}]} {
    %mul3A = arith.constant 16 : i32
    %mul3A_0 = arith.muli %arg0, %mul3A : i32
    %add3A = arith.addi %mul3A_0, %arg1 : i32
    %mul3A_1 = arith.constant 10000 : i32
    %mul3A_2 = arith.muli %add3A, %mul3A_1 : i32
    %mul3A_3 = arith.constant 640 : i32
    %mul3A_4 = arith.muli %arg1, %mul3A_3 : i32
    %min3A = arith.constant 9360 : i32
    %min3A_5 = arith.minsi %mul3A_4, %min3A : i32
    "tpu.region"() ({
      %run_scoped3A_633 = tpu.sem_alloc : memref<!tpu.dma_semaphore, #tpu.memory_space<semaphore_mem>>
      %dma_start3A_634 = arith.constant 0 : i32
      %dma_start3A_635 = tpu.memref_slice %arg19[%min3A_5, %dma_start3A_634] : memref<10000x64xf32, #tpu.memory_space<vmem_shared>> -> memref<640x64xf32, #tpu.memory_space<vmem_shared>>
      %dma_start3A_636 = arith.constant 0 : i32
      %dma_start3A_637 = tpu.memref_slice %arg8[%min3A_5, %dma_start3A_636] : memref<10000x64xf32, #tpu.memory_space<hbm>> -> memref<640x64xf32, #tpu.memory_space<hbm>>
      tpu.enqueue_dma source(%dma_start3A_637 : memref<640x64xf32, #tpu.memory_space<hbm>>) target(%dma_start3A_635 : memref<640x64xf32, #tpu.memory_space<vmem_shared>>) target_semaphore(%run_scoped3A_633 : memref<!tpu.dma_semaphore, #tpu.memory_space<semaphore_mem>>)
      %dma_wait3A_638 = arith.constant 0 : i32
      %dma_wait3A_639 = tpu.memref_slice %arg19[%min3A_5, %dma_wait3A_638] : memref<10000x64xf32, #tpu.memory_space<vmem_shared>> -> memref<640x64xf32, #tpu.memory_space<vmem_shared>>
      %dma_wait3A_640 = arith.constant 0 : i32
      %dma_wait3A_641 = tpu.memref_slice %arg8[%min3A_5, %dma_wait3A_640] : memref<10000x64xf32, #tpu.memory_space<hbm>> -> memref<640x64xf32, #tpu.memory_space<hbm>>
      tpu.wait_dma2 semaphore(%run_scoped3A_633 : memref<!tpu.dma_semaphore, #tpu.memory_space<semaphore_mem>>) src(%dma_wait3A_641 : memref<640x64xf32, #tpu.memory_space<hbm>>) dst(%dma_wait3A_639 : memref<640x64xf32, #tpu.memory_space<vmem_shared>>)
      tpu.yield
    }) : () -> ()
    %barrier3A = arith.constant 0 : index
    tpu.barrier barrier_id(%barrier3A)
    %add3A_6 = arith.constant 0 : i32
    %add3A_7 = arith.addi %mul3A_2, %add3A_6 : i32
    %dma_start3A = arith.constant 0 : i32
    %dma_start3A_8 = arith.constant 0 : i32
    %dma_start3A_9 = arith.constant 0 : i32
    %dma_start3A_10 = tpu.memref_slice %arg10[%dma_start3A, %dma_start3A_9] : memref<8x80xi32, #tpu.memory_space<vmem>> -> memref<1x80xi32, #tpu.memory_space<vmem>>
    %dma_start3A_11 = tpu.memref_squeeze %dma_start3A_10 : memref<1x80xi32, #tpu.memory_space<vmem>> -> memref<80xi32, #tpu.memory_space<vmem>>
    %dma_start3A_12 = tpu.memref_slice %arg5[%add3A_7] : memref<320000xi32, #tpu.memory_space<hbm>> -> memref<80xi32, #tpu.memory_space<hbm>>
    %dma_start3A_13 = tpu.memref_slice %arg15[%dma_start3A_8] : memref<8x!tpu.dma_semaphore, #tpu.memory_space<semaphore_mem>> -> memref<1x!tpu.dma_semaphore, #tpu.memory_space<semaphore_mem>>
    %dma_start3A_14 = tpu.memref_squeeze %dma_start3A_13 : memref<1x!tpu.dma_semaphore, #tpu.memory_space<semaphore_mem>> -> memref<!tpu.dma_semaphore, #tpu.memory_space<semaphore_mem>>
    %dma_start3A_15 = arith.constant 0 : i32
    %dma_start3A_16 = tpu.memref_slice %arg10[%dma_start3A, %dma_start3A_15] : memref<8x80xi32, #tpu.memory_space<vmem>> -> memref<1x80xi32, #tpu.memory_space<vmem>>
    %dma_start3A_17 = tpu.memref_squeeze %dma_start3A_16 : memref<1x80xi32, #tpu.memory_space<vmem>> -> memref<80xi32, #tpu.memory_space<vmem>>
    %dma_start3A_18 = tpu.memref_slice %arg5[%add3A_7] : memref<320000xi32, #tpu.memory_space<hbm>> -> memref<80xi32, #tpu.memory_space<hbm>>
    tpu.enqueue_dma source(%dma_start3A_18 : memref<80xi32, #tpu.memory_space<hbm>>) target(%dma_start3A_17 : memref<80xi32, #tpu.memory_space<vmem>>) target_semaphore(%dma_start3A_14 : memref<!tpu.dma_semaphore, #tpu.memory_space<semaphore_mem>>)
    %dma_start3A_19 = arith.constant 0 : i32
    %dma_start3A_20 = arith.constant 0 : i32
    %dma_start3A_21 = arith.constant 0 : i32
    %dma_start3A_22 = tpu.memref_slice %arg11[%dma_start3A_19, %dma_start3A_21] : memref<8x80xi32, #tpu.memory_space<vmem>> -> memref<1x80xi32, #tpu.memory_space<vmem>>
    %dma_start3A_23 = tpu.memref_squeeze %dma_start3A_22 : memref<1x80xi32, #tpu.memory_space<vmem>> -> memref<80xi32, #tpu.memory_space<vmem>>
    %dma_start3A_24 = tpu.memref_slice %arg6[%add3A_7] : memref<320000xi32, #tpu.memory_space<hbm>> -> memref<80xi32, #tpu.memory_space<hbm>>
    %dma_start3A_25 = tpu.memref_slice %arg15[%dma_start3A_20] : memref<8x!tpu.dma_semaphore, #tpu.memory_space<semaphore_mem>> -> memref<1x!tpu.dma_semaphore, #tpu.memory_space<semaphore_mem>>
    %dma_start3A_26 = tpu.memref_squeeze %dma_start3A_25 : memref<1x!tpu.dma_semaphore, #tpu.memory_space<semaphore_mem>> -> memref<!tpu.dma_semaphore, #tpu.memory_space<semaphore_mem>>
    %dma_start3A_27 = arith.constant 0 : i32
    %dma_start3A_28 = tpu.memref_slice %arg11[%dma_start3A_19, %dma_start3A_27] : memref<8x80xi32, #tpu.memory_space<vmem>> -> memref<1x80xi32, #tpu.memory_space<vmem>>
    %dma_start3A_29 = tpu.memref_squeeze %dma_start3A_28 : memref<1x80xi32, #tpu.memory_space<vmem>> -> memref<80xi32, #tpu.memory_space<vmem>>
    %dma_start3A_30 = tpu.memref_slice %arg6[%add3A_7] : memref<320000xi32, #tpu.memory_space<hbm>> -> memref<80xi32, #tpu.memory_space<hbm>>
    tpu.enqueue_dma source(%dma_start3A_30 : memref<80xi32, #tpu.memory_space<hbm>>) target(%dma_start3A_29 : memref<80xi32, #tpu.memory_space<vmem>>) target_semaphore(%dma_start3A_26 : memref<!tpu.dma_semaphore, #tpu.memory_space<semaphore_mem>>)
    %dma_start3A_31 = arith.constant 0 : i32
    %dma_start3A_32 = arith.constant 0 : i32
    %dma_start3A_33 = arith.constant 0 : i32
    %dma_start3A_34 = tpu.memref_slice %arg12[%dma_start3A_31, %dma_start3A_33] : memref<8x80xi32, #tpu.memory_space<vmem>> -> memref<1x80xi32, #tpu.memory_space<vmem>>
    %dma_start3A_35 = tpu.memref_squeeze %dma_start3A_34 : memref<1x80xi32, #tpu.memory_space<vmem>> -> memref<80xi32, #tpu.memory_space<vmem>>
    %dma_start3A_36 = tpu.memref_slice %arg7[%add3A_7] : memref<320000xi32, #tpu.memory_space<hbm>> -> memref<80xi32, #tpu.memory_space<hbm>>
    %dma_start3A_37 = tpu.memref_slice %arg15[%dma_start3A_32] : memref<8x!tpu.dma_semaphore, #tpu.memory_space<semaphore_mem>> -> memref<1x!tpu.dma_semaphore, #tpu.memory_space<semaphore_mem>>
    %dma_start3A_38 = tpu.memref_squeeze %dma_start3A_37 : memref<1x!tpu.dma_semaphore, #tpu.memory_space<semaphore_mem>> -> memref<!tpu.dma_semaphore, #tpu.memory_space<semaphore_mem>>
    %dma_start3A_39 = arith.constant 0 : i32
    %dma_start3A_40 = tpu.memref_slice %arg12[%dma_start3A_31, %dma_start3A_39] : memref<8x80xi32, #tpu.memory_space<vmem>> -> memref<1x80xi32, #tpu.memory_space<vmem>>
    %dma_start3A_41 = tpu.memref_squeeze %dma_start3A_40 : memref<1x80xi32, #tpu.memory_space<vmem>> -> memref<80xi32, #tpu.memory_space<vmem>>
    %dma_start3A_42 = tpu.memref_slice %arg7[%add3A_7] : memref<320000xi32, #tpu.memory_space<hbm>> -> memref<80xi32, #tpu.memory_space<hbm>>
    tpu.enqueue_dma source(%dma_start3A_42 : memref<80xi32, #tpu.memory_space<hbm>>) target(%dma_start3A_41 : memref<80xi32, #tpu.memory_space<vmem>>) target_semaphore(%dma_start3A_38 : memref<!tpu.dma_semaphore, #tpu.memory_space<semaphore_mem>>)
    %add3A_43 = arith.constant 80 : i32
    %add3A_44 = arith.addi %mul3A_2, %add3A_43 : i32
    %dma_start3A_45 = arith.constant 1 : i32
    %dma_start3A_46 = arith.constant 1 : i32
    %dma_start3A_47 = arith.constant 0 : i32
    %dma_start3A_48 = tpu.memref_slice %arg10[%dma_start3A_45, %dma_start3A_47] : memref<8x80xi32, #tpu.memory_space<vmem>> -> memref<1x80xi32, #tpu.memory_space<vmem>>
    %dma_start3A_49 = tpu.memref_squeeze %dma_start3A_48 : memref<1x80xi32, #tpu.memory_space<vmem>> -> memref<80xi32, #tpu.memory_space<vmem>>
    %dma_start3A_50 = tpu.memref_slice %arg5[%add3A_44] : memref<320000xi32, #tpu.memory_space<hbm>> -> memref<80xi32, #tpu.memory_space<hbm>>
    %dma_start3A_51 = tpu.memref_slice %arg15[%dma_start3A_46] : memref<8x!tpu.dma_semaphore, #tpu.memory_space<semaphore_mem>> -> memref<1x!tpu.dma_semaphore, #tpu.memory_space<semaphore_mem>>
    %dma_start3A_52 = tpu.memref_squeeze %dma_start3A_51 : memref<1x!tpu.dma_semaphore, #tpu.memory_space<semaphore_mem>> -> memref<!tpu.dma_semaphore, #tpu.memory_space<semaphore_mem>>
    %dma_start3A_53 = arith.constant 0 : i32
    %dma_start3A_54 = tpu.memref_slice %arg10[%dma_start3A_45, %dma_start3A_53] : memref<8x80xi32, #tpu.memory_space<vmem>> -> memref<1x80xi32, #tpu.memory_space<vmem>>
    %dma_start3A_55 = tpu.memref_squeeze %dma_start3A_54 : memref<1x80xi32, #tpu.memory_space<vmem>> -> memref<80xi32, #tpu.memory_space<vmem>>
    %dma_start3A_56 = tpu.memref_slice %arg5[%add3A_44] : memref<320000xi32, #tpu.memory_space<hbm>> -> memref<80xi32, #tpu.memory_space<hbm>>
    tpu.enqueue_dma source(%dma_start3A_56 : memref<80xi32, #tpu.memory_space<hbm>>) target(%dma_start3A_55 : memref<80xi32, #tpu.memory_space<vmem>>) target_semaphore(%dma_start3A_52 : memref<!tpu.dma_semaphore, #tpu.memory_space<semaphore_mem>>)
    %dma_start3A_57 = arith.constant 1 : i32
    %dma_start3A_58 = arith.constant 1 : i32
    %dma_start3A_59 = arith.constant 0 : i32
    %dma_start3A_60 = tpu.memref_slice %arg11[%dma_start3A_57, %dma_start3A_59] : memref<8x80xi32, #tpu.memory_space<vmem>> -> memref<1x80xi32, #tpu.memory_space<vmem>>
    %dma_start3A_61 = tpu.memref_squeeze %dma_start3A_60 : memref<1x80xi32, #tpu.memory_space<vmem>> -> memref<80xi32, #tpu.memory_space<vmem>>
    %dma_start3A_62 = tpu.memref_slice %arg6[%add3A_44] : memref<320000xi32, #tpu.memory_space<hbm>> -> memref<80xi32, #tpu.memory_space<hbm>>
    %dma_start3A_63 = tpu.memref_slice %arg15[%dma_start3A_58] : memref<8x!tpu.dma_semaphore, #tpu.memory_space<semaphore_mem>> -> memref<1x!tpu.dma_semaphore, #tpu.memory_space<semaphore_mem>>
    %dma_start3A_64 = tpu.memref_squeeze %dma_start3A_63 : memref<1x!tpu.dma_semaphore, #tpu.memory_space<semaphore_mem>> -> memref<!tpu.dma_semaphore, #tpu.memory_space<semaphore_mem>>
    %dma_start3A_65 = arith.constant 0 : i32
    %dma_start3A_66 = tpu.memref_slice %arg11[%dma_start3A_57, %dma_start3A_65] : memref<8x80xi32, #tpu.memory_space<vmem>> -> memref<1x80xi32, #tpu.memory_space<vmem>>
    %dma_start3A_67 = tpu.memref_squeeze %dma_start3A_66 : memref<1x80xi32, #tpu.memory_space<vmem>> -> memref<80xi32, #tpu.memory_space<vmem>>
    %dma_start3A_68 = tpu.memref_slice %arg6[%add3A_44] : memref<320000xi32, #tpu.memory_space<hbm>> -> memref<80xi32, #tpu.memory_space<hbm>>
    tpu.enqueue_dma source(%dma_start3A_68 : memref<80xi32, #tpu.memory_space<hbm>>) target(%dma_start3A_67 : memref<80xi32, #tpu.memory_space<vmem>>) target_semaphore(%dma_start3A_64 : memref<!tpu.dma_semaphore, #tpu.memory_space<semaphore_mem>>)
    %dma_start3A_69 = arith.constant 1 : i32
    %dma_start3A_70 = arith.constant 1 : i32
    %dma_start3A_71 = arith.constant 0 : i32
    %dma_start3A_72 = tpu.memref_slice %arg12[%dma_start3A_69, %dma_start3A_71] : memref<8x80xi32, #tpu.memory_space<vmem>> -> memref<1x80xi32, #tpu.memory_space<vmem>>
    %dma_start3A_73 = tpu.memref_squeeze %dma_start3A_72 : memref<1x80xi32, #tpu.memory_space<vmem>> -> memref<80xi32, #tpu.memory_space<vmem>>
    %dma_start3A_74 = tpu.memref_slice %arg7[%add3A_44] : memref<320000xi32, #tpu.memory_space<hbm>> -> memref<80xi32, #tpu.memory_space<hbm>>
    %dma_start3A_75 = tpu.memref_slice %arg15[%dma_start3A_70] : memref<8x!tpu.dma_semaphore, #tpu.memory_space<semaphore_mem>> -> memref<1x!tpu.dma_semaphore, #tpu.memory_space<semaphore_mem>>
    %dma_start3A_76 = tpu.memref_squeeze %dma_start3A_75 : memref<1x!tpu.dma_semaphore, #tpu.memory_space<semaphore_mem>> -> memref<!tpu.dma_semaphore, #tpu.memory_space<semaphore_mem>>
    %dma_start3A_77 = arith.constant 0 : i32
    %dma_start3A_78 = tpu.memref_slice %arg12[%dma_start3A_69, %dma_start3A_77] : memref<8x80xi32, #tpu.memory_space<vmem>> -> memref<1x80xi32, #tpu.memory_space<vmem>>
    %dma_start3A_79 = tpu.memref_squeeze %dma_start3A_78 : memref<1x80xi32, #tpu.memory_space<vmem>> -> memref<80xi32, #tpu.memory_space<vmem>>
    %dma_start3A_80 = tpu.memref_slice %arg7[%add3A_44] : memref<320000xi32, #tpu.memory_space<hbm>> -> memref<80xi32, #tpu.memory_space<hbm>>
    tpu.enqueue_dma source(%dma_start3A_80 : memref<80xi32, #tpu.memory_space<hbm>>) target(%dma_start3A_79 : memref<80xi32, #tpu.memory_space<vmem>>) target_semaphore(%dma_start3A_76 : memref<!tpu.dma_semaphore, #tpu.memory_space<semaphore_mem>>)
    %add3A_81 = arith.constant 160 : i32
    %add3A_82 = arith.addi %mul3A_2, %add3A_81 : i32
    %dma_start3A_83 = arith.constant 2 : i32
    %dma_start3A_84 = arith.constant 2 : i32
    %dma_start3A_85 = arith.constant 0 : i32
    %dma_start3A_86 = tpu.memref_slice %arg10[%dma_start3A_83, %dma_start3A_85] : memref<8x80xi32, #tpu.memory_space<vmem>> -> memref<1x80xi32, #tpu.memory_space<vmem>>
    %dma_start3A_87 = tpu.memref_squeeze %dma_start3A_86 : memref<1x80xi32, #tpu.memory_space<vmem>> -> memref<80xi32, #tpu.memory_space<vmem>>
    %dma_start3A_88 = tpu.memref_slice %arg5[%add3A_82] : memref<320000xi32, #tpu.memory_space<hbm>> -> memref<80xi32, #tpu.memory_space<hbm>>
    %dma_start3A_89 = tpu.memref_slice %arg15[%dma_start3A_84] : memref<8x!tpu.dma_semaphore, #tpu.memory_space<semaphore_mem>> -> memref<1x!tpu.dma_semaphore, #tpu.memory_space<semaphore_mem>>
    %dma_start3A_90 = tpu.memref_squeeze %dma_start3A_89 : memref<1x!tpu.dma_semaphore, #tpu.memory_space<semaphore_mem>> -> memref<!tpu.dma_semaphore, #tpu.memory_space<semaphore_mem>>
    %dma_start3A_91 = arith.constant 0 : i32
    %dma_start3A_92 = tpu.memref_slice %arg10[%dma_start3A_83, %dma_start3A_91] : memref<8x80xi32, #tpu.memory_space<vmem>> -> memref<1x80xi32, #tpu.memory_space<vmem>>
    %dma_start3A_93 = tpu.memref_squeeze %dma_start3A_92 : memref<1x80xi32, #tpu.memory_space<vmem>> -> memref<80xi32, #tpu.memory_space<vmem>>
    %dma_start3A_94 = tpu.memref_slice %arg5[%add3A_82] : memref<320000xi32, #tpu.memory_space<hbm>> -> memref<80xi32, #tpu.memory_space<hbm>>
    tpu.enqueue_dma source(%dma_start3A_94 : memref<80xi32, #tpu.memory_space<hbm>>) target(%dma_start3A_93 : memref<80xi32, #tpu.memory_space<vmem>>) target_semaphore(%dma_start3A_90 : memref<!tpu.dma_semaphore, #tpu.memory_space<semaphore_mem>>)
    %dma_start3A_95 = arith.constant 2 : i32
    %dma_start3A_96 = arith.constant 2 : i32
    %dma_start3A_97 = arith.constant 0 : i32
    %dma_start3A_98 = tpu.memref_slice %arg11[%dma_start3A_95, %dma_start3A_97] : memref<8x80xi32, #tpu.memory_space<vmem>> -> memref<1x80xi32, #tpu.memory_space<vmem>>
    %dma_start3A_99 = tpu.memref_squeeze %dma_start3A_98 : memref<1x80xi32, #tpu.memory_space<vmem>> -> memref<80xi32, #tpu.memory_space<vmem>>
    %dma_start3A_100 = tpu.memref_slice %arg6[%add3A_82] : memref<320000xi32, #tpu.memory_space<hbm>> -> memref<80xi32, #tpu.memory_space<hbm>>
    %dma_start3A_101 = tpu.memref_slice %arg15[%dma_start3A_96] : memref<8x!tpu.dma_semaphore, #tpu.memory_space<semaphore_mem>> -> memref<1x!tpu.dma_semaphore, #tpu.memory_space<semaphore_mem>>
    %dma_start3A_102 = tpu.memref_squeeze %dma_start3A_101 : memref<1x!tpu.dma_semaphore, #tpu.memory_space<semaphore_mem>> -> memref<!tpu.dma_semaphore, #tpu.memory_space<semaphore_mem>>
    %dma_start3A_103 = arith.constant 0 : i32
    %dma_start3A_104 = tpu.memref_slice %arg11[%dma_start3A_95, %dma_start3A_103] : memref<8x80xi32, #tpu.memory_space<vmem>> -> memref<1x80xi32, #tpu.memory_space<vmem>>
    %dma_start3A_105 = tpu.memref_squeeze %dma_start3A_104 : memref<1x80xi32, #tpu.memory_space<vmem>> -> memref<80xi32, #tpu.memory_space<vmem>>
    %dma_start3A_106 = tpu.memref_slice %arg6[%add3A_82] : memref<320000xi32, #tpu.memory_space<hbm>> -> memref<80xi32, #tpu.memory_space<hbm>>
    tpu.enqueue_dma source(%dma_start3A_106 : memref<80xi32, #tpu.memory_space<hbm>>) target(%dma_start3A_105 : memref<80xi32, #tpu.memory_space<vmem>>) target_semaphore(%dma_start3A_102 : memref<!tpu.dma_semaphore, #tpu.memory_space<semaphore_mem>>)
    %dma_start3A_107 = arith.constant 2 : i32
    %dma_start3A_108 = arith.constant 2 : i32
    %dma_start3A_109 = arith.constant 0 : i32
    %dma_start3A_110 = tpu.memref_slice %arg12[%dma_start3A_107, %dma_start3A_109] : memref<8x80xi32, #tpu.memory_space<vmem>> -> memref<1x80xi32, #tpu.memory_space<vmem>>
    %dma_start3A_111 = tpu.memref_squeeze %dma_start3A_110 : memref<1x80xi32, #tpu.memory_space<vmem>> -> memref<80xi32, #tpu.memory_space<vmem>>
    %dma_start3A_112 = tpu.memref_slice %arg7[%add3A_82] : memref<320000xi32, #tpu.memory_space<hbm>> -> memref<80xi32, #tpu.memory_space<hbm>>
    %dma_start3A_113 = tpu.memref_slice %arg15[%dma_start3A_108] : memref<8x!tpu.dma_semaphore, #tpu.memory_space<semaphore_mem>> -> memref<1x!tpu.dma_semaphore, #tpu.memory_space<semaphore_mem>>
    %dma_start3A_114 = tpu.memref_squeeze %dma_start3A_113 : memref<1x!tpu.dma_semaphore, #tpu.memory_space<semaphore_mem>> -> memref<!tpu.dma_semaphore, #tpu.memory_space<semaphore_mem>>
    %dma_start3A_115 = arith.constant 0 : i32
    %dma_start3A_116 = tpu.memref_slice %arg12[%dma_start3A_107, %dma_start3A_115] : memref<8x80xi32, #tpu.memory_space<vmem>> -> memref<1x80xi32, #tpu.memory_space<vmem>>
    %dma_start3A_117 = tpu.memref_squeeze %dma_start3A_116 : memref<1x80xi32, #tpu.memory_space<vmem>> -> memref<80xi32, #tpu.memory_space<vmem>>
    %dma_start3A_118 = tpu.memref_slice %arg7[%add3A_82] : memref<320000xi32, #tpu.memory_space<hbm>> -> memref<80xi32, #tpu.memory_space<hbm>>
    tpu.enqueue_dma source(%dma_start3A_118 : memref<80xi32, #tpu.memory_space<hbm>>) target(%dma_start3A_117 : memref<80xi32, #tpu.memory_space<vmem>>) target_semaphore(%dma_start3A_114 : memref<!tpu.dma_semaphore, #tpu.memory_space<semaphore_mem>>)
    %dma_wait3A = arith.constant 0 : i32
    %dma_wait3A_119 = arith.constant 0 : i32
    %dma_wait3A_120 = arith.constant 0 : i32
    %dma_wait3A_121 = tpu.memref_slice %arg10[%dma_wait3A, %dma_wait3A_120] : memref<8x80xi32, #tpu.memory_space<vmem>> -> memref<1x80xi32, #tpu.memory_space<vmem>>
    %dma_wait3A_122 = tpu.memref_squeeze %dma_wait3A_121 : memref<1x80xi32, #tpu.memory_space<vmem>> -> memref<80xi32, #tpu.memory_space<vmem>>
    %dma_wait3A_123 = tpu.memref_slice %arg5[%mul3A_2] : memref<320000xi32, #tpu.memory_space<hbm>> -> memref<80xi32, #tpu.memory_space<hbm>>
    %dma_wait3A_124 = tpu.memref_slice %arg15[%dma_wait3A_119] : memref<8x!tpu.dma_semaphore, #tpu.memory_space<semaphore_mem>> -> memref<1x!tpu.dma_semaphore, #tpu.memory_space<semaphore_mem>>
    %dma_wait3A_125 = tpu.memref_squeeze %dma_wait3A_124 : memref<1x!tpu.dma_semaphore, #tpu.memory_space<semaphore_mem>> -> memref<!tpu.dma_semaphore, #tpu.memory_space<semaphore_mem>>
    %dma_wait3A_126 = arith.constant 0 : i32
    %dma_wait3A_127 = tpu.memref_slice %arg10[%dma_wait3A, %dma_wait3A_126] : memref<8x80xi32, #tpu.memory_space<vmem>> -> memref<1x80xi32, #tpu.memory_space<vmem>>
    %dma_wait3A_128 = tpu.memref_squeeze %dma_wait3A_127 : memref<1x80xi32, #tpu.memory_space<vmem>> -> memref<80xi32, #tpu.memory_space<vmem>>
    %dma_wait3A_129 = tpu.memref_slice %arg5[%mul3A_2] : memref<320000xi32, #tpu.memory_space<hbm>> -> memref<80xi32, #tpu.memory_space<hbm>>
    tpu.wait_dma2 semaphore(%dma_wait3A_125 : memref<!tpu.dma_semaphore, #tpu.memory_space<semaphore_mem>>) src(%dma_wait3A_129 : memref<80xi32, #tpu.memory_space<hbm>>) dst(%dma_wait3A_128 : memref<80xi32, #tpu.memory_space<vmem>>)
    %dma_wait3A_130 = arith.constant 0 : i32
    %dma_wait3A_131 = arith.constant 0 : i32
    %dma_wait3A_132 = arith.constant 0 : i32
    %dma_wait3A_133 = tpu.memref_slice %arg11[%dma_wait3A_130, %dma_wait3A_132] : memref<8x80xi32, #tpu.memory_space<vmem>> -> memref<1x80xi32, #tpu.memory_space<vmem>>
    %dma_wait3A_134 = tpu.memref_squeeze %dma_wait3A_133 : memref<1x80xi32, #tpu.memory_space<vmem>> -> memref<80xi32, #tpu.memory_space<vmem>>
    %dma_wait3A_135 = tpu.memref_slice %arg6[%mul3A_2] : memref<320000xi32, #tpu.memory_space<hbm>> -> memref<80xi32, #tpu.memory_space<hbm>>
    %dma_wait3A_136 = tpu.memref_slice %arg15[%dma_wait3A_131] : memref<8x!tpu.dma_semaphore, #tpu.memory_space<semaphore_mem>> -> memref<1x!tpu.dma_semaphore, #tpu.memory_space<semaphore_mem>>
    %dma_wait3A_137 = tpu.memref_squeeze %dma_wait3A_136 : memref<1x!tpu.dma_semaphore, #tpu.memory_space<semaphore_mem>> -> memref<!tpu.dma_semaphore, #tpu.memory_space<semaphore_mem>>
    %dma_wait3A_138 = arith.constant 0 : i32
    %dma_wait3A_139 = tpu.memref_slice %arg11[%dma_wait3A_130, %dma_wait3A_138] : memref<8x80xi32, #tpu.memory_space<vmem>> -> memref<1x80xi32, #tpu.memory_space<vmem>>
    %dma_wait3A_140 = tpu.memref_squeeze %dma_wait3A_139 : memref<1x80xi32, #tpu.memory_space<vmem>> -> memref<80xi32, #tpu.memory_space<vmem>>
    %dma_wait3A_141 = tpu.memref_slice %arg6[%mul3A_2] : memref<320000xi32, #tpu.memory_space<hbm>> -> memref<80xi32, #tpu.memory_space<hbm>>
    tpu.wait_dma2 semaphore(%dma_wait3A_137 : memref<!tpu.dma_semaphore, #tpu.memory_space<semaphore_mem>>) src(%dma_wait3A_141 : memref<80xi32, #tpu.memory_space<hbm>>) dst(%dma_wait3A_140 : memref<80xi32, #tpu.memory_space<vmem>>)
    %dma_wait3A_142 = arith.constant 0 : i32
    %dma_wait3A_143 = arith.constant 0 : i32
    %dma_wait3A_144 = arith.constant 0 : i32
    %dma_wait3A_145 = tpu.memref_slice %arg12[%dma_wait3A_142, %dma_wait3A_144] : memref<8x80xi32, #tpu.memory_space<vmem>> -> memref<1x80xi32, #tpu.memory_space<vmem>>
    %dma_wait3A_146 = tpu.memref_squeeze %dma_wait3A_145 : memref<1x80xi32, #tpu.memory_space<vmem>> -> memref<80xi32, #tpu.memory_space<vmem>>
    %dma_wait3A_147 = tpu.memref_slice %arg7[%mul3A_2] : memref<320000xi32, #tpu.memory_space<hbm>> -> memref<80xi32, #tpu.memory_space<hbm>>
    %dma_wait3A_148 = tpu.memref_slice %arg15[%dma_wait3A_143] : memref<8x!tpu.dma_semaphore, #tpu.memory_space<semaphore_mem>> -> memref<1x!tpu.dma_semaphore, #tpu.memory_space<semaphore_mem>>
    %dma_wait3A_149 = tpu.memref_squeeze %dma_wait3A_148 : memref<1x!tpu.dma_semaphore, #tpu.memory_space<semaphore_mem>> -> memref<!tpu.dma_semaphore, #tpu.memory_space<semaphore_mem>>
    %dma_wait3A_150 = arith.constant 0 : i32
    %dma_wait3A_151 = tpu.memref_slice %arg12[%dma_wait3A_142, %dma_wait3A_150] : memref<8x80xi32, #tpu.memory_space<vmem>> -> memref<1x80xi32, #tpu.memory_space<vmem>>
    %dma_wait3A_152 = tpu.memref_squeeze %dma_wait3A_151 : memref<1x80xi32, #tpu.memory_space<vmem>> -> memref<80xi32, #tpu.memory_space<vmem>>
    %dma_wait3A_153 = tpu.memref_slice %arg7[%mul3A_2] : memref<320000xi32, #tpu.memory_space<hbm>> -> memref<80xi32, #tpu.memory_space<hbm>>
    tpu.wait_dma2 semaphore(%dma_wait3A_149 : memref<!tpu.dma_semaphore, #tpu.memory_space<semaphore_mem>>) src(%dma_wait3A_153 : memref<80xi32, #tpu.memory_space<hbm>>) dst(%dma_wait3A_152 : memref<80xi32, #tpu.memory_space<vmem>>)
    %dma_start3A_154 = arith.constant 0 : i32
    %dma_start3A_155 = arith.constant 0 : i32
    %dma_start3A_156 = arith.constant 0 : i32
    %dma_start3A_157 = arith.constant 0 : i32
    %dma_start3A_158 = arith.constant 0 : i32
    %dma_start3A_159 = tpu.memref_slice %arg13[%dma_start3A_155, %dma_start3A_157, %dma_start3A_158] : memref<4x80x64xf32, #tpu.memory_space<vmem>> -> memref<1x80x64xf32, #tpu.memory_space<vmem>>
    %dma_start3A_160 = tpu.memref_squeeze %dma_start3A_159 : memref<1x80x64xf32, #tpu.memory_space<vmem>> -> memref<80x64xf32, #tpu.memory_space<vmem>>
    %dma_start3A_161 = arith.constant 0 : i32
    %dma_start3A_162 = tpu.memref_slice %arg10[%dma_start3A_154, %dma_start3A_161] : memref<8x80xi32, #tpu.memory_space<vmem>> -> memref<1x80xi32, #tpu.memory_space<vmem>>
    %dma_start3A_163 = tpu.memref_squeeze %dma_start3A_162 : memref<1x80xi32, #tpu.memory_space<vmem>> -> memref<80xi32, #tpu.memory_space<vmem>>
    %dma_start3A_164 = arith.constant 0 : i32
    %dma_start3A_165 = arith.constant 0 : i32
    %dma_start3A_166 = tpu.memref_slice %arg2[%dma_start3A_164, %dma_start3A_165] : memref<40000x64xf32, #tpu.memory_space<hbm>> -> memref<40000x64xf32, #tpu.memory_space<hbm>>
    %dma_start3A_167 = tpu.memref_slice %arg16[%dma_start3A_156] : memref<4x!tpu.dma_semaphore, #tpu.memory_space<semaphore_mem>> -> memref<1x!tpu.dma_semaphore, #tpu.memory_space<semaphore_mem>>
    %dma_start3A_168 = tpu.memref_squeeze %dma_start3A_167 : memref<1x!tpu.dma_semaphore, #tpu.memory_space<semaphore_mem>> -> memref<!tpu.dma_semaphore, #tpu.memory_space<semaphore_mem>>
    tpu.enqueue_indirect_dma source(%dma_start3A_166 : memref<40000x64xf32, #tpu.memory_space<hbm>>) target(%dma_start3A_160 : memref<80x64xf32, #tpu.memory_space<vmem>>) offsets(%dma_start3A_163 : memref<80xi32, #tpu.memory_space<vmem>>) semaphore(%dma_start3A_168 : memref<!tpu.dma_semaphore, #tpu.memory_space<semaphore_mem>>)
    %dma_start3A_169 = arith.constant 0 : i32
    %dma_start3A_170 = arith.constant 0 : i32
    %dma_start3A_171 = arith.constant 0 : i32
    %dma_start3A_172 = arith.constant 0 : i32
    %dma_start3A_173 = arith.constant 0 : i32
    %dma_start3A_174 = tpu.memref_slice %arg14[%dma_start3A_170, %dma_start3A_172, %dma_start3A_173] : memref<4x80x16xf32, #tpu.memory_space<vmem>> -> memref<1x80x16xf32, #tpu.memory_space<vmem>>
    %dma_start3A_175 = tpu.memref_squeeze %dma_start3A_174 : memref<1x80x16xf32, #tpu.memory_space<vmem>> -> memref<80x16xf32, #tpu.memory_space<vmem>>
    %dma_start3A_176 = arith.constant 0 : i32
    %dma_start3A_177 = tpu.memref_slice %arg11[%dma_start3A_169, %dma_start3A_176] : memref<8x80xi32, #tpu.memory_space<vmem>> -> memref<1x80xi32, #tpu.memory_space<vmem>>
    %dma_start3A_178 = tpu.memref_squeeze %dma_start3A_177 : memref<1x80xi32, #tpu.memory_space<vmem>> -> memref<80xi32, #tpu.memory_space<vmem>>
    %dma_start3A_179 = arith.constant 0 : i32
    %dma_start3A_180 = arith.constant 0 : i32
    %dma_start3A_181 = tpu.memref_slice %arg4[%dma_start3A_179, %dma_start3A_180] : memref<40960x16xf32, #tpu.memory_space<hbm>> -> memref<40960x16xf32, #tpu.memory_space<hbm>>
    %dma_start3A_182 = tpu.memref_slice %arg17[%dma_start3A_171] : memref<4x!tpu.dma_semaphore, #tpu.memory_space<semaphore_mem>> -> memref<1x!tpu.dma_semaphore, #tpu.memory_space<semaphore_mem>>
    %dma_start3A_183 = tpu.memref_squeeze %dma_start3A_182 : memref<1x!tpu.dma_semaphore, #tpu.memory_space<semaphore_mem>> -> memref<!tpu.dma_semaphore, #tpu.memory_space<semaphore_mem>>
    tpu.enqueue_indirect_dma source(%dma_start3A_181 : memref<40960x16xf32, #tpu.memory_space<hbm>>) target(%dma_start3A_175 : memref<80x16xf32, #tpu.memory_space<vmem>>) offsets(%dma_start3A_178 : memref<80xi32, #tpu.memory_space<vmem>>) semaphore(%dma_start3A_183 : memref<!tpu.dma_semaphore, #tpu.memory_space<semaphore_mem>>)
    %dma_wait3A_184 = arith.constant 1 : i32
    %dma_wait3A_185 = arith.constant 1 : i32
    %dma_wait3A_186 = arith.constant 0 : i32
    %dma_wait3A_187 = tpu.memref_slice %arg10[%dma_wait3A_184, %dma_wait3A_186] : memref<8x80xi32, #tpu.memory_space<vmem>> -> memref<1x80xi32, #tpu.memory_space<vmem>>
    %dma_wait3A_188 = tpu.memref_squeeze %dma_wait3A_187 : memref<1x80xi32, #tpu.memory_space<vmem>> -> memref<80xi32, #tpu.memory_space<vmem>>
    %dma_wait3A_189 = tpu.memref_slice %arg5[%mul3A_2] : memref<320000xi32, #tpu.memory_space<hbm>> -> memref<80xi32, #tpu.memory_space<hbm>>
    %dma_wait3A_190 = tpu.memref_slice %arg15[%dma_wait3A_185] : memref<8x!tpu.dma_semaphore, #tpu.memory_space<semaphore_mem>> -> memref<1x!tpu.dma_semaphore, #tpu.memory_space<semaphore_mem>>
    %dma_wait3A_191 = tpu.memref_squeeze %dma_wait3A_190 : memref<1x!tpu.dma_semaphore, #tpu.memory_space<semaphore_mem>> -> memref<!tpu.dma_semaphore, #tpu.memory_space<semaphore_mem>>
    %dma_wait3A_192 = arith.constant 0 : i32
    %dma_wait3A_193 = tpu.memref_slice %arg10[%dma_wait3A_184, %dma_wait3A_192] : memref<8x80xi32, #tpu.memory_space<vmem>> -> memref<1x80xi32, #tpu.memory_space<vmem>>
    %dma_wait3A_194 = tpu.memref_squeeze %dma_wait3A_193 : memref<1x80xi32, #tpu.memory_space<vmem>> -> memref<80xi32, #tpu.memory_space<vmem>>
    %dma_wait3A_195 = tpu.memref_slice %arg5[%mul3A_2] : memref<320000xi32, #tpu.memory_space<hbm>> -> memref<80xi32, #tpu.memory_space<hbm>>
    tpu.wait_dma2 semaphore(%dma_wait3A_191 : memref<!tpu.dma_semaphore, #tpu.memory_space<semaphore_mem>>) src(%dma_wait3A_195 : memref<80xi32, #tpu.memory_space<hbm>>) dst(%dma_wait3A_194 : memref<80xi32, #tpu.memory_space<vmem>>)
    %dma_wait3A_196 = arith.constant 1 : i32
    %dma_wait3A_197 = arith.constant 1 : i32
    %dma_wait3A_198 = arith.constant 0 : i32
    %dma_wait3A_199 = tpu.memref_slice %arg11[%dma_wait3A_196, %dma_wait3A_198] : memref<8x80xi32, #tpu.memory_space<vmem>> -> memref<1x80xi32, #tpu.memory_space<vmem>>
    %dma_wait3A_200 = tpu.memref_squeeze %dma_wait3A_199 : memref<1x80xi32, #tpu.memory_space<vmem>> -> memref<80xi32, #tpu.memory_space<vmem>>
    %dma_wait3A_201 = tpu.memref_slice %arg6[%mul3A_2] : memref<320000xi32, #tpu.memory_space<hbm>> -> memref<80xi32, #tpu.memory_space<hbm>>
    %dma_wait3A_202 = tpu.memref_slice %arg15[%dma_wait3A_197] : memref<8x!tpu.dma_semaphore, #tpu.memory_space<semaphore_mem>> -> memref<1x!tpu.dma_semaphore, #tpu.memory_space<semaphore_mem>>
    %dma_wait3A_203 = tpu.memref_squeeze %dma_wait3A_202 : memref<1x!tpu.dma_semaphore, #tpu.memory_space<semaphore_mem>> -> memref<!tpu.dma_semaphore, #tpu.memory_space<semaphore_mem>>
    %dma_wait3A_204 = arith.constant 0 : i32
    %dma_wait3A_205 = tpu.memref_slice %arg11[%dma_wait3A_196, %dma_wait3A_204] : memref<8x80xi32, #tpu.memory_space<vmem>> -> memref<1x80xi32, #tpu.memory_space<vmem>>
    %dma_wait3A_206 = tpu.memref_squeeze %dma_wait3A_205 : memref<1x80xi32, #tpu.memory_space<vmem>> -> memref<80xi32, #tpu.memory_space<vmem>>
    %dma_wait3A_207 = tpu.memref_slice %arg6[%mul3A_2] : memref<320000xi32, #tpu.memory_space<hbm>> -> memref<80xi32, #tpu.memory_space<hbm>>
    tpu.wait_dma2 semaphore(%dma_wait3A_203 : memref<!tpu.dma_semaphore, #tpu.memory_space<semaphore_mem>>) src(%dma_wait3A_207 : memref<80xi32, #tpu.memory_space<hbm>>) dst(%dma_wait3A_206 : memref<80xi32, #tpu.memory_space<vmem>>)
    %dma_wait3A_208 = arith.constant 1 : i32
    %dma_wait3A_209 = arith.constant 1 : i32
    %dma_wait3A_210 = arith.constant 0 : i32
    %dma_wait3A_211 = tpu.memref_slice %arg12[%dma_wait3A_208, %dma_wait3A_210] : memref<8x80xi32, #tpu.memory_space<vmem>> -> memref<1x80xi32, #tpu.memory_space<vmem>>
    %dma_wait3A_212 = tpu.memref_squeeze %dma_wait3A_211 : memref<1x80xi32, #tpu.memory_space<vmem>> -> memref<80xi32, #tpu.memory_space<vmem>>
    %dma_wait3A_213 = tpu.memref_slice %arg7[%mul3A_2] : memref<320000xi32, #tpu.memory_space<hbm>> -> memref<80xi32, #tpu.memory_space<hbm>>
    %dma_wait3A_214 = tpu.memref_slice %arg15[%dma_wait3A_209] : memref<8x!tpu.dma_semaphore, #tpu.memory_space<semaphore_mem>> -> memref<1x!tpu.dma_semaphore, #tpu.memory_space<semaphore_mem>>
    %dma_wait3A_215 = tpu.memref_squeeze %dma_wait3A_214 : memref<1x!tpu.dma_semaphore, #tpu.memory_space<semaphore_mem>> -> memref<!tpu.dma_semaphore, #tpu.memory_space<semaphore_mem>>
    %dma_wait3A_216 = arith.constant 0 : i32
    %dma_wait3A_217 = tpu.memref_slice %arg12[%dma_wait3A_208, %dma_wait3A_216] : memref<8x80xi32, #tpu.memory_space<vmem>> -> memref<1x80xi32, #tpu.memory_space<vmem>>
    %dma_wait3A_218 = tpu.memref_squeeze %dma_wait3A_217 : memref<1x80xi32, #tpu.memory_space<vmem>> -> memref<80xi32, #tpu.memory_space<vmem>>
    %dma_wait3A_219 = tpu.memref_slice %arg7[%mul3A_2] : memref<320000xi32, #tpu.memory_space<hbm>> -> memref<80xi32, #tpu.memory_space<hbm>>
    tpu.wait_dma2 semaphore(%dma_wait3A_215 : memref<!tpu.dma_semaphore, #tpu.memory_space<semaphore_mem>>) src(%dma_wait3A_219 : memref<80xi32, #tpu.memory_space<hbm>>) dst(%dma_wait3A_218 : memref<80xi32, #tpu.memory_space<vmem>>)
    %dma_start3A_220 = arith.constant 1 : i32
    %dma_start3A_221 = arith.constant 1 : i32
    %dma_start3A_222 = arith.constant 1 : i32
    %dma_start3A_223 = arith.constant 0 : i32
    %dma_start3A_224 = arith.constant 0 : i32
    %dma_start3A_225 = tpu.memref_slice %arg13[%dma_start3A_221, %dma_start3A_223, %dma_start3A_224] : memref<4x80x64xf32, #tpu.memory_space<vmem>> -> memref<1x80x64xf32, #tpu.memory_space<vmem>>
    %dma_start3A_226 = tpu.memref_squeeze %dma_start3A_225 : memref<1x80x64xf32, #tpu.memory_space<vmem>> -> memref<80x64xf32, #tpu.memory_space<vmem>>
    %dma_start3A_227 = arith.constant 0 : i32
    %dma_start3A_228 = tpu.memref_slice %arg10[%dma_start3A_220, %dma_start3A_227] : memref<8x80xi32, #tpu.memory_space<vmem>> -> memref<1x80xi32, #tpu.memory_space<vmem>>
    %dma_start3A_229 = tpu.memref_squeeze %dma_start3A_228 : memref<1x80xi32, #tpu.memory_space<vmem>> -> memref<80xi32, #tpu.memory_space<vmem>>
    %dma_start3A_230 = arith.constant 0 : i32
    %dma_start3A_231 = arith.constant 0 : i32
    %dma_start3A_232 = tpu.memref_slice %arg2[%dma_start3A_230, %dma_start3A_231] : memref<40000x64xf32, #tpu.memory_space<hbm>> -> memref<40000x64xf32, #tpu.memory_space<hbm>>
    %dma_start3A_233 = tpu.memref_slice %arg16[%dma_start3A_222] : memref<4x!tpu.dma_semaphore, #tpu.memory_space<semaphore_mem>> -> memref<1x!tpu.dma_semaphore, #tpu.memory_space<semaphore_mem>>
    %dma_start3A_234 = tpu.memref_squeeze %dma_start3A_233 : memref<1x!tpu.dma_semaphore, #tpu.memory_space<semaphore_mem>> -> memref<!tpu.dma_semaphore, #tpu.memory_space<semaphore_mem>>
    tpu.enqueue_indirect_dma source(%dma_start3A_232 : memref<40000x64xf32, #tpu.memory_space<hbm>>) target(%dma_start3A_226 : memref<80x64xf32, #tpu.memory_space<vmem>>) offsets(%dma_start3A_229 : memref<80xi32, #tpu.memory_space<vmem>>) semaphore(%dma_start3A_234 : memref<!tpu.dma_semaphore, #tpu.memory_space<semaphore_mem>>)
    %dma_start3A_235 = arith.constant 1 : i32
    %dma_start3A_236 = arith.constant 1 : i32
    %dma_start3A_237 = arith.constant 1 : i32
    %dma_start3A_238 = arith.constant 0 : i32
    %dma_start3A_239 = arith.constant 0 : i32
    %dma_start3A_240 = tpu.memref_slice %arg14[%dma_start3A_236, %dma_start3A_238, %dma_start3A_239] : memref<4x80x16xf32, #tpu.memory_space<vmem>> -> memref<1x80x16xf32, #tpu.memory_space<vmem>>
    %dma_start3A_241 = tpu.memref_squeeze %dma_start3A_240 : memref<1x80x16xf32, #tpu.memory_space<vmem>> -> memref<80x16xf32, #tpu.memory_space<vmem>>
    %dma_start3A_242 = arith.constant 0 : i32
    %dma_start3A_243 = tpu.memref_slice %arg11[%dma_start3A_235, %dma_start3A_242] : memref<8x80xi32, #tpu.memory_space<vmem>> -> memref<1x80xi32, #tpu.memory_space<vmem>>
    %dma_start3A_244 = tpu.memref_squeeze %dma_start3A_243 : memref<1x80xi32, #tpu.memory_space<vmem>> -> memref<80xi32, #tpu.memory_space<vmem>>
    %dma_start3A_245 = arith.constant 0 : i32
    %dma_start3A_246 = arith.constant 0 : i32
    %dma_start3A_247 = tpu.memref_slice %arg4[%dma_start3A_245, %dma_start3A_246] : memref<40960x16xf32, #tpu.memory_space<hbm>> -> memref<40960x16xf32, #tpu.memory_space<hbm>>
    %dma_start3A_248 = tpu.memref_slice %arg17[%dma_start3A_237] : memref<4x!tpu.dma_semaphore, #tpu.memory_space<semaphore_mem>> -> memref<1x!tpu.dma_semaphore, #tpu.memory_space<semaphore_mem>>
    %dma_start3A_249 = tpu.memref_squeeze %dma_start3A_248 : memref<1x!tpu.dma_semaphore, #tpu.memory_space<semaphore_mem>> -> memref<!tpu.dma_semaphore, #tpu.memory_space<semaphore_mem>>
    tpu.enqueue_indirect_dma source(%dma_start3A_247 : memref<40960x16xf32, #tpu.memory_space<hbm>>) target(%dma_start3A_241 : memref<80x16xf32, #tpu.memory_space<vmem>>) offsets(%dma_start3A_244 : memref<80xi32, #tpu.memory_space<vmem>>) semaphore(%dma_start3A_249 : memref<!tpu.dma_semaphore, #tpu.memory_space<semaphore_mem>>)
    %scan3A = arith.constant 0 : i32
    %scan3A_250 = arith.constant 0 : i32
    %scan3A_251 = arith.constant 125 : i32
    %scan3A_252 = arith.addi %scan3A_250, %scan3A_251 : i32
    %scan3A_253 = arith.constant 1 : i32
    scf.for %scan3A_633 = %scan3A_250 to %scan3A_252 step %scan3A_253  : i32 {
      %and3A = arith.constant 3 : i32
      %and3A_634 = arith.andi %scan3A_633, %and3A : i32
      %and3A_635 = arith.constant 7 : i32
      %and3A_636 = arith.andi %scan3A_633, %and3A_635 : i32
      %add3A_637 = arith.constant 3 : i32
      %add3A_638 = arith.addi %scan3A_633, %add3A_637 : i32
      %lt3A = arith.constant 125 : i32
      %lt3A_639 = arith.cmpi slt, %add3A_638, %lt3A : i32
      %convert_element_type3A = arith.extui %lt3A_639 : i1 to i32
      %cond3A = arith.constant 0 : i32
      %cond3A_640 = arith.cmpi ne, %convert_element_type3A, %cond3A : i32
      scf.if %cond3A_640 {
        %add3A_690 = arith.constant 3 : i32
        %add3A_691 = arith.addi %scan3A_633, %add3A_690 : i32
        %add3A_692 = arith.constant 3 : i32
        %add3A_693 = arith.addi %scan3A_633, %add3A_692 : i32
        %and3A_694 = arith.constant 7 : i32
        %and3A_695 = arith.andi %add3A_693, %and3A_694 : i32
        %mul3A_696 = arith.constant 80 : i32
        %mul3A_697 = arith.muli %add3A_691, %mul3A_696 : i32
        %add3A_698 = arith.addi %mul3A_2, %mul3A_697 : i32
        %dma_start3A_699 = arith.constant 0 : i32
        %dma_start3A_700 = tpu.memref_slice %arg10[%and3A_695, %dma_start3A_699] : memref<8x80xi32, #tpu.memory_space<vmem>> -> memref<1x80xi32, #tpu.memory_space<vmem>>
        %dma_start3A_701 = tpu.memref_squeeze %dma_start3A_700 : memref<1x80xi32, #tpu.memory_space<vmem>> -> memref<80xi32, #tpu.memory_space<vmem>>
        %dma_start3A_702 = tpu.memref_slice %arg5[%add3A_698] : memref<320000xi32, #tpu.memory_space<hbm>> -> memref<80xi32, #tpu.memory_space<hbm>>
        %dma_start3A_703 = tpu.memref_slice %arg15[%and3A_695] : memref<8x!tpu.dma_semaphore, #tpu.memory_space<semaphore_mem>> -> memref<1x!tpu.dma_semaphore, #tpu.memory_space<semaphore_mem>>
        %dma_start3A_704 = tpu.memref_squeeze %dma_start3A_703 : memref<1x!tpu.dma_semaphore, #tpu.memory_space<semaphore_mem>> -> memref<!tpu.dma_semaphore, #tpu.memory_space<semaphore_mem>>
        %dma_start3A_705 = arith.constant 0 : i32
        %dma_start3A_706 = tpu.memref_slice %arg10[%and3A_695, %dma_start3A_705] : memref<8x80xi32, #tpu.memory_space<vmem>> -> memref<1x80xi32, #tpu.memory_space<vmem>>
        %dma_start3A_707 = tpu.memref_squeeze %dma_start3A_706 : memref<1x80xi32, #tpu.memory_space<vmem>> -> memref<80xi32, #tpu.memory_space<vmem>>
        %dma_start3A_708 = tpu.memref_slice %arg5[%add3A_698] : memref<320000xi32, #tpu.memory_space<hbm>> -> memref<80xi32, #tpu.memory_space<hbm>>
        tpu.enqueue_dma source(%dma_start3A_708 : memref<80xi32, #tpu.memory_space<hbm>>) target(%dma_start3A_707 : memref<80xi32, #tpu.memory_space<vmem>>) target_semaphore(%dma_start3A_704 : memref<!tpu.dma_semaphore, #tpu.memory_space<semaphore_mem>>)
        %dma_start3A_709 = arith.constant 0 : i32
        %dma_start3A_710 = tpu.memref_slice %arg11[%and3A_695, %dma_start3A_709] : memref<8x80xi32, #tpu.memory_space<vmem>> -> memref<1x80xi32, #tpu.memory_space<vmem>>
        %dma_start3A_711 = tpu.memref_squeeze %dma_start3A_710 : memref<1x80xi32, #tpu.memory_space<vmem>> -> memref<80xi32, #tpu.memory_space<vmem>>
        %dma_start3A_712 = tpu.memref_slice %arg6[%add3A_698] : memref<320000xi32, #tpu.memory_space<hbm>> -> memref<80xi32, #tpu.memory_space<hbm>>
        %dma_start3A_713 = tpu.memref_slice %arg15[%and3A_695] : memref<8x!tpu.dma_semaphore, #tpu.memory_space<semaphore_mem>> -> memref<1x!tpu.dma_semaphore, #tpu.memory_space<semaphore_mem>>
        %dma_start3A_714 = tpu.memref_squeeze %dma_start3A_713 : memref<1x!tpu.dma_semaphore, #tpu.memory_space<semaphore_mem>> -> memref<!tpu.dma_semaphore, #tpu.memory_space<semaphore_mem>>
        %dma_start3A_715 = arith.constant 0 : i32
        %dma_start3A_716 = tpu.memref_slice %arg11[%and3A_695, %dma_start3A_715] : memref<8x80xi32, #tpu.memory_space<vmem>> -> memref<1x80xi32, #tpu.memory_space<vmem>>
        %dma_start3A_717 = tpu.memref_squeeze %dma_start3A_716 : memref<1x80xi32, #tpu.memory_space<vmem>> -> memref<80xi32, #tpu.memory_space<vmem>>
        %dma_start3A_718 = tpu.memref_slice %arg6[%add3A_698] : memref<320000xi32, #tpu.memory_space<hbm>> -> memref<80xi32, #tpu.memory_space<hbm>>
        tpu.enqueue_dma source(%dma_start3A_718 : memref<80xi32, #tpu.memory_space<hbm>>) target(%dma_start3A_717 : memref<80xi32, #tpu.memory_space<vmem>>) target_semaphore(%dma_start3A_714 : memref<!tpu.dma_semaphore, #tpu.memory_space<semaphore_mem>>)
        %dma_start3A_719 = arith.constant 0 : i32
        %dma_start3A_720 = tpu.memref_slice %arg12[%and3A_695, %dma_start3A_719] : memref<8x80xi32, #tpu.memory_space<vmem>> -> memref<1x80xi32, #tpu.memory_space<vmem>>
        %dma_start3A_721 = tpu.memref_squeeze %dma_start3A_720 : memref<1x80xi32, #tpu.memory_space<vmem>> -> memref<80xi32, #tpu.memory_space<vmem>>
        %dma_start3A_722 = tpu.memref_slice %arg7[%add3A_698] : memref<320000xi32, #tpu.memory_space<hbm>> -> memref<80xi32, #tpu.memory_space<hbm>>
        %dma_start3A_723 = tpu.memref_slice %arg15[%and3A_695] : memref<8x!tpu.dma_semaphore, #tpu.memory_space<semaphore_mem>> -> memref<1x!tpu.dma_semaphore, #tpu.memory_space<semaphore_mem>>
        %dma_start3A_724 = tpu.memref_squeeze %dma_start3A_723 : memref<1x!tpu.dma_semaphore, #tpu.memory_space<semaphore_mem>> -> memref<!tpu.dma_semaphore, #tpu.memory_space<semaphore_mem>>
        %dma_start3A_725 = arith.constant 0 : i32
        %dma_start3A_726 = tpu.memref_slice %arg12[%and3A_695, %dma_start3A_725] : memref<8x80xi32, #tpu.memory_space<vmem>> -> memref<1x80xi32, #tpu.memory_space<vmem>>
        %dma_start3A_727 = tpu.memref_squeeze %dma_start3A_726 : memref<1x80xi32, #tpu.memory_space<vmem>> -> memref<80xi32, #tpu.memory_space<vmem>>
        %dma_start3A_728 = tpu.memref_slice %arg7[%add3A_698] : memref<320000xi32, #tpu.memory_space<hbm>> -> memref<80xi32, #tpu.memory_space<hbm>>
        tpu.enqueue_dma source(%dma_start3A_728 : memref<80xi32, #tpu.memory_space<hbm>>) target(%dma_start3A_727 : memref<80xi32, #tpu.memory_space<vmem>>) target_semaphore(%dma_start3A_724 : memref<!tpu.dma_semaphore, #tpu.memory_space<semaphore_mem>>)
      } else {
      }
      %add3A_641 = arith.constant 2 : i32
      %add3A_642 = arith.addi %scan3A_633, %add3A_641 : i32
      %lt3A_643 = arith.constant 125 : i32
      %lt3A_644 = arith.cmpi slt, %add3A_642, %lt3A_643 : i32
      %convert_element_type3A_645 = arith.extui %lt3A_644 : i1 to i32
      %cond3A_646 = arith.constant 0 : i32
      %cond3A_647 = arith.cmpi ne, %convert_element_type3A_645, %cond3A_646 : i32
      scf.if %cond3A_647 {
        %add3A_690 = arith.constant 2 : i32
        %add3A_691 = arith.addi %scan3A_633, %add3A_690 : i32
        %and3A_692 = arith.constant 3 : i32
        %and3A_693 = arith.andi %add3A_691, %and3A_692 : i32
        %ge3A = arith.constant 2 : i32
        %ge3A_694 = arith.cmpi sge, %scan3A_633, %ge3A : i32
        %convert_element_type3A_695 = arith.extui %ge3A_694 : i1 to i32
        %cond3A_696 = arith.constant 0 : i32
        %cond3A_697 = arith.cmpi ne, %convert_element_type3A_695, %cond3A_696 : i32
        scf.if %cond3A_697 {
          %sub3A = arith.constant 2 : i32
          %sub3A_756 = arith.subi %scan3A_633, %sub3A : i32
          %and3A_757 = arith.constant 7 : i32
          %and3A_758 = arith.andi %sub3A_756, %and3A_757 : i32
          %dma_wait3A_759 = arith.constant 0 : i32
          %dma_wait3A_760 = arith.constant 0 : i32
          %dma_wait3A_761 = tpu.memref_slice %arg13[%and3A_693, %dma_wait3A_759, %dma_wait3A_760] : memref<4x80x64xf32, #tpu.memory_space<vmem>> -> memref<1x80x64xf32, #tpu.memory_space<vmem>>
          %dma_wait3A_762 = tpu.memref_squeeze %dma_wait3A_761 : memref<1x80x64xf32, #tpu.memory_space<vmem>> -> memref<80x64xf32, #tpu.memory_space<vmem>>
          %dma_wait3A_763 = arith.constant 0 : i32
          %dma_wait3A_764 = tpu.memref_slice %arg12[%and3A_758, %dma_wait3A_763] : memref<8x80xi32, #tpu.memory_space<vmem>> -> memref<1x80xi32, #tpu.memory_space<vmem>>
          %dma_wait3A_765 = tpu.memref_squeeze %dma_wait3A_764 : memref<1x80xi32, #tpu.memory_space<vmem>> -> memref<80xi32, #tpu.memory_space<vmem>>
          %dma_wait3A_766 = arith.constant 0 : i32
          %dma_wait3A_767 = arith.constant 0 : i32
          %dma_wait3A_768 = tpu.memref_slice %arg19[%dma_wait3A_766, %dma_wait3A_767] : memref<10000x64xf32, #tpu.memory_space<vmem_shared>> -> memref<10000x64xf32, #tpu.memory_space<vmem_shared>>
          %dma_wait3A_769 = tpu.memref_slice %arg18[%and3A_693] : memref<4x!tpu.dma_semaphore, #tpu.memory_space<semaphore_mem>> -> memref<1x!tpu.dma_semaphore, #tpu.memory_space<semaphore_mem>>
          %dma_wait3A_770 = tpu.memref_squeeze %dma_wait3A_769 : memref<1x!tpu.dma_semaphore, #tpu.memory_space<semaphore_mem>> -> memref<!tpu.dma_semaphore, #tpu.memory_space<semaphore_mem>>
          tpu.wait_indirect_dma semaphore(%dma_wait3A_770 : memref<!tpu.dma_semaphore, #tpu.memory_space<semaphore_mem>>) src(%dma_wait3A_762 : memref<80x64xf32, #tpu.memory_space<vmem>>) dst(%dma_wait3A_768 : memref<10000x64xf32, #tpu.memory_space<vmem_shared>>)
        } else {
        }
        %add3A_698 = arith.constant 2 : i32
        %add3A_699 = arith.addi %scan3A_633, %add3A_698 : i32
        %and3A_700 = arith.constant 7 : i32
        %and3A_701 = arith.andi %add3A_699, %and3A_700 : i32
        %dma_wait3A_702 = arith.constant 0 : i32
        %dma_wait3A_703 = tpu.memref_slice %arg10[%and3A_701, %dma_wait3A_702] : memref<8x80xi32, #tpu.memory_space<vmem>> -> memref<1x80xi32, #tpu.memory_space<vmem>>
        %dma_wait3A_704 = tpu.memref_squeeze %dma_wait3A_703 : memref<1x80xi32, #tpu.memory_space<vmem>> -> memref<80xi32, #tpu.memory_space<vmem>>
        %dma_wait3A_705 = tpu.memref_slice %arg5[%mul3A_2] : memref<320000xi32, #tpu.memory_space<hbm>> -> memref<80xi32, #tpu.memory_space<hbm>>
        %dma_wait3A_706 = tpu.memref_slice %arg15[%and3A_701] : memref<8x!tpu.dma_semaphore, #tpu.memory_space<semaphore_mem>> -> memref<1x!tpu.dma_semaphore, #tpu.memory_space<semaphore_mem>>
        %dma_wait3A_707 = tpu.memref_squeeze %dma_wait3A_706 : memref<1x!tpu.dma_semaphore, #tpu.memory_space<semaphore_mem>> -> memref<!tpu.dma_semaphore, #tpu.memory_space<semaphore_mem>>
        %dma_wait3A_708 = arith.constant 0 : i32
        %dma_wait3A_709 = tpu.memref_slice %arg10[%and3A_701, %dma_wait3A_708] : memref<8x80xi32, #tpu.memory_space<vmem>> -> memref<1x80xi32, #tpu.memory_space<vmem>>
        %dma_wait3A_710 = tpu.memref_squeeze %dma_wait3A_709 : memref<1x80xi32, #tpu.memory_space<vmem>> -> memref<80xi32, #tpu.memory_space<vmem>>
        %dma_wait3A_711 = tpu.memref_slice %arg5[%mul3A_2] : memref<320000xi32, #tpu.memory_space<hbm>> -> memref<80xi32, #tpu.memory_space<hbm>>
        tpu.wait_dma2 semaphore(%dma_wait3A_707 : memref<!tpu.dma_semaphore, #tpu.memory_space<semaphore_mem>>) src(%dma_wait3A_711 : memref<80xi32, #tpu.memory_space<hbm>>) dst(%dma_wait3A_710 : memref<80xi32, #tpu.memory_space<vmem>>)
        %dma_wait3A_712 = arith.constant 0 : i32
        %dma_wait3A_713 = tpu.memref_slice %arg11[%and3A_701, %dma_wait3A_712] : memref<8x80xi32, #tpu.memory_space<vmem>> -> memref<1x80xi32, #tpu.memory_space<vmem>>
        %dma_wait3A_714 = tpu.memref_squeeze %dma_wait3A_713 : memref<1x80xi32, #tpu.memory_space<vmem>> -> memref<80xi32, #tpu.memory_space<vmem>>
        %dma_wait3A_715 = tpu.memref_slice %arg6[%mul3A_2] : memref<320000xi32, #tpu.memory_space<hbm>> -> memref<80xi32, #tpu.memory_space<hbm>>
        %dma_wait3A_716 = tpu.memref_slice %arg15[%and3A_701] : memref<8x!tpu.dma_semaphore, #tpu.memory_space<semaphore_mem>> -> memref<1x!tpu.dma_semaphore, #tpu.memory_space<semaphore_mem>>
        %dma_wait3A_717 = tpu.memref_squeeze %dma_wait3A_716 : memref<1x!tpu.dma_semaphore, #tpu.memory_space<semaphore_mem>> -> memref<!tpu.dma_semaphore, #tpu.memory_space<semaphore_mem>>
        %dma_wait3A_718 = arith.constant 0 : i32
        %dma_wait3A_719 = tpu.memref_slice %arg11[%and3A_701, %dma_wait3A_718] : memref<8x80xi32, #tpu.memory_space<vmem>> -> memref<1x80xi32, #tpu.memory_space<vmem>>
        %dma_wait3A_720 = tpu.memref_squeeze %dma_wait3A_719 : memref<1x80xi32, #tpu.memory_space<vmem>> -> memref<80xi32, #tpu.memory_space<vmem>>
        %dma_wait3A_721 = tpu.memref_slice %arg6[%mul3A_2] : memref<320000xi32, #tpu.memory_space<hbm>> -> memref<80xi32, #tpu.memory_space<hbm>>
        tpu.wait_dma2 semaphore(%dma_wait3A_717 : memref<!tpu.dma_semaphore, #tpu.memory_space<semaphore_mem>>) src(%dma_wait3A_721 : memref<80xi32, #tpu.memory_space<hbm>>) dst(%dma_wait3A_720 : memref<80xi32, #tpu.memory_space<vmem>>)
        %dma_wait3A_722 = arith.constant 0 : i32
        %dma_wait3A_723 = tpu.memref_slice %arg12[%and3A_701, %dma_wait3A_722] : memref<8x80xi32, #tpu.memory_space<vmem>> -> memref<1x80xi32, #tpu.memory_space<vmem>>
        %dma_wait3A_724 = tpu.memref_squeeze %dma_wait3A_723 : memref<1x80xi32, #tpu.memory_space<vmem>> -> memref<80xi32, #tpu.memory_space<vmem>>
        %dma_wait3A_725 = tpu.memref_slice %arg7[%mul3A_2] : memref<320000xi32, #tpu.memory_space<hbm>> -> memref<80xi32, #tpu.memory_space<hbm>>
        %dma_wait3A_726 = tpu.memref_slice %arg15[%and3A_701] : memref<8x!tpu.dma_semaphore, #tpu.memory_space<semaphore_mem>> -> memref<1x!tpu.dma_semaphore, #tpu.memory_space<semaphore_mem>>
        %dma_wait3A_727 = tpu.memref_squeeze %dma_wait3A_726 : memref<1x!tpu.dma_semaphore, #tpu.memory_space<semaphore_mem>> -> memref<!tpu.dma_semaphore, #tpu.memory_space<semaphore_mem>>
        %dma_wait3A_728 = arith.constant 0 : i32
        %dma_wait3A_729 = tpu.memref_slice %arg12[%and3A_701, %dma_wait3A_728] : memref<8x80xi32, #tpu.memory_space<vmem>> -> memref<1x80xi32, #tpu.memory_space<vmem>>
        %dma_wait3A_730 = tpu.memref_squeeze %dma_wait3A_729 : memref<1x80xi32, #tpu.memory_space<vmem>> -> memref<80xi32, #tpu.memory_space<vmem>>
        %dma_wait3A_731 = tpu.memref_slice %arg7[%mul3A_2] : memref<320000xi32, #tpu.memory_space<hbm>> -> memref<80xi32, #tpu.memory_space<hbm>>
        tpu.wait_dma2 semaphore(%dma_wait3A_727 : memref<!tpu.dma_semaphore, #tpu.memory_space<semaphore_mem>>) src(%dma_wait3A_731 : memref<80xi32, #tpu.memory_space<hbm>>) dst(%dma_wait3A_730 : memref<80xi32, #tpu.memory_space<vmem>>)
        %dma_start3A_732 = arith.constant 0 : i32
        %dma_start3A_733 = arith.constant 0 : i32
        %dma_start3A_734 = tpu.memref_slice %arg13[%and3A_693, %dma_start3A_732, %dma_start3A_733] : memref<4x80x64xf32, #tpu.memory_space<vmem>> -> memref<1x80x64xf32, #tpu.memory_space<vmem>>
        %dma_start3A_735 = tpu.memref_squeeze %dma_start3A_734 : memref<1x80x64xf32, #tpu.memory_space<vmem>> -> memref<80x64xf32, #tpu.memory_space<vmem>>
        %dma_start3A_736 = arith.constant 0 : i32
        %dma_start3A_737 = tpu.memref_slice %arg10[%and3A_701, %dma_start3A_736] : memref<8x80xi32, #tpu.memory_space<vmem>> -> memref<1x80xi32, #tpu.memory_space<vmem>>
        %dma_start3A_738 = tpu.memref_squeeze %dma_start3A_737 : memref<1x80xi32, #tpu.memory_space<vmem>> -> memref<80xi32, #tpu.memory_space<vmem>>
        %dma_start3A_739 = arith.constant 0 : i32
        %dma_start3A_740 = arith.constant 0 : i32
        %dma_start3A_741 = tpu.memref_slice %arg2[%dma_start3A_739, %dma_start3A_740] : memref<40000x64xf32, #tpu.memory_space<hbm>> -> memref<40000x64xf32, #tpu.memory_space<hbm>>
        %dma_start3A_742 = tpu.memref_slice %arg16[%and3A_693] : memref<4x!tpu.dma_semaphore, #tpu.memory_space<semaphore_mem>> -> memref<1x!tpu.dma_semaphore, #tpu.memory_space<semaphore_mem>>
        %dma_start3A_743 = tpu.memref_squeeze %dma_start3A_742 : memref<1x!tpu.dma_semaphore, #tpu.memory_space<semaphore_mem>> -> memref<!tpu.dma_semaphore, #tpu.memory_space<semaphore_mem>>
        tpu.enqueue_indirect_dma source(%dma_start3A_741 : memref<40000x64xf32, #tpu.memory_space<hbm>>) target(%dma_start3A_735 : memref<80x64xf32, #tpu.memory_space<vmem>>) offsets(%dma_start3A_738 : memref<80xi32, #tpu.memory_space<vmem>>) semaphore(%dma_start3A_743 : memref<!tpu.dma_semaphore, #tpu.memory_space<semaphore_mem>>)
        %dma_start3A_744 = arith.constant 0 : i32
        %dma_start3A_745 = arith.constant 0 : i32
        %dma_start3A_746 = tpu.memref_slice %arg14[%and3A_693, %dma_start3A_744, %dma_start3A_745] : memref<4x80x16xf32, #tpu.memory_space<vmem>> -> memref<1x80x16xf32, #tpu.memory_space<vmem>>
        %dma_start3A_747 = tpu.memref_squeeze %dma_start3A_746 : memref<1x80x16xf32, #tpu.memory_space<vmem>> -> memref<80x16xf32, #tpu.memory_space<vmem>>
        %dma_start3A_748 = arith.constant 0 : i32
        %dma_start3A_749 = tpu.memref_slice %arg11[%and3A_701, %dma_start3A_748] : memref<8x80xi32, #tpu.memory_space<vmem>> -> memref<1x80xi32, #tpu.memory_space<vmem>>
        %dma_start3A_750 = tpu.memref_squeeze %dma_start3A_749 : memref<1x80xi32, #tpu.memory_space<vmem>> -> memref<80xi32, #tpu.memory_space<vmem>>
        %dma_start3A_751 = arith.constant 0 : i32
        %dma_start3A_752 = arith.constant 0 : i32
        %dma_start3A_753 = tpu.memref_slice %arg4[%dma_start3A_751, %dma_start3A_752] : memref<40960x16xf32, #tpu.memory_space<hbm>> -> memref<40960x16xf32, #tpu.memory_space<hbm>>
        %dma_start3A_754 = tpu.memref_slice %arg17[%and3A_693] : memref<4x!tpu.dma_semaphore, #tpu.memory_space<semaphore_mem>> -> memref<1x!tpu.dma_semaphore, #tpu.memory_space<semaphore_mem>>
        %dma_start3A_755 = tpu.memref_squeeze %dma_start3A_754 : memref<1x!tpu.dma_semaphore, #tpu.memory_space<semaphore_mem>> -> memref<!tpu.dma_semaphore, #tpu.memory_space<semaphore_mem>>
        tpu.enqueue_indirect_dma source(%dma_start3A_753 : memref<40960x16xf32, #tpu.memory_space<hbm>>) target(%dma_start3A_747 : memref<80x16xf32, #tpu.memory_space<vmem>>) offsets(%dma_start3A_750 : memref<80xi32, #tpu.memory_space<vmem>>) semaphore(%dma_start3A_755 : memref<!tpu.dma_semaphore, #tpu.memory_space<semaphore_mem>>)
      } else {
      }
      %dma_wait3A_648 = arith.constant 0 : i32
      %dma_wait3A_649 = arith.constant 0 : i32
      %dma_wait3A_650 = tpu.memref_slice %arg13[%and3A_634, %dma_wait3A_648, %dma_wait3A_649] : memref<4x80x64xf32, #tpu.memory_space<vmem>> -> memref<1x80x64xf32, #tpu.memory_space<vmem>>
      %dma_wait3A_651 = tpu.memref_squeeze %dma_wait3A_650 : memref<1x80x64xf32, #tpu.memory_space<vmem>> -> memref<80x64xf32, #tpu.memory_space<vmem>>
      %dma_wait3A_652 = arith.constant 0 : i32
      %dma_wait3A_653 = tpu.memref_slice %arg10[%and3A_636, %dma_wait3A_652] : memref<8x80xi32, #tpu.memory_space<vmem>> -> memref<1x80xi32, #tpu.memory_space<vmem>>
      %dma_wait3A_654 = tpu.memref_squeeze %dma_wait3A_653 : memref<1x80xi32, #tpu.memory_space<vmem>> -> memref<80xi32, #tpu.memory_space<vmem>>
      %dma_wait3A_655 = arith.constant 0 : i32
      %dma_wait3A_656 = arith.constant 0 : i32
      %dma_wait3A_657 = tpu.memref_slice %arg2[%dma_wait3A_655, %dma_wait3A_656] : memref<40000x64xf32, #tpu.memory_space<hbm>> -> memref<40000x64xf32, #tpu.memory_space<hbm>>
      %dma_wait3A_658 = tpu.memref_slice %arg16[%and3A_634] : memref<4x!tpu.dma_semaphore, #tpu.memory_space<semaphore_mem>> -> memref<1x!tpu.dma_semaphore, #tpu.memory_space<semaphore_mem>>
      %dma_wait3A_659 = tpu.memref_squeeze %dma_wait3A_658 : memref<1x!tpu.dma_semaphore, #tpu.memory_space<semaphore_mem>> -> memref<!tpu.dma_semaphore, #tpu.memory_space<semaphore_mem>>
      tpu.wait_indirect_dma semaphore(%dma_wait3A_659 : memref<!tpu.dma_semaphore, #tpu.memory_space<semaphore_mem>>) src(%dma_wait3A_657 : memref<40000x64xf32, #tpu.memory_space<hbm>>) dst(%dma_wait3A_651 : memref<80x64xf32, #tpu.memory_space<vmem>>)
      %dma_wait3A_660 = arith.constant 0 : i32
      %dma_wait3A_661 = arith.constant 0 : i32
      %dma_wait3A_662 = tpu.memref_slice %arg14[%and3A_634, %dma_wait3A_660, %dma_wait3A_661] : memref<4x80x16xf32, #tpu.memory_space<vmem>> -> memref<1x80x16xf32, #tpu.memory_space<vmem>>
      %dma_wait3A_663 = tpu.memref_squeeze %dma_wait3A_662 : memref<1x80x16xf32, #tpu.memory_space<vmem>> -> memref<80x16xf32, #tpu.memory_space<vmem>>
      %dma_wait3A_664 = arith.constant 0 : i32
      %dma_wait3A_665 = tpu.memref_slice %arg11[%and3A_636, %dma_wait3A_664] : memref<8x80xi32, #tpu.memory_space<vmem>> -> memref<1x80xi32, #tpu.memory_space<vmem>>
      %dma_wait3A_666 = tpu.memref_squeeze %dma_wait3A_665 : memref<1x80xi32, #tpu.memory_space<vmem>> -> memref<80xi32, #tpu.memory_space<vmem>>
      %dma_wait3A_667 = arith.constant 0 : i32
      %dma_wait3A_668 = arith.constant 0 : i32
      %dma_wait3A_669 = tpu.memref_slice %arg4[%dma_wait3A_667, %dma_wait3A_668] : memref<40960x16xf32, #tpu.memory_space<hbm>> -> memref<40960x16xf32, #tpu.memory_space<hbm>>
      %dma_wait3A_670 = tpu.memref_slice %arg17[%and3A_634] : memref<4x!tpu.dma_semaphore, #tpu.memory_space<semaphore_mem>> -> memref<1x!tpu.dma_semaphore, #tpu.memory_space<semaphore_mem>>
      %dma_wait3A_671 = tpu.memref_squeeze %dma_wait3A_670 : memref<1x!tpu.dma_semaphore, #tpu.memory_space<semaphore_mem>> -> memref<!tpu.dma_semaphore, #tpu.memory_space<semaphore_mem>>
      tpu.wait_indirect_dma semaphore(%dma_wait3A_671 : memref<!tpu.dma_semaphore, #tpu.memory_space<semaphore_mem>>) src(%dma_wait3A_669 : memref<40960x16xf32, #tpu.memory_space<hbm>>) dst(%dma_wait3A_663 : memref<80x16xf32, #tpu.memory_space<vmem>>)
      %scan3A_672 = arith.constant 0 : i32
      %scan3A_673 = arith.constant 0 : i32
      %scan3A_674 = arith.constant 20 : i32
      %scan3A_675 = arith.addi %scan3A_673, %scan3A_674 : i32
      %scan3A_676 = arith.constant 1 : i32
      scf.for %scan3A_690 = %scan3A_673 to %scan3A_675 step %scan3A_676  : i32 {
        %mul3A_691 = arith.constant 4 : i32
        %mul3A_692 = arith.muli %scan3A_690, %mul3A_691 : i32
        %add3A_693 = arith.constant 0 : i32
        %add3A_694 = arith.addi %mul3A_692, %add3A_693 : i32
        %get3A = arith.index_cast %and3A_634 : i32 to index
        %get3A_695 = arith.index_cast %add3A_694 : i32 to index
        %get3A_696 = arith.constant 0 : index
        %get3A_697 = tpu.vector_load %arg14[%get3A, %get3A_695, %get3A_696] {strides = array<i32>} : memref<4x80x16xf32, #tpu.memory_space<vmem>>, vector<16xf32>,
        %get3A_698 = arith.index_cast %and3A_634 : i32 to index
        %get3A_699 = arith.index_cast %add3A_694 : i32 to index
        %get3A_700 = arith.constant 0 : index
        %get3A_701 = tpu.vector_load %arg13[%get3A_698, %get3A_699, %get3A_700] {strides = array<i32>} : memref<4x80x64xf32, #tpu.memory_space<vmem>>, vector<16xf32>,
        %mul3A_702 = arith.mulf %get3A_701, %get3A_697 : vector<16xf32>
        %swap3A = arith.index_cast %and3A_634 : i32 to index
        %swap3A_703 = arith.index_cast %add3A_694 : i32 to index
        %swap3A_704 = arith.constant 0 : index
        %swap3A_705 = tpu.vector_load %arg13[%swap3A, %swap3A_703, %swap3A_704] {strides = array<i32>} : memref<4x80x64xf32, #tpu.memory_space<vmem>>, vector<16xf32>,
        tpu.vector_store %arg13[%swap3A, %swap3A_703, %swap3A_704], %mul3A_702 {strides = array<i32>} : memref<4x80x64xf32, #tpu.memory_space<vmem>>, vector<16xf32>,
        %get3A_706 = arith.index_cast %and3A_634 : i32 to index
        %get3A_707 = arith.index_cast %add3A_694 : i32 to index
        %get3A_708 = arith.constant 16 : index
        %get3A_709 = tpu.vector_load %arg13[%get3A_706, %get3A_707, %get3A_708] {strides = array<i32>} : memref<4x80x64xf32, #tpu.memory_space<vmem>>, vector<16xf32>,
        %mul3A_710 = arith.mulf %get3A_709, %get3A_697 : vector<16xf32>
        %swap3A_711 = arith.index_cast %and3A_634 : i32 to index
        %swap3A_712 = arith.index_cast %add3A_694 : i32 to index
        %swap3A_713 = arith.constant 16 : index
        %swap3A_714 = tpu.vector_load %arg13[%swap3A_711, %swap3A_712, %swap3A_713] {strides = array<i32>} : memref<4x80x64xf32, #tpu.memory_space<vmem>>, vector<16xf32>,
        tpu.vector_store %arg13[%swap3A_711, %swap3A_712, %swap3A_713], %mul3A_710 {strides = array<i32>} : memref<4x80x64xf32, #tpu.memory_space<vmem>>, vector<16xf32>,
        %get3A_715 = arith.index_cast %and3A_634 : i32 to index
        %get3A_716 = arith.index_cast %add3A_694 : i32 to index
        %get3A_717 = arith.constant 32 : index
        %get3A_718 = tpu.vector_load %arg13[%get3A_715, %get3A_716, %get3A_717] {strides = array<i32>} : memref<4x80x64xf32, #tpu.memory_space<vmem>>, vector<16xf32>,
        %mul3A_719 = arith.mulf %get3A_718, %get3A_697 : vector<16xf32>
        %swap3A_720 = arith.index_cast %and3A_634 : i32 to index
        %swap3A_721 = arith.index_cast %add3A_694 : i32 to index
        %swap3A_722 = arith.constant 32 : index
        %swap3A_723 = tpu.vector_load %arg13[%swap3A_720, %swap3A_721, %swap3A_722] {strides = array<i32>} : memref<4x80x64xf32, #tpu.memory_space<vmem>>, vector<16xf32>,
        tpu.vector_store %arg13[%swap3A_720, %swap3A_721, %swap3A_722], %mul3A_719 {strides = array<i32>} : memref<4x80x64xf32, #tpu.memory_space<vmem>>, vector<16xf32>,
        %get3A_724 = arith.index_cast %and3A_634 : i32 to index
        %get3A_725 = arith.index_cast %add3A_694 : i32 to index
        %get3A_726 = arith.constant 48 : index
        %get3A_727 = tpu.vector_load %arg13[%get3A_724, %get3A_725, %get3A_726] {strides = array<i32>} : memref<4x80x64xf32, #tpu.memory_space<vmem>>, vector<16xf32>,
        %mul3A_728 = arith.mulf %get3A_727, %get3A_697 : vector<16xf32>
        %swap3A_729 = arith.index_cast %and3A_634 : i32 to index
        %swap3A_730 = arith.index_cast %add3A_694 : i32 to index
        %swap3A_731 = arith.constant 48 : index
        %swap3A_732 = tpu.vector_load %arg13[%swap3A_729, %swap3A_730, %swap3A_731] {strides = array<i32>} : memref<4x80x64xf32, #tpu.memory_space<vmem>>, vector<16xf32>,
        tpu.vector_store %arg13[%swap3A_729, %swap3A_730, %swap3A_731], %mul3A_728 {strides = array<i32>} : memref<4x80x64xf32, #tpu.memory_space<vmem>>, vector<16xf32>,
        %mul3A_733 = arith.constant 4 : i32
        %mul3A_734 = arith.muli %scan3A_690, %mul3A_733 : i32
        %add3A_735 = arith.constant 1 : i32
        %add3A_736 = arith.addi %mul3A_734, %add3A_735 : i32
        %get3A_737 = arith.index_cast %and3A_634 : i32 to index
        %get3A_738 = arith.index_cast %add3A_736 : i32 to index
        %get3A_739 = arith.constant 0 : index
        %get3A_740 = tpu.vector_load %arg14[%get3A_737, %get3A_738, %get3A_739] {strides = array<i32>} : memref<4x80x16xf32, #tpu.memory_space<vmem>>, vector<16xf32>,
        %get3A_741 = arith.index_cast %and3A_634 : i32 to index
        %get3A_742 = arith.index_cast %add3A_736 : i32 to index
        %get3A_743 = arith.constant 0 : index
        %get3A_744 = tpu.vector_load %arg13[%get3A_741, %get3A_742, %get3A_743] {strides = array<i32>} : memref<4x80x64xf32, #tpu.memory_space<vmem>>, vector<16xf32>,
        %mul3A_745 = arith.mulf %get3A_744, %get3A_740 : vector<16xf32>
        %swap3A_746 = arith.index_cast %and3A_634 : i32 to index
        %swap3A_747 = arith.index_cast %add3A_736 : i32 to index
        %swap3A_748 = arith.constant 0 : index
        %swap3A_749 = tpu.vector_load %arg13[%swap3A_746, %swap3A_747, %swap3A_748] {strides = array<i32>} : memref<4x80x64xf32, #tpu.memory_space<vmem>>, vector<16xf32>,
        tpu.vector_store %arg13[%swap3A_746, %swap3A_747, %swap3A_748], %mul3A_745 {strides = array<i32>} : memref<4x80x64xf32, #tpu.memory_space<vmem>>, vector<16xf32>,
        %get3A_750 = arith.index_cast %and3A_634 : i32 to index
        %get3A_751 = arith.index_cast %add3A_736 : i32 to index
        %get3A_752 = arith.constant 16 : index
        %get3A_753 = tpu.vector_load %arg13[%get3A_750, %get3A_751, %get3A_752] {strides = array<i32>} : memref<4x80x64xf32, #tpu.memory_space<vmem>>, vector<16xf32>,
        %mul3A_754 = arith.mulf %get3A_753, %get3A_740 : vector<16xf32>
        %swap3A_755 = arith.index_cast %and3A_634 : i32 to index
        %swap3A_756 = arith.index_cast %add3A_736 : i32 to index
        %swap3A_757 = arith.constant 16 : index
        %swap3A_758 = tpu.vector_load %arg13[%swap3A_755, %swap3A_756, %swap3A_757] {strides = array<i32>} : memref<4x80x64xf32, #tpu.memory_space<vmem>>, vector<16xf32>,
        tpu.vector_store %arg13[%swap3A_755, %swap3A_756, %swap3A_757], %mul3A_754 {strides = array<i32>} : memref<4x80x64xf32, #tpu.memory_space<vmem>>, vector<16xf32>,
        %get3A_759 = arith.index_cast %and3A_634 : i32 to index
        %get3A_760 = arith.index_cast %add3A_736 : i32 to index
        %get3A_761 = arith.constant 32 : index
        %get3A_762 = tpu.vector_load %arg13[%get3A_759, %get3A_760, %get3A_761] {strides = array<i32>} : memref<4x80x64xf32, #tpu.memory_space<vmem>>, vector<16xf32>,
        %mul3A_763 = arith.mulf %get3A_762, %get3A_740 : vector<16xf32>
        %swap3A_764 = arith.index_cast %and3A_634 : i32 to index
        %swap3A_765 = arith.index_cast %add3A_736 : i32 to index
        %swap3A_766 = arith.constant 32 : index
        %swap3A_767 = tpu.vector_load %arg13[%swap3A_764, %swap3A_765, %swap3A_766] {strides = array<i32>} : memref<4x80x64xf32, #tpu.memory_space<vmem>>, vector<16xf32>,
        tpu.vector_store %arg13[%swap3A_764, %swap3A_765, %swap3A_766], %mul3A_763 {strides = array<i32>} : memref<4x80x64xf32, #tpu.memory_space<vmem>>, vector<16xf32>,
        %get3A_768 = arith.index_cast %and3A_634 : i32 to index
        %get3A_769 = arith.index_cast %add3A_736 : i32 to index
        %get3A_770 = arith.constant 48 : index
        %get3A_771 = tpu.vector_load %arg13[%get3A_768, %get3A_769, %get3A_770] {strides = array<i32>} : memref<4x80x64xf32, #tpu.memory_space<vmem>>, vector<16xf32>,
        %mul3A_772 = arith.mulf %get3A_771, %get3A_740 : vector<16xf32>
        %swap3A_773 = arith.index_cast %and3A_634 : i32 to index
        %swap3A_774 = arith.index_cast %add3A_736 : i32 to index
        %swap3A_775 = arith.constant 48 : index
        %swap3A_776 = tpu.vector_load %arg13[%swap3A_773, %swap3A_774, %swap3A_775] {strides = array<i32>} : memref<4x80x64xf32, #tpu.memory_space<vmem>>, vector<16xf32>,
        tpu.vector_store %arg13[%swap3A_773, %swap3A_774, %swap3A_775], %mul3A_772 {strides = array<i32>} : memref<4x80x64xf32, #tpu.memory_space<vmem>>, vector<16xf32>,
        %mul3A_777 = arith.constant 4 : i32
        %mul3A_778 = arith.muli %scan3A_690, %mul3A_777 : i32
        %add3A_779 = arith.constant 2 : i32
        %add3A_780 = arith.addi %mul3A_778, %add3A_779 : i32
        %get3A_781 = arith.index_cast %and3A_634 : i32 to index
        %get3A_782 = arith.index_cast %add3A_780 : i32 to index
        %get3A_783 = arith.constant 0 : index
        %get3A_784 = tpu.vector_load %arg14[%get3A_781, %get3A_782, %get3A_783] {strides = array<i32>} : memref<4x80x16xf32, #tpu.memory_space<vmem>>, vector<16xf32>,
        %get3A_785 = arith.index_cast %and3A_634 : i32 to index
        %get3A_786 = arith.index_cast %add3A_780 : i32 to index
        %get3A_787 = arith.constant 0 : index
        %get3A_788 = tpu.vector_load %arg13[%get3A_785, %get3A_786, %get3A_787] {strides = array<i32>} : memref<4x80x64xf32, #tpu.memory_space<vmem>>, vector<16xf32>,
        %mul3A_789 = arith.mulf %get3A_788, %get3A_784 : vector<16xf32>
        %swap3A_790 = arith.index_cast %and3A_634 : i32 to index
        %swap3A_791 = arith.index_cast %add3A_780 : i32 to index
        %swap3A_792 = arith.constant 0 : index
        %swap3A_793 = tpu.vector_load %arg13[%swap3A_790, %swap3A_791, %swap3A_792] {strides = array<i32>} : memref<4x80x64xf32, #tpu.memory_space<vmem>>, vector<16xf32>,
        tpu.vector_store %arg13[%swap3A_790, %swap3A_791, %swap3A_792], %mul3A_789 {strides = array<i32>} : memref<4x80x64xf32, #tpu.memory_space<vmem>>, vector<16xf32>,
        %get3A_794 = arith.index_cast %and3A_634 : i32 to index
        %get3A_795 = arith.index_cast %add3A_780 : i32 to index
        %get3A_796 = arith.constant 16 : index
        %get3A_797 = tpu.vector_load %arg13[%get3A_794, %get3A_795, %get3A_796] {strides = array<i32>} : memref<4x80x64xf32, #tpu.memory_space<vmem>>, vector<16xf32>,
        %mul3A_798 = arith.mulf %get3A_797, %get3A_784 : vector<16xf32>
        %swap3A_799 = arith.index_cast %and3A_634 : i32 to index
        %swap3A_800 = arith.index_cast %add3A_780 : i32 to index
        %swap3A_801 = arith.constant 16 : index
        %swap3A_802 = tpu.vector_load %arg13[%swap3A_799, %swap3A_800, %swap3A_801] {strides = array<i32>} : memref<4x80x64xf32, #tpu.memory_space<vmem>>, vector<16xf32>,
        tpu.vector_store %arg13[%swap3A_799, %swap3A_800, %swap3A_801], %mul3A_798 {strides = array<i32>} : memref<4x80x64xf32, #tpu.memory_space<vmem>>, vector<16xf32>,
        %get3A_803 = arith.index_cast %and3A_634 : i32 to index
        %get3A_804 = arith.index_cast %add3A_780 : i32 to index
        %get3A_805 = arith.constant 32 : index
        %get3A_806 = tpu.vector_load %arg13[%get3A_803, %get3A_804, %get3A_805] {strides = array<i32>} : memref<4x80x64xf32, #tpu.memory_space<vmem>>, vector<16xf32>,
        %mul3A_807 = arith.mulf %get3A_806, %get3A_784 : vector<16xf32>
        %swap3A_808 = arith.index_cast %and3A_634 : i32 to index
        %swap3A_809 = arith.index_cast %add3A_780 : i32 to index
        %swap3A_810 = arith.constant 32 : index
        %swap3A_811 = tpu.vector_load %arg13[%swap3A_808, %swap3A_809, %swap3A_810] {strides = array<i32>} : memref<4x80x64xf32, #tpu.memory_space<vmem>>, vector<16xf32>,
        tpu.vector_store %arg13[%swap3A_808, %swap3A_809, %swap3A_810], %mul3A_807 {strides = array<i32>} : memref<4x80x64xf32, #tpu.memory_space<vmem>>, vector<16xf32>,
        %get3A_812 = arith.index_cast %and3A_634 : i32 to index
        %get3A_813 = arith.index_cast %add3A_780 : i32 to index
        %get3A_814 = arith.constant 48 : index
        %get3A_815 = tpu.vector_load %arg13[%get3A_812, %get3A_813, %get3A_814] {strides = array<i32>} : memref<4x80x64xf32, #tpu.memory_space<vmem>>, vector<16xf32>,
        %mul3A_816 = arith.mulf %get3A_815, %get3A_784 : vector<16xf32>
        %swap3A_817 = arith.index_cast %and3A_634 : i32 to index
        %swap3A_818 = arith.index_cast %add3A_780 : i32 to index
        %swap3A_819 = arith.constant 48 : index
        %swap3A_820 = tpu.vector_load %arg13[%swap3A_817, %swap3A_818, %swap3A_819] {strides = array<i32>} : memref<4x80x64xf32, #tpu.memory_space<vmem>>, vector<16xf32>,
        tpu.vector_store %arg13[%swap3A_817, %swap3A_818, %swap3A_819], %mul3A_816 {strides = array<i32>} : memref<4x80x64xf32, #tpu.memory_space<vmem>>, vector<16xf32>,
        %mul3A_821 = arith.constant 4 : i32
        %mul3A_822 = arith.muli %scan3A_690, %mul3A_821 : i32
        %add3A_823 = arith.constant 3 : i32
        %add3A_824 = arith.addi %mul3A_822, %add3A_823 : i32
        %get3A_825 = arith.index_cast %and3A_634 : i32 to index
        %get3A_826 = arith.index_cast %add3A_824 : i32 to index
        %get3A_827 = arith.constant 0 : index
        %get3A_828 = tpu.vector_load %arg14[%get3A_825, %get3A_826, %get3A_827] {strides = array<i32>} : memref<4x80x16xf32, #tpu.memory_space<vmem>>, vector<16xf32>,
        %get3A_829 = arith.index_cast %and3A_634 : i32 to index
        %get3A_830 = arith.index_cast %add3A_824 : i32 to index
        %get3A_831 = arith.constant 0 : index
        %get3A_832 = tpu.vector_load %arg13[%get3A_829, %get3A_830, %get3A_831] {strides = array<i32>} : memref<4x80x64xf32, #tpu.memory_space<vmem>>, vector<16xf32>,
        %mul3A_833 = arith.mulf %get3A_832, %get3A_828 : vector<16xf32>
        %swap3A_834 = arith.index_cast %and3A_634 : i32 to index
        %swap3A_835 = arith.index_cast %add3A_824 : i32 to index
        %swap3A_836 = arith.constant 0 : index
        %swap3A_837 = tpu.vector_load %arg13[%swap3A_834, %swap3A_835, %swap3A_836] {strides = array<i32>} : memref<4x80x64xf32, #tpu.memory_space<vmem>>, vector<16xf32>,
        tpu.vector_store %arg13[%swap3A_834, %swap3A_835, %swap3A_836], %mul3A_833 {strides = array<i32>} : memref<4x80x64xf32, #tpu.memory_space<vmem>>, vector<16xf32>,
        %get3A_838 = arith.index_cast %and3A_634 : i32 to index
        %get3A_839 = arith.index_cast %add3A_824 : i32 to index
        %get3A_840 = arith.constant 16 : index
        %get3A_841 = tpu.vector_load %arg13[%get3A_838, %get3A_839, %get3A_840] {strides = array<i32>} : memref<4x80x64xf32, #tpu.memory_space<vmem>>, vector<16xf32>,
        %mul3A_842 = arith.mulf %get3A_841, %get3A_828 : vector<16xf32>
        %swap3A_843 = arith.index_cast %and3A_634 : i32 to index
        %swap3A_844 = arith.index_cast %add3A_824 : i32 to index
        %swap3A_845 = arith.constant 16 : index
        %swap3A_846 = tpu.vector_load %arg13[%swap3A_843, %swap3A_844, %swap3A_845] {strides = array<i32>} : memref<4x80x64xf32, #tpu.memory_space<vmem>>, vector<16xf32>,
        tpu.vector_store %arg13[%swap3A_843, %swap3A_844, %swap3A_845], %mul3A_842 {strides = array<i32>} : memref<4x80x64xf32, #tpu.memory_space<vmem>>, vector<16xf32>,
        %get3A_847 = arith.index_cast %and3A_634 : i32 to index
        %get3A_848 = arith.index_cast %add3A_824 : i32 to index
        %get3A_849 = arith.constant 32 : index
        %get3A_850 = tpu.vector_load %arg13[%get3A_847, %get3A_848, %get3A_849] {strides = array<i32>} : memref<4x80x64xf32, #tpu.memory_space<vmem>>, vector<16xf32>,
        %mul3A_851 = arith.mulf %get3A_850, %get3A_828 : vector<16xf32>
        %swap3A_852 = arith.index_cast %and3A_634 : i32 to index
        %swap3A_853 = arith.index_cast %add3A_824 : i32 to index
        %swap3A_854 = arith.constant 32 : index
        %swap3A_855 = tpu.vector_load %arg13[%swap3A_852, %swap3A_853, %swap3A_854] {strides = array<i32>} : memref<4x80x64xf32, #tpu.memory_space<vmem>>, vector<16xf32>,
        tpu.vector_store %arg13[%swap3A_852, %swap3A_853, %swap3A_854], %mul3A_851 {strides = array<i32>} : memref<4x80x64xf32, #tpu.memory_space<vmem>>, vector<16xf32>,
        %get3A_856 = arith.index_cast %and3A_634 : i32 to index
        %get3A_857 = arith.index_cast %add3A_824 : i32 to index
        %get3A_858 = arith.constant 48 : index
        %get3A_859 = tpu.vector_load %arg13[%get3A_856, %get3A_857, %get3A_858] {strides = array<i32>} : memref<4x80x64xf32, #tpu.memory_space<vmem>>, vector<16xf32>,
        %mul3A_860 = arith.mulf %get3A_859, %get3A_828 : vector<16xf32>
        %swap3A_861 = arith.index_cast %and3A_634 : i32 to index
        %swap3A_862 = arith.index_cast %add3A_824 : i32 to index
        %swap3A_863 = arith.constant 48 : index
        %swap3A_864 = tpu.vector_load %arg13[%swap3A_861, %swap3A_862, %swap3A_863] {strides = array<i32>} : memref<4x80x64xf32, #tpu.memory_space<vmem>>, vector<16xf32>,
        tpu.vector_store %arg13[%swap3A_861, %swap3A_862, %swap3A_863], %mul3A_860 {strides = array<i32>} : memref<4x80x64xf32, #tpu.memory_space<vmem>>, vector<16xf32>,
      }
      %scan3A_677 = arith.constant 20 : i32
      %dma_start3A_678 = arith.constant 0 : i32
      %dma_start3A_679 = arith.constant 0 : i32
      %dma_start3A_680 = tpu.memref_slice %arg13[%and3A_634, %dma_start3A_678, %dma_start3A_679] : memref<4x80x64xf32, #tpu.memory_space<vmem>> -> memref<1x80x64xf32, #tpu.memory_space<vmem>>
      %dma_start3A_681 = tpu.memref_squeeze %dma_start3A_680 : memref<1x80x64xf32, #tpu.memory_space<vmem>> -> memref<80x64xf32, #tpu.memory_space<vmem>>
      %dma_start3A_682 = arith.constant 0 : i32
      %dma_start3A_683 = tpu.memref_slice %arg12[%and3A_636, %dma_start3A_682] : memref<8x80xi32, #tpu.memory_space<vmem>> -> memref<1x80xi32, #tpu.memory_space<vmem>>
      %dma_start3A_684 = tpu.memref_squeeze %dma_start3A_683 : memref<1x80xi32, #tpu.memory_space<vmem>> -> memref<80xi32, #tpu.memory_space<vmem>>
      %dma_start3A_685 = arith.constant 0 : i32
      %dma_start3A_686 = arith.constant 0 : i32
      %dma_start3A_687 = tpu.memref_slice %arg19[%dma_start3A_685, %dma_start3A_686] : memref<10000x64xf32, #tpu.memory_space<vmem_shared>> -> memref<10000x64xf32, #tpu.memory_space<vmem_shared>>
      %dma_start3A_688 = tpu.memref_slice %arg18[%and3A_634] : memref<4x!tpu.dma_semaphore, #tpu.memory_space<semaphore_mem>> -> memref<1x!tpu.dma_semaphore, #tpu.memory_space<semaphore_mem>>
      %dma_start3A_689 = tpu.memref_squeeze %dma_start3A_688 : memref<1x!tpu.dma_semaphore, #tpu.memory_space<semaphore_mem>> -> memref<!tpu.dma_semaphore, #tpu.memory_space<semaphore_mem>>
      tpu.enqueue_indirect_dma source(%dma_start3A_681 : memref<80x64xf32, #tpu.memory_space<vmem>>) target(%dma_start3A_687 : memref<10000x64xf32, #tpu.memory_space<vmem_shared>>) offsets(%dma_start3A_684 : memref<80xi32, #tpu.memory_space<vmem>>) semaphore(%dma_start3A_689 : memref<!tpu.dma_semaphore, #tpu.memory_space<semaphore_mem>>) {add = true}
    }
    %scan3A_254 = arith.constant 125 : i32
    %dma_wait3A_255 = arith.constant 1 : i32
    %dma_wait3A_256 = arith.constant 1 : i32
    %dma_wait3A_257 = arith.constant 1 : i32
    %dma_wait3A_258 = arith.constant 0 : i32
    %dma_wait3A_259 = arith.constant 0 : i32
    %dma_wait3A_260 = tpu.memref_slice %arg13[%dma_wait3A_255, %dma_wait3A_258, %dma_wait3A_259] : memref<4x80x64xf32, #tpu.memory_space<vmem>> -> memref<1x80x64xf32, #tpu.memory_space<vmem>>
    %dma_wait3A_261 = tpu.memref_squeeze %dma_wait3A_260 : memref<1x80x64xf32, #tpu.memory_space<vmem>> -> memref<80x64xf32, #tpu.memory_space<vmem>>
    %dma_wait3A_262 = arith.constant 0 : i32
    %dma_wait3A_263 = tpu.memref_slice %arg12[%dma_wait3A_256, %dma_wait3A_262] : memref<8x80xi32, #tpu.memory_space<vmem>> -> memref<1x80xi32, #tpu.memory_space<vmem>>
    %dma_wait3A_264 = tpu.memref_squeeze %dma_wait3A_263 : memref<1x80xi32, #tpu.memory_space<vmem>> -> memref<80xi32, #tpu.memory_space<vmem>>
    %dma_wait3A_265 = arith.constant 0 : i32
    %dma_wait3A_266 = arith.constant 0 : i32
    %dma_wait3A_267 = tpu.memref_slice %arg19[%dma_wait3A_265, %dma_wait3A_266] : memref<10000x64xf32, #tpu.memory_space<vmem_shared>> -> memref<10000x64xf32, #tpu.memory_space<vmem_shared>>
    %dma_wait3A_268 = tpu.memref_slice %arg18[%dma_wait3A_257] : memref<4x!tpu.dma_semaphore, #tpu.memory_space<semaphore_mem>> -> memref<1x!tpu.dma_semaphore, #tpu.memory_space<semaphore_mem>>
    %dma_wait3A_269 = tpu.memref_squeeze %dma_wait3A_268 : memref<1x!tpu.dma_semaphore, #tpu.memory_space<semaphore_mem>> -> memref<!tpu.dma_semaphore, #tpu.memory_space<semaphore_mem>>
    tpu.wait_indirect_dma semaphore(%dma_wait3A_269 : memref<!tpu.dma_semaphore, #tpu.memory_space<semaphore_mem>>) src(%dma_wait3A_261 : memref<80x64xf32, #tpu.memory_space<vmem>>) dst(%dma_wait3A_267 : memref<10000x64xf32, #tpu.memory_space<vmem_shared>>)
    %dma_wait3A_270 = arith.constant 2 : i32
    %dma_wait3A_271 = arith.constant 2 : i32
    %dma_wait3A_272 = arith.constant 2 : i32
    %dma_wait3A_273 = arith.constant 0 : i32
    %dma_wait3A_274 = arith.constant 0 : i32
    %dma_wait3A_275 = tpu.memref_slice %arg13[%dma_wait3A_270, %dma_wait3A_273, %dma_wait3A_274] : memref<4x80x64xf32, #tpu.memory_space<vmem>> -> memref<1x80x64xf32, #tpu.memory_space<vmem>>
    %dma_wait3A_276 = tpu.memref_squeeze %dma_wait3A_275 : memref<1x80x64xf32, #tpu.memory_space<vmem>> -> memref<80x64xf32, #tpu.memory_space<vmem>>
    %dma_wait3A_277 = arith.constant 0 : i32
    %dma_wait3A_278 = tpu.memref_slice %arg12[%dma_wait3A_271, %dma_wait3A_277] : memref<8x80xi32, #tpu.memory_space<vmem>> -> memref<1x80xi32, #tpu.memory_space<vmem>>
    %dma_wait3A_279 = tpu.memref_squeeze %dma_wait3A_278 : memref<1x80xi32, #tpu.memory_space<vmem>> -> memref<80xi32, #tpu.memory_space<vmem>>
    %dma_wait3A_280 = arith.constant 0 : i32
    %dma_wait3A_281 = arith.constant 0 : i32
    %dma_wait3A_282 = tpu.memref_slice %arg19[%dma_wait3A_280, %dma_wait3A_281] : memref<10000x64xf32, #tpu.memory_space<vmem_shared>> -> memref<10000x64xf32, #tpu.memory_space<vmem_shared>>
    %dma_wait3A_283 = tpu.memref_slice %arg18[%dma_wait3A_272] : memref<4x!tpu.dma_semaphore, #tpu.memory_space<semaphore_mem>> -> memref<1x!tpu.dma_semaphore, #tpu.memory_space<semaphore_mem>>
    %dma_wait3A_284 = tpu.memref_squeeze %dma_wait3A_283 : memref<1x!tpu.dma_semaphore, #tpu.memory_space<semaphore_mem>> -> memref<!tpu.dma_semaphore, #tpu.memory_space<semaphore_mem>>
    tpu.wait_indirect_dma semaphore(%dma_wait3A_284 : memref<!tpu.dma_semaphore, #tpu.memory_space<semaphore_mem>>) src(%dma_wait3A_276 : memref<80x64xf32, #tpu.memory_space<vmem>>) dst(%dma_wait3A_282 : memref<10000x64xf32, #tpu.memory_space<vmem_shared>>)
    %dma_wait3A_285 = arith.constant 3 : i32
    %dma_wait3A_286 = arith.constant 3 : i32
    %dma_wait3A_287 = arith.constant 3 : i32
    %dma_wait3A_288 = arith.constant 0 : i32
    %dma_wait3A_289 = arith.constant 0 : i32
    %dma_wait3A_290 = tpu.memref_slice %arg13[%dma_wait3A_285, %dma_wait3A_288, %dma_wait3A_289] : memref<4x80x64xf32, #tpu.memory_space<vmem>> -> memref<1x80x64xf32, #tpu.memory_space<vmem>>
    %dma_wait3A_291 = tpu.memref_squeeze %dma_wait3A_290 : memref<1x80x64xf32, #tpu.memory_space<vmem>> -> memref<80x64xf32, #tpu.memory_space<vmem>>
    %dma_wait3A_292 = arith.constant 0 : i32
    %dma_wait3A_293 = tpu.memref_slice %arg12[%dma_wait3A_286, %dma_wait3A_292] : memref<8x80xi32, #tpu.memory_space<vmem>> -> memref<1x80xi32, #tpu.memory_space<vmem>>
    %dma_wait3A_294 = tpu.memref_squeeze %dma_wait3A_293 : memref<1x80xi32, #tpu.memory_space<vmem>> -> memref<80xi32, #tpu.memory_space<vmem>>
    %dma_wait3A_295 = arith.constant 0 : i32
    %dma_wait3A_296 = arith.constant 0 : i32
    %dma_wait3A_297 = tpu.memref_slice %arg19[%dma_wait3A_295, %dma_wait3A_296] : memref<10000x64xf32, #tpu.memory_space<vmem_shared>> -> memref<10000x64xf32, #tpu.memory_space<vmem_shared>>
    %dma_wait3A_298 = tpu.memref_slice %arg18[%dma_wait3A_287] : memref<4x!tpu.dma_semaphore, #tpu.memory_space<semaphore_mem>> -> memref<1x!tpu.dma_semaphore, #tpu.memory_space<semaphore_mem>>
    %dma_wait3A_299 = tpu.memref_squeeze %dma_wait3A_298 : memref<1x!tpu.dma_semaphore, #tpu.memory_space<semaphore_mem>> -> memref<!tpu.dma_semaphore, #tpu.memory_space<semaphore_mem>>
    tpu.wait_indirect_dma semaphore(%dma_wait3A_299 : memref<!tpu.dma_semaphore, #tpu.memory_space<semaphore_mem>>) src(%dma_wait3A_291 : memref<80x64xf32, #tpu.memory_space<vmem>>) dst(%dma_wait3A_297 : memref<10000x64xf32, #tpu.memory_space<vmem_shared>>)
    %dma_wait3A_300 = arith.constant 0 : i32
    %dma_wait3A_301 = arith.constant 4 : i32
    %dma_wait3A_302 = arith.constant 0 : i32
    %dma_wait3A_303 = arith.constant 0 : i32
    %dma_wait3A_304 = arith.constant 0 : i32
    %dma_wait3A_305 = tpu.memref_slice %arg13[%dma_wait3A_300, %dma_wait3A_303, %dma_wait3A_304] : memref<4x80x64xf32, #tpu.memory_space<vmem>> -> memref<1x80x64xf32, #tpu.memory_space<vmem>>
    %dma_wait3A_306 = tpu.memref_squeeze %dma_wait3A_305 : memref<1x80x64xf32, #tpu.memory_space<vmem>> -> memref<80x64xf32, #tpu.memory_space<vmem>>
    %dma_wait3A_307 = arith.constant 0 : i32
    %dma_wait3A_308 = tpu.memref_slice %arg12[%dma_wait3A_301, %dma_wait3A_307] : memref<8x80xi32, #tpu.memory_space<vmem>> -> memref<1x80xi32, #tpu.memory_space<vmem>>
    %dma_wait3A_309 = tpu.memref_squeeze %dma_wait3A_308 : memref<1x80xi32, #tpu.memory_space<vmem>> -> memref<80xi32, #tpu.memory_space<vmem>>
    %dma_wait3A_310 = arith.constant 0 : i32
    %dma_wait3A_311 = arith.constant 0 : i32
    %dma_wait3A_312 = tpu.memref_slice %arg19[%dma_wait3A_310, %dma_wait3A_311] : memref<10000x64xf32, #tpu.memory_space<vmem_shared>> -> memref<10000x64xf32, #tpu.memory_space<vmem_shared>>
    %dma_wait3A_313 = tpu.memref_slice %arg18[%dma_wait3A_302] : memref<4x!tpu.dma_semaphore, #tpu.memory_space<semaphore_mem>> -> memref<1x!tpu.dma_semaphore, #tpu.memory_space<semaphore_mem>>
    %dma_wait3A_314 = tpu.memref_squeeze %dma_wait3A_313 : memref<1x!tpu.dma_semaphore, #tpu.memory_space<semaphore_mem>> -> memref<!tpu.dma_semaphore, #tpu.memory_space<semaphore_mem>>
    tpu.wait_indirect_dma semaphore(%dma_wait3A_314 : memref<!tpu.dma_semaphore, #tpu.memory_space<semaphore_mem>>) src(%dma_wait3A_306 : memref<80x64xf32, #tpu.memory_space<vmem>>) dst(%dma_wait3A_312 : memref<10000x64xf32, #tpu.memory_space<vmem_shared>>)
    %barrier3A_315 = arith.constant 0 : index
    tpu.barrier barrier_id(%barrier3A_315)
    %run_scoped3A = arith.constant 0 : i32
    "tpu.region"() ({
      %run_scoped3A_633 = tpu.sem_alloc : memref<!tpu.dma_semaphore, #tpu.memory_space<semaphore_mem>>
      %dma_start3A_634 = arith.constant 0 : i32
      %dma_start3A_635 = tpu.memref_slice %arg9[%run_scoped3A, %arg0, %min3A_5, %dma_start3A_634] : memref<2x2x10000x64xf32, #tpu.memory_space<hbm>> -> memref<1x1x640x64xf32, #tpu.memory_space<hbm>>
      %dma_start3A_636 = tpu.memref_squeeze %dma_start3A_635 : memref<1x1x640x64xf32, #tpu.memory_space<hbm>> -> memref<640x64xf32, #tpu.memory_space<hbm>>
      %dma_start3A_637 = arith.constant 0 : i32
      %dma_start3A_638 = tpu.memref_slice %arg19[%min3A_5, %dma_start3A_637] : memref<10000x64xf32, #tpu.memory_space<vmem_shared>> -> memref<640x64xf32, #tpu.memory_space<vmem_shared>>
      tpu.enqueue_dma source(%dma_start3A_638 : memref<640x64xf32, #tpu.memory_space<vmem_shared>>) target(%dma_start3A_636 : memref<640x64xf32, #tpu.memory_space<hbm>>) target_semaphore(%run_scoped3A_633 : memref<!tpu.dma_semaphore, #tpu.memory_space<semaphore_mem>>)
      %dma_wait3A_639 = arith.constant 0 : i32
      %dma_wait3A_640 = tpu.memref_slice %arg9[%run_scoped3A, %arg0, %min3A_5, %dma_wait3A_639] : memref<2x2x10000x64xf32, #tpu.memory_space<hbm>> -> memref<1x1x640x64xf32, #tpu.memory_space<hbm>>
      %dma_wait3A_641 = tpu.memref_squeeze %dma_wait3A_640 : memref<1x1x640x64xf32, #tpu.memory_space<hbm>> -> memref<640x64xf32, #tpu.memory_space<hbm>>
      %dma_wait3A_642 = arith.constant 0 : i32
      %dma_wait3A_643 = tpu.memref_slice %arg19[%min3A_5, %dma_wait3A_642] : memref<10000x64xf32, #tpu.memory_space<vmem_shared>> -> memref<640x64xf32, #tpu.memory_space<vmem_shared>>
      tpu.wait_dma2 semaphore(%run_scoped3A_633 : memref<!tpu.dma_semaphore, #tpu.memory_space<semaphore_mem>>) src(%dma_wait3A_643 : memref<640x64xf32, #tpu.memory_space<vmem_shared>>) dst(%dma_wait3A_641 : memref<640x64xf32, #tpu.memory_space<hbm>>)
      tpu.yield
    }) : () -> ()
    %barrier3A_316 = arith.constant 0 : index
    tpu.barrier barrier_id(%barrier3A_316)
    "tpu.region"() ({
      %run_scoped3A_633 = tpu.sem_alloc : memref<!tpu.dma_semaphore, #tpu.memory_space<semaphore_mem>>
      %dma_start3A_634 = arith.constant 0 : i32
      %dma_start3A_635 = tpu.memref_slice %arg19[%min3A_5, %dma_start3A_634] : memref<10000x64xf32, #tpu.memory_space<vmem_shared>> -> memref<640x64xf32, #tpu.memory_space<vmem_shared>>
      %dma_start3A_636 = arith.constant 0 : i32
      %dma_start3A_637 = tpu.memref_slice %arg8[%min3A_5, %dma_start3A_636] : memref<10000x64xf32, #tpu.memory_space<hbm>> -> memref<640x64xf32, #tpu.memory_space<hbm>>
      tpu.enqueue_dma source(%dma_start3A_637 : memref<640x64xf32, #tpu.memory_space<hbm>>) target(%dma_start3A_635 : memref<640x64xf32, #tpu.memory_space<vmem_shared>>) target_semaphore(%run_scoped3A_633 : memref<!tpu.dma_semaphore, #tpu.memory_space<semaphore_mem>>)
      %dma_wait3A_638 = arith.constant 0 : i32
      %dma_wait3A_639 = tpu.memref_slice %arg19[%min3A_5, %dma_wait3A_638] : memref<10000x64xf32, #tpu.memory_space<vmem_shared>> -> memref<640x64xf32, #tpu.memory_space<vmem_shared>>
      %dma_wait3A_640 = arith.constant 0 : i32
      %dma_wait3A_641 = tpu.memref_slice %arg8[%min3A_5, %dma_wait3A_640] : memref<10000x64xf32, #tpu.memory_space<hbm>> -> memref<640x64xf32, #tpu.memory_space<hbm>>
      tpu.wait_dma2 semaphore(%run_scoped3A_633 : memref<!tpu.dma_semaphore, #tpu.memory_space<semaphore_mem>>) src(%dma_wait3A_641 : memref<640x64xf32, #tpu.memory_space<hbm>>) dst(%dma_wait3A_639 : memref<640x64xf32, #tpu.memory_space<vmem_shared>>)
      tpu.yield
    }) : () -> ()
    %barrier3A_317 = arith.constant 0 : index
    tpu.barrier barrier_id(%barrier3A_317)
    %add3A_318 = arith.constant 0 : i32
    %add3A_319 = arith.addi %mul3A_2, %add3A_318 : i32
    %dma_start3A_320 = arith.constant 0 : i32
    %dma_start3A_321 = arith.constant 0 : i32
    %dma_start3A_322 = arith.constant 0 : i32
    %dma_start3A_323 = tpu.memref_slice %arg10[%dma_start3A_320, %dma_start3A_322] : memref<8x80xi32, #tpu.memory_space<vmem>> -> memref<1x80xi32, #tpu.memory_space<vmem>>
    %dma_start3A_324 = tpu.memref_squeeze %dma_start3A_323 : memref<1x80xi32, #tpu.memory_space<vmem>> -> memref<80xi32, #tpu.memory_space<vmem>>
    %dma_start3A_325 = tpu.memref_slice %arg5[%add3A_319] : memref<320000xi32, #tpu.memory_space<hbm>> -> memref<80xi32, #tpu.memory_space<hbm>>
    %dma_start3A_326 = tpu.memref_slice %arg15[%dma_start3A_321] : memref<8x!tpu.dma_semaphore, #tpu.memory_space<semaphore_mem>> -> memref<1x!tpu.dma_semaphore, #tpu.memory_space<semaphore_mem>>
    %dma_start3A_327 = tpu.memref_squeeze %dma_start3A_326 : memref<1x!tpu.dma_semaphore, #tpu.memory_space<semaphore_mem>> -> memref<!tpu.dma_semaphore, #tpu.memory_space<semaphore_mem>>
    %dma_start3A_328 = arith.constant 0 : i32
    %dma_start3A_329 = tpu.memref_slice %arg10[%dma_start3A_320, %dma_start3A_328] : memref<8x80xi32, #tpu.memory_space<vmem>> -> memref<1x80xi32, #tpu.memory_space<vmem>>
    %dma_start3A_330 = tpu.memref_squeeze %dma_start3A_329 : memref<1x80xi32, #tpu.memory_space<vmem>> -> memref<80xi32, #tpu.memory_space<vmem>>
    %dma_start3A_331 = tpu.memref_slice %arg5[%add3A_319] : memref<320000xi32, #tpu.memory_space<hbm>> -> memref<80xi32, #tpu.memory_space<hbm>>
    tpu.enqueue_dma source(%dma_start3A_331 : memref<80xi32, #tpu.memory_space<hbm>>) target(%dma_start3A_330 : memref<80xi32, #tpu.memory_space<vmem>>) target_semaphore(%dma_start3A_327 : memref<!tpu.dma_semaphore, #tpu.memory_space<semaphore_mem>>)
    %dma_start3A_332 = arith.constant 0 : i32
    %dma_start3A_333 = arith.constant 0 : i32
    %dma_start3A_334 = arith.constant 0 : i32
    %dma_start3A_335 = tpu.memref_slice %arg11[%dma_start3A_332, %dma_start3A_334] : memref<8x80xi32, #tpu.memory_space<vmem>> -> memref<1x80xi32, #tpu.memory_space<vmem>>
    %dma_start3A_336 = tpu.memref_squeeze %dma_start3A_335 : memref<1x80xi32, #tpu.memory_space<vmem>> -> memref<80xi32, #tpu.memory_space<vmem>>
    %dma_start3A_337 = tpu.memref_slice %arg6[%add3A_319] : memref<320000xi32, #tpu.memory_space<hbm>> -> memref<80xi32, #tpu.memory_space<hbm>>
    %dma_start3A_338 = tpu.memref_slice %arg15[%dma_start3A_333] : memref<8x!tpu.dma_semaphore, #tpu.memory_space<semaphore_mem>> -> memref<1x!tpu.dma_semaphore, #tpu.memory_space<semaphore_mem>>
    %dma_start3A_339 = tpu.memref_squeeze %dma_start3A_338 : memref<1x!tpu.dma_semaphore, #tpu.memory_space<semaphore_mem>> -> memref<!tpu.dma_semaphore, #tpu.memory_space<semaphore_mem>>
    %dma_start3A_340 = arith.constant 0 : i32
    %dma_start3A_341 = tpu.memref_slice %arg11[%dma_start3A_332, %dma_start3A_340] : memref<8x80xi32, #tpu.memory_space<vmem>> -> memref<1x80xi32, #tpu.memory_space<vmem>>
    %dma_start3A_342 = tpu.memref_squeeze %dma_start3A_341 : memref<1x80xi32, #tpu.memory_space<vmem>> -> memref<80xi32, #tpu.memory_space<vmem>>
    %dma_start3A_343 = tpu.memref_slice %arg6[%add3A_319] : memref<320000xi32, #tpu.memory_space<hbm>> -> memref<80xi32, #tpu.memory_space<hbm>>
    tpu.enqueue_dma source(%dma_start3A_343 : memref<80xi32, #tpu.memory_space<hbm>>) target(%dma_start3A_342 : memref<80xi32, #tpu.memory_space<vmem>>) target_semaphore(%dma_start3A_339 : memref<!tpu.dma_semaphore, #tpu.memory_space<semaphore_mem>>)
    %dma_start3A_344 = arith.constant 0 : i32
    %dma_start3A_345 = arith.constant 0 : i32
    %dma_start3A_346 = arith.constant 0 : i32
    %dma_start3A_347 = tpu.memref_slice %arg12[%dma_start3A_344, %dma_start3A_346] : memref<8x80xi32, #tpu.memory_space<vmem>> -> memref<1x80xi32, #tpu.memory_space<vmem>>
    %dma_start3A_348 = tpu.memref_squeeze %dma_start3A_347 : memref<1x80xi32, #tpu.memory_space<vmem>> -> memref<80xi32, #tpu.memory_space<vmem>>
    %dma_start3A_349 = tpu.memref_slice %arg7[%add3A_319] : memref<320000xi32, #tpu.memory_space<hbm>> -> memref<80xi32, #tpu.memory_space<hbm>>
    %dma_start3A_350 = tpu.memref_slice %arg15[%dma_start3A_345] : memref<8x!tpu.dma_semaphore, #tpu.memory_space<semaphore_mem>> -> memref<1x!tpu.dma_semaphore, #tpu.memory_space<semaphore_mem>>
    %dma_start3A_351 = tpu.memref_squeeze %dma_start3A_350 : memref<1x!tpu.dma_semaphore, #tpu.memory_space<semaphore_mem>> -> memref<!tpu.dma_semaphore, #tpu.memory_space<semaphore_mem>>
    %dma_start3A_352 = arith.constant 0 : i32
    %dma_start3A_353 = tpu.memref_slice %arg12[%dma_start3A_344, %dma_start3A_352] : memref<8x80xi32, #tpu.memory_space<vmem>> -> memref<1x80xi32, #tpu.memory_space<vmem>>
    %dma_start3A_354 = tpu.memref_squeeze %dma_start3A_353 : memref<1x80xi32, #tpu.memory_space<vmem>> -> memref<80xi32, #tpu.memory_space<vmem>>
    %dma_start3A_355 = tpu.memref_slice %arg7[%add3A_319] : memref<320000xi32, #tpu.memory_space<hbm>> -> memref<80xi32, #tpu.memory_space<hbm>>
    tpu.enqueue_dma source(%dma_start3A_355 : memref<80xi32, #tpu.memory_space<hbm>>) target(%dma_start3A_354 : memref<80xi32, #tpu.memory_space<vmem>>) target_semaphore(%dma_start3A_351 : memref<!tpu.dma_semaphore, #tpu.memory_space<semaphore_mem>>)
    %add3A_356 = arith.constant 80 : i32
    %add3A_357 = arith.addi %mul3A_2, %add3A_356 : i32
    %dma_start3A_358 = arith.constant 1 : i32
    %dma_start3A_359 = arith.constant 1 : i32
    %dma_start3A_360 = arith.constant 0 : i32
    %dma_start3A_361 = tpu.memref_slice %arg10[%dma_start3A_358, %dma_start3A_360] : memref<8x80xi32, #tpu.memory_space<vmem>> -> memref<1x80xi32, #tpu.memory_space<vmem>>
    %dma_start3A_362 = tpu.memref_squeeze %dma_start3A_361 : memref<1x80xi32, #tpu.memory_space<vmem>> -> memref<80xi32, #tpu.memory_space<vmem>>
    %dma_start3A_363 = tpu.memref_slice %arg5[%add3A_357] : memref<320000xi32, #tpu.memory_space<hbm>> -> memref<80xi32, #tpu.memory_space<hbm>>
    %dma_start3A_364 = tpu.memref_slice %arg15[%dma_start3A_359] : memref<8x!tpu.dma_semaphore, #tpu.memory_space<semaphore_mem>> -> memref<1x!tpu.dma_semaphore, #tpu.memory_space<semaphore_mem>>
    %dma_start3A_365 = tpu.memref_squeeze %dma_start3A_364 : memref<1x!tpu.dma_semaphore, #tpu.memory_space<semaphore_mem>> -> memref<!tpu.dma_semaphore, #tpu.memory_space<semaphore_mem>>
    %dma_start3A_366 = arith.constant 0 : i32
    %dma_start3A_367 = tpu.memref_slice %arg10[%dma_start3A_358, %dma_start3A_366] : memref<8x80xi32, #tpu.memory_space<vmem>> -> memref<1x80xi32, #tpu.memory_space<vmem>>
    %dma_start3A_368 = tpu.memref_squeeze %dma_start3A_367 : memref<1x80xi32, #tpu.memory_space<vmem>> -> memref<80xi32, #tpu.memory_space<vmem>>
    %dma_start3A_369 = tpu.memref_slice %arg5[%add3A_357] : memref<320000xi32, #tpu.memory_space<hbm>> -> memref<80xi32, #tpu.memory_space<hbm>>
    tpu.enqueue_dma source(%dma_start3A_369 : memref<80xi32, #tpu.memory_space<hbm>>) target(%dma_start3A_368 : memref<80xi32, #tpu.memory_space<vmem>>) target_semaphore(%dma_start3A_365 : memref<!tpu.dma_semaphore, #tpu.memory_space<semaphore_mem>>)
    %dma_start3A_370 = arith.constant 1 : i32
    %dma_start3A_371 = arith.constant 1 : i32
    %dma_start3A_372 = arith.constant 0 : i32
    %dma_start3A_373 = tpu.memref_slice %arg11[%dma_start3A_370, %dma_start3A_372] : memref<8x80xi32, #tpu.memory_space<vmem>> -> memref<1x80xi32, #tpu.memory_space<vmem>>
    %dma_start3A_374 = tpu.memref_squeeze %dma_start3A_373 : memref<1x80xi32, #tpu.memory_space<vmem>> -> memref<80xi32, #tpu.memory_space<vmem>>
    %dma_start3A_375 = tpu.memref_slice %arg6[%add3A_357] : memref<320000xi32, #tpu.memory_space<hbm>> -> memref<80xi32, #tpu.memory_space<hbm>>
    %dma_start3A_376 = tpu.memref_slice %arg15[%dma_start3A_371] : memref<8x!tpu.dma_semaphore, #tpu.memory_space<semaphore_mem>> -> memref<1x!tpu.dma_semaphore, #tpu.memory_space<semaphore_mem>>
    %dma_start3A_377 = tpu.memref_squeeze %dma_start3A_376 : memref<1x!tpu.dma_semaphore, #tpu.memory_space<semaphore_mem>> -> memref<!tpu.dma_semaphore, #tpu.memory_space<semaphore_mem>>
    %dma_start3A_378 = arith.constant 0 : i32
    %dma_start3A_379 = tpu.memref_slice %arg11[%dma_start3A_370, %dma_start3A_378] : memref<8x80xi32, #tpu.memory_space<vmem>> -> memref<1x80xi32, #tpu.memory_space<vmem>>
    %dma_start3A_380 = tpu.memref_squeeze %dma_start3A_379 : memref<1x80xi32, #tpu.memory_space<vmem>> -> memref<80xi32, #tpu.memory_space<vmem>>
    %dma_start3A_381 = tpu.memref_slice %arg6[%add3A_357] : memref<320000xi32, #tpu.memory_space<hbm>> -> memref<80xi32, #tpu.memory_space<hbm>>
    tpu.enqueue_dma source(%dma_start3A_381 : memref<80xi32, #tpu.memory_space<hbm>>) target(%dma_start3A_380 : memref<80xi32, #tpu.memory_space<vmem>>) target_semaphore(%dma_start3A_377 : memref<!tpu.dma_semaphore, #tpu.memory_space<semaphore_mem>>)
    %dma_start3A_382 = arith.constant 1 : i32
    %dma_start3A_383 = arith.constant 1 : i32
    %dma_start3A_384 = arith.constant 0 : i32
    %dma_start3A_385 = tpu.memref_slice %arg12[%dma_start3A_382, %dma_start3A_384] : memref<8x80xi32, #tpu.memory_space<vmem>> -> memref<1x80xi32, #tpu.memory_space<vmem>>
    %dma_start3A_386 = tpu.memref_squeeze %dma_start3A_385 : memref<1x80xi32, #tpu.memory_space<vmem>> -> memref<80xi32, #tpu.memory_space<vmem>>
    %dma_start3A_387 = tpu.memref_slice %arg7[%add3A_357] : memref<320000xi32, #tpu.memory_space<hbm>> -> memref<80xi32, #tpu.memory_space<hbm>>
    %dma_start3A_388 = tpu.memref_slice %arg15[%dma_start3A_383] : memref<8x!tpu.dma_semaphore, #tpu.memory_space<semaphore_mem>> -> memref<1x!tpu.dma_semaphore, #tpu.memory_space<semaphore_mem>>
    %dma_start3A_389 = tpu.memref_squeeze %dma_start3A_388 : memref<1x!tpu.dma_semaphore, #tpu.memory_space<semaphore_mem>> -> memref<!tpu.dma_semaphore, #tpu.memory_space<semaphore_mem>>
    %dma_start3A_390 = arith.constant 0 : i32
    %dma_start3A_391 = tpu.memref_slice %arg12[%dma_start3A_382, %dma_start3A_390] : memref<8x80xi32, #tpu.memory_space<vmem>> -> memref<1x80xi32, #tpu.memory_space<vmem>>
    %dma_start3A_392 = tpu.memref_squeeze %dma_start3A_391 : memref<1x80xi32, #tpu.memory_space<vmem>> -> memref<80xi32, #tpu.memory_space<vmem>>
    %dma_start3A_393 = tpu.memref_slice %arg7[%add3A_357] : memref<320000xi32, #tpu.memory_space<hbm>> -> memref<80xi32, #tpu.memory_space<hbm>>
    tpu.enqueue_dma source(%dma_start3A_393 : memref<80xi32, #tpu.memory_space<hbm>>) target(%dma_start3A_392 : memref<80xi32, #tpu.memory_space<vmem>>) target_semaphore(%dma_start3A_389 : memref<!tpu.dma_semaphore, #tpu.memory_space<semaphore_mem>>)
    %add3A_394 = arith.constant 160 : i32
    %add3A_395 = arith.addi %mul3A_2, %add3A_394 : i32
    %dma_start3A_396 = arith.constant 2 : i32
    %dma_start3A_397 = arith.constant 2 : i32
    %dma_start3A_398 = arith.constant 0 : i32
    %dma_start3A_399 = tpu.memref_slice %arg10[%dma_start3A_396, %dma_start3A_398] : memref<8x80xi32, #tpu.memory_space<vmem>> -> memref<1x80xi32, #tpu.memory_space<vmem>>
    %dma_start3A_400 = tpu.memref_squeeze %dma_start3A_399 : memref<1x80xi32, #tpu.memory_space<vmem>> -> memref<80xi32, #tpu.memory_space<vmem>>
    %dma_start3A_401 = tpu.memref_slice %arg5[%add3A_395] : memref<320000xi32, #tpu.memory_space<hbm>> -> memref<80xi32, #tpu.memory_space<hbm>>
    %dma_start3A_402 = tpu.memref_slice %arg15[%dma_start3A_397] : memref<8x!tpu.dma_semaphore, #tpu.memory_space<semaphore_mem>> -> memref<1x!tpu.dma_semaphore, #tpu.memory_space<semaphore_mem>>
    %dma_start3A_403 = tpu.memref_squeeze %dma_start3A_402 : memref<1x!tpu.dma_semaphore, #tpu.memory_space<semaphore_mem>> -> memref<!tpu.dma_semaphore, #tpu.memory_space<semaphore_mem>>
    %dma_start3A_404 = arith.constant 0 : i32
    %dma_start3A_405 = tpu.memref_slice %arg10[%dma_start3A_396, %dma_start3A_404] : memref<8x80xi32, #tpu.memory_space<vmem>> -> memref<1x80xi32, #tpu.memory_space<vmem>>
    %dma_start3A_406 = tpu.memref_squeeze %dma_start3A_405 : memref<1x80xi32, #tpu.memory_space<vmem>> -> memref<80xi32, #tpu.memory_space<vmem>>
    %dma_start3A_407 = tpu.memref_slice %arg5[%add3A_395] : memref<320000xi32, #tpu.memory_space<hbm>> -> memref<80xi32, #tpu.memory_space<hbm>>
    tpu.enqueue_dma source(%dma_start3A_407 : memref<80xi32, #tpu.memory_space<hbm>>) target(%dma_start3A_406 : memref<80xi32, #tpu.memory_space<vmem>>) target_semaphore(%dma_start3A_403 : memref<!tpu.dma_semaphore, #tpu.memory_space<semaphore_mem>>)
    %dma_start3A_408 = arith.constant 2 : i32
    %dma_start3A_409 = arith.constant 2 : i32
    %dma_start3A_410 = arith.constant 0 : i32
    %dma_start3A_411 = tpu.memref_slice %arg11[%dma_start3A_408, %dma_start3A_410] : memref<8x80xi32, #tpu.memory_space<vmem>> -> memref<1x80xi32, #tpu.memory_space<vmem>>
    %dma_start3A_412 = tpu.memref_squeeze %dma_start3A_411 : memref<1x80xi32, #tpu.memory_space<vmem>> -> memref<80xi32, #tpu.memory_space<vmem>>
    %dma_start3A_413 = tpu.memref_slice %arg6[%add3A_395] : memref<320000xi32, #tpu.memory_space<hbm>> -> memref<80xi32, #tpu.memory_space<hbm>>
    %dma_start3A_414 = tpu.memref_slice %arg15[%dma_start3A_409] : memref<8x!tpu.dma_semaphore, #tpu.memory_space<semaphore_mem>> -> memref<1x!tpu.dma_semaphore, #tpu.memory_space<semaphore_mem>>
    %dma_start3A_415 = tpu.memref_squeeze %dma_start3A_414 : memref<1x!tpu.dma_semaphore, #tpu.memory_space<semaphore_mem>> -> memref<!tpu.dma_semaphore, #tpu.memory_space<semaphore_mem>>
    %dma_start3A_416 = arith.constant 0 : i32
    %dma_start3A_417 = tpu.memref_slice %arg11[%dma_start3A_408, %dma_start3A_416] : memref<8x80xi32, #tpu.memory_space<vmem>> -> memref<1x80xi32, #tpu.memory_space<vmem>>
    %dma_start3A_418 = tpu.memref_squeeze %dma_start3A_417 : memref<1x80xi32, #tpu.memory_space<vmem>> -> memref<80xi32, #tpu.memory_space<vmem>>
    %dma_start3A_419 = tpu.memref_slice %arg6[%add3A_395] : memref<320000xi32, #tpu.memory_space<hbm>> -> memref<80xi32, #tpu.memory_space<hbm>>
    tpu.enqueue_dma source(%dma_start3A_419 : memref<80xi32, #tpu.memory_space<hbm>>) target(%dma_start3A_418 : memref<80xi32, #tpu.memory_space<vmem>>) target_semaphore(%dma_start3A_415 : memref<!tpu.dma_semaphore, #tpu.memory_space<semaphore_mem>>)
    %dma_start3A_420 = arith.constant 2 : i32
    %dma_start3A_421 = arith.constant 2 : i32
    %dma_start3A_422 = arith.constant 0 : i32
    %dma_start3A_423 = tpu.memref_slice %arg12[%dma_start3A_420, %dma_start3A_422] : memref<8x80xi32, #tpu.memory_space<vmem>> -> memref<1x80xi32, #tpu.memory_space<vmem>>
    %dma_start3A_424 = tpu.memref_squeeze %dma_start3A_423 : memref<1x80xi32, #tpu.memory_space<vmem>> -> memref<80xi32, #tpu.memory_space<vmem>>
    %dma_start3A_425 = tpu.memref_slice %arg7[%add3A_395] : memref<320000xi32, #tpu.memory_space<hbm>> -> memref<80xi32, #tpu.memory_space<hbm>>
    %dma_start3A_426 = tpu.memref_slice %arg15[%dma_start3A_421] : memref<8x!tpu.dma_semaphore, #tpu.memory_space<semaphore_mem>> -> memref<1x!tpu.dma_semaphore, #tpu.memory_space<semaphore_mem>>
    %dma_start3A_427 = tpu.memref_squeeze %dma_start3A_426 : memref<1x!tpu.dma_semaphore, #tpu.memory_space<semaphore_mem>> -> memref<!tpu.dma_semaphore, #tpu.memory_space<semaphore_mem>>
    %dma_start3A_428 = arith.constant 0 : i32
    %dma_start3A_429 = tpu.memref_slice %arg12[%dma_start3A_420, %dma_start3A_428] : memref<8x80xi32, #tpu.memory_space<vmem>> -> memref<1x80xi32, #tpu.memory_space<vmem>>
    %dma_start3A_430 = tpu.memref_squeeze %dma_start3A_429 : memref<1x80xi32, #tpu.memory_space<vmem>> -> memref<80xi32, #tpu.memory_space<vmem>>
    %dma_start3A_431 = tpu.memref_slice %arg7[%add3A_395] : memref<320000xi32, #tpu.memory_space<hbm>> -> memref<80xi32, #tpu.memory_space<hbm>>
    tpu.enqueue_dma source(%dma_start3A_431 : memref<80xi32, #tpu.memory_space<hbm>>) target(%dma_start3A_430 : memref<80xi32, #tpu.memory_space<vmem>>) target_semaphore(%dma_start3A_427 : memref<!tpu.dma_semaphore, #tpu.memory_space<semaphore_mem>>)
    %dma_wait3A_432 = arith.constant 0 : i32
    %dma_wait3A_433 = arith.constant 0 : i32
    %dma_wait3A_434 = arith.constant 0 : i32
    %dma_wait3A_435 = tpu.memref_slice %arg10[%dma_wait3A_432, %dma_wait3A_434] : memref<8x80xi32, #tpu.memory_space<vmem>> -> memref<1x80xi32, #tpu.memory_space<vmem>>
    %dma_wait3A_436 = tpu.memref_squeeze %dma_wait3A_435 : memref<1x80xi32, #tpu.memory_space<vmem>> -> memref<80xi32, #tpu.memory_space<vmem>>
    %dma_wait3A_437 = tpu.memref_slice %arg5[%mul3A_2] : memref<320000xi32, #tpu.memory_space<hbm>> -> memref<80xi32, #tpu.memory_space<hbm>>
    %dma_wait3A_438 = tpu.memref_slice %arg15[%dma_wait3A_433] : memref<8x!tpu.dma_semaphore, #tpu.memory_space<semaphore_mem>> -> memref<1x!tpu.dma_semaphore, #tpu.memory_space<semaphore_mem>>
    %dma_wait3A_439 = tpu.memref_squeeze %dma_wait3A_438 : memref<1x!tpu.dma_semaphore, #tpu.memory_space<semaphore_mem>> -> memref<!tpu.dma_semaphore, #tpu.memory_space<semaphore_mem>>
    %dma_wait3A_440 = arith.constant 0 : i32
    %dma_wait3A_441 = tpu.memref_slice %arg10[%dma_wait3A_432, %dma_wait3A_440] : memref<8x80xi32, #tpu.memory_space<vmem>> -> memref<1x80xi32, #tpu.memory_space<vmem>>
    %dma_wait3A_442 = tpu.memref_squeeze %dma_wait3A_441 : memref<1x80xi32, #tpu.memory_space<vmem>> -> memref<80xi32, #tpu.memory_space<vmem>>
    %dma_wait3A_443 = tpu.memref_slice %arg5[%mul3A_2] : memref<320000xi32, #tpu.memory_space<hbm>> -> memref<80xi32, #tpu.memory_space<hbm>>
    tpu.wait_dma2 semaphore(%dma_wait3A_439 : memref<!tpu.dma_semaphore, #tpu.memory_space<semaphore_mem>>) src(%dma_wait3A_443 : memref<80xi32, #tpu.memory_space<hbm>>) dst(%dma_wait3A_442 : memref<80xi32, #tpu.memory_space<vmem>>)
    %dma_wait3A_444 = arith.constant 0 : i32
    %dma_wait3A_445 = arith.constant 0 : i32
    %dma_wait3A_446 = arith.constant 0 : i32
    %dma_wait3A_447 = tpu.memref_slice %arg11[%dma_wait3A_444, %dma_wait3A_446] : memref<8x80xi32, #tpu.memory_space<vmem>> -> memref<1x80xi32, #tpu.memory_space<vmem>>
    %dma_wait3A_448 = tpu.memref_squeeze %dma_wait3A_447 : memref<1x80xi32, #tpu.memory_space<vmem>> -> memref<80xi32, #tpu.memory_space<vmem>>
    %dma_wait3A_449 = tpu.memref_slice %arg6[%mul3A_2] : memref<320000xi32, #tpu.memory_space<hbm>> -> memref<80xi32, #tpu.memory_space<hbm>>
    %dma_wait3A_450 = tpu.memref_slice %arg15[%dma_wait3A_445] : memref<8x!tpu.dma_semaphore, #tpu.memory_space<semaphore_mem>> -> memref<1x!tpu.dma_semaphore, #tpu.memory_space<semaphore_mem>>
    %dma_wait3A_451 = tpu.memref_squeeze %dma_wait3A_450 : memref<1x!tpu.dma_semaphore, #tpu.memory_space<semaphore_mem>> -> memref<!tpu.dma_semaphore, #tpu.memory_space<semaphore_mem>>
    %dma_wait3A_452 = arith.constant 0 : i32
    %dma_wait3A_453 = tpu.memref_slice %arg11[%dma_wait3A_444, %dma_wait3A_452] : memref<8x80xi32, #tpu.memory_space<vmem>> -> memref<1x80xi32, #tpu.memory_space<vmem>>
    %dma_wait3A_454 = tpu.memref_squeeze %dma_wait3A_453 : memref<1x80xi32, #tpu.memory_space<vmem>> -> memref<80xi32, #tpu.memory_space<vmem>>
    %dma_wait3A_455 = tpu.memref_slice %arg6[%mul3A_2] : memref<320000xi32, #tpu.memory_space<hbm>> -> memref<80xi32, #tpu.memory_space<hbm>>
    tpu.wait_dma2 semaphore(%dma_wait3A_451 : memref<!tpu.dma_semaphore, #tpu.memory_space<semaphore_mem>>) src(%dma_wait3A_455 : memref<80xi32, #tpu.memory_space<hbm>>) dst(%dma_wait3A_454 : memref<80xi32, #tpu.memory_space<vmem>>)
    %dma_wait3A_456 = arith.constant 0 : i32
    %dma_wait3A_457 = arith.constant 0 : i32
    %dma_wait3A_458 = arith.constant 0 : i32
    %dma_wait3A_459 = tpu.memref_slice %arg12[%dma_wait3A_456, %dma_wait3A_458] : memref<8x80xi32, #tpu.memory_space<vmem>> -> memref<1x80xi32, #tpu.memory_space<vmem>>
    %dma_wait3A_460 = tpu.memref_squeeze %dma_wait3A_459 : memref<1x80xi32, #tpu.memory_space<vmem>> -> memref<80xi32, #tpu.memory_space<vmem>>
    %dma_wait3A_461 = tpu.memref_slice %arg7[%mul3A_2] : memref<320000xi32, #tpu.memory_space<hbm>> -> memref<80xi32, #tpu.memory_space<hbm>>
    %dma_wait3A_462 = tpu.memref_slice %arg15[%dma_wait3A_457] : memref<8x!tpu.dma_semaphore, #tpu.memory_space<semaphore_mem>> -> memref<1x!tpu.dma_semaphore, #tpu.memory_space<semaphore_mem>>
    %dma_wait3A_463 = tpu.memref_squeeze %dma_wait3A_462 : memref<1x!tpu.dma_semaphore, #tpu.memory_space<semaphore_mem>> -> memref<!tpu.dma_semaphore, #tpu.memory_space<semaphore_mem>>
    %dma_wait3A_464 = arith.constant 0 : i32
    %dma_wait3A_465 = tpu.memref_slice %arg12[%dma_wait3A_456, %dma_wait3A_464] : memref<8x80xi32, #tpu.memory_space<vmem>> -> memref<1x80xi32, #tpu.memory_space<vmem>>
    %dma_wait3A_466 = tpu.memref_squeeze %dma_wait3A_465 : memref<1x80xi32, #tpu.memory_space<vmem>> -> memref<80xi32, #tpu.memory_space<vmem>>
    %dma_wait3A_467 = tpu.memref_slice %arg7[%mul3A_2] : memref<320000xi32, #tpu.memory_space<hbm>> -> memref<80xi32, #tpu.memory_space<hbm>>
    tpu.wait_dma2 semaphore(%dma_wait3A_463 : memref<!tpu.dma_semaphore, #tpu.memory_space<semaphore_mem>>) src(%dma_wait3A_467 : memref<80xi32, #tpu.memory_space<hbm>>) dst(%dma_wait3A_466 : memref<80xi32, #tpu.memory_space<vmem>>)
    %dma_start3A_468 = arith.constant 0 : i32
    %dma_start3A_469 = arith.constant 0 : i32
    %dma_start3A_470 = arith.constant 0 : i32
    %dma_start3A_471 = arith.constant 0 : i32
    %dma_start3A_472 = arith.constant 0 : i32
    %dma_start3A_473 = tpu.memref_slice %arg13[%dma_start3A_469, %dma_start3A_471, %dma_start3A_472] : memref<4x80x64xf32, #tpu.memory_space<vmem>> -> memref<1x80x64xf32, #tpu.memory_space<vmem>>
    %dma_start3A_474 = tpu.memref_squeeze %dma_start3A_473 : memref<1x80x64xf32, #tpu.memory_space<vmem>> -> memref<80x64xf32, #tpu.memory_space<vmem>>
    %dma_start3A_475 = arith.constant 0 : i32
    %dma_start3A_476 = tpu.memref_slice %arg10[%dma_start3A_468, %dma_start3A_475] : memref<8x80xi32, #tpu.memory_space<vmem>> -> memref<1x80xi32, #tpu.memory_space<vmem>>
    %dma_start3A_477 = tpu.memref_squeeze %dma_start3A_476 : memref<1x80xi32, #tpu.memory_space<vmem>> -> memref<80xi32, #tpu.memory_space<vmem>>
    %dma_start3A_478 = arith.constant 0 : i32
    %dma_start3A_479 = arith.constant 0 : i32
    %dma_start3A_480 = tpu.memref_slice %arg3[%dma_start3A_478, %dma_start3A_479] : memref<40000x64xf32, #tpu.memory_space<hbm>> -> memref<40000x64xf32, #tpu.memory_space<hbm>>
    %dma_start3A_481 = tpu.memref_slice %arg16[%dma_start3A_470] : memref<4x!tpu.dma_semaphore, #tpu.memory_space<semaphore_mem>> -> memref<1x!tpu.dma_semaphore, #tpu.memory_space<semaphore_mem>>
    %dma_start3A_482 = tpu.memref_squeeze %dma_start3A_481 : memref<1x!tpu.dma_semaphore, #tpu.memory_space<semaphore_mem>> -> memref<!tpu.dma_semaphore, #tpu.memory_space<semaphore_mem>>
    tpu.enqueue_indirect_dma source(%dma_start3A_480 : memref<40000x64xf32, #tpu.memory_space<hbm>>) target(%dma_start3A_474 : memref<80x64xf32, #tpu.memory_space<vmem>>) offsets(%dma_start3A_477 : memref<80xi32, #tpu.memory_space<vmem>>) semaphore(%dma_start3A_482 : memref<!tpu.dma_semaphore, #tpu.memory_space<semaphore_mem>>)
    %dma_start3A_483 = arith.constant 0 : i32
    %dma_start3A_484 = arith.constant 0 : i32
    %dma_start3A_485 = arith.constant 0 : i32
    %dma_start3A_486 = arith.constant 0 : i32
    %dma_start3A_487 = arith.constant 0 : i32
    %dma_start3A_488 = tpu.memref_slice %arg14[%dma_start3A_484, %dma_start3A_486, %dma_start3A_487] : memref<4x80x16xf32, #tpu.memory_space<vmem>> -> memref<1x80x16xf32, #tpu.memory_space<vmem>>
    %dma_start3A_489 = tpu.memref_squeeze %dma_start3A_488 : memref<1x80x16xf32, #tpu.memory_space<vmem>> -> memref<80x16xf32, #tpu.memory_space<vmem>>
    %dma_start3A_490 = arith.constant 0 : i32
    %dma_start3A_491 = tpu.memref_slice %arg11[%dma_start3A_483, %dma_start3A_490] : memref<8x80xi32, #tpu.memory_space<vmem>> -> memref<1x80xi32, #tpu.memory_space<vmem>>
    %dma_start3A_492 = tpu.memref_squeeze %dma_start3A_491 : memref<1x80xi32, #tpu.memory_space<vmem>> -> memref<80xi32, #tpu.memory_space<vmem>>
    %dma_start3A_493 = arith.constant 0 : i32
    %dma_start3A_494 = arith.constant 0 : i32
    %dma_start3A_495 = tpu.memref_slice %arg4[%dma_start3A_493, %dma_start3A_494] : memref<40960x16xf32, #tpu.memory_space<hbm>> -> memref<40960x16xf32, #tpu.memory_space<hbm>>
    %dma_start3A_496 = tpu.memref_slice %arg17[%dma_start3A_485] : memref<4x!tpu.dma_semaphore, #tpu.memory_space<semaphore_mem>> -> memref<1x!tpu.dma_semaphore, #tpu.memory_space<semaphore_mem>>
    %dma_start3A_497 = tpu.memref_squeeze %dma_start3A_496 : memref<1x!tpu.dma_semaphore, #tpu.memory_space<semaphore_mem>> -> memref<!tpu.dma_semaphore, #tpu.memory_space<semaphore_mem>>
    tpu.enqueue_indirect_dma source(%dma_start3A_495 : memref<40960x16xf32, #tpu.memory_space<hbm>>) target(%dma_start3A_489 : memref<80x16xf32, #tpu.memory_space<vmem>>) offsets(%dma_start3A_492 : memref<80xi32, #tpu.memory_space<vmem>>) semaphore(%dma_start3A_497 : memref<!tpu.dma_semaphore, #tpu.memory_space<semaphore_mem>>)
    %dma_wait3A_498 = arith.constant 1 : i32
    %dma_wait3A_499 = arith.constant 1 : i32
    %dma_wait3A_500 = arith.constant 0 : i32
    %dma_wait3A_501 = tpu.memref_slice %arg10[%dma_wait3A_498, %dma_wait3A_500] : memref<8x80xi32, #tpu.memory_space<vmem>> -> memref<1x80xi32, #tpu.memory_space<vmem>>
    %dma_wait3A_502 = tpu.memref_squeeze %dma_wait3A_501 : memref<1x80xi32, #tpu.memory_space<vmem>> -> memref<80xi32, #tpu.memory_space<vmem>>
    %dma_wait3A_503 = tpu.memref_slice %arg5[%mul3A_2] : memref<320000xi32, #tpu.memory_space<hbm>> -> memref<80xi32, #tpu.memory_space<hbm>>
    %dma_wait3A_504 = tpu.memref_slice %arg15[%dma_wait3A_499] : memref<8x!tpu.dma_semaphore, #tpu.memory_space<semaphore_mem>> -> memref<1x!tpu.dma_semaphore, #tpu.memory_space<semaphore_mem>>
    %dma_wait3A_505 = tpu.memref_squeeze %dma_wait3A_504 : memref<1x!tpu.dma_semaphore, #tpu.memory_space<semaphore_mem>> -> memref<!tpu.dma_semaphore, #tpu.memory_space<semaphore_mem>>
    %dma_wait3A_506 = arith.constant 0 : i32
    %dma_wait3A_507 = tpu.memref_slice %arg10[%dma_wait3A_498, %dma_wait3A_506] : memref<8x80xi32, #tpu.memory_space<vmem>> -> memref<1x80xi32, #tpu.memory_space<vmem>>
    %dma_wait3A_508 = tpu.memref_squeeze %dma_wait3A_507 : memref<1x80xi32, #tpu.memory_space<vmem>> -> memref<80xi32, #tpu.memory_space<vmem>>
    %dma_wait3A_509 = tpu.memref_slice %arg5[%mul3A_2] : memref<320000xi32, #tpu.memory_space<hbm>> -> memref<80xi32, #tpu.memory_space<hbm>>
    tpu.wait_dma2 semaphore(%dma_wait3A_505 : memref<!tpu.dma_semaphore, #tpu.memory_space<semaphore_mem>>) src(%dma_wait3A_509 : memref<80xi32, #tpu.memory_space<hbm>>) dst(%dma_wait3A_508 : memref<80xi32, #tpu.memory_space<vmem>>)
    %dma_wait3A_510 = arith.constant 1 : i32
    %dma_wait3A_511 = arith.constant 1 : i32
    %dma_wait3A_512 = arith.constant 0 : i32
    %dma_wait3A_513 = tpu.memref_slice %arg11[%dma_wait3A_510, %dma_wait3A_512] : memref<8x80xi32, #tpu.memory_space<vmem>> -> memref<1x80xi32, #tpu.memory_space<vmem>>
    %dma_wait3A_514 = tpu.memref_squeeze %dma_wait3A_513 : memref<1x80xi32, #tpu.memory_space<vmem>> -> memref<80xi32, #tpu.memory_space<vmem>>
    %dma_wait3A_515 = tpu.memref_slice %arg6[%mul3A_2] : memref<320000xi32, #tpu.memory_space<hbm>> -> memref<80xi32, #tpu.memory_space<hbm>>
    %dma_wait3A_516 = tpu.memref_slice %arg15[%dma_wait3A_511] : memref<8x!tpu.dma_semaphore, #tpu.memory_space<semaphore_mem>> -> memref<1x!tpu.dma_semaphore, #tpu.memory_space<semaphore_mem>>
    %dma_wait3A_517 = tpu.memref_squeeze %dma_wait3A_516 : memref<1x!tpu.dma_semaphore, #tpu.memory_space<semaphore_mem>> -> memref<!tpu.dma_semaphore, #tpu.memory_space<semaphore_mem>>
    %dma_wait3A_518 = arith.constant 0 : i32
    %dma_wait3A_519 = tpu.memref_slice %arg11[%dma_wait3A_510, %dma_wait3A_518] : memref<8x80xi32, #tpu.memory_space<vmem>> -> memref<1x80xi32, #tpu.memory_space<vmem>>
    %dma_wait3A_520 = tpu.memref_squeeze %dma_wait3A_519 : memref<1x80xi32, #tpu.memory_space<vmem>> -> memref<80xi32, #tpu.memory_space<vmem>>
    %dma_wait3A_521 = tpu.memref_slice %arg6[%mul3A_2] : memref<320000xi32, #tpu.memory_space<hbm>> -> memref<80xi32, #tpu.memory_space<hbm>>
    tpu.wait_dma2 semaphore(%dma_wait3A_517 : memref<!tpu.dma_semaphore, #tpu.memory_space<semaphore_mem>>) src(%dma_wait3A_521 : memref<80xi32, #tpu.memory_space<hbm>>) dst(%dma_wait3A_520 : memref<80xi32, #tpu.memory_space<vmem>>)
    %dma_wait3A_522 = arith.constant 1 : i32
    %dma_wait3A_523 = arith.constant 1 : i32
    %dma_wait3A_524 = arith.constant 0 : i32
    %dma_wait3A_525 = tpu.memref_slice %arg12[%dma_wait3A_522, %dma_wait3A_524] : memref<8x80xi32, #tpu.memory_space<vmem>> -> memref<1x80xi32, #tpu.memory_space<vmem>>
    %dma_wait3A_526 = tpu.memref_squeeze %dma_wait3A_525 : memref<1x80xi32, #tpu.memory_space<vmem>> -> memref<80xi32, #tpu.memory_space<vmem>>
    %dma_wait3A_527 = tpu.memref_slice %arg7[%mul3A_2] : memref<320000xi32, #tpu.memory_space<hbm>> -> memref<80xi32, #tpu.memory_space<hbm>>
    %dma_wait3A_528 = tpu.memref_slice %arg15[%dma_wait3A_523] : memref<8x!tpu.dma_semaphore, #tpu.memory_space<semaphore_mem>> -> memref<1x!tpu.dma_semaphore, #tpu.memory_space<semaphore_mem>>
    %dma_wait3A_529 = tpu.memref_squeeze %dma_wait3A_528 : memref<1x!tpu.dma_semaphore, #tpu.memory_space<semaphore_mem>> -> memref<!tpu.dma_semaphore, #tpu.memory_space<semaphore_mem>>
    %dma_wait3A_530 = arith.constant 0 : i32
    %dma_wait3A_531 = tpu.memref_slice %arg12[%dma_wait3A_522, %dma_wait3A_530] : memref<8x80xi32, #tpu.memory_space<vmem>> -> memref<1x80xi32, #tpu.memory_space<vmem>>
    %dma_wait3A_532 = tpu.memref_squeeze %dma_wait3A_531 : memref<1x80xi32, #tpu.memory_space<vmem>> -> memref<80xi32, #tpu.memory_space<vmem>>
    %dma_wait3A_533 = tpu.memref_slice %arg7[%mul3A_2] : memref<320000xi32, #tpu.memory_space<hbm>> -> memref<80xi32, #tpu.memory_space<hbm>>
    tpu.wait_dma2 semaphore(%dma_wait3A_529 : memref<!tpu.dma_semaphore, #tpu.memory_space<semaphore_mem>>) src(%dma_wait3A_533 : memref<80xi32, #tpu.memory_space<hbm>>) dst(%dma_wait3A_532 : memref<80xi32, #tpu.memory_space<vmem>>)
    %dma_start3A_534 = arith.constant 1 : i32
    %dma_start3A_535 = arith.constant 1 : i32
    %dma_start3A_536 = arith.constant 1 : i32
    %dma_start3A_537 = arith.constant 0 : i32
    %dma_start3A_538 = arith.constant 0 : i32
    %dma_start3A_539 = tpu.memref_slice %arg13[%dma_start3A_535, %dma_start3A_537, %dma_start3A_538] : memref<4x80x64xf32, #tpu.memory_space<vmem>> -> memref<1x80x64xf32, #tpu.memory_space<vmem>>
    %dma_start3A_540 = tpu.memref_squeeze %dma_start3A_539 : memref<1x80x64xf32, #tpu.memory_space<vmem>> -> memref<80x64xf32, #tpu.memory_space<vmem>>
    %dma_start3A_541 = arith.constant 0 : i32
    %dma_start3A_542 = tpu.memref_slice %arg10[%dma_start3A_534, %dma_start3A_541] : memref<8x80xi32, #tpu.memory_space<vmem>> -> memref<1x80xi32, #tpu.memory_space<vmem>>
    %dma_start3A_543 = tpu.memref_squeeze %dma_start3A_542 : memref<1x80xi32, #tpu.memory_space<vmem>> -> memref<80xi32, #tpu.memory_space<vmem>>
    %dma_start3A_544 = arith.constant 0 : i32
    %dma_start3A_545 = arith.constant 0 : i32
    %dma_start3A_546 = tpu.memref_slice %arg3[%dma_start3A_544, %dma_start3A_545] : memref<40000x64xf32, #tpu.memory_space<hbm>> -> memref<40000x64xf32, #tpu.memory_space<hbm>>
    %dma_start3A_547 = tpu.memref_slice %arg16[%dma_start3A_536] : memref<4x!tpu.dma_semaphore, #tpu.memory_space<semaphore_mem>> -> memref<1x!tpu.dma_semaphore, #tpu.memory_space<semaphore_mem>>
    %dma_start3A_548 = tpu.memref_squeeze %dma_start3A_547 : memref<1x!tpu.dma_semaphore, #tpu.memory_space<semaphore_mem>> -> memref<!tpu.dma_semaphore, #tpu.memory_space<semaphore_mem>>
    tpu.enqueue_indirect_dma source(%dma_start3A_546 : memref<40000x64xf32, #tpu.memory_space<hbm>>) target(%dma_start3A_540 : memref<80x64xf32, #tpu.memory_space<vmem>>) offsets(%dma_start3A_543 : memref<80xi32, #tpu.memory_space<vmem>>) semaphore(%dma_start3A_548 : memref<!tpu.dma_semaphore, #tpu.memory_space<semaphore_mem>>)
    %dma_start3A_549 = arith.constant 1 : i32
    %dma_start3A_550 = arith.constant 1 : i32
    %dma_start3A_551 = arith.constant 1 : i32
    %dma_start3A_552 = arith.constant 0 : i32
    %dma_start3A_553 = arith.constant 0 : i32
    %dma_start3A_554 = tpu.memref_slice %arg14[%dma_start3A_550, %dma_start3A_552, %dma_start3A_553] : memref<4x80x16xf32, #tpu.memory_space<vmem>> -> memref<1x80x16xf32, #tpu.memory_space<vmem>>
    %dma_start3A_555 = tpu.memref_squeeze %dma_start3A_554 : memref<1x80x16xf32, #tpu.memory_space<vmem>> -> memref<80x16xf32, #tpu.memory_space<vmem>>
    %dma_start3A_556 = arith.constant 0 : i32
    %dma_start3A_557 = tpu.memref_slice %arg11[%dma_start3A_549, %dma_start3A_556] : memref<8x80xi32, #tpu.memory_space<vmem>> -> memref<1x80xi32, #tpu.memory_space<vmem>>
    %dma_start3A_558 = tpu.memref_squeeze %dma_start3A_557 : memref<1x80xi32, #tpu.memory_space<vmem>> -> memref<80xi32, #tpu.memory_space<vmem>>
    %dma_start3A_559 = arith.constant 0 : i32
    %dma_start3A_560 = arith.constant 0 : i32
    %dma_start3A_561 = tpu.memref_slice %arg4[%dma_start3A_559, %dma_start3A_560] : memref<40960x16xf32, #tpu.memory_space<hbm>> -> memref<40960x16xf32, #tpu.memory_space<hbm>>
    %dma_start3A_562 = tpu.memref_slice %arg17[%dma_start3A_551] : memref<4x!tpu.dma_semaphore, #tpu.memory_space<semaphore_mem>> -> memref<1x!tpu.dma_semaphore, #tpu.memory_space<semaphore_mem>>
    %dma_start3A_563 = tpu.memref_squeeze %dma_start3A_562 : memref<1x!tpu.dma_semaphore, #tpu.memory_space<semaphore_mem>> -> memref<!tpu.dma_semaphore, #tpu.memory_space<semaphore_mem>>
    tpu.enqueue_indirect_dma source(%dma_start3A_561 : memref<40960x16xf32, #tpu.memory_space<hbm>>) target(%dma_start3A_555 : memref<80x16xf32, #tpu.memory_space<vmem>>) offsets(%dma_start3A_558 : memref<80xi32, #tpu.memory_space<vmem>>) semaphore(%dma_start3A_563 : memref<!tpu.dma_semaphore, #tpu.memory_space<semaphore_mem>>)
    %scan3A_564 = arith.constant 0 : i32
    %scan3A_565 = arith.constant 0 : i32
    %scan3A_566 = arith.constant 125 : i32
    %scan3A_567 = arith.addi %scan3A_565, %scan3A_566 : i32
    %scan3A_568 = arith.constant 1 : i32
    scf.for %scan3A_633 = %scan3A_565 to %scan3A_567 step %scan3A_568  : i32 {
      %and3A = arith.constant 3 : i32
      %and3A_634 = arith.andi %scan3A_633, %and3A : i32
      %and3A_635 = arith.constant 7 : i32
      %and3A_636 = arith.andi %scan3A_633, %and3A_635 : i32
      %add3A_637 = arith.constant 3 : i32
      %add3A_638 = arith.addi %scan3A_633, %add3A_637 : i32
      %lt3A = arith.constant 125 : i32
      %lt3A_639 = arith.cmpi slt, %add3A_638, %lt3A : i32
      %convert_element_type3A = arith.extui %lt3A_639 : i1 to i32
      %cond3A = arith.constant 0 : i32
      %cond3A_640 = arith.cmpi ne, %convert_element_type3A, %cond3A : i32
      scf.if %cond3A_640 {
        %add3A_690 = arith.constant 3 : i32
        %add3A_691 = arith.addi %scan3A_633, %add3A_690 : i32
        %add3A_692 = arith.constant 3 : i32
        %add3A_693 = arith.addi %scan3A_633, %add3A_692 : i32
        %and3A_694 = arith.constant 7 : i32
        %and3A_695 = arith.andi %add3A_693, %and3A_694 : i32
        %mul3A_696 = arith.constant 80 : i32
        %mul3A_697 = arith.muli %add3A_691, %mul3A_696 : i32
        %add3A_698 = arith.addi %mul3A_2, %mul3A_697 : i32
        %dma_start3A_699 = arith.constant 0 : i32
        %dma_start3A_700 = tpu.memref_slice %arg10[%and3A_695, %dma_start3A_699] : memref<8x80xi32, #tpu.memory_space<vmem>> -> memref<1x80xi32, #tpu.memory_space<vmem>>
        %dma_start3A_701 = tpu.memref_squeeze %dma_start3A_700 : memref<1x80xi32, #tpu.memory_space<vmem>> -> memref<80xi32, #tpu.memory_space<vmem>>
        %dma_start3A_702 = tpu.memref_slice %arg5[%add3A_698] : memref<320000xi32, #tpu.memory_space<hbm>> -> memref<80xi32, #tpu.memory_space<hbm>>
        %dma_start3A_703 = tpu.memref_slice %arg15[%and3A_695] : memref<8x!tpu.dma_semaphore, #tpu.memory_space<semaphore_mem>> -> memref<1x!tpu.dma_semaphore, #tpu.memory_space<semaphore_mem>>
        %dma_start3A_704 = tpu.memref_squeeze %dma_start3A_703 : memref<1x!tpu.dma_semaphore, #tpu.memory_space<semaphore_mem>> -> memref<!tpu.dma_semaphore, #tpu.memory_space<semaphore_mem>>
        %dma_start3A_705 = arith.constant 0 : i32
        %dma_start3A_706 = tpu.memref_slice %arg10[%and3A_695, %dma_start3A_705] : memref<8x80xi32, #tpu.memory_space<vmem>> -> memref<1x80xi32, #tpu.memory_space<vmem>>
        %dma_start3A_707 = tpu.memref_squeeze %dma_start3A_706 : memref<1x80xi32, #tpu.memory_space<vmem>> -> memref<80xi32, #tpu.memory_space<vmem>>
        %dma_start3A_708 = tpu.memref_slice %arg5[%add3A_698] : memref<320000xi32, #tpu.memory_space<hbm>> -> memref<80xi32, #tpu.memory_space<hbm>>
        tpu.enqueue_dma source(%dma_start3A_708 : memref<80xi32, #tpu.memory_space<hbm>>) target(%dma_start3A_707 : memref<80xi32, #tpu.memory_space<vmem>>) target_semaphore(%dma_start3A_704 : memref<!tpu.dma_semaphore, #tpu.memory_space<semaphore_mem>>)
        %dma_start3A_709 = arith.constant 0 : i32
        %dma_start3A_710 = tpu.memref_slice %arg11[%and3A_695, %dma_start3A_709] : memref<8x80xi32, #tpu.memory_space<vmem>> -> memref<1x80xi32, #tpu.memory_space<vmem>>
        %dma_start3A_711 = tpu.memref_squeeze %dma_start3A_710 : memref<1x80xi32, #tpu.memory_space<vmem>> -> memref<80xi32, #tpu.memory_space<vmem>>
        %dma_start3A_712 = tpu.memref_slice %arg6[%add3A_698] : memref<320000xi32, #tpu.memory_space<hbm>> -> memref<80xi32, #tpu.memory_space<hbm>>
        %dma_start3A_713 = tpu.memref_slice %arg15[%and3A_695] : memref<8x!tpu.dma_semaphore, #tpu.memory_space<semaphore_mem>> -> memref<1x!tpu.dma_semaphore, #tpu.memory_space<semaphore_mem>>
        %dma_start3A_714 = tpu.memref_squeeze %dma_start3A_713 : memref<1x!tpu.dma_semaphore, #tpu.memory_space<semaphore_mem>> -> memref<!tpu.dma_semaphore, #tpu.memory_space<semaphore_mem>>
        %dma_start3A_715 = arith.constant 0 : i32
        %dma_start3A_716 = tpu.memref_slice %arg11[%and3A_695, %dma_start3A_715] : memref<8x80xi32, #tpu.memory_space<vmem>> -> memref<1x80xi32, #tpu.memory_space<vmem>>
        %dma_start3A_717 = tpu.memref_squeeze %dma_start3A_716 : memref<1x80xi32, #tpu.memory_space<vmem>> -> memref<80xi32, #tpu.memory_space<vmem>>
        %dma_start3A_718 = tpu.memref_slice %arg6[%add3A_698] : memref<320000xi32, #tpu.memory_space<hbm>> -> memref<80xi32, #tpu.memory_space<hbm>>
        tpu.enqueue_dma source(%dma_start3A_718 : memref<80xi32, #tpu.memory_space<hbm>>) target(%dma_start3A_717 : memref<80xi32, #tpu.memory_space<vmem>>) target_semaphore(%dma_start3A_714 : memref<!tpu.dma_semaphore, #tpu.memory_space<semaphore_mem>>)
        %dma_start3A_719 = arith.constant 0 : i32
        %dma_start3A_720 = tpu.memref_slice %arg12[%and3A_695, %dma_start3A_719] : memref<8x80xi32, #tpu.memory_space<vmem>> -> memref<1x80xi32, #tpu.memory_space<vmem>>
        %dma_start3A_721 = tpu.memref_squeeze %dma_start3A_720 : memref<1x80xi32, #tpu.memory_space<vmem>> -> memref<80xi32, #tpu.memory_space<vmem>>
        %dma_start3A_722 = tpu.memref_slice %arg7[%add3A_698] : memref<320000xi32, #tpu.memory_space<hbm>> -> memref<80xi32, #tpu.memory_space<hbm>>
        %dma_start3A_723 = tpu.memref_slice %arg15[%and3A_695] : memref<8x!tpu.dma_semaphore, #tpu.memory_space<semaphore_mem>> -> memref<1x!tpu.dma_semaphore, #tpu.memory_space<semaphore_mem>>
        %dma_start3A_724 = tpu.memref_squeeze %dma_start3A_723 : memref<1x!tpu.dma_semaphore, #tpu.memory_space<semaphore_mem>> -> memref<!tpu.dma_semaphore, #tpu.memory_space<semaphore_mem>>
        %dma_start3A_725 = arith.constant 0 : i32
        %dma_start3A_726 = tpu.memref_slice %arg12[%and3A_695, %dma_start3A_725] : memref<8x80xi32, #tpu.memory_space<vmem>> -> memref<1x80xi32, #tpu.memory_space<vmem>>
        %dma_start3A_727 = tpu.memref_squeeze %dma_start3A_726 : memref<1x80xi32, #tpu.memory_space<vmem>> -> memref<80xi32, #tpu.memory_space<vmem>>
        %dma_start3A_728 = tpu.memref_slice %arg7[%add3A_698] : memref<320000xi32, #tpu.memory_space<hbm>> -> memref<80xi32, #tpu.memory_space<hbm>>
        tpu.enqueue_dma source(%dma_start3A_728 : memref<80xi32, #tpu.memory_space<hbm>>) target(%dma_start3A_727 : memref<80xi32, #tpu.memory_space<vmem>>) target_semaphore(%dma_start3A_724 : memref<!tpu.dma_semaphore, #tpu.memory_space<semaphore_mem>>)
      } else {
      }
      %add3A_641 = arith.constant 2 : i32
      %add3A_642 = arith.addi %scan3A_633, %add3A_641 : i32
      %lt3A_643 = arith.constant 125 : i32
      %lt3A_644 = arith.cmpi slt, %add3A_642, %lt3A_643 : i32
      %convert_element_type3A_645 = arith.extui %lt3A_644 : i1 to i32
      %cond3A_646 = arith.constant 0 : i32
      %cond3A_647 = arith.cmpi ne, %convert_element_type3A_645, %cond3A_646 : i32
      scf.if %cond3A_647 {
        %add3A_690 = arith.constant 2 : i32
        %add3A_691 = arith.addi %scan3A_633, %add3A_690 : i32
        %and3A_692 = arith.constant 3 : i32
        %and3A_693 = arith.andi %add3A_691, %and3A_692 : i32
        %ge3A = arith.constant 2 : i32
        %ge3A_694 = arith.cmpi sge, %scan3A_633, %ge3A : i32
        %convert_element_type3A_695 = arith.extui %ge3A_694 : i1 to i32
        %cond3A_696 = arith.constant 0 : i32
        %cond3A_697 = arith.cmpi ne, %convert_element_type3A_695, %cond3A_696 : i32
        scf.if %cond3A_697 {
          %sub3A = arith.constant 2 : i32
          %sub3A_756 = arith.subi %scan3A_633, %sub3A : i32
          %and3A_757 = arith.constant 7 : i32
          %and3A_758 = arith.andi %sub3A_756, %and3A_757 : i32
          %dma_wait3A_759 = arith.constant 0 : i32
          %dma_wait3A_760 = arith.constant 0 : i32
          %dma_wait3A_761 = tpu.memref_slice %arg13[%and3A_693, %dma_wait3A_759, %dma_wait3A_760] : memref<4x80x64xf32, #tpu.memory_space<vmem>> -> memref<1x80x64xf32, #tpu.memory_space<vmem>>
          %dma_wait3A_762 = tpu.memref_squeeze %dma_wait3A_761 : memref<1x80x64xf32, #tpu.memory_space<vmem>> -> memref<80x64xf32, #tpu.memory_space<vmem>>
          %dma_wait3A_763 = arith.constant 0 : i32
          %dma_wait3A_764 = tpu.memref_slice %arg12[%and3A_758, %dma_wait3A_763] : memref<8x80xi32, #tpu.memory_space<vmem>> -> memref<1x80xi32, #tpu.memory_space<vmem>>
          %dma_wait3A_765 = tpu.memref_squeeze %dma_wait3A_764 : memref<1x80xi32, #tpu.memory_space<vmem>> -> memref<80xi32, #tpu.memory_space<vmem>>
          %dma_wait3A_766 = arith.constant 0 : i32
          %dma_wait3A_767 = arith.constant 0 : i32
          %dma_wait3A_768 = tpu.memref_slice %arg19[%dma_wait3A_766, %dma_wait3A_767] : memref<10000x64xf32, #tpu.memory_space<vmem_shared>> -> memref<10000x64xf32, #tpu.memory_space<vmem_shared>>
          %dma_wait3A_769 = tpu.memref_slice %arg18[%and3A_693] : memref<4x!tpu.dma_semaphore, #tpu.memory_space<semaphore_mem>> -> memref<1x!tpu.dma_semaphore, #tpu.memory_space<semaphore_mem>>
          %dma_wait3A_770 = tpu.memref_squeeze %dma_wait3A_769 : memref<1x!tpu.dma_semaphore, #tpu.memory_space<semaphore_mem>> -> memref<!tpu.dma_semaphore, #tpu.memory_space<semaphore_mem>>
          tpu.wait_indirect_dma semaphore(%dma_wait3A_770 : memref<!tpu.dma_semaphore, #tpu.memory_space<semaphore_mem>>) src(%dma_wait3A_762 : memref<80x64xf32, #tpu.memory_space<vmem>>) dst(%dma_wait3A_768 : memref<10000x64xf32, #tpu.memory_space<vmem_shared>>)
        } else {
        }
        %add3A_698 = arith.constant 2 : i32
        %add3A_699 = arith.addi %scan3A_633, %add3A_698 : i32
        %and3A_700 = arith.constant 7 : i32
        %and3A_701 = arith.andi %add3A_699, %and3A_700 : i32
        %dma_wait3A_702 = arith.constant 0 : i32
        %dma_wait3A_703 = tpu.memref_slice %arg10[%and3A_701, %dma_wait3A_702] : memref<8x80xi32, #tpu.memory_space<vmem>> -> memref<1x80xi32, #tpu.memory_space<vmem>>
        %dma_wait3A_704 = tpu.memref_squeeze %dma_wait3A_703 : memref<1x80xi32, #tpu.memory_space<vmem>> -> memref<80xi32, #tpu.memory_space<vmem>>
        %dma_wait3A_705 = tpu.memref_slice %arg5[%mul3A_2] : memref<320000xi32, #tpu.memory_space<hbm>> -> memref<80xi32, #tpu.memory_space<hbm>>
        %dma_wait3A_706 = tpu.memref_slice %arg15[%and3A_701] : memref<8x!tpu.dma_semaphore, #tpu.memory_space<semaphore_mem>> -> memref<1x!tpu.dma_semaphore, #tpu.memory_space<semaphore_mem>>
        %dma_wait3A_707 = tpu.memref_squeeze %dma_wait3A_706 : memref<1x!tpu.dma_semaphore, #tpu.memory_space<semaphore_mem>> -> memref<!tpu.dma_semaphore, #tpu.memory_space<semaphore_mem>>
        %dma_wait3A_708 = arith.constant 0 : i32
        %dma_wait3A_709 = tpu.memref_slice %arg10[%and3A_701, %dma_wait3A_708] : memref<8x80xi32, #tpu.memory_space<vmem>> -> memref<1x80xi32, #tpu.memory_space<vmem>>
        %dma_wait3A_710 = tpu.memref_squeeze %dma_wait3A_709 : memref<1x80xi32, #tpu.memory_space<vmem>> -> memref<80xi32, #tpu.memory_space<vmem>>
        %dma_wait3A_711 = tpu.memref_slice %arg5[%mul3A_2] : memref<320000xi32, #tpu.memory_space<hbm>> -> memref<80xi32, #tpu.memory_space<hbm>>
        tpu.wait_dma2 semaphore(%dma_wait3A_707 : memref<!tpu.dma_semaphore, #tpu.memory_space<semaphore_mem>>) src(%dma_wait3A_711 : memref<80xi32, #tpu.memory_space<hbm>>) dst(%dma_wait3A_710 : memref<80xi32, #tpu.memory_space<vmem>>)
        %dma_wait3A_712 = arith.constant 0 : i32
        %dma_wait3A_713 = tpu.memref_slice %arg11[%and3A_701, %dma_wait3A_712] : memref<8x80xi32, #tpu.memory_space<vmem>> -> memref<1x80xi32, #tpu.memory_space<vmem>>
        %dma_wait3A_714 = tpu.memref_squeeze %dma_wait3A_713 : memref<1x80xi32, #tpu.memory_space<vmem>> -> memref<80xi32, #tpu.memory_space<vmem>>
        %dma_wait3A_715 = tpu.memref_slice %arg6[%mul3A_2] : memref<320000xi32, #tpu.memory_space<hbm>> -> memref<80xi32, #tpu.memory_space<hbm>>
        %dma_wait3A_716 = tpu.memref_slice %arg15[%and3A_701] : memref<8x!tpu.dma_semaphore, #tpu.memory_space<semaphore_mem>> -> memref<1x!tpu.dma_semaphore, #tpu.memory_space<semaphore_mem>>
        %dma_wait3A_717 = tpu.memref_squeeze %dma_wait3A_716 : memref<1x!tpu.dma_semaphore, #tpu.memory_space<semaphore_mem>> -> memref<!tpu.dma_semaphore, #tpu.memory_space<semaphore_mem>>
        %dma_wait3A_718 = arith.constant 0 : i32
        %dma_wait3A_719 = tpu.memref_slice %arg11[%and3A_701, %dma_wait3A_718] : memref<8x80xi32, #tpu.memory_space<vmem>> -> memref<1x80xi32, #tpu.memory_space<vmem>>
        %dma_wait3A_720 = tpu.memref_squeeze %dma_wait3A_719 : memref<1x80xi32, #tpu.memory_space<vmem>> -> memref<80xi32, #tpu.memory_space<vmem>>
        %dma_wait3A_721 = tpu.memref_slice %arg6[%mul3A_2] : memref<320000xi32, #tpu.memory_space<hbm>> -> memref<80xi32, #tpu.memory_space<hbm>>
        tpu.wait_dma2 semaphore(%dma_wait3A_717 : memref<!tpu.dma_semaphore, #tpu.memory_space<semaphore_mem>>) src(%dma_wait3A_721 : memref<80xi32, #tpu.memory_space<hbm>>) dst(%dma_wait3A_720 : memref<80xi32, #tpu.memory_space<vmem>>)
        %dma_wait3A_722 = arith.constant 0 : i32
        %dma_wait3A_723 = tpu.memref_slice %arg12[%and3A_701, %dma_wait3A_722] : memref<8x80xi32, #tpu.memory_space<vmem>> -> memref<1x80xi32, #tpu.memory_space<vmem>>
        %dma_wait3A_724 = tpu.memref_squeeze %dma_wait3A_723 : memref<1x80xi32, #tpu.memory_space<vmem>> -> memref<80xi32, #tpu.memory_space<vmem>>
        %dma_wait3A_725 = tpu.memref_slice %arg7[%mul3A_2] : memref<320000xi32, #tpu.memory_space<hbm>> -> memref<80xi32, #tpu.memory_space<hbm>>
        %dma_wait3A_726 = tpu.memref_slice %arg15[%and3A_701] : memref<8x!tpu.dma_semaphore, #tpu.memory_space<semaphore_mem>> -> memref<1x!tpu.dma_semaphore, #tpu.memory_space<semaphore_mem>>
        %dma_wait3A_727 = tpu.memref_squeeze %dma_wait3A_726 : memref<1x!tpu.dma_semaphore, #tpu.memory_space<semaphore_mem>> -> memref<!tpu.dma_semaphore, #tpu.memory_space<semaphore_mem>>
        %dma_wait3A_728 = arith.constant 0 : i32
        %dma_wait3A_729 = tpu.memref_slice %arg12[%and3A_701, %dma_wait3A_728] : memref<8x80xi32, #tpu.memory_space<vmem>> -> memref<1x80xi32, #tpu.memory_space<vmem>>
        %dma_wait3A_730 = tpu.memref_squeeze %dma_wait3A_729 : memref<1x80xi32, #tpu.memory_space<vmem>> -> memref<80xi32, #tpu.memory_space<vmem>>
        %dma_wait3A_731 = tpu.memref_slice %arg7[%mul3A_2] : memref<320000xi32, #tpu.memory_space<hbm>> -> memref<80xi32, #tpu.memory_space<hbm>>
        tpu.wait_dma2 semaphore(%dma_wait3A_727 : memref<!tpu.dma_semaphore, #tpu.memory_space<semaphore_mem>>) src(%dma_wait3A_731 : memref<80xi32, #tpu.memory_space<hbm>>) dst(%dma_wait3A_730 : memref<80xi32, #tpu.memory_space<vmem>>)
        %dma_start3A_732 = arith.constant 0 : i32
        %dma_start3A_733 = arith.constant 0 : i32
        %dma_start3A_734 = tpu.memref_slice %arg13[%and3A_693, %dma_start3A_732, %dma_start3A_733] : memref<4x80x64xf32, #tpu.memory_space<vmem>> -> memref<1x80x64xf32, #tpu.memory_space<vmem>>
        %dma_start3A_735 = tpu.memref_squeeze %dma_start3A_734 : memref<1x80x64xf32, #tpu.memory_space<vmem>> -> memref<80x64xf32, #tpu.memory_space<vmem>>
        %dma_start3A_736 = arith.constant 0 : i32
        %dma_start3A_737 = tpu.memref_slice %arg10[%and3A_701, %dma_start3A_736] : memref<8x80xi32, #tpu.memory_space<vmem>> -> memref<1x80xi32, #tpu.memory_space<vmem>>
        %dma_start3A_738 = tpu.memref_squeeze %dma_start3A_737 : memref<1x80xi32, #tpu.memory_space<vmem>> -> memref<80xi32, #tpu.memory_space<vmem>>
        %dma_start3A_739 = arith.constant 0 : i32
        %dma_start3A_740 = arith.constant 0 : i32
        %dma_start3A_741 = tpu.memref_slice %arg3[%dma_start3A_739, %dma_start3A_740] : memref<40000x64xf32, #tpu.memory_space<hbm>> -> memref<40000x64xf32, #tpu.memory_space<hbm>>
        %dma_start3A_742 = tpu.memref_slice %arg16[%and3A_693] : memref<4x!tpu.dma_semaphore, #tpu.memory_space<semaphore_mem>> -> memref<1x!tpu.dma_semaphore, #tpu.memory_space<semaphore_mem>>
        %dma_start3A_743 = tpu.memref_squeeze %dma_start3A_742 : memref<1x!tpu.dma_semaphore, #tpu.memory_space<semaphore_mem>> -> memref<!tpu.dma_semaphore, #tpu.memory_space<semaphore_mem>>
        tpu.enqueue_indirect_dma source(%dma_start3A_741 : memref<40000x64xf32, #tpu.memory_space<hbm>>) target(%dma_start3A_735 : memref<80x64xf32, #tpu.memory_space<vmem>>) offsets(%dma_start3A_738 : memref<80xi32, #tpu.memory_space<vmem>>) semaphore(%dma_start3A_743 : memref<!tpu.dma_semaphore, #tpu.memory_space<semaphore_mem>>)
        %dma_start3A_744 = arith.constant 0 : i32
        %dma_start3A_745 = arith.constant 0 : i32
        %dma_start3A_746 = tpu.memref_slice %arg14[%and3A_693, %dma_start3A_744, %dma_start3A_745] : memref<4x80x16xf32, #tpu.memory_space<vmem>> -> memref<1x80x16xf32, #tpu.memory_space<vmem>>
        %dma_start3A_747 = tpu.memref_squeeze %dma_start3A_746 : memref<1x80x16xf32, #tpu.memory_space<vmem>> -> memref<80x16xf32, #tpu.memory_space<vmem>>
        %dma_start3A_748 = arith.constant 0 : i32
        %dma_start3A_749 = tpu.memref_slice %arg11[%and3A_701, %dma_start3A_748] : memref<8x80xi32, #tpu.memory_space<vmem>> -> memref<1x80xi32, #tpu.memory_space<vmem>>
        %dma_start3A_750 = tpu.memref_squeeze %dma_start3A_749 : memref<1x80xi32, #tpu.memory_space<vmem>> -> memref<80xi32, #tpu.memory_space<vmem>>
        %dma_start3A_751 = arith.constant 0 : i32
        %dma_start3A_752 = arith.constant 0 : i32
        %dma_start3A_753 = tpu.memref_slice %arg4[%dma_start3A_751, %dma_start3A_752] : memref<40960x16xf32, #tpu.memory_space<hbm>> -> memref<40960x16xf32, #tpu.memory_space<hbm>>
        %dma_start3A_754 = tpu.memref_slice %arg17[%and3A_693] : memref<4x!tpu.dma_semaphore, #tpu.memory_space<semaphore_mem>> -> memref<1x!tpu.dma_semaphore, #tpu.memory_space<semaphore_mem>>
        %dma_start3A_755 = tpu.memref_squeeze %dma_start3A_754 : memref<1x!tpu.dma_semaphore, #tpu.memory_space<semaphore_mem>> -> memref<!tpu.dma_semaphore, #tpu.memory_space<semaphore_mem>>
        tpu.enqueue_indirect_dma source(%dma_start3A_753 : memref<40960x16xf32, #tpu.memory_space<hbm>>) target(%dma_start3A_747 : memref<80x16xf32, #tpu.memory_space<vmem>>) offsets(%dma_start3A_750 : memref<80xi32, #tpu.memory_space<vmem>>) semaphore(%dma_start3A_755 : memref<!tpu.dma_semaphore, #tpu.memory_space<semaphore_mem>>)
      } else {
      }
      %dma_wait3A_648 = arith.constant 0 : i32
      %dma_wait3A_649 = arith.constant 0 : i32
      %dma_wait3A_650 = tpu.memref_slice %arg13[%and3A_634, %dma_wait3A_648, %dma_wait3A_649] : memref<4x80x64xf32, #tpu.memory_space<vmem>> -> memref<1x80x64xf32, #tpu.memory_space<vmem>>
      %dma_wait3A_651 = tpu.memref_squeeze %dma_wait3A_650 : memref<1x80x64xf32, #tpu.memory_space<vmem>> -> memref<80x64xf32, #tpu.memory_space<vmem>>
      %dma_wait3A_652 = arith.constant 0 : i32
      %dma_wait3A_653 = tpu.memref_slice %arg10[%and3A_636, %dma_wait3A_652] : memref<8x80xi32, #tpu.memory_space<vmem>> -> memref<1x80xi32, #tpu.memory_space<vmem>>
      %dma_wait3A_654 = tpu.memref_squeeze %dma_wait3A_653 : memref<1x80xi32, #tpu.memory_space<vmem>> -> memref<80xi32, #tpu.memory_space<vmem>>
      %dma_wait3A_655 = arith.constant 0 : i32
      %dma_wait3A_656 = arith.constant 0 : i32
      %dma_wait3A_657 = tpu.memref_slice %arg3[%dma_wait3A_655, %dma_wait3A_656] : memref<40000x64xf32, #tpu.memory_space<hbm>> -> memref<40000x64xf32, #tpu.memory_space<hbm>>
      %dma_wait3A_658 = tpu.memref_slice %arg16[%and3A_634] : memref<4x!tpu.dma_semaphore, #tpu.memory_space<semaphore_mem>> -> memref<1x!tpu.dma_semaphore, #tpu.memory_space<semaphore_mem>>
      %dma_wait3A_659 = tpu.memref_squeeze %dma_wait3A_658 : memref<1x!tpu.dma_semaphore, #tpu.memory_space<semaphore_mem>> -> memref<!tpu.dma_semaphore, #tpu.memory_space<semaphore_mem>>
      tpu.wait_indirect_dma semaphore(%dma_wait3A_659 : memref<!tpu.dma_semaphore, #tpu.memory_space<semaphore_mem>>) src(%dma_wait3A_657 : memref<40000x64xf32, #tpu.memory_space<hbm>>) dst(%dma_wait3A_651 : memref<80x64xf32, #tpu.memory_space<vmem>>)
      %dma_wait3A_660 = arith.constant 0 : i32
      %dma_wait3A_661 = arith.constant 0 : i32
      %dma_wait3A_662 = tpu.memref_slice %arg14[%and3A_634, %dma_wait3A_660, %dma_wait3A_661] : memref<4x80x16xf32, #tpu.memory_space<vmem>> -> memref<1x80x16xf32, #tpu.memory_space<vmem>>
      %dma_wait3A_663 = tpu.memref_squeeze %dma_wait3A_662 : memref<1x80x16xf32, #tpu.memory_space<vmem>> -> memref<80x16xf32, #tpu.memory_space<vmem>>
      %dma_wait3A_664 = arith.constant 0 : i32
      %dma_wait3A_665 = tpu.memref_slice %arg11[%and3A_636, %dma_wait3A_664] : memref<8x80xi32, #tpu.memory_space<vmem>> -> memref<1x80xi32, #tpu.memory_space<vmem>>
      %dma_wait3A_666 = tpu.memref_squeeze %dma_wait3A_665 : memref<1x80xi32, #tpu.memory_space<vmem>> -> memref<80xi32, #tpu.memory_space<vmem>>
      %dma_wait3A_667 = arith.constant 0 : i32
      %dma_wait3A_668 = arith.constant 0 : i32
      %dma_wait3A_669 = tpu.memref_slice %arg4[%dma_wait3A_667, %dma_wait3A_668] : memref<40960x16xf32, #tpu.memory_space<hbm>> -> memref<40960x16xf32, #tpu.memory_space<hbm>>
      %dma_wait3A_670 = tpu.memref_slice %arg17[%and3A_634] : memref<4x!tpu.dma_semaphore, #tpu.memory_space<semaphore_mem>> -> memref<1x!tpu.dma_semaphore, #tpu.memory_space<semaphore_mem>>
      %dma_wait3A_671 = tpu.memref_squeeze %dma_wait3A_670 : memref<1x!tpu.dma_semaphore, #tpu.memory_space<semaphore_mem>> -> memref<!tpu.dma_semaphore, #tpu.memory_space<semaphore_mem>>
      tpu.wait_indirect_dma semaphore(%dma_wait3A_671 : memref<!tpu.dma_semaphore, #tpu.memory_space<semaphore_mem>>) src(%dma_wait3A_669 : memref<40960x16xf32, #tpu.memory_space<hbm>>) dst(%dma_wait3A_663 : memref<80x16xf32, #tpu.memory_space<vmem>>)
      %scan3A_672 = arith.constant 0 : i32
      %scan3A_673 = arith.constant 0 : i32
      %scan3A_674 = arith.constant 20 : i32
      %scan3A_675 = arith.addi %scan3A_673, %scan3A_674 : i32
      %scan3A_676 = arith.constant 1 : i32
      scf.for %scan3A_690 = %scan3A_673 to %scan3A_675 step %scan3A_676  : i32 {
        %mul3A_691 = arith.constant 4 : i32
        %mul3A_692 = arith.muli %scan3A_690, %mul3A_691 : i32
        %add3A_693 = arith.constant 0 : i32
        %add3A_694 = arith.addi %mul3A_692, %add3A_693 : i32
        %get3A = arith.index_cast %and3A_634 : i32 to index
        %get3A_695 = arith.index_cast %add3A_694 : i32 to index
        %get3A_696 = arith.constant 0 : index
        %get3A_697 = tpu.vector_load %arg14[%get3A, %get3A_695, %get3A_696] {strides = array<i32>} : memref<4x80x16xf32, #tpu.memory_space<vmem>>, vector<16xf32>,
        %get3A_698 = arith.index_cast %and3A_634 : i32 to index
        %get3A_699 = arith.index_cast %add3A_694 : i32 to index
        %get3A_700 = arith.constant 0 : index
        %get3A_701 = tpu.vector_load %arg13[%get3A_698, %get3A_699, %get3A_700] {strides = array<i32>} : memref<4x80x64xf32, #tpu.memory_space<vmem>>, vector<16xf32>,
        %mul3A_702 = arith.mulf %get3A_701, %get3A_697 : vector<16xf32>
        %swap3A = arith.index_cast %and3A_634 : i32 to index
        %swap3A_703 = arith.index_cast %add3A_694 : i32 to index
        %swap3A_704 = arith.constant 0 : index
        %swap3A_705 = tpu.vector_load %arg13[%swap3A, %swap3A_703, %swap3A_704] {strides = array<i32>} : memref<4x80x64xf32, #tpu.memory_space<vmem>>, vector<16xf32>,
        tpu.vector_store %arg13[%swap3A, %swap3A_703, %swap3A_704], %mul3A_702 {strides = array<i32>} : memref<4x80x64xf32, #tpu.memory_space<vmem>>, vector<16xf32>,
        %get3A_706 = arith.index_cast %and3A_634 : i32 to index
        %get3A_707 = arith.index_cast %add3A_694 : i32 to index
        %get3A_708 = arith.constant 16 : index
        %get3A_709 = tpu.vector_load %arg13[%get3A_706, %get3A_707, %get3A_708] {strides = array<i32>} : memref<4x80x64xf32, #tpu.memory_space<vmem>>, vector<16xf32>,
        %mul3A_710 = arith.mulf %get3A_709, %get3A_697 : vector<16xf32>
        %swap3A_711 = arith.index_cast %and3A_634 : i32 to index
        %swap3A_712 = arith.index_cast %add3A_694 : i32 to index
        %swap3A_713 = arith.constant 16 : index
        %swap3A_714 = tpu.vector_load %arg13[%swap3A_711, %swap3A_712, %swap3A_713] {strides = array<i32>} : memref<4x80x64xf32, #tpu.memory_space<vmem>>, vector<16xf32>,
        tpu.vector_store %arg13[%swap3A_711, %swap3A_712, %swap3A_713], %mul3A_710 {strides = array<i32>} : memref<4x80x64xf32, #tpu.memory_space<vmem>>, vector<16xf32>,
        %get3A_715 = arith.index_cast %and3A_634 : i32 to index
        %get3A_716 = arith.index_cast %add3A_694 : i32 to index
        %get3A_717 = arith.constant 32 : index
        %get3A_718 = tpu.vector_load %arg13[%get3A_715, %get3A_716, %get3A_717] {strides = array<i32>} : memref<4x80x64xf32, #tpu.memory_space<vmem>>, vector<16xf32>,
        %mul3A_719 = arith.mulf %get3A_718, %get3A_697 : vector<16xf32>
        %swap3A_720 = arith.index_cast %and3A_634 : i32 to index
        %swap3A_721 = arith.index_cast %add3A_694 : i32 to index
        %swap3A_722 = arith.constant 32 : index
        %swap3A_723 = tpu.vector_load %arg13[%swap3A_720, %swap3A_721, %swap3A_722] {strides = array<i32>} : memref<4x80x64xf32, #tpu.memory_space<vmem>>, vector<16xf32>,
        tpu.vector_store %arg13[%swap3A_720, %swap3A_721, %swap3A_722], %mul3A_719 {strides = array<i32>} : memref<4x80x64xf32, #tpu.memory_space<vmem>>, vector<16xf32>,
        %get3A_724 = arith.index_cast %and3A_634 : i32 to index
        %get3A_725 = arith.index_cast %add3A_694 : i32 to index
        %get3A_726 = arith.constant 48 : index
        %get3A_727 = tpu.vector_load %arg13[%get3A_724, %get3A_725, %get3A_726] {strides = array<i32>} : memref<4x80x64xf32, #tpu.memory_space<vmem>>, vector<16xf32>,
        %mul3A_728 = arith.mulf %get3A_727, %get3A_697 : vector<16xf32>
        %swap3A_729 = arith.index_cast %and3A_634 : i32 to index
        %swap3A_730 = arith.index_cast %add3A_694 : i32 to index
        %swap3A_731 = arith.constant 48 : index
        %swap3A_732 = tpu.vector_load %arg13[%swap3A_729, %swap3A_730, %swap3A_731] {strides = array<i32>} : memref<4x80x64xf32, #tpu.memory_space<vmem>>, vector<16xf32>,
        tpu.vector_store %arg13[%swap3A_729, %swap3A_730, %swap3A_731], %mul3A_728 {strides = array<i32>} : memref<4x80x64xf32, #tpu.memory_space<vmem>>, vector<16xf32>,
        %mul3A_733 = arith.constant 4 : i32
        %mul3A_734 = arith.muli %scan3A_690, %mul3A_733 : i32
        %add3A_735 = arith.constant 1 : i32
        %add3A_736 = arith.addi %mul3A_734, %add3A_735 : i32
        %get3A_737 = arith.index_cast %and3A_634 : i32 to index
        %get3A_738 = arith.index_cast %add3A_736 : i32 to index
        %get3A_739 = arith.constant 0 : index
        %get3A_740 = tpu.vector_load %arg14[%get3A_737, %get3A_738, %get3A_739] {strides = array<i32>} : memref<4x80x16xf32, #tpu.memory_space<vmem>>, vector<16xf32>,
        %get3A_741 = arith.index_cast %and3A_634 : i32 to index
        %get3A_742 = arith.index_cast %add3A_736 : i32 to index
        %get3A_743 = arith.constant 0 : index
        %get3A_744 = tpu.vector_load %arg13[%get3A_741, %get3A_742, %get3A_743] {strides = array<i32>} : memref<4x80x64xf32, #tpu.memory_space<vmem>>, vector<16xf32>,
        %mul3A_745 = arith.mulf %get3A_744, %get3A_740 : vector<16xf32>
        %swap3A_746 = arith.index_cast %and3A_634 : i32 to index
        %swap3A_747 = arith.index_cast %add3A_736 : i32 to index
        %swap3A_748 = arith.constant 0 : index
        %swap3A_749 = tpu.vector_load %arg13[%swap3A_746, %swap3A_747, %swap3A_748] {strides = array<i32>} : memref<4x80x64xf32, #tpu.memory_space<vmem>>, vector<16xf32>,
        tpu.vector_store %arg13[%swap3A_746, %swap3A_747, %swap3A_748], %mul3A_745 {strides = array<i32>} : memref<4x80x64xf32, #tpu.memory_space<vmem>>, vector<16xf32>,
        %get3A_750 = arith.index_cast %and3A_634 : i32 to index
        %get3A_751 = arith.index_cast %add3A_736 : i32 to index
        %get3A_752 = arith.constant 16 : index
        %get3A_753 = tpu.vector_load %arg13[%get3A_750, %get3A_751, %get3A_752] {strides = array<i32>} : memref<4x80x64xf32, #tpu.memory_space<vmem>>, vector<16xf32>,
        %mul3A_754 = arith.mulf %get3A_753, %get3A_740 : vector<16xf32>
        %swap3A_755 = arith.index_cast %and3A_634 : i32 to index
        %swap3A_756 = arith.index_cast %add3A_736 : i32 to index
        %swap3A_757 = arith.constant 16 : index
        %swap3A_758 = tpu.vector_load %arg13[%swap3A_755, %swap3A_756, %swap3A_757] {strides = array<i32>} : memref<4x80x64xf32, #tpu.memory_space<vmem>>, vector<16xf32>,
        tpu.vector_store %arg13[%swap3A_755, %swap3A_756, %swap3A_757], %mul3A_754 {strides = array<i32>} : memref<4x80x64xf32, #tpu.memory_space<vmem>>, vector<16xf32>,
        %get3A_759 = arith.index_cast %and3A_634 : i32 to index
        %get3A_760 = arith.index_cast %add3A_736 : i32 to index
        %get3A_761 = arith.constant 32 : index
        %get3A_762 = tpu.vector_load %arg13[%get3A_759, %get3A_760, %get3A_761] {strides = array<i32>} : memref<4x80x64xf32, #tpu.memory_space<vmem>>, vector<16xf32>,
        %mul3A_763 = arith.mulf %get3A_762, %get3A_740 : vector<16xf32>
        %swap3A_764 = arith.index_cast %and3A_634 : i32 to index
        %swap3A_765 = arith.index_cast %add3A_736 : i32 to index
        %swap3A_766 = arith.constant 32 : index
        %swap3A_767 = tpu.vector_load %arg13[%swap3A_764, %swap3A_765, %swap3A_766] {strides = array<i32>} : memref<4x80x64xf32, #tpu.memory_space<vmem>>, vector<16xf32>,
        tpu.vector_store %arg13[%swap3A_764, %swap3A_765, %swap3A_766], %mul3A_763 {strides = array<i32>} : memref<4x80x64xf32, #tpu.memory_space<vmem>>, vector<16xf32>,
        %get3A_768 = arith.index_cast %and3A_634 : i32 to index
        %get3A_769 = arith.index_cast %add3A_736 : i32 to index
        %get3A_770 = arith.constant 48 : index
        %get3A_771 = tpu.vector_load %arg13[%get3A_768, %get3A_769, %get3A_770] {strides = array<i32>} : memref<4x80x64xf32, #tpu.memory_space<vmem>>, vector<16xf32>,
        %mul3A_772 = arith.mulf %get3A_771, %get3A_740 : vector<16xf32>
        %swap3A_773 = arith.index_cast %and3A_634 : i32 to index
        %swap3A_774 = arith.index_cast %add3A_736 : i32 to index
        %swap3A_775 = arith.constant 48 : index
        %swap3A_776 = tpu.vector_load %arg13[%swap3A_773, %swap3A_774, %swap3A_775] {strides = array<i32>} : memref<4x80x64xf32, #tpu.memory_space<vmem>>, vector<16xf32>,
        tpu.vector_store %arg13[%swap3A_773, %swap3A_774, %swap3A_775], %mul3A_772 {strides = array<i32>} : memref<4x80x64xf32, #tpu.memory_space<vmem>>, vector<16xf32>,
        %mul3A_777 = arith.constant 4 : i32
        %mul3A_778 = arith.muli %scan3A_690, %mul3A_777 : i32
        %add3A_779 = arith.constant 2 : i32
        %add3A_780 = arith.addi %mul3A_778, %add3A_779 : i32
        %get3A_781 = arith.index_cast %and3A_634 : i32 to index
        %get3A_782 = arith.index_cast %add3A_780 : i32 to index
        %get3A_783 = arith.constant 0 : index
        %get3A_784 = tpu.vector_load %arg14[%get3A_781, %get3A_782, %get3A_783] {strides = array<i32>} : memref<4x80x16xf32, #tpu.memory_space<vmem>>, vector<16xf32>,
        %get3A_785 = arith.index_cast %and3A_634 : i32 to index
        %get3A_786 = arith.index_cast %add3A_780 : i32 to index
        %get3A_787 = arith.constant 0 : index
        %get3A_788 = tpu.vector_load %arg13[%get3A_785, %get3A_786, %get3A_787] {strides = array<i32>} : memref<4x80x64xf32, #tpu.memory_space<vmem>>, vector<16xf32>,
        %mul3A_789 = arith.mulf %get3A_788, %get3A_784 : vector<16xf32>
        %swap3A_790 = arith.index_cast %and3A_634 : i32 to index
        %swap3A_791 = arith.index_cast %add3A_780 : i32 to index
        %swap3A_792 = arith.constant 0 : index
        %swap3A_793 = tpu.vector_load %arg13[%swap3A_790, %swap3A_791, %swap3A_792] {strides = array<i32>} : memref<4x80x64xf32, #tpu.memory_space<vmem>>, vector<16xf32>,
        tpu.vector_store %arg13[%swap3A_790, %swap3A_791, %swap3A_792], %mul3A_789 {strides = array<i32>} : memref<4x80x64xf32, #tpu.memory_space<vmem>>, vector<16xf32>,
        %get3A_794 = arith.index_cast %and3A_634 : i32 to index
        %get3A_795 = arith.index_cast %add3A_780 : i32 to index
        %get3A_796 = arith.constant 16 : index
        %get3A_797 = tpu.vector_load %arg13[%get3A_794, %get3A_795, %get3A_796] {strides = array<i32>} : memref<4x80x64xf32, #tpu.memory_space<vmem>>, vector<16xf32>,
        %mul3A_798 = arith.mulf %get3A_797, %get3A_784 : vector<16xf32>
        %swap3A_799 = arith.index_cast %and3A_634 : i32 to index
        %swap3A_800 = arith.index_cast %add3A_780 : i32 to index
        %swap3A_801 = arith.constant 16 : index
        %swap3A_802 = tpu.vector_load %arg13[%swap3A_799, %swap3A_800, %swap3A_801] {strides = array<i32>} : memref<4x80x64xf32, #tpu.memory_space<vmem>>, vector<16xf32>,
        tpu.vector_store %arg13[%swap3A_799, %swap3A_800, %swap3A_801], %mul3A_798 {strides = array<i32>} : memref<4x80x64xf32, #tpu.memory_space<vmem>>, vector<16xf32>,
        %get3A_803 = arith.index_cast %and3A_634 : i32 to index
        %get3A_804 = arith.index_cast %add3A_780 : i32 to index
        %get3A_805 = arith.constant 32 : index
        %get3A_806 = tpu.vector_load %arg13[%get3A_803, %get3A_804, %get3A_805] {strides = array<i32>} : memref<4x80x64xf32, #tpu.memory_space<vmem>>, vector<16xf32>,
        %mul3A_807 = arith.mulf %get3A_806, %get3A_784 : vector<16xf32>
        %swap3A_808 = arith.index_cast %and3A_634 : i32 to index
        %swap3A_809 = arith.index_cast %add3A_780 : i32 to index
        %swap3A_810 = arith.constant 32 : index
        %swap3A_811 = tpu.vector_load %arg13[%swap3A_808, %swap3A_809, %swap3A_810] {strides = array<i32>} : memref<4x80x64xf32, #tpu.memory_space<vmem>>, vector<16xf32>,
        tpu.vector_store %arg13[%swap3A_808, %swap3A_809, %swap3A_810], %mul3A_807 {strides = array<i32>} : memref<4x80x64xf32, #tpu.memory_space<vmem>>, vector<16xf32>,
        %get3A_812 = arith.index_cast %and3A_634 : i32 to index
        %get3A_813 = arith.index_cast %add3A_780 : i32 to index
        %get3A_814 = arith.constant 48 : index
        %get3A_815 = tpu.vector_load %arg13[%get3A_812, %get3A_813, %get3A_814] {strides = array<i32>} : memref<4x80x64xf32, #tpu.memory_space<vmem>>, vector<16xf32>,
        %mul3A_816 = arith.mulf %get3A_815, %get3A_784 : vector<16xf32>
        %swap3A_817 = arith.index_cast %and3A_634 : i32 to index
        %swap3A_818 = arith.index_cast %add3A_780 : i32 to index
        %swap3A_819 = arith.constant 48 : index
        %swap3A_820 = tpu.vector_load %arg13[%swap3A_817, %swap3A_818, %swap3A_819] {strides = array<i32>} : memref<4x80x64xf32, #tpu.memory_space<vmem>>, vector<16xf32>,
        tpu.vector_store %arg13[%swap3A_817, %swap3A_818, %swap3A_819], %mul3A_816 {strides = array<i32>} : memref<4x80x64xf32, #tpu.memory_space<vmem>>, vector<16xf32>,
        %mul3A_821 = arith.constant 4 : i32
        %mul3A_822 = arith.muli %scan3A_690, %mul3A_821 : i32
        %add3A_823 = arith.constant 3 : i32
        %add3A_824 = arith.addi %mul3A_822, %add3A_823 : i32
        %get3A_825 = arith.index_cast %and3A_634 : i32 to index
        %get3A_826 = arith.index_cast %add3A_824 : i32 to index
        %get3A_827 = arith.constant 0 : index
        %get3A_828 = tpu.vector_load %arg14[%get3A_825, %get3A_826, %get3A_827] {strides = array<i32>} : memref<4x80x16xf32, #tpu.memory_space<vmem>>, vector<16xf32>,
        %get3A_829 = arith.index_cast %and3A_634 : i32 to index
        %get3A_830 = arith.index_cast %add3A_824 : i32 to index
        %get3A_831 = arith.constant 0 : index
        %get3A_832 = tpu.vector_load %arg13[%get3A_829, %get3A_830, %get3A_831] {strides = array<i32>} : memref<4x80x64xf32, #tpu.memory_space<vmem>>, vector<16xf32>,
        %mul3A_833 = arith.mulf %get3A_832, %get3A_828 : vector<16xf32>
        %swap3A_834 = arith.index_cast %and3A_634 : i32 to index
        %swap3A_835 = arith.index_cast %add3A_824 : i32 to index
        %swap3A_836 = arith.constant 0 : index
        %swap3A_837 = tpu.vector_load %arg13[%swap3A_834, %swap3A_835, %swap3A_836] {strides = array<i32>} : memref<4x80x64xf32, #tpu.memory_space<vmem>>, vector<16xf32>,
        tpu.vector_store %arg13[%swap3A_834, %swap3A_835, %swap3A_836], %mul3A_833 {strides = array<i32>} : memref<4x80x64xf32, #tpu.memory_space<vmem>>, vector<16xf32>,
        %get3A_838 = arith.index_cast %and3A_634 : i32 to index
        %get3A_839 = arith.index_cast %add3A_824 : i32 to index
        %get3A_840 = arith.constant 16 : index
        %get3A_841 = tpu.vector_load %arg13[%get3A_838, %get3A_839, %get3A_840] {strides = array<i32>} : memref<4x80x64xf32, #tpu.memory_space<vmem>>, vector<16xf32>,
        %mul3A_842 = arith.mulf %get3A_841, %get3A_828 : vector<16xf32>
        %swap3A_843 = arith.index_cast %and3A_634 : i32 to index
        %swap3A_844 = arith.index_cast %add3A_824 : i32 to index
        %swap3A_845 = arith.constant 16 : index
        %swap3A_846 = tpu.vector_load %arg13[%swap3A_843, %swap3A_844, %swap3A_845] {strides = array<i32>} : memref<4x80x64xf32, #tpu.memory_space<vmem>>, vector<16xf32>,
        tpu.vector_store %arg13[%swap3A_843, %swap3A_844, %swap3A_845], %mul3A_842 {strides = array<i32>} : memref<4x80x64xf32, #tpu.memory_space<vmem>>, vector<16xf32>,
        %get3A_847 = arith.index_cast %and3A_634 : i32 to index
        %get3A_848 = arith.index_cast %add3A_824 : i32 to index
        %get3A_849 = arith.constant 32 : index
        %get3A_850 = tpu.vector_load %arg13[%get3A_847, %get3A_848, %get3A_849] {strides = array<i32>} : memref<4x80x64xf32, #tpu.memory_space<vmem>>, vector<16xf32>,
        %mul3A_851 = arith.mulf %get3A_850, %get3A_828 : vector<16xf32>
        %swap3A_852 = arith.index_cast %and3A_634 : i32 to index
        %swap3A_853 = arith.index_cast %add3A_824 : i32 to index
        %swap3A_854 = arith.constant 32 : index
        %swap3A_855 = tpu.vector_load %arg13[%swap3A_852, %swap3A_853, %swap3A_854] {strides = array<i32>} : memref<4x80x64xf32, #tpu.memory_space<vmem>>, vector<16xf32>,
        tpu.vector_store %arg13[%swap3A_852, %swap3A_853, %swap3A_854], %mul3A_851 {strides = array<i32>} : memref<4x80x64xf32, #tpu.memory_space<vmem>>, vector<16xf32>,
        %get3A_856 = arith.index_cast %and3A_634 : i32 to index
        %get3A_857 = arith.index_cast %add3A_824 : i32 to index
        %get3A_858 = arith.constant 48 : index
        %get3A_859 = tpu.vector_load %arg13[%get3A_856, %get3A_857, %get3A_858] {strides = array<i32>} : memref<4x80x64xf32, #tpu.memory_space<vmem>>, vector<16xf32>,
        %mul3A_860 = arith.mulf %get3A_859, %get3A_828 : vector<16xf32>
        %swap3A_861 = arith.index_cast %and3A_634 : i32 to index
        %swap3A_862 = arith.index_cast %add3A_824 : i32 to index
        %swap3A_863 = arith.constant 48 : index
        %swap3A_864 = tpu.vector_load %arg13[%swap3A_861, %swap3A_862, %swap3A_863] {strides = array<i32>} : memref<4x80x64xf32, #tpu.memory_space<vmem>>, vector<16xf32>,
        tpu.vector_store %arg13[%swap3A_861, %swap3A_862, %swap3A_863], %mul3A_860 {strides = array<i32>} : memref<4x80x64xf32, #tpu.memory_space<vmem>>, vector<16xf32>,
      }
      %scan3A_677 = arith.constant 20 : i32
      %dma_start3A_678 = arith.constant 0 : i32
      %dma_start3A_679 = arith.constant 0 : i32
      %dma_start3A_680 = tpu.memref_slice %arg13[%and3A_634, %dma_start3A_678, %dma_start3A_679] : memref<4x80x64xf32, #tpu.memory_space<vmem>> -> memref<1x80x64xf32, #tpu.memory_space<vmem>>
      %dma_start3A_681 = tpu.memref_squeeze %dma_start3A_680 : memref<1x80x64xf32, #tpu.memory_space<vmem>> -> memref<80x64xf32, #tpu.memory_space<vmem>>
      %dma_start3A_682 = arith.constant 0 : i32
      %dma_start3A_683 = tpu.memref_slice %arg12[%and3A_636, %dma_start3A_682] : memref<8x80xi32, #tpu.memory_space<vmem>> -> memref<1x80xi32, #tpu.memory_space<vmem>>
      %dma_start3A_684 = tpu.memref_squeeze %dma_start3A_683 : memref<1x80xi32, #tpu.memory_space<vmem>> -> memref<80xi32, #tpu.memory_space<vmem>>
      %dma_start3A_685 = arith.constant 0 : i32
      %dma_start3A_686 = arith.constant 0 : i32
      %dma_start3A_687 = tpu.memref_slice %arg19[%dma_start3A_685, %dma_start3A_686] : memref<10000x64xf32, #tpu.memory_space<vmem_shared>> -> memref<10000x64xf32, #tpu.memory_space<vmem_shared>>
      %dma_start3A_688 = tpu.memref_slice %arg18[%and3A_634] : memref<4x!tpu.dma_semaphore, #tpu.memory_space<semaphore_mem>> -> memref<1x!tpu.dma_semaphore, #tpu.memory_space<semaphore_mem>>
      %dma_start3A_689 = tpu.memref_squeeze %dma_start3A_688 : memref<1x!tpu.dma_semaphore, #tpu.memory_space<semaphore_mem>> -> memref<!tpu.dma_semaphore, #tpu.memory_space<semaphore_mem>>
      tpu.enqueue_indirect_dma source(%dma_start3A_681 : memref<80x64xf32, #tpu.memory_space<vmem>>) target(%dma_start3A_687 : memref<10000x64xf32, #tpu.memory_space<vmem_shared>>) offsets(%dma_start3A_684 : memref<80xi32, #tpu.memory_space<vmem>>) semaphore(%dma_start3A_689 : memref<!tpu.dma_semaphore, #tpu.memory_space<semaphore_mem>>) {add = true}
    }
    %scan3A_569 = arith.constant 125 : i32
    %dma_wait3A_570 = arith.constant 1 : i32
    %dma_wait3A_571 = arith.constant 1 : i32
    %dma_wait3A_572 = arith.constant 1 : i32
    %dma_wait3A_573 = arith.constant 0 : i32
    %dma_wait3A_574 = arith.constant 0 : i32
    %dma_wait3A_575 = tpu.memref_slice %arg13[%dma_wait3A_570, %dma_wait3A_573, %dma_wait3A_574] : memref<4x80x64xf32, #tpu.memory_space<vmem>> -> memref<1x80x64xf32, #tpu.memory_space<vmem>>
    %dma_wait3A_576 = tpu.memref_squeeze %dma_wait3A_575 : memref<1x80x64xf32, #tpu.memory_space<vmem>> -> memref<80x64xf32, #tpu.memory_space<vmem>>
    %dma_wait3A_577 = arith.constant 0 : i32
    %dma_wait3A_578 = tpu.memref_slice %arg12[%dma_wait3A_571, %dma_wait3A_577] : memref<8x80xi32, #tpu.memory_space<vmem>> -> memref<1x80xi32, #tpu.memory_space<vmem>>
    %dma_wait3A_579 = tpu.memref_squeeze %dma_wait3A_578 : memref<1x80xi32, #tpu.memory_space<vmem>> -> memref<80xi32, #tpu.memory_space<vmem>>
    %dma_wait3A_580 = arith.constant 0 : i32
    %dma_wait3A_581 = arith.constant 0 : i32
    %dma_wait3A_582 = tpu.memref_slice %arg19[%dma_wait3A_580, %dma_wait3A_581] : memref<10000x64xf32, #tpu.memory_space<vmem_shared>> -> memref<10000x64xf32, #tpu.memory_space<vmem_shared>>
    %dma_wait3A_583 = tpu.memref_slice %arg18[%dma_wait3A_572] : memref<4x!tpu.dma_semaphore, #tpu.memory_space<semaphore_mem>> -> memref<1x!tpu.dma_semaphore, #tpu.memory_space<semaphore_mem>>
    %dma_wait3A_584 = tpu.memref_squeeze %dma_wait3A_583 : memref<1x!tpu.dma_semaphore, #tpu.memory_space<semaphore_mem>> -> memref<!tpu.dma_semaphore, #tpu.memory_space<semaphore_mem>>
    tpu.wait_indirect_dma semaphore(%dma_wait3A_584 : memref<!tpu.dma_semaphore, #tpu.memory_space<semaphore_mem>>) src(%dma_wait3A_576 : memref<80x64xf32, #tpu.memory_space<vmem>>) dst(%dma_wait3A_582 : memref<10000x64xf32, #tpu.memory_space<vmem_shared>>)
    %dma_wait3A_585 = arith.constant 2 : i32
    %dma_wait3A_586 = arith.constant 2 : i32
    %dma_wait3A_587 = arith.constant 2 : i32
    %dma_wait3A_588 = arith.constant 0 : i32
    %dma_wait3A_589 = arith.constant 0 : i32
    %dma_wait3A_590 = tpu.memref_slice %arg13[%dma_wait3A_585, %dma_wait3A_588, %dma_wait3A_589] : memref<4x80x64xf32, #tpu.memory_space<vmem>> -> memref<1x80x64xf32, #tpu.memory_space<vmem>>
    %dma_wait3A_591 = tpu.memref_squeeze %dma_wait3A_590 : memref<1x80x64xf32, #tpu.memory_space<vmem>> -> memref<80x64xf32, #tpu.memory_space<vmem>>
    %dma_wait3A_592 = arith.constant 0 : i32
    %dma_wait3A_593 = tpu.memref_slice %arg12[%dma_wait3A_586, %dma_wait3A_592] : memref<8x80xi32, #tpu.memory_space<vmem>> -> memref<1x80xi32, #tpu.memory_space<vmem>>
    %dma_wait3A_594 = tpu.memref_squeeze %dma_wait3A_593 : memref<1x80xi32, #tpu.memory_space<vmem>> -> memref<80xi32, #tpu.memory_space<vmem>>
    %dma_wait3A_595 = arith.constant 0 : i32
    %dma_wait3A_596 = arith.constant 0 : i32
    %dma_wait3A_597 = tpu.memref_slice %arg19[%dma_wait3A_595, %dma_wait3A_596] : memref<10000x64xf32, #tpu.memory_space<vmem_shared>> -> memref<10000x64xf32, #tpu.memory_space<vmem_shared>>
    %dma_wait3A_598 = tpu.memref_slice %arg18[%dma_wait3A_587] : memref<4x!tpu.dma_semaphore, #tpu.memory_space<semaphore_mem>> -> memref<1x!tpu.dma_semaphore, #tpu.memory_space<semaphore_mem>>
    %dma_wait3A_599 = tpu.memref_squeeze %dma_wait3A_598 : memref<1x!tpu.dma_semaphore, #tpu.memory_space<semaphore_mem>> -> memref<!tpu.dma_semaphore, #tpu.memory_space<semaphore_mem>>
    tpu.wait_indirect_dma semaphore(%dma_wait3A_599 : memref<!tpu.dma_semaphore, #tpu.memory_space<semaphore_mem>>) src(%dma_wait3A_591 : memref<80x64xf32, #tpu.memory_space<vmem>>) dst(%dma_wait3A_597 : memref<10000x64xf32, #tpu.memory_space<vmem_shared>>)
    %dma_wait3A_600 = arith.constant 3 : i32
    %dma_wait3A_601 = arith.constant 3 : i32
    %dma_wait3A_602 = arith.constant 3 : i32
    %dma_wait3A_603 = arith.constant 0 : i32
    %dma_wait3A_604 = arith.constant 0 : i32
    %dma_wait3A_605 = tpu.memref_slice %arg13[%dma_wait3A_600, %dma_wait3A_603, %dma_wait3A_604] : memref<4x80x64xf32, #tpu.memory_space<vmem>> -> memref<1x80x64xf32, #tpu.memory_space<vmem>>
    %dma_wait3A_606 = tpu.memref_squeeze %dma_wait3A_605 : memref<1x80x64xf32, #tpu.memory_space<vmem>> -> memref<80x64xf32, #tpu.memory_space<vmem>>
    %dma_wait3A_607 = arith.constant 0 : i32
    %dma_wait3A_608 = tpu.memref_slice %arg12[%dma_wait3A_601, %dma_wait3A_607] : memref<8x80xi32, #tpu.memory_space<vmem>> -> memref<1x80xi32, #tpu.memory_space<vmem>>
    %dma_wait3A_609 = tpu.memref_squeeze %dma_wait3A_608 : memref<1x80xi32, #tpu.memory_space<vmem>> -> memref<80xi32, #tpu.memory_space<vmem>>
    %dma_wait3A_610 = arith.constant 0 : i32
    %dma_wait3A_611 = arith.constant 0 : i32
    %dma_wait3A_612 = tpu.memref_slice %arg19[%dma_wait3A_610, %dma_wait3A_611] : memref<10000x64xf32, #tpu.memory_space<vmem_shared>> -> memref<10000x64xf32, #tpu.memory_space<vmem_shared>>
    %dma_wait3A_613 = tpu.memref_slice %arg18[%dma_wait3A_602] : memref<4x!tpu.dma_semaphore, #tpu.memory_space<semaphore_mem>> -> memref<1x!tpu.dma_semaphore, #tpu.memory_space<semaphore_mem>>
    %dma_wait3A_614 = tpu.memref_squeeze %dma_wait3A_613 : memref<1x!tpu.dma_semaphore, #tpu.memory_space<semaphore_mem>> -> memref<!tpu.dma_semaphore, #tpu.memory_space<semaphore_mem>>
    tpu.wait_indirect_dma semaphore(%dma_wait3A_614 : memref<!tpu.dma_semaphore, #tpu.memory_space<semaphore_mem>>) src(%dma_wait3A_606 : memref<80x64xf32, #tpu.memory_space<vmem>>) dst(%dma_wait3A_612 : memref<10000x64xf32, #tpu.memory_space<vmem_shared>>)
    %dma_wait3A_615 = arith.constant 0 : i32
    %dma_wait3A_616 = arith.constant 4 : i32
    %dma_wait3A_617 = arith.constant 0 : i32
    %dma_wait3A_618 = arith.constant 0 : i32
    %dma_wait3A_619 = arith.constant 0 : i32
    %dma_wait3A_620 = tpu.memref_slice %arg13[%dma_wait3A_615, %dma_wait3A_618, %dma_wait3A_619] : memref<4x80x64xf32, #tpu.memory_space<vmem>> -> memref<1x80x64xf32, #tpu.memory_space<vmem>>
    %dma_wait3A_621 = tpu.memref_squeeze %dma_wait3A_620 : memref<1x80x64xf32, #tpu.memory_space<vmem>> -> memref<80x64xf32, #tpu.memory_space<vmem>>
    %dma_wait3A_622 = arith.constant 0 : i32
    %dma_wait3A_623 = tpu.memref_slice %arg12[%dma_wait3A_616, %dma_wait3A_622] : memref<8x80xi32, #tpu.memory_space<vmem>> -> memref<1x80xi32, #tpu.memory_space<vmem>>
    %dma_wait3A_624 = tpu.memref_squeeze %dma_wait3A_623 : memref<1x80xi32, #tpu.memory_space<vmem>> -> memref<80xi32, #tpu.memory_space<vmem>>
    %dma_wait3A_625 = arith.constant 0 : i32
    %dma_wait3A_626 = arith.constant 0 : i32
    %dma_wait3A_627 = tpu.memref_slice %arg19[%dma_wait3A_625, %dma_wait3A_626] : memref<10000x64xf32, #tpu.memory_space<vmem_shared>> -> memref<10000x64xf32, #tpu.memory_space<vmem_shared>>
    %dma_wait3A_628 = tpu.memref_slice %arg18[%dma_wait3A_617] : memref<4x!tpu.dma_semaphore, #tpu.memory_space<semaphore_mem>> -> memref<1x!tpu.dma_semaphore, #tpu.memory_space<semaphore_mem>>
    %dma_wait3A_629 = tpu.memref_squeeze %dma_wait3A_628 : memref<1x!tpu.dma_semaphore, #tpu.memory_space<semaphore_mem>> -> memref<!tpu.dma_semaphore, #tpu.memory_space<semaphore_mem>>
    tpu.wait_indirect_dma semaphore(%dma_wait3A_629 : memref<!tpu.dma_semaphore, #tpu.memory_space<semaphore_mem>>) src(%dma_wait3A_621 : memref<80x64xf32, #tpu.memory_space<vmem>>) dst(%dma_wait3A_627 : memref<10000x64xf32, #tpu.memory_space<vmem_shared>>)
    %barrier3A_630 = arith.constant 0 : index
    tpu.barrier barrier_id(%barrier3A_630)
    %run_scoped3A_631 = arith.constant 1 : i32
    "tpu.region"() ({
      %run_scoped3A_633 = tpu.sem_alloc : memref<!tpu.dma_semaphore, #tpu.memory_space<semaphore_mem>>
      %dma_start3A_634 = arith.constant 0 : i32
      %dma_start3A_635 = tpu.memref_slice %arg9[%run_scoped3A_631, %arg0, %min3A_5, %dma_start3A_634] : memref<2x2x10000x64xf32, #tpu.memory_space<hbm>> -> memref<1x1x640x64xf32, #tpu.memory_space<hbm>>
      %dma_start3A_636 = tpu.memref_squeeze %dma_start3A_635 : memref<1x1x640x64xf32, #tpu.memory_space<hbm>> -> memref<640x64xf32, #tpu.memory_space<hbm>>
      %dma_start3A_637 = arith.constant 0 : i32
      %dma_start3A_638 = tpu.memref_slice %arg19[%min3A_5, %dma_start3A_637] : memref<10000x64xf32, #tpu.memory_space<vmem_shared>> -> memref<640x64xf32, #tpu.memory_space<vmem_shared>>
      tpu.enqueue_dma source(%dma_start3A_638 : memref<640x64xf32, #tpu.memory_space<vmem_shared>>) target(%dma_start3A_636 : memref<640x64xf32, #tpu.memory_space<hbm>>) target_semaphore(%run_scoped3A_633 : memref<!tpu.dma_semaphore, #tpu.memory_space<semaphore_mem>>)
      %dma_wait3A_639 = arith.constant 0 : i32
      %dma_wait3A_640 = tpu.memref_slice %arg9[%run_scoped3A_631, %arg0, %min3A_5, %dma_wait3A_639] : memref<2x2x10000x64xf32, #tpu.memory_space<hbm>> -> memref<1x1x640x64xf32, #tpu.memory_space<hbm>>
      %dma_wait3A_641 = tpu.memref_squeeze %dma_wait3A_640 : memref<1x1x640x64xf32, #tpu.memory_space<hbm>> -> memref<640x64xf32, #tpu.memory_space<hbm>>
      %dma_wait3A_642 = arith.constant 0 : i32
      %dma_wait3A_643 = tpu.memref_slice %arg19[%min3A_5, %dma_wait3A_642] : memref<10000x64xf32, #tpu.memory_space<vmem_shared>> -> memref<640x64xf32, #tpu.memory_space<vmem_shared>>
      tpu.wait_dma2 semaphore(%run_scoped3A_633 : memref<!tpu.dma_semaphore, #tpu.memory_space<semaphore_mem>>) src(%dma_wait3A_643 : memref<640x64xf32, #tpu.memory_space<vmem_shared>>) dst(%dma_wait3A_641 : memref<640x64xf32, #tpu.memory_space<hbm>>)
      tpu.yield
    }) : () -> ()
    %barrier3A_632 = arith.constant 0 : index
    tpu.barrier barrier_id(%barrier3A_632)
    return
  }
}

module attributes {stable_mosaic.version = 14 : i64} {
  func.func @_gidx_body(%arg0: memref<2500x128xi32, #tpu.memory_space<vmem>>, %arg1: memref<2500x128xi32, #tpu.memory_space<vmem>>, %arg2: memref<2500x128xi32, #tpu.memory_space<vmem>>, %arg3: memref<2500x128xi32, #tpu.memory_space<vmem>>, %arg4: memref<2500x128xi32, #tpu.memory_space<vmem>>) attributes {dimension_semantics = [], scalar_prefetch = 0 : i64, scratch_operands = 0 : i64, tpu.core_type = #tpu.core_type<tc>} {
    %get3A = arith.constant 0 : index
    %get3A_0 = arith.constant 0 : index
    %get3A_1 = vector.load %arg2[%get3A, %get3A_0] : memref<2500x128xi32, #tpu.memory_space<vmem>>, vector<2500x128xi32>
    %mul3A = arith.constant 10000 : i32
    %mul3A_2 = vector.broadcast %mul3A : i32 to vector<2500x128xi32>
    %mul3A_3 = arith.muli %get3A_1, %mul3A_2 : vector<2500x128xi32>
    %get3A_4 = arith.constant 0 : index
    %get3A_5 = arith.constant 0 : index
    %get3A_6 = vector.load %arg0[%get3A_4, %get3A_5] : memref<2500x128xi32, #tpu.memory_space<vmem>>, vector<2500x128xi32>
    %add3A = arith.addi %mul3A_3, %get3A_6 : vector<2500x128xi32>
    %swap3A = arith.constant 0 : index
    %swap3A_7 = arith.constant 0 : index
    %swap3A_8 = vector.load %arg3[%swap3A, %swap3A_7] : memref<2500x128xi32, #tpu.memory_space<vmem>>, vector<2500x128xi32>
    tpu.vector_store %arg3[%swap3A, %swap3A_7], %add3A {strides = array<i32>} : memref<2500x128xi32, #tpu.memory_space<vmem>>, vector<2500x128xi32>,
    %get3A_9 = arith.constant 0 : index
    %get3A_10 = arith.constant 0 : index
    %get3A_11 = vector.load %arg1[%get3A_9, %get3A_10] : memref<2500x128xi32, #tpu.memory_space<vmem>>, vector<2500x128xi32>
    %add3A_12 = arith.addi %mul3A_3, %get3A_11 : vector<2500x128xi32>
    %swap3A_13 = arith.constant 0 : index
    %swap3A_14 = arith.constant 0 : index
    %swap3A_15 = vector.load %arg4[%swap3A_13, %swap3A_14] : memref<2500x128xi32, #tpu.memory_space<vmem>>, vector<2500x128xi32>
    tpu.vector_store %arg4[%swap3A_13, %swap3A_14], %add3A_12 {strides = array<i32>} : memref<2500x128xi32, #tpu.memory_space<vmem>>, vector<2500x128xi32>,
    return
  }
}

module attributes {stable_mosaic.version = 14 : i64} {
  func.func @_mm_body(%arg0: i32, %arg1: i32, %arg2: memref<1000x128xf32, #tpu.memory_space<vmem>>, %arg3: memref<1x128x128xf32, #tpu.memory_space<vmem>>, %arg4: memref<1x1x128xf32, #tpu.memory_space<vmem>>, %arg5: memref<1x1000x64xf32, #tpu.memory_space<vmem>>, %arg6: memref<1x1000x64xf32, #tpu.memory_space<vmem>>) attributes {dimension_semantics = [#tpu.dimension_semantics<arbitrary>, #tpu.dimension_semantics<arbitrary>], iteration_bounds = array<i64: 5, 10>, scalar_prefetch = 0 : i64, scratch_operands = 0 : i64, tpu.core_type = #tpu.core_type<tc>, window_params = [{transform_indices = @transform_0, window_bounds = array<i64: 1000, 128>}, {transform_indices = @transform_1, window_bounds = array<i64: 1, 128, 128>}, {transform_indices = @transform_2, window_bounds = array<i64: 1, 1, 128>}, {transform_indices = @transform_3, window_bounds = array<i64: 1, 1000, 64>}, {transform_indices = @transform_4, window_bounds = array<i64: 1, 1000, 64>}]} {
    %get3A = arith.constant 0 : index
    %get3A_0 = arith.constant 0 : index
    %get3A_1 = vector.load %arg2[%get3A, %get3A_0] : memref<1000x128xf32, #tpu.memory_space<vmem>>, vector<1000x128xf32>
    %get3A_2 = arith.constant 0 : index
    %get3A_3 = arith.constant 0 : index
    %get3A_4 = arith.constant 0 : index
    %get3A_5 = vector.load %arg3[%get3A_2, %get3A_3, %get3A_4] : memref<1x128x128xf32, #tpu.memory_space<vmem>>, vector<1x128x128xf32>
    %get3A_6 = vector.shape_cast %get3A_5 : vector<1x128x128xf32> to vector<128x128xf32>
    %dot_general3A = arith.constant dense<0.000000e+00> : vector<1000x128xf32>
    %dot_general3A_7 = tpu.matmul %get3A_1, %get3A_6, %dot_general3A {dimension_numbers = #tpu.dot_dimension_numbers<[1], [0], [0], [1], [0, 0, 1, 1], [], []>, transpose_lhs_hint = false} : vector<1000x128xf32>, vector<128x128xf32>, vector<1000x128xf32> -> vector<1000x128xf32>
    %get3A_8 = arith.constant 0 : index
    %get3A_9 = arith.constant 0 : index
    %get3A_10 = arith.constant 0 : index
    %get3A_11 = vector.load %arg4[%get3A_8, %get3A_9, %get3A_10] : memref<1x1x128xf32, #tpu.memory_space<vmem>>, vector<1x1x128xf32>
    %get3A_12 = vector.shape_cast %get3A_11 : vector<1x1x128xf32> to vector<128xf32>
    %broadcast_in_dim3A = vector.shape_cast %get3A_12 : vector<128xf32> to vector<1x128xf32>
    %add3A = vector.broadcast %broadcast_in_dim3A : vector<1x128xf32> to vector<1000x128xf32>
    %add3A_13 = arith.addf %dot_general3A_7, %add3A : vector<1000x128xf32>
    %slice3A = vector.extract_strided_slice %add3A_13 {offsets = [0, 0], sizes = [1000, 64], strides = [1, 1]} : vector<1000x128xf32> to vector<1000x64xf32>
    %swap3A = arith.constant 0 : index
    %swap3A_14 = arith.constant 0 : index
    %swap3A_15 = arith.constant 0 : index
    %swap3A_16 = vector.load %arg5[%swap3A, %swap3A_14, %swap3A_15] : memref<1x1000x64xf32, #tpu.memory_space<vmem>>, vector<1x1000x64xf32>
    %swap3A_17 = vector.shape_cast %swap3A_16 : vector<1x1000x64xf32> to vector<1000x64xf32>
    %swap3A_18 = vector.shape_cast %slice3A : vector<1000x64xf32> to vector<1x1000x64xf32>
    tpu.vector_store %arg5[%swap3A, %swap3A_14, %swap3A_15], %swap3A_18 {strides = array<i32>} : memref<1x1000x64xf32, #tpu.memory_space<vmem>>, vector<1x1000x64xf32>,
    %slice3A_19 = vector.extract_strided_slice %add3A_13 {offsets = [0, 64], sizes = [1000, 64], strides = [1, 1]} : vector<1000x128xf32> to vector<1000x64xf32>
    %swap3A_20 = arith.constant 0 : index
    %swap3A_21 = arith.constant 0 : index
    %swap3A_22 = arith.constant 0 : index
    %swap3A_23 = vector.load %arg6[%swap3A_20, %swap3A_21, %swap3A_22] : memref<1x1000x64xf32, #tpu.memory_space<vmem>>, vector<1x1000x64xf32>
    %swap3A_24 = vector.shape_cast %swap3A_23 : vector<1x1000x64xf32> to vector<1000x64xf32>
    %swap3A_25 = vector.shape_cast %slice3A_19 : vector<1000x64xf32> to vector<1x1000x64xf32>
    tpu.vector_store %arg6[%swap3A_20, %swap3A_21, %swap3A_22], %swap3A_25 {strides = array<i32>} : memref<1x1000x64xf32, #tpu.memory_space<vmem>>, vector<1x1000x64xf32>,
    return
  }
  func.func @transform_0(%arg0: i32, %arg1: i32) -> (i32, i32) {
    %c0_i32 = arith.constant 0 : i32
    %c0_i32_0 = arith.constant 0 : i32
    return %arg1, %c0_i32 : i32, i32
  }
  func.func @transform_1(%arg0: i32, %arg1: i32) -> (i32, i32, i32) {
    %c0_i32 = arith.constant 0 : i32
    %c0_i32_0 = arith.constant 0 : i32
    %c0_i32_1 = arith.constant 0 : i32
    return %arg0, %c0_i32, %c0_i32_0 : i32, i32, i32
  }
  func.func @transform_2(%arg0: i32, %arg1: i32) -> (i32, i32, i32) {
    %c0_i32 = arith.constant 0 : i32
    %c0_i32_0 = arith.constant 0 : i32
    %c0_i32_1 = arith.constant 0 : i32
    return %arg0, %c0_i32, %c0_i32_0 : i32, i32, i32
  }
  func.func @transform_3(%arg0: i32, %arg1: i32) -> (i32, i32, i32) {
    %c0_i32 = arith.constant 0 : i32
    %c0_i32_0 = arith.constant 0 : i32
    return %arg0, %arg1, %c0_i32 : i32, i32, i32
  }
  func.func @transform_4(%arg0: i32, %arg1: i32) -> (i32, i32, i32) {
    %c0_i32 = arith.constant 0 : i32
    %c0_i32_0 = arith.constant 0 : i32
    return %arg0, %arg1, %c0_i32 : i32, i32, i32
  }
}

module attributes {stable_mosaic.version = 14 : i64} {
  func.func @_inv_body(%arg0: memref<2x320x128xf32, #tpu.memory_space<vmem>>, %arg1: memref<320x128xf32, #tpu.memory_space<vmem>>) attributes {dimension_semantics = [], scalar_prefetch = 0 : i64, scratch_operands = 0 : i64, tpu.core_type = #tpu.core_type<tc>} {
    %get3A = arith.constant 0 : index
    %get3A_0 = arith.constant 0 : index
    %get3A_1 = arith.constant 0 : index
    %get3A_2 = vector.load %arg0[%get3A, %get3A_0, %get3A_1] : memref<2x320x128xf32, #tpu.memory_space<vmem>>, vector<1x320x128xf32>
    %get3A_3 = vector.shape_cast %get3A_2 : vector<1x320x128xf32> to vector<320x128xf32>
    %get3A_4 = arith.constant 1 : index
    %get3A_5 = arith.constant 0 : index
    %get3A_6 = arith.constant 0 : index
    %get3A_7 = vector.load %arg0[%get3A_4, %get3A_5, %get3A_6] : memref<2x320x128xf32, #tpu.memory_space<vmem>>, vector<1x320x128xf32>
    %get3A_8 = vector.shape_cast %get3A_7 : vector<1x320x128xf32> to vector<320x128xf32>
    %add3A = arith.addf %get3A_3, %get3A_8 : vector<320x128xf32>
    %max3A = arith.constant 1.000000e+00 : f32
    %max3A_9 = vector.broadcast %max3A : f32 to vector<320x128xf32>
    %max3A_10 = arith.maximumf %add3A, %max3A_9 : vector<320x128xf32>
    %div3A = arith.constant 1.000000e+00 : f32
    %div3A_11 = vector.broadcast %div3A : f32 to vector<320x128xf32>
    %div3A_12 = arith.divf %div3A_11, %max3A_10 : vector<320x128xf32>
    %swap3A = arith.constant 0 : index
    %swap3A_13 = arith.constant 0 : index
    %swap3A_14 = vector.load %arg1[%swap3A, %swap3A_13] : memref<320x128xf32, #tpu.memory_space<vmem>>, vector<320x128xf32>
    tpu.vector_store %arg1[%swap3A, %swap3A_13], %div3A_12 {strides = array<i32>} : memref<320x128xf32, #tpu.memory_space<vmem>>, vector<320x128xf32>,
    return
  }
}

module attributes {stable_mosaic.version = 14 : i64} {
  func.func @_mid_body(%arg0: i32, %arg1: i32, %arg2: memref<1x1000x64xf32, #tpu.memory_space<vmem>>, %arg3: memref<1x1000x64xf32, #tpu.memory_space<vmem>>, %arg4: memref<1x2x1000x64xf32, #tpu.memory_space<vmem>>, %arg5: memref<1x2x1000x64xf32, #tpu.memory_space<vmem>>, %arg6: memref<1x128x128xf32, #tpu.memory_space<vmem>>, %arg7: memref<1x1x128xf32, #tpu.memory_space<vmem>>, %arg8: memref<1x1000x64xf32, #tpu.memory_space<vmem>>, %arg9: memref<1x1000x64xf32, #tpu.memory_space<vmem>>) attributes {dimension_semantics = [#tpu.dimension_semantics<arbitrary>, #tpu.dimension_semantics<arbitrary>], iteration_bounds = array<i64: 5, 10>, scalar_prefetch = 0 : i64, scratch_operands = 0 : i64, tpu.core_type = #tpu.core_type<tc>, window_params = [{transform_indices = @transform_0, window_bounds = array<i64: 1, 1000, 64>}, {transform_indices = @transform_1, window_bounds = array<i64: 1, 1000, 64>}, {transform_indices = @transform_2, window_bounds = array<i64: 1, 2, 1000, 64>}, {transform_indices = @transform_3, window_bounds = array<i64: 1, 2, 1000, 64>}, {transform_indices = @transform_4, window_bounds = array<i64: 1, 128, 128>}, {transform_indices = @transform_5, window_bounds = array<i64: 1, 1, 128>}, {transform_indices = @transform_6, window_bounds = array<i64: 1, 1000, 64>}, {transform_indices = @transform_7, window_bounds = array<i64: 1, 1000, 64>}]} {
    %get3A = arith.constant 0 : index
    %get3A_0 = arith.constant 0 : index
    %get3A_1 = arith.constant 0 : index
    %get3A_2 = vector.load %arg2[%get3A, %get3A_0, %get3A_1] : memref<1x1000x64xf32, #tpu.memory_space<vmem>>, vector<1x1000x64xf32>
    %get3A_3 = vector.shape_cast %get3A_2 : vector<1x1000x64xf32> to vector<1000x64xf32>
    %get3A_4 = arith.constant 0 : index
    %get3A_5 = arith.constant 0 : index
    %get3A_6 = arith.constant 0 : index
    %get3A_7 = arith.constant 0 : index
    %get3A_8 = vector.load %arg4[%get3A_4, %get3A_5, %get3A_6, %get3A_7] : memref<1x2x1000x64xf32, #tpu.memory_space<vmem>>, vector<1x1x1000x64xf32>
    %get3A_9 = vector.shape_cast %get3A_8 : vector<1x1x1000x64xf32> to vector<1000x64xf32>
    %add3A = arith.addf %get3A_3, %get3A_9 : vector<1000x64xf32>
    %get3A_10 = arith.constant 0 : index
    %get3A_11 = arith.constant 1 : index
    %get3A_12 = arith.constant 0 : index
    %get3A_13 = arith.constant 0 : index
    %get3A_14 = vector.load %arg4[%get3A_10, %get3A_11, %get3A_12, %get3A_13] : memref<1x2x1000x64xf32, #tpu.memory_space<vmem>>, vector<1x1x1000x64xf32>
    %get3A_15 = vector.shape_cast %get3A_14 : vector<1x1x1000x64xf32> to vector<1000x64xf32>
    %add3A_16 = arith.addf %add3A, %get3A_15 : vector<1000x64xf32>
    %max3A = arith.constant 0.000000e+00 : f32
    %max3A_17 = vector.broadcast %max3A : f32 to vector<1000x64xf32>
    %max3A_18 = arith.maximumf %add3A_16, %max3A_17 : vector<1000x64xf32>
    %get3A_19 = arith.constant 0 : index
    %get3A_20 = arith.constant 0 : index
    %get3A_21 = arith.constant 0 : index
    %get3A_22 = vector.load %arg3[%get3A_19, %get3A_20, %get3A_21] : memref<1x1000x64xf32, #tpu.memory_space<vmem>>, vector<1x1000x64xf32>
    %get3A_23 = vector.shape_cast %get3A_22 : vector<1x1000x64xf32> to vector<1000x64xf32>
    %get3A_24 = arith.constant 0 : index
    %get3A_25 = arith.constant 0 : index
    %get3A_26 = arith.constant 0 : index
    %get3A_27 = arith.constant 0 : index
    %get3A_28 = vector.load %arg5[%get3A_24, %get3A_25, %get3A_26, %get3A_27] : memref<1x2x1000x64xf32, #tpu.memory_space<vmem>>, vector<1x1x1000x64xf32>
    %get3A_29 = vector.shape_cast %get3A_28 : vector<1x1x1000x64xf32> to vector<1000x64xf32>
    %add3A_30 = arith.addf %get3A_23, %get3A_29 : vector<1000x64xf32>
    %get3A_31 = arith.constant 0 : index
    %get3A_32 = arith.constant 1 : index
    %get3A_33 = arith.constant 0 : index
    %get3A_34 = arith.constant 0 : index
    %get3A_35 = vector.load %arg5[%get3A_31, %get3A_32, %get3A_33, %get3A_34] : memref<1x2x1000x64xf32, #tpu.memory_space<vmem>>, vector<1x1x1000x64xf32>
    %get3A_36 = vector.shape_cast %get3A_35 : vector<1x1x1000x64xf32> to vector<1000x64xf32>
    %add3A_37 = arith.addf %add3A_30, %get3A_36 : vector<1000x64xf32>
    %max3A_38 = arith.constant 0.000000e+00 : f32
    %max3A_39 = vector.broadcast %max3A_38 : f32 to vector<1000x64xf32>
    %max3A_40 = arith.maximumf %add3A_37, %max3A_39 : vector<1000x64xf32>
    %get3A_41 = arith.constant 0 : index
    %get3A_42 = arith.constant 0 : index
    %get3A_43 = arith.constant 0 : index
    %get3A_44 = vector.load %arg6[%get3A_41, %get3A_42, %get3A_43] : memref<1x128x128xf32, #tpu.memory_space<vmem>>, vector<1x128x128xf32>
    %get3A_45 = vector.shape_cast %get3A_44 : vector<1x128x128xf32> to vector<128x128xf32>
    %slice3A = vector.extract_strided_slice %get3A_45 {offsets = [0, 0], sizes = [64, 128], strides = [1, 1]} : vector<128x128xf32> to vector<64x128xf32>
    %dot_general3A = arith.constant dense<0.000000e+00> : vector<1000x128xf32>
    %dot_general3A_46 = tpu.matmul %max3A_18, %slice3A, %dot_general3A {dimension_numbers = #tpu.dot_dimension_numbers<[1], [0], [0], [1], [0, 0, 1, 1], [], []>, transpose_lhs_hint = false} : vector<1000x64xf32>, vector<64x128xf32>, vector<1000x128xf32> -> vector<1000x128xf32>
    %slice3A_47 = vector.extract_strided_slice %get3A_45 {offsets = [64, 0], sizes = [64, 128], strides = [1, 1]} : vector<128x128xf32> to vector<64x128xf32>
    %dot_general3A_48 = arith.constant dense<0.000000e+00> : vector<1000x128xf32>
    %dot_general3A_49 = tpu.matmul %max3A_40, %slice3A_47, %dot_general3A_48 {dimension_numbers = #tpu.dot_dimension_numbers<[1], [0], [0], [1], [0, 0, 1, 1], [], []>, transpose_lhs_hint = false} : vector<1000x64xf32>, vector<64x128xf32>, vector<1000x128xf32> -> vector<1000x128xf32>
    %add3A_50 = arith.addf %dot_general3A_46, %dot_general3A_49 : vector<1000x128xf32>
    %get3A_51 = arith.constant 0 : index
    %get3A_52 = arith.constant 0 : index
    %get3A_53 = arith.constant 0 : index
    %get3A_54 = vector.load %arg7[%get3A_51, %get3A_52, %get3A_53] : memref<1x1x128xf32, #tpu.memory_space<vmem>>, vector<1x1x128xf32>
    %get3A_55 = vector.shape_cast %get3A_54 : vector<1x1x128xf32> to vector<128xf32>
    %broadcast_in_dim3A = vector.shape_cast %get3A_55 : vector<128xf32> to vector<1x128xf32>
    %add3A_56 = vector.broadcast %broadcast_in_dim3A : vector<1x128xf32> to vector<1000x128xf32>
    %add3A_57 = arith.addf %add3A_50, %add3A_56 : vector<1000x128xf32>
    %slice3A_58 = vector.extract_strided_slice %add3A_57 {offsets = [0, 0], sizes = [1000, 64], strides = [1, 1]} : vector<1000x128xf32> to vector<1000x64xf32>
    %swap3A = arith.constant 0 : index
    %swap3A_59 = arith.constant 0 : index
    %swap3A_60 = arith.constant 0 : index
    %swap3A_61 = vector.load %arg8[%swap3A, %swap3A_59, %swap3A_60] : memref<1x1000x64xf32, #tpu.memory_space<vmem>>, vector<1x1000x64xf32>
    %swap3A_62 = vector.shape_cast %swap3A_61 : vector<1x1000x64xf32> to vector<1000x64xf32>
    %swap3A_63 = vector.shape_cast %slice3A_58 : vector<1000x64xf32> to vector<1x1000x64xf32>
    tpu.vector_store %arg8[%swap3A, %swap3A_59, %swap3A_60], %swap3A_63 {strides = array<i32>} : memref<1x1000x64xf32, #tpu.memory_space<vmem>>, vector<1x1000x64xf32>,
    %slice3A_64 = vector.extract_strided_slice %add3A_57 {offsets = [0, 64], sizes = [1000, 64], strides = [1, 1]} : vector<1000x128xf32> to vector<1000x64xf32>
    %swap3A_65 = arith.constant 0 : index
    %swap3A_66 = arith.constant 0 : index
    %swap3A_67 = arith.constant 0 : index
    %swap3A_68 = vector.load %arg9[%swap3A_65, %swap3A_66, %swap3A_67] : memref<1x1000x64xf32, #tpu.memory_space<vmem>>, vector<1x1000x64xf32>
    %swap3A_69 = vector.shape_cast %swap3A_68 : vector<1x1000x64xf32> to vector<1000x64xf32>
    %swap3A_70 = vector.shape_cast %slice3A_64 : vector<1000x64xf32> to vector<1x1000x64xf32>
    tpu.vector_store %arg9[%swap3A_65, %swap3A_66, %swap3A_67], %swap3A_70 {strides = array<i32>} : memref<1x1000x64xf32, #tpu.memory_space<vmem>>, vector<1x1000x64xf32>,
    return
  }
  func.func @transform_0(%arg0: i32, %arg1: i32) -> (i32, i32, i32) {
    %c4_i32 = arith.constant 4 : i32
    %c0_i32 = arith.constant 0 : i32
    %c0_i32_0 = arith.constant 0 : i32
    return %c4_i32, %arg1, %c0_i32 : i32, i32, i32
  }
  func.func @transform_1(%arg0: i32, %arg1: i32) -> (i32, i32, i32) {
    %c4_i32 = arith.constant 4 : i32
    %c0_i32 = arith.constant 0 : i32
    %c0_i32_0 = arith.constant 0 : i32
    return %c4_i32, %arg1, %c0_i32 : i32, i32, i32
  }
  func.func @transform_2(%arg0: i32, %arg1: i32) -> (i32, i32, i32, i32) {
    %c0_i32 = arith.constant 0 : i32
    %c0_i32_0 = arith.constant 0 : i32
    %c0_i32_1 = arith.constant 0 : i32
    %c0_i32_2 = arith.constant 0 : i32
    return %c0_i32, %c0_i32_0, %arg1, %c0_i32_1 : i32, i32, i32, i32
  }
  func.func @transform_3(%arg0: i32, %arg1: i32) -> (i32, i32, i32, i32) {
    %c1_i32 = arith.constant 1 : i32
    %c0_i32 = arith.constant 0 : i32
    %c0_i32_0 = arith.constant 0 : i32
    %c0_i32_1 = arith.constant 0 : i32
    return %c1_i32, %c0_i32, %arg1, %c0_i32_0 : i32, i32, i32, i32
  }
  func.func @transform_4(%arg0: i32, %arg1: i32) -> (i32, i32, i32) {
    %c0_i32 = arith.constant 0 : i32
    %c0_i32_0 = arith.constant 0 : i32
    %c0_i32_1 = arith.constant 0 : i32
    return %arg0, %c0_i32, %c0_i32_0 : i32, i32, i32
  }
  func.func @transform_5(%arg0: i32, %arg1: i32) -> (i32, i32, i32) {
    %c0_i32 = arith.constant 0 : i32
    %c0_i32_0 = arith.constant 0 : i32
    %c0_i32_1 = arith.constant 0 : i32
    return %arg0, %c0_i32, %c0_i32_0 : i32, i32, i32
  }
  func.func @transform_6(%arg0: i32, %arg1: i32) -> (i32, i32, i32) {
    %c0_i32 = arith.constant 0 : i32
    %c0_i32_0 = arith.constant 0 : i32
    return %arg0, %arg1, %c0_i32 : i32, i32, i32
  }
  func.func @transform_7(%arg0: i32, %arg1: i32) -> (i32, i32, i32) {
    %c0_i32 = arith.constant 0 : i32
    %c0_i32_0 = arith.constant 0 : i32
    return %arg0, %arg1, %c0_i32 : i32, i32, i32
  }
}

module attributes {stable_mosaic.version = 14 : i64} {
  func.func @_fin_body(%arg0: i32, %arg1: memref<1x1000x64xf32, #tpu.memory_space<vmem>>, %arg2: memref<1x1000x64xf32, #tpu.memory_space<vmem>>, %arg3: memref<1x2x1000x64xf32, #tpu.memory_space<vmem>>, %arg4: memref<1x2x1000x64xf32, #tpu.memory_space<vmem>>, %arg5: memref<128x128xf32, #tpu.memory_space<vmem>>, %arg6: memref<1x128xf32, #tpu.memory_space<vmem>>, %arg7: memref<1000x128xf32, #tpu.memory_space<vmem>>) attributes {dimension_semantics = [#tpu.dimension_semantics<arbitrary>], iteration_bounds = array<i64: 10>, scalar_prefetch = 0 : i64, scratch_operands = 0 : i64, tpu.core_type = #tpu.core_type<tc>, window_params = [{transform_indices = @transform_0, window_bounds = array<i64: 1, 1000, 64>}, {transform_indices = @transform_1, window_bounds = array<i64: 1, 1000, 64>}, {transform_indices = @transform_2, window_bounds = array<i64: 1, 2, 1000, 64>}, {transform_indices = @transform_3, window_bounds = array<i64: 1, 2, 1000, 64>}, {pipeline_mode = #tpu.pipeline_mode<synchronous>, transform_indices = @transform_4, window_bounds = array<i64: 128, 128>}, {pipeline_mode = #tpu.pipeline_mode<synchronous>, transform_indices = @transform_5, window_bounds = array<i64: 1, 128>}, {transform_indices = @transform_6, window_bounds = array<i64: 1000, 128>}]} {
    %get3A = arith.constant 0 : index
    %get3A_0 = arith.constant 0 : index
    %get3A_1 = arith.constant 0 : index
    %get3A_2 = vector.load %arg1[%get3A, %get3A_0, %get3A_1] : memref<1x1000x64xf32, #tpu.memory_space<vmem>>, vector<1x1000x64xf32>
    %get3A_3 = vector.shape_cast %get3A_2 : vector<1x1000x64xf32> to vector<1000x64xf32>
    %get3A_4 = arith.constant 0 : index
    %get3A_5 = arith.constant 0 : index
    %get3A_6 = arith.constant 0 : index
    %get3A_7 = arith.constant 0 : index
    %get3A_8 = vector.load %arg3[%get3A_4, %get3A_5, %get3A_6, %get3A_7] : memref<1x2x1000x64xf32, #tpu.memory_space<vmem>>, vector<1x1x1000x64xf32>
    %get3A_9 = vector.shape_cast %get3A_8 : vector<1x1x1000x64xf32> to vector<1000x64xf32>
    %add3A = arith.addf %get3A_3, %get3A_9 : vector<1000x64xf32>
    %get3A_10 = arith.constant 0 : index
    %get3A_11 = arith.constant 1 : index
    %get3A_12 = arith.constant 0 : index
    %get3A_13 = arith.constant 0 : index
    %get3A_14 = vector.load %arg3[%get3A_10, %get3A_11, %get3A_12, %get3A_13] : memref<1x2x1000x64xf32, #tpu.memory_space<vmem>>, vector<1x1x1000x64xf32>
    %get3A_15 = vector.shape_cast %get3A_14 : vector<1x1x1000x64xf32> to vector<1000x64xf32>
    %add3A_16 = arith.addf %add3A, %get3A_15 : vector<1000x64xf32>
    %max3A = arith.constant 0.000000e+00 : f32
    %max3A_17 = vector.broadcast %max3A : f32 to vector<1000x64xf32>
    %max3A_18 = arith.maximumf %add3A_16, %max3A_17 : vector<1000x64xf32>
    %get3A_19 = arith.constant 0 : index
    %get3A_20 = arith.constant 0 : index
    %get3A_21 = arith.constant 0 : index
    %get3A_22 = vector.load %arg2[%get3A_19, %get3A_20, %get3A_21] : memref<1x1000x64xf32, #tpu.memory_space<vmem>>, vector<1x1000x64xf32>
    %get3A_23 = vector.shape_cast %get3A_22 : vector<1x1000x64xf32> to vector<1000x64xf32>
    %get3A_24 = arith.constant 0 : index
    %get3A_25 = arith.constant 0 : index
    %get3A_26 = arith.constant 0 : index
    %get3A_27 = arith.constant 0 : index
    %get3A_28 = vector.load %arg4[%get3A_24, %get3A_25, %get3A_26, %get3A_27] : memref<1x2x1000x64xf32, #tpu.memory_space<vmem>>, vector<1x1x1000x64xf32>
    %get3A_29 = vector.shape_cast %get3A_28 : vector<1x1x1000x64xf32> to vector<1000x64xf32>
    %add3A_30 = arith.addf %get3A_23, %get3A_29 : vector<1000x64xf32>
    %get3A_31 = arith.constant 0 : index
    %get3A_32 = arith.constant 1 : index
    %get3A_33 = arith.constant 0 : index
    %get3A_34 = arith.constant 0 : index
    %get3A_35 = vector.load %arg4[%get3A_31, %get3A_32, %get3A_33, %get3A_34] : memref<1x2x1000x64xf32, #tpu.memory_space<vmem>>, vector<1x1x1000x64xf32>
    %get3A_36 = vector.shape_cast %get3A_35 : vector<1x1x1000x64xf32> to vector<1000x64xf32>
    %add3A_37 = arith.addf %add3A_30, %get3A_36 : vector<1000x64xf32>
    %max3A_38 = arith.constant 0.000000e+00 : f32
    %max3A_39 = vector.broadcast %max3A_38 : f32 to vector<1000x64xf32>
    %max3A_40 = arith.maximumf %add3A_37, %max3A_39 : vector<1000x64xf32>
    %get3A_41 = arith.constant 0 : index
    %get3A_42 = arith.constant 0 : index
    %get3A_43 = vector.load %arg5[%get3A_41, %get3A_42] : memref<128x128xf32, #tpu.memory_space<vmem>>, vector<128x128xf32>
    %slice3A = vector.extract_strided_slice %get3A_43 {offsets = [0, 0], sizes = [64, 128], strides = [1, 1]} : vector<128x128xf32> to vector<64x128xf32>
    %dot_general3A = arith.constant dense<0.000000e+00> : vector<1000x128xf32>
    %dot_general3A_44 = tpu.matmul %max3A_18, %slice3A, %dot_general3A {dimension_numbers = #tpu.dot_dimension_numbers<[1], [0], [0], [1], [0, 0, 1, 1], [], []>, transpose_lhs_hint = false} : vector<1000x64xf32>, vector<64x128xf32>, vector<1000x128xf32> -> vector<1000x128xf32>
    %slice3A_45 = vector.extract_strided_slice %get3A_43 {offsets = [64, 0], sizes = [64, 128], strides = [1, 1]} : vector<128x128xf32> to vector<64x128xf32>
    %dot_general3A_46 = arith.constant dense<0.000000e+00> : vector<1000x128xf32>
    %dot_general3A_47 = tpu.matmul %max3A_40, %slice3A_45, %dot_general3A_46 {dimension_numbers = #tpu.dot_dimension_numbers<[1], [0], [0], [1], [0, 0, 1, 1], [], []>, transpose_lhs_hint = false} : vector<1000x64xf32>, vector<64x128xf32>, vector<1000x128xf32> -> vector<1000x128xf32>
    %add3A_48 = arith.addf %dot_general3A_44, %dot_general3A_47 : vector<1000x128xf32>
    %get3A_49 = arith.constant 0 : index
    %get3A_50 = arith.constant 0 : index
    %get3A_51 = vector.load %arg6[%get3A_49, %get3A_50] : memref<1x128xf32, #tpu.memory_space<vmem>>, vector<1x128xf32>
    %get3A_52 = vector.shape_cast %get3A_51 : vector<1x128xf32> to vector<128xf32>
    %broadcast_in_dim3A = vector.shape_cast %get3A_52 : vector<128xf32> to vector<1x128xf32>
    %add3A_53 = vector.broadcast %broadcast_in_dim3A : vector<1x128xf32> to vector<1000x128xf32>
    %add3A_54 = arith.addf %add3A_48, %add3A_53 : vector<1000x128xf32>
    %swap3A = arith.constant 0 : index
    %swap3A_55 = arith.constant 0 : index
    %swap3A_56 = vector.load %arg7[%swap3A, %swap3A_55] : memref<1000x128xf32, #tpu.memory_space<vmem>>, vector<1000x128xf32>
    tpu.vector_store %arg7[%swap3A, %swap3A_55], %add3A_54 {strides = array<i32>} : memref<1000x128xf32, #tpu.memory_space<vmem>>, vector<1000x128xf32>,
    return
  }
  func.func @transform_0(%arg0: i32) -> (i32, i32, i32) {
    %c4_i32 = arith.constant 4 : i32
    %c0_i32 = arith.constant 0 : i32
    %c0_i32_0 = arith.constant 0 : i32
    return %c4_i32, %arg0, %c0_i32 : i32, i32, i32
  }
  func.func @transform_1(%arg0: i32) -> (i32, i32, i32) {
    %c4_i32 = arith.constant 4 : i32
    %c0_i32 = arith.constant 0 : i32
    %c0_i32_0 = arith.constant 0 : i32
    return %c4_i32, %arg0, %c0_i32 : i32, i32, i32
  }
  func.func @transform_2(%arg0: i32) -> (i32, i32, i32, i32) {
    %c0_i32 = arith.constant 0 : i32
    %c0_i32_0 = arith.constant 0 : i32
    %c0_i32_1 = arith.constant 0 : i32
    %c0_i32_2 = arith.constant 0 : i32
    return %c0_i32, %c0_i32_0, %arg0, %c0_i32_1 : i32, i32, i32, i32
  }
  func.func @transform_3(%arg0: i32) -> (i32, i32, i32, i32) {
    %c1_i32 = arith.constant 1 : i32
    %c0_i32 = arith.constant 0 : i32
    %c0_i32_0 = arith.constant 0 : i32
    %c0_i32_1 = arith.constant 0 : i32
    return %c1_i32, %c0_i32, %arg0, %c0_i32_0 : i32, i32, i32, i32
  }
  func.func @transform_4(%arg0: i32) -> (i32, i32) {
    %c0_i32 = arith.constant 0 : i32
    %c0_i32_0 = arith.constant 0 : i32
    %c0_i32_1 = arith.constant 0 : i32
    return %c0_i32, %c0_i32_0 : i32, i32
  }
  func.func @transform_5(%arg0: i32) -> (i32, i32) {
    %c0_i32 = arith.constant 0 : i32
    %c0_i32_0 = arith.constant 0 : i32
    %c0_i32_1 = arith.constant 0 : i32
    return %c0_i32, %c0_i32_0 : i32, i32
  }
  func.func @transform_6(%arg0: i32) -> (i32, i32) {
    %c0_i32 = arith.constant 0 : i32
    %c0_i32_0 = arith.constant 0 : i32
    return %arg0, %c0_i32 : i32, i32
  }
}

</mosaic_0001>

<sc_bundles>
// kernel: kernel.10.cloned.1.call-start
scs
__scs_entry_jumppad:
0x0: {  	(pc) =	sbr.rel $0x88, $3  }
0x1: {  	(tag) =	ssettag $0x0;
	lr =	simm.s32 $0x1  }
0x2: {  	[smem:$0x3F96] =	sst lr;
	_ =	strace $0xD0000000  }
0x3: {  	_ = 	snop  }
0x4: {  	_ = 	snop  }
0x5: {  	_ = 	snop  }
0x6: {  	_ = 	snop  }
0x7: {  	_ = 	snop  }
__scs_overlays_trampoline_lowered:
0x8: {  	[smem:$0x3FA5] =	sst s0  }
0x9: {  	[smem:$0x3FA6] =	sst s1  }
0xa: {  	[smem:$0x3FA7] =	sst s2  }
0xb: {  	[smem:$0x3FA8] =	sst s3  }
0xc: {  	[smem:$0x3FA9] =	sst s4  }
0xd: {  	[smem:$0x3FAA] =	sst s5  }
0xe: {  	[smem:$0x3FAB] =	sst s6  }
0xf: {  	[smem:$0x3FAC] =	sst s7  }
0x10: {  	[smem:$0x3FAD] =	sst s8  }
0x11: {  	[smem:$0x3FAE] =	sst s9;
	s0 =	simm.s32 @!p0 $0x0  }
0x12: {  	s1 =	sld [smem:$0x3F94];
	s0 =	simm.s32 @p0 $0x1  }
0x13: {  	[smem:$0x3FAF] =	sst s0;
	s0 =	simm.s32 @!p1 $0x0  }
0x14: {  	s2 =	sld [smem:$0x3F93];
	s0 =	simm.s32 @p1 $0x1  }
0x15: {  	[smem:$0x3FB0] =	sst s0;
	s0 =	simm.s32 @!p2 $0x0  }
0x16: {  	s3 =	sld [smem:$0x3FDB];
	s0 =	simm.s32 @p2 $0x1  }
0x17: {  	s4 =	simm.s32 $0x1BF5;
	[smem:$0x3FB2] =	sst s0  }
0x18: {  	s0 =	sld [smem:$0x3F95];
	_ =	swait.ge [sflag:s4], $0x0  }
0x19: {  	s7 =	sld [smem:$0x3F96]  }
0x1a: {  	s8 =	sadd.s32 $0xFFFFE003, lr  }
0x1b: {  	s9 =	sadd.s32 $0xFFFFFEF7, lr;
	s5 =	simm.s32 $0xFFFFFFFF;
	p2 =	slt.u32 s8, $0xFFFFF086  }
0x1c: {  	p1 =	slt.u32 s9, $0xF7A;
	s5 =	simm.s32 @!p2 $0x0  }
0x1d: {  	s5 =	simm.s32 @p1 $0x1;
	p0 =	seq.s32 s7, s2  }
0x1e: {  	s7 =	smul.u32 @!p0 $0xF7A, s2;
	p2 =	seq.s32 @!p0 s5, $0x0  }
0x1f: {  	s9 =	smul.u32 $0xF7A, s1;
	s8 =	simm.s32 @!p0 $0x1BF5;
	p2 =	por !p2, p0  }
0x20: {  	[sflag:s8] =	ssyncset.s32 @!p0 $0xFFFFF086;
	s6 =	sadd.s32 @!p0 s3, s7;
	s7 =	simm.s32 @!p0 $0x108  }
0x21: {  	s3 =	sadd.s32 s3, s9;
	s6 =	sadd.s32 @!p0 $0x88, s6;
	s7 =	simm.s32 @p2 $0x1082  }
0x22: {  	[simem:s7], [sflag:s8] =	dma.local @!p0 [hbm:s6], $0xF7A  }
0x23: {  	s9 =	sor.u32 $0xD0000000, s2;
	s6 =	simm.s32 $0x108;
	_ =	swait.ge @!p0 [sflag:s8], $0x0  }
0x24: {  	s3 =	sadd.s32 $0x88, s3;
	s6 =	simm.s32 @!p1 $0x1082;
	[sflag:s4] =	ssyncset.s32 $0xFFFFF086  }
0x25: {  	[simem:s6], [sflag:s4] =	dma.local [hbm:s3], $0xF7A  }
0x26: {  	[smem:$0x3F96] =	sst s1;
	(tag) =	ssettag s2;
	_ =	strace s9  }
0x27: {  	s1 =	sld [smem:$0x3FA6]  }
0x28: {  	s2 =	sld [smem:$0x3FA7]  }
0x29: {  	s4 =	sld [smem:$0x3FA9]  }
0x2a: {  	p0 =	seq.s32 s5, $0x0;
	s5 =	sld [smem:$0x3FAA]  }
0x2b: {  	s6 =	sld [smem:$0x3FAB]  }
0x2c: {  	s7 =	sld [smem:$0x3FAC]  }
0x2d: {  	s3 =	simm.s32 $0x108;
	s8 =	sld [smem:$0x3FAD]  }
0x2e: {  	s3 =	simm.s32 @!p0 $0x1082;
	s9 =	sld [smem:$0x3FAE]  }
0x2f: {  	lr =	sadd.s32 s0, s3;
	s0 =	sld [smem:$0x3FA5]  }
0x30: {  	s3 =	sld [smem:$0x3FA8]  }
0x31: {  	[smem:$0x3FB1] =	sst s10  }
0x32: {  	s10 =	sld [smem:$0x3FAF];
	_ =	sdelay $0x3  }
0x33: {  	p0 =	seq.s32 s10, $0x1;
	s10 =	sld [smem:$0x3FB1];
	_ =	sdelay $0x3  }
0x34: {  	[smem:$0x3FB1] =	sst s10  }
0x35: {  	s10 =	sld [smem:$0x3FB0];
	_ =	sdelay $0x3  }
0x36: {  	p1 =	seq.s32 s10, $0x1;
	s10 =	sld [smem:$0x3FB1];
	_ =	sdelay $0x3  }
0x37: {  	[smem:$0x3FB1] =	sst s10  }
0x38: {  	s10 =	sld [smem:$0x3FB2]  }
0x39: {  	_ = 	snop;
	(pc) =	sbr.ind lr, $3  }
0x3a: {  	_ = 	snop  }
0x3b: {  	_ = 	snop  }
0x3c: {  	p2 =	seq.s32 s10, $0x1;
	s10 =	sld [smem:$0x3FB1]  }
0x3d: {  	_ =	shalt  }
0x3e: {  	_ =	shalt  }
0x3f: {  	_ =	shalt  }
0x40: {  	_ =	shalt  }
0x41: {  	_ =	shalt  }
0x42: {  	_ =	shalt  }
0x43: {  	_ =	shalt  }
0x44: {  	_ =	shalt  }
0x45: {  	_ =	shalt  }
0x46: {  	_ =	shalt  }
0x47: {  	_ =	shalt  }
0x48: {  	_ =	shalt  }
0x49: {  	_ =	shalt  }
0x4a: {  	_ =	shalt  }
0x4b: {  	_ =	shalt  }
0x4c: {  	_ =	shalt  }
0x4d: {  	_ =	shalt  }
0x4e: {  	_ =	shalt  }
0x4f: {  	_ =	shalt  }
0x50: {  	_ =	shalt  }
0x51: {  	_ =	shalt  }
0x52: {  	_ =	shalt  }
0x53: {  	_ =	shalt  }
0x54: {  	_ =	shalt  }
0x55: {  	_ =	shalt  }
0x56: {  	_ =	shalt  }
0x57: {  	_ =	shalt  }
0x58: {  	_ =	shalt  }
0x59: {  	_ =	shalt  }
0x5a: {  	_ =	shalt  }
0x5b: {  	_ =	shalt  }
0x5c: {  	_ =	shalt  }
0x5d: {  	_ =	shalt  }
0x5e: {  	_ =	shalt  }
0x5f: {  	_ =	shalt  }
0x60: {  	_ =	shalt  }
0x61: {  	_ =	shalt  }
0x62: {  	_ =	shalt  }
0x63: {  	_ =	shalt  }
0x64: {  	_ =	shalt  }
0x65: {  	_ =	shalt  }
0x66: {  	_ =	shalt  }
0x67: {  	_ =	shalt  }
0x68: {  	_ =	shalt  }
0x69: {  	_ =	shalt  }
0x6a: {  	_ =	shalt  }
0x6b: {  	_ =	shalt  }
0x6c: {  	_ =	shalt  }
0x6d: {  	_ =	shalt  }
0x6e: {  	_ =	shalt  }
0x6f: {  	_ =	shalt  }
0x70: {  	_ =	shalt  }
0x71: {  	_ =	shalt  }
0x72: {  	_ =	shalt  }
0x73: {  	_ =	shalt  }
0x74: {  	_ =	shalt  }
0x75: {  	_ =	shalt  }
0x76: {  	_ =	shalt  }
0x77: {  	_ =	shalt  }
0x78: {  	_ =	shalt  }
0x79: {  	_ =	shalt  }
0x7a: {  	_ =	shalt  }
0x7b: {  	_ =	shalt  }
0x7c: {  	_ =	shalt  }
0x7d: {  	_ =	shalt  }
0x7e: {  	_ =	shalt  }
0x7f: {  	_ =	shalt  }
0x80: {  	_ =	shalt  }
0x81: {  	_ =	shalt  }
0x82: {  	_ =	shalt  }
0x83: {  	_ =	shalt  }
0x84: {  	_ =	shalt  }
0x85: {  	_ =	shalt  }
0x86: {  	_ =	shalt  }
0x87: {  	_ =	shalt  }
.Lfunc_end0:
.L_simem_size_0:
called_computation_lowered:
.L_overlay_start_0:
0x88: {  	s2 =	sld [smem:$0x3FD9]  }
0x89: {  	s3 =	sld [smem:$0x3FFE];
	_ =	sdelay $0x1  }
0x8a: {  	s1 =	srdreg.scid  }
0x8b: {  	s0 =	sand.u32 $0x1, s1  }
0x8c: {  	s16 =	sshll.u32 s0, $0xA;
	s2 =	sadd.s32 s3, s2  }
0x8d: {  	s2 =	sadd.s32 s2, s16  }
0x8e: {  	[smem:$0x3FBD] =	sst s2  }
0x8f: {  	_ = 	snop  }
0x90: {  	(tm) =	ssettm $0x1  }
0x91: {  	s17 =	sld [smem:$0x3FFB];
	_ =	sdelay $0x3  }
0x92: {  	_ =	strace s17  }
0x93: {  	s2 =	sld [smem:$0x3FFC];
	_ =	sdelay $0x3  }
0x94: {  	_ =	strace s2  }
0x95: {  	s2 =	sld [smem:$0x3FFD];
	_ =	sdelay $0x3  }
0x96: {  	_ =	strace s2  }
0x97: {  	_ =	strace $0x8FFFFFFF  }
0x98: {  	s18 =	sld [smem:$0x3FDB];
	_ =	sdelay $0x1  }
0x99: {  	s19 =	simm.s32 $_scs_section_size  }
0x9a: {  	s4 =	simm.s32 $_size__tile_overlayer_lowered;
	s5 =	simm.s32 $_tile_overlayer_lowered  }
0x9b: {  	s22 =	simm.s32 $0x1BFF;
	s21 =	sshll.u32 s5, $0x1;
	s2 =	sadd.s32 s19, s18  }
0x9c: {  	s6 =	simm.s32 $0x0;
	s20 =	sshll.u32 s4, $0x1;
	s4 =	sadd.s32 s21, s2  }
0x9d: {  	[timem:s6], [sflag:s22] =	dma.local [hbm:s4], s20  }
0x9e: {  	_ =	swait.ge [sflag:s22], s20  }
0x9f: {  	s3 =	ssub.s32 $0x0, s20;
	[sflag:s22] =	ssyncset.done $0x0  }
0xa0: {  	[sflag:s22] =	ssyncadd.s32 s3;
	_ =	sdelay $0x1  }
0xa1: {  	s23 =	simm.s32 $0x1B8B  }
0xa2: {  	_ =	swait.ge [sflag:s23], $0x1  }
0xa3: {  	[sflag:s23] =	ssyncset.done $0x0  }
0xa4: {  	s25 =	simm.s32 $0x1B8E;
	s24 =	sld [smem:$0x3FFE];
	[sflag:s23] =	ssyncadd.s32 $0xFFFFFFFF  }
0xa5: {  	s26 =	simm.s32 $execute0_lowered;
	[smem:$0x3FD2] =	sst s25  }
0xa6: {  	s4 =	sshll.u32 s26, $0x1;
	_ =	strace $0x80000046;
	[dreg:$0x1] =	wrdreg $0xFFFFFFFF  }
0xa7: {  	s28 =	simm.s32 $_size_execute0_lowered;
	s2 =	sadd.s32 s2, s4;
	[dreg:$0x0] =	wrdreg $0x0  }
0xa8: {  	s4 =	sshll.u32 s28, $0x1;
	[dreg:$0x2] =	wrdreg s2  }
0xa9: {  	[dreg:$0x3] =	wrdreg s4  }
0xaa: {  	[dreg:$0x4] =	wrdreg $0xC0  }
0xab: {  	_ =	task [dreg:s6], $0x5FFFF  }
0xac: {  	[dreg:$0x1] =	wrdreg $0xFFFFFFFF  }
0xad: {  	[dreg:$0x0] =	wrdreg $0x60  }
0xae: {  	[dreg:$0x2] =	wrdreg s24  }
0xaf: {  	[dreg:$0x3] =	wrdreg $0x27B00  }
0xb0: {  	[dreg:$0x4] =	wrdreg $0x9  }
0xb1: {  	_ =	task.clear_ibuf [dreg:s6], $0x5FFFF;
	_ =	strace $0x90000046  }
0xb2: {  	s29 =	simm.s32 $0x9;
	_ =	strace $0x80000048  }
0xb3: {  	_ =	swait.ge [sflag:s29], $0x1  }
0xb4: {  	[sflag:s29] =	ssyncadd.s32 $0xFFFFFFFF  }
0xb5: {  	_ =	strace $0x90000048  }
0xb6: {  	_ =	sfence  }
0xb7: {  	s30 =	sld [smem:$0x0];
	_ =	sdelay $0x2  }
0xb8: {  	s31 =	sshll.u32 s1, $0xD;
	s1 =	sshrl.u32 s1, $0x2  }
0xb9: {  	s3 =	sand.u32 $0x4000, s31;
	s1 =	sadd.s32 s1, s30  }
0xba: {  	s0 =	sor.u32 s3, s0;
	s1 =	sshll.u32 s1, $0x11  }
0xbb: {  	s0 =	sor.u32 s1, s0  }
0xbc: {  	s0 =	sadd.s32 $0x8F2B, s0  }
0xbd: {  	[sflag:s0] =	ssyncadd.remote.s32 $0x1  }
0xbe: {  	_ =	sfence.sel $0xFFFF  }
0xbf: {  	[dreg:$0x0] =	wrdreg $0xFFFFFFFF;
	(pc) =	sbr.abs _section_cstart, $3  }
0xc0: {  	[dreg:$0x1] =	wrdreg $0xFFFFFFFF  }
0xc1: {  	_ =	task.clear_ibuf [dreg:s6], $0x2FFFF;
	_ =	strace $0x9FFFFFFF  }
0xc2: {  	(tm) =	ssettm $0x7FFFFFFF  }
0xc3: {  	_ =	shalt  }
tec
execute0_lowered:
.L_overlay_start_1:
0x0: {  	(tag) =	ssettag $0x1  }
0x1: {  	s0 =	srdreg.scid;
	s4 =	rddreg [dreg:$0x0]  }
0x2: {  	s1 =	rddreg [dreg:$0x1];
	s7 =	stileid.u32;
	s2 =	simm.s32 $0x0  }
0x3: {  	s10 =	simm.s32 $0x2710;
	s11 =	simm.s32 $0x2760;
	s3 =	sand.u32 $0x1, s0  }
0x4: {  	s12 =	simm.s32 $0x0;
	s0 =	rddreg [dreg:$0x2];
	s5 =	sshll.u32 s3, $0x4  }
0x5: {  	[smem:$0x7FF] =	sst s2;
	s6 =	smul.u32 $0x1400, s3;
	s5 =	sor.u32 s7, s5  }
0x6: {  	p0 =	sne.s32 s7, $0x0;
	s8 =	ssub.s32 $0x2, s3;
	s5 =	smul.u32 $0x4E2, s5  }
0x7: {  	_ =	strace $0x80000047;
	s3 =	sadd.s32 $0x23E00, s4;
	s9 =	sshrl.u32 s8, $0x1  }
0x8: {  	s7 =	simm.s32 $0x1;
	s6 =	sadd.s32 s6, s4;
	s5 =	sadd.s32 s5, s4  }
0x9: {  	s8 =	ssub.s32 s8, s9;
	s9 =	simm.s32 $0x50;
	s4 =	sadd.s32 $0x10200, s5  }
0xa: {  	v0 =	vimm.f32 $1.000000000e+00;
	s5 =	sadd.s32 $0x25200, s6;
	s6 =	smax.u32 s8, $0x1;
	s8 =	sshrl.u32 @!p0 s1, $0x3  }
.LBB2_1:
0xb: {  	[tilespmem:s2], [sflag:$0x1] =	stream.linear.gather [hbm4b:s4+s2], $0x2710, $0x38;
	[tilespmem:$0x31B0] =	vst v63  }
0xc: {  	_ =	swait.ge [sflag:s7], $0x2710  }
0xd: {  	[sflag:s7] =	ssyncset.done $0x0  }
0xe: {  	[sflag:s7] =	ssyncadd.s32 $0xFFFFD8F0  }
0xf: {  	[tilespmem:$0x2760] =	vst v0  }
0x10: {  	[tilespmem:$0x2770] =	vst v0  }
0x11: {  	[tilespmem:$0x2780] =	vst v0  }
0x12: {  	[tilespmem:$0x2790] =	vst v0  }
0x13: {  	s13 =	simm.s32 @!p0 $0x1C01;
	[tilespmem:$0x27A0] =	vst v0  }
0x14: {  	[spmem:s8], [sflag:s13] =	dma.local @!p0 [hbm:s3], $0x1400  }
0x15: {  	s13 =	simm.s32 @!p0 $0x1  }
0x16: {  	_ =	swait.ge @!p0 [sflag:s13], $0x1400  }
0x17: {  	[sflag:s13] =	ssyncset.done @!p0 $0x0  }
0x18: {  	[sflag:s13] =	ssyncadd.s32 @!p0 $0xFFFFEC00  }
0x19: {  	s31 =	simm.s32 $0x0;
	[bflag:$0x0] =	sbarrier.arrive $0xFFFF  }
0x1a: {  	v1 =	vld [tilespmem:s31+$0x0];
	_ =	sdelay $0x4  }
0x1b: {  	[tilespmem:$0x2710] =	vst v1  }
0x1c: {  	v1 =	vld [tilespmem:s31+$0x10];
	_ =	sdelay $0x4  }
0x1d: {  	[tilespmem:$0x2720] =	vst v1  }
0x1e: {  	v1 =	vld [tilespmem:s31+$0x20];
	_ =	sdelay $0x4  }
0x1f: {  	[tilespmem:$0x2730] =	vst v1  }
0x20: {  	v1 =	vld [tilespmem:s31+$0x30];
	_ =	sdelay $0x4  }
0x21: {  	[tilespmem:$0x2740] =	vst v1  }
0x22: {  	v1 =	vld [tilespmem:s31+$0x40];
	_ =	sdelay $0x4  }
0x23: {  	[tilespmem:$0x2750] =	vst v1  }
0x24: {  	[spmem:s1] =	stream.indirect.scatter.add.f32 [tilespmem:s11], [sflag:$0x1], $0x1, s10, s9, $0xb8;
	[tilespmem:$0x31B0] =	vst v63  }
0x25: {  	_ =	swait.ge [sflag:s7], $0x50  }
0x26: {  	s14 =	simm.s32 $0x280;
	s13 =	simm.s32 $0x140;
	[sflag:s7] =	ssyncset.done $0x0  }
.LBB2_2:
0x27: {  	s15 =	sshra.s32 s13, $0x2  }
0x28: {  	[sflag:s7] =	ssyncadd.s32 $0xFFFFFFB0;
	s13 =	smov.u32 s14;
	s16 =	sadd.s32 $0x140, s14  }
0x29: {  	p1 =	sne.s32 s14, $0x9B00;
	v1 =	vld [tilespmem:s15+$0x0];
	_ =	sdelay $0x4  }
0x2a: {  	[tilespmem:$0x2710] =	vst v1  }
0x2b: {  	v1 =	vld [tilespmem:s15+$0x10];
	_ =	sdelay $0x4  }
0x2c: {  	[tilespmem:$0x2720] =	vst v1  }
0x2d: {  	v1 =	vld [tilespmem:s15+$0x20];
	_ =	sdelay $0x4  }
0x2e: {  	[tilespmem:$0x2730] =	vst v1  }
0x2f: {  	v1 =	vld [tilespmem:s15+$0x30];
	_ =	sdelay $0x4  }
0x30: {  	[tilespmem:$0x2740] =	vst v1  }
0x31: {  	v1 =	vld [tilespmem:s15+$0x40];
	_ =	sdelay $0x3  }
.Ltmp0:
0x32: {  	(pc) =	sbr.rel @p1 .LBB2_2-.Ltmp0, $4  }
0x33: {  	[tilespmem:$0x2750] =	vst v1  }
0x34: {  	[spmem:s1] =	stream.indirect.scatter.add.f32 [tilespmem:s11], [sflag:$0x1], $0x1, s10, s9, $0xb8;
	[tilespmem:$0x31B0] =	vst v63  }
0x35: {  	_ =	swait.ge [sflag:s7], $0x50  }
0x36: {  	s14 =	smov.u32 s16;
	[sflag:s7] =	ssyncset.done $0x0  }
0x37: {  	s13 =	sshra.s32 s13, $0x2;
	[sflag:s7] =	ssyncadd.s32 $0xFFFFFFB0  }
0x38: {  	v1 =	vld [tilespmem:s13+$0x0];
	_ =	sdelay $0x4  }
0x39: {  	[tilespmem:$0x2710] =	vst v1  }
0x3a: {  	v1 =	vld [tilespmem:s13+$0x10];
	_ =	sdelay $0x4  }
0x3b: {  	[tilespmem:$0x2720] =	vst v1  }
0x3c: {  	v1 =	vld [tilespmem:s13+$0x20];
	_ =	sdelay $0x4  }
0x3d: {  	[tilespmem:$0x2730] =	vst v1  }
0x3e: {  	v1 =	vld [tilespmem:s13+$0x30];
	_ =	sdelay $0x4  }
0x3f: {  	[tilespmem:$0x2740] =	vst v1  }
0x40: {  	v1 =	vld [tilespmem:s13+$0x40];
	_ =	sdelay $0x4  }
0x41: {  	[tilespmem:$0x2750] =	vst v1  }
0x42: {  	[spmem:s1] =	stream.indirect.scatter.add.f32 [tilespmem:s11], [sflag:$0x1], $0x1, s10, s9, $0xb8;
	[tilespmem:$0x31B0] =	vst v63  }
0x43: {  	_ =	swait.ge [sflag:s7], $0x50  }
0x44: {  	[sflag:s7] =	ssyncset.done $0x0  }
0x45: {  	s12 =	sadd.s32 $0x1, s12;
	[sflag:s7] =	ssyncadd.s32 $0xFFFFFFB0  }
0x46: {  	p1 =	sne.s32 s12, s6;
	s13 =	simm.s32 @!p0 $0x1C01;
	[bflag:$0x0] =	sbarrier.arrive $0xFFFF  }
0x47: {  	[hbm:s5], [sflag:s13] =	dma.local @!p0 [spmem:s8], $0x1400  }
.Ltmp1:
0x48: {  	_ = 	snop;
	(pc) =	sbr.rel @p1 .LBB2_1-.Ltmp1, $4  }
0x49: {  	s13 =	simm.s32 @!p0 $0x1  }
0x4a: {  	_ =	swait.ge @!p0 [sflag:s13], $0x1400  }
0x4b: {  	[sflag:s13] =	ssyncset.done @!p0 $0x0  }
0x4c: {  	[sflag:s13] =	ssyncadd.s32 @!p0 $0xFFFFEC00  }
0x4d: {  	_ =	sfence.sel $0x180000  }
0x4e: {  	[bflag:$0x0] =	sbarrier.arrive $0xFFFF  }
0x4f: {  	_ =	strace $0x90000047  }
0x50: {  	s0 =	sadd.s32 @!p0 $0x100000, s0;
	[bflag:$0x2] =	sbarrier.arrive $0xFFFF  }
0x51: {  	[sflag:s0] =	ssyncadd.tile.s32 @!p0 $0x1;
	_ =	shalt  }
.Lfunc_end2:
_tile_overlayer_lowered:
.L_overlay_start_2:
0x52: {  	(tag) =	ssettag $0x2  }
0x53: {  	s0 =	rddreg [dreg:$0x0];
	s2 =	stileid.u32  }
0x54: {  	s1 =	rddreg [dreg:$0x1];
	p0 =	sne.s32 s2, $0x0  }
0x55: {  	s3 =	rddreg [dreg:$0x2];
	[bflag:$0x3] =	sbarrier.arrive $0xFFFF;
	s2 =	simm.s32 @!p0 $0x1C01  }
0x56: {  	[timem:s3], [sflag:s2] =	dma.local @!p0 [hbm:s0], s1  }
0x57: {  	s0 =	simm.s32 @!p0 $0x1  }
0x58: {  	_ =	swait.ge @!p0 [sflag:s0], s1  }
0x59: {  	s1 =	ssub.s32 @!p0 $0x0, s1;
	[sflag:s0] =	ssyncset.done @!p0 $0x0  }
0x5a: {  	[sflag:s0] =	ssyncadd.s32 @!p0 s1  }
0x5b: {  	[bflag:$0x3] =	sbarrier.arrive $0xFFFF  }
0x5c: {  	_ =	shalt  }

// kernel: kernel.13.cloned.1.call-start
scs
__scs_entry_jumppad:
0x0: {  	(pc) =	sbr.rel $0x88, $3  }
0x1: {  	(tag) =	ssettag $0x0;
	lr =	simm.s32 $0x1  }
0x2: {  	[smem:$0x3F96] =	sst lr;
	_ =	strace $0xD0000000  }
0x3: {  	_ = 	snop  }
0x4: {  	_ = 	snop  }
0x5: {  	_ = 	snop  }
0x6: {  	_ = 	snop  }
0x7: {  	_ = 	snop  }
__scs_overlays_trampoline_lowered:
0x8: {  	[smem:$0x3FA5] =	sst s0  }
0x9: {  	[smem:$0x3FA6] =	sst s1  }
0xa: {  	[smem:$0x3FA7] =	sst s2  }
0xb: {  	[smem:$0x3FA8] =	sst s3  }
0xc: {  	[smem:$0x3FA9] =	sst s4  }
0xd: {  	[smem:$0x3FAA] =	sst s5  }
0xe: {  	[smem:$0x3FAB] =	sst s6  }
0xf: {  	[smem:$0x3FAC] =	sst s7  }
0x10: {  	[smem:$0x3FAD] =	sst s8  }
0x11: {  	[smem:$0x3FAE] =	sst s9;
	s0 =	simm.s32 @!p0 $0x0  }
0x12: {  	s1 =	sld [smem:$0x3F94];
	s0 =	simm.s32 @p0 $0x1  }
0x13: {  	[smem:$0x3FAF] =	sst s0;
	s0 =	simm.s32 @!p1 $0x0  }
0x14: {  	s2 =	sld [smem:$0x3F93];
	s0 =	simm.s32 @p1 $0x1  }
0x15: {  	[smem:$0x3FB0] =	sst s0;
	s0 =	simm.s32 @!p2 $0x0  }
0x16: {  	s3 =	sld [smem:$0x3FDB];
	s0 =	simm.s32 @p2 $0x1  }
0x17: {  	s4 =	simm.s32 $0x1BF5;
	[smem:$0x3FB2] =	sst s0  }
0x18: {  	s0 =	sld [smem:$0x3F95];
	_ =	swait.ge [sflag:s4], $0x0  }
0x19: {  	s7 =	sld [smem:$0x3F96]  }
0x1a: {  	s8 =	sadd.s32 $0xFFFFE003, lr  }
0x1b: {  	s9 =	sadd.s32 $0xFFFFFEF7, lr;
	s5 =	simm.s32 $0xFFFFFFFF;
	p2 =	slt.u32 s8, $0xFFFFF086  }
0x1c: {  	p1 =	slt.u32 s9, $0xF7A;
	s5 =	simm.s32 @!p2 $0x0  }
0x1d: {  	s5 =	simm.s32 @p1 $0x1;
	p0 =	seq.s32 s7, s2  }
0x1e: {  	s7 =	smul.u32 @!p0 $0xF7A, s2;
	p2 =	seq.s32 @!p0 s5, $0x0  }
0x1f: {  	s9 =	smul.u32 $0xF7A, s1;
	s8 =	simm.s32 @!p0 $0x1BF5;
	p2 =	por !p2, p0  }
0x20: {  	[sflag:s8] =	ssyncset.s32 @!p0 $0xFFFFF086;
	s6 =	sadd.s32 @!p0 s3, s7;
	s7 =	simm.s32 @!p0 $0x108  }
0x21: {  	s3 =	sadd.s32 s3, s9;
	s6 =	sadd.s32 @!p0 $0x88, s6;
	s7 =	simm.s32 @p2 $0x1082  }
0x22: {  	[simem:s7], [sflag:s8] =	dma.local @!p0 [hbm:s6], $0xF7A  }
0x23: {  	s9 =	sor.u32 $0xD0000000, s2;
	s6 =	simm.s32 $0x108;
	_ =	swait.ge @!p0 [sflag:s8], $0x0  }
0x24: {  	s3 =	sadd.s32 $0x88, s3;
	s6 =	simm.s32 @!p1 $0x1082;
	[sflag:s4] =	ssyncset.s32 $0xFFFFF086  }
0x25: {  	[simem:s6], [sflag:s4] =	dma.local [hbm:s3], $0xF7A  }
0x26: {  	[smem:$0x3F96] =	sst s1;
	(tag) =	ssettag s2;
	_ =	strace s9  }
0x27: {  	s1 =	sld [smem:$0x3FA6]  }
0x28: {  	s2 =	sld [smem:$0x3FA7]  }
0x29: {  	s4 =	sld [smem:$0x3FA9]  }
0x2a: {  	p0 =	seq.s32 s5, $0x0;
	s5 =	sld [smem:$0x3FAA]  }
0x2b: {  	s6 =	sld [smem:$0x3FAB]  }
0x2c: {  	s7 =	sld [smem:$0x3FAC]  }
0x2d: {  	s3 =	simm.s32 $0x108;
	s8 =	sld [smem:$0x3FAD]  }
0x2e: {  	s3 =	simm.s32 @!p0 $0x1082;
	s9 =	sld [smem:$0x3FAE]  }
0x2f: {  	lr =	sadd.s32 s0, s3;
	s0 =	sld [smem:$0x3FA5]  }
0x30: {  	s3 =	sld [smem:$0x3FA8]  }
0x31: {  	[smem:$0x3FB1] =	sst s10  }
0x32: {  	s10 =	sld [smem:$0x3FAF];
	_ =	sdelay $0x3  }
0x33: {  	p0 =	seq.s32 s10, $0x1;
	s10 =	sld [smem:$0x3FB1];
	_ =	sdelay $0x3  }
0x34: {  	[smem:$0x3FB1] =	sst s10  }
0x35: {  	s10 =	sld [smem:$0x3FB0];
	_ =	sdelay $0x3  }
0x36: {  	p1 =	seq.s32 s10, $0x1;
	s10 =	sld [smem:$0x3FB1];
	_ =	sdelay $0x3  }
0x37: {  	[smem:$0x3FB1] =	sst s10  }
0x38: {  	s10 =	sld [smem:$0x3FB2]  }
0x39: {  	_ = 	snop;
	(pc) =	sbr.ind lr, $3  }
0x3a: {  	_ = 	snop  }
0x3b: {  	_ = 	snop  }
0x3c: {  	p2 =	seq.s32 s10, $0x1;
	s10 =	sld [smem:$0x3FB1]  }
0x3d: {  	_ =	shalt  }
0x3e: {  	_ =	shalt  }
0x3f: {  	_ =	shalt  }
0x40: {  	_ =	shalt  }
0x41: {  	_ =	shalt  }
0x42: {  	_ =	shalt  }
0x43: {  	_ =	shalt  }
0x44: {  	_ =	shalt  }
0x45: {  	_ =	shalt  }
0x46: {  	_ =	shalt  }
0x47: {  	_ =	shalt  }
0x48: {  	_ =	shalt  }
0x49: {  	_ =	shalt  }
0x4a: {  	_ =	shalt  }
0x4b: {  	_ =	shalt  }
0x4c: {  	_ =	shalt  }
0x4d: {  	_ =	shalt  }
0x4e: {  	_ =	shalt  }
0x4f: {  	_ =	shalt  }
0x50: {  	_ =	shalt  }
0x51: {  	_ =	shalt  }
0x52: {  	_ =	shalt  }
0x53: {  	_ =	shalt  }
0x54: {  	_ =	shalt  }
0x55: {  	_ =	shalt  }
0x56: {  	_ =	shalt  }
0x57: {  	_ =	shalt  }
0x58: {  	_ =	shalt  }
0x59: {  	_ =	shalt  }
0x5a: {  	_ =	shalt  }
0x5b: {  	_ =	shalt  }
0x5c: {  	_ =	shalt  }
0x5d: {  	_ =	shalt  }
0x5e: {  	_ =	shalt  }
0x5f: {  	_ =	shalt  }
0x60: {  	_ =	shalt  }
0x61: {  	_ =	shalt  }
0x62: {  	_ =	shalt  }
0x63: {  	_ =	shalt  }
0x64: {  	_ =	shalt  }
0x65: {  	_ =	shalt  }
0x66: {  	_ =	shalt  }
0x67: {  	_ =	shalt  }
0x68: {  	_ =	shalt  }
0x69: {  	_ =	shalt  }
0x6a: {  	_ =	shalt  }
0x6b: {  	_ =	shalt  }
0x6c: {  	_ =	shalt  }
0x6d: {  	_ =	shalt  }
0x6e: {  	_ =	shalt  }
0x6f: {  	_ =	shalt  }
0x70: {  	_ =	shalt  }
0x71: {  	_ =	shalt  }
0x72: {  	_ =	shalt  }
0x73: {  	_ =	shalt  }
0x74: {  	_ =	shalt  }
0x75: {  	_ =	shalt  }
0x76: {  	_ =	shalt  }
0x77: {  	_ =	shalt  }
0x78: {  	_ =	shalt  }
0x79: {  	_ =	shalt  }
0x7a: {  	_ =	shalt  }
0x7b: {  	_ =	shalt  }
0x7c: {  	_ =	shalt  }
0x7d: {  	_ =	shalt  }
0x7e: {  	_ =	shalt  }
0x7f: {  	_ =	shalt  }
0x80: {  	_ =	shalt  }
0x81: {  	_ =	shalt  }
0x82: {  	_ =	shalt  }
0x83: {  	_ =	shalt  }
0x84: {  	_ =	shalt  }
0x85: {  	_ =	shalt  }
0x86: {  	_ =	shalt  }
0x87: {  	_ =	shalt  }
.Lfunc_end0:
.L_simem_size_0:
called_computation.1_lowered:
.L_overlay_start_0:
0x88: {  	s2 =	sld [smem:$0x3FD9]  }
0x89: {  	s3 =	sld [smem:$0x3FFE];
	_ =	sdelay $0x1  }
0x8a: {  	s1 =	srdreg.scid  }
0x8b: {  	s0 =	sand.u32 $0x1, s1  }
0x8c: {  	s16 =	sshll.u32 s0, $0xA;
	s2 =	sadd.s32 s3, s2  }
0x8d: {  	s2 =	sadd.s32 s2, s16  }
0x8e: {  	[smem:$0x3FBD] =	sst s2  }
0x8f: {  	_ = 	snop  }
0x90: {  	(tm) =	ssettm $0x1  }
0x91: {  	s17 =	sld [smem:$0x3FFB];
	_ =	sdelay $0x3  }
0x92: {  	_ =	strace s17  }
0x93: {  	s2 =	sld [smem:$0x3FFC];
	_ =	sdelay $0x3  }
0x94: {  	_ =	strace s2  }
0x95: {  	s2 =	sld [smem:$0x3FFD];
	_ =	sdelay $0x3  }
0x96: {  	_ =	strace s2  }
0x97: {  	_ =	strace $0x8FFFFFFF  }
0x98: {  	s18 =	sld [smem:$0x3FDB];
	_ =	sdelay $0x1  }
0x99: {  	s19 =	simm.s32 $_scs_section_size  }
0x9a: {  	s4 =	simm.s32 $_size__tile_overlayer_lowered;
	s5 =	simm.s32 $_tile_overlayer_lowered  }
0x9b: {  	s22 =	simm.s32 $0x1BFF;
	s21 =	sshll.u32 s5, $0x1;
	s2 =	sadd.s32 s19, s18  }
0x9c: {  	s6 =	simm.s32 $0x0;
	s20 =	sshll.u32 s4, $0x1;
	s4 =	sadd.s32 s21, s2  }
0x9d: {  	[timem:s6], [sflag:s22] =	dma.local [hbm:s4], s20  }
0x9e: {  	_ =	swait.ge [sflag:s22], s20  }
0x9f: {  	s3 =	ssub.s32 $0x0, s20;
	[sflag:s22] =	ssyncset.done $0x0  }
0xa0: {  	[sflag:s22] =	ssyncadd.s32 s3;
	_ =	sdelay $0x1  }
0xa1: {  	s23 =	simm.s32 $0x1B8B  }
0xa2: {  	_ =	swait.ge [sflag:s23], $0x1  }
0xa3: {  	[sflag:s23] =	ssyncset.done $0x0  }
0xa4: {  	s25 =	simm.s32 $0x1B8E;
	s24 =	sld [smem:$0x3FFE];
	[sflag:s23] =	ssyncadd.s32 $0xFFFFFFFF  }
0xa5: {  	s26 =	simm.s32 $execute0_lowered;
	[smem:$0x3FD2] =	sst s25  }
0xa6: {  	s4 =	sshll.u32 s26, $0x1;
	_ =	strace $0x80000049;
	[dreg:$0x1] =	wrdreg $0xFFFFFFFF  }
0xa7: {  	s28 =	simm.s32 $_size_execute0_lowered;
	s2 =	sadd.s32 s2, s4;
	[dreg:$0x0] =	wrdreg $0x0  }
0xa8: {  	s4 =	sshll.u32 s28, $0x1;
	[dreg:$0x2] =	wrdreg s2  }
0xa9: {  	[dreg:$0x3] =	wrdreg s4  }
0xaa: {  	[dreg:$0x4] =	wrdreg $0xC0  }
0xab: {  	_ =	task [dreg:s6], $0x5FFFF  }
0xac: {  	[dreg:$0x1] =	wrdreg $0xFFFFFFFF  }
0xad: {  	[dreg:$0x0] =	wrdreg $0x60  }
0xae: {  	[dreg:$0x2] =	wrdreg s24  }
0xaf: {  	[dreg:$0x3] =	wrdreg $0x6B800  }
0xb0: {  	[dreg:$0x4] =	wrdreg $0x9  }
0xb1: {  	_ =	task.clear_ibuf [dreg:s6], $0x5FFFF;
	_ =	strace $0x90000049  }
0xb2: {  	s29 =	simm.s32 $0x9;
	_ =	strace $0x8000004B  }
0xb3: {  	_ =	swait.ge [sflag:s29], $0x1  }
0xb4: {  	[sflag:s29] =	ssyncadd.s32 $0xFFFFFFFF  }
0xb5: {  	_ =	strace $0x9000004B  }
0xb6: {  	_ =	sfence  }
0xb7: {  	s30 =	sld [smem:$0x0];
	_ =	sdelay $0x2  }
0xb8: {  	s31 =	sshll.u32 s1, $0xD;
	s1 =	sshrl.u32 s1, $0x2  }
0xb9: {  	s3 =	sand.u32 $0x4000, s31;
	s1 =	sadd.s32 s1, s30  }
0xba: {  	s0 =	sor.u32 s3, s0;
	s1 =	sshll.u32 s1, $0x11  }
0xbb: {  	s0 =	sor.u32 s1, s0  }
0xbc: {  	s0 =	sadd.s32 $0x8F2B, s0  }
0xbd: {  	[sflag:s0] =	ssyncadd.remote.s32 $0x1  }
0xbe: {  	_ =	sfence.sel $0xFFFF  }
0xbf: {  	[dreg:$0x0] =	wrdreg $0xFFFFFFFF;
	(pc) =	sbr.abs _section_cstart, $3  }
0xc0: {  	[dreg:$0x1] =	wrdreg $0xFFFFFFFF  }
0xc1: {  	_ =	task.clear_ibuf [dreg:s6], $0x2FFFF;
	_ =	strace $0x9FFFFFFF  }
0xc2: {  	(tm) =	ssettm $0x7FFFFFFF  }
0xc3: {  	_ =	shalt  }
tec
execute0_lowered:
.L_overlay_start_1:
0x0: {  	(tag) =	ssettag $0x1  }
0x1: {  	s0 =	rddreg [dreg:$0x0]  }
0x2: {  	s1 =	rddreg [dreg:$0x1]  }
0x3: {  	s2 =	simm.s32 $0x0;
	s15 =	stileid.u32;
	s9 =	srdreg.scid  }
0x4: {  	s30 =	simm.s32 $0x50;
	s31 =	simm.s32 $0x2D0;
	s29 =	simm.s32 $0x11  }
0x5: {  	[smem:$0x7FF] =	sst s2;
	s4 =	sadd.s32 $0x298C00, s0;
	s3 =	smul.u32 $0x280, s15  }
0x6: {  	s7 =	sadd.s32 $0x1A000, s0;
	s10 =	sand.u32 $0x1, s9;
	_ =	strace $0x8000004A  }
0x7: {  	s11 =	smul.u32 $0x9C400, s10;
	s13 =	sshll.u32 s10, $0x4;
	s14 =	ssub.s32 $0x2, s10  }
0x8: {  	s3 =	smin.u32 s3, $0x2490;
	s25 =	sor.u32 s15, s13;
	s26 =	sshrl.u32 s14, $0x1  }
0x9: {  	s12 =	sshll.u32 s3, $0x3;
	s3 =	sshll.u32 s3, $0x6;
	s10 =	smul.u32 $0x2710, s25  }
0xa: {  	s28 =	ssub.s32 s14, s26;
	s11 =	sadd.s32 s11, s3;
	s3 =	sadd.s32 s3, s1  }
0xb: {  	s12 =	sadd.s32 s12, s0;
	s28 =	smax.u32 s28, $0x1;
	[dreg:$0x3] =	wrdreg s3  }
0xc: {  	s16 =	sshrl.u32 s10, $0x3;
	s12 =	sadd.s32 $0x1C2600, s12;
	[dreg:$0xf] =	wrdreg s28  }
0xd: {  	s8 =	sadd.s32 $0x10200, s0;
	[dreg:$0x4] =	wrdreg s12;
	s17 =	sadd.s32 s7, s16  }
0xe: {  	s9 =	sadd.s32 $0x6400, s0;
	s18 =	sadd.s32 s8, s16;
	[dreg:$0x5] =	wrdreg s17  }
0xf: {  	s19 =	sadd.s32 s9, s16;
	s20 =	sadd.s32 $0xA, s16;
	[dreg:$0x6] =	wrdreg s18  }
0x10: {  	s5 =	sadd.s32 $0x24AA00, s0;
	[dreg:$0x7] =	wrdreg s19;
	s21 =	sadd.s32 s7, s20  }
0x11: {  	s6 =	sadd.s32 $0x1AE600, s0;
	s22 =	sadd.s32 s8, s20;
	[dreg:$0x8] =	wrdreg s21  }
0x12: {  	s23 =	sadd.s32 $0x14, s16;
	s3 =	sadd.s32 s9, s20;
	[dreg:$0x9] =	wrdreg s22  }
0x13: {  	s11 =	sshrl.u32 s11, $0x3;
	s24 =	sadd.s32 s7, s23;
	[dreg:$0xa] =	wrdreg s3  }
0x14: {  	s0 =	sadd.s32 s11, s0;
	s25 =	sadd.s32 s8, s23;
	[dreg:$0xb] =	wrdreg s24  }
0x15: {  	s15 =	sshll.u32 s15, $0x6;
	s26 =	sadd.s32 $0x1D6000, s0;
	[dreg:$0xc] =	wrdreg s25  }
0x16: {  	s13 =	sor.u32 $0x1C15, s15;
	s0 =	sadd.s32 $0x1FD100, s0;
	[dreg:$0xd] =	wrdreg s26  }
0x17: {  	s11 =	simm.s32 $0x14;
	s22 =	sadd.s32 s9, s23;
	[dreg:$0xe] =	wrdreg s0  }
0x18: {  	s26 =	simm.s32 $0x15;
	s0 =	simm.s32 $0x1;
	s23 =	simm.s32 $0x2  }
0x19: {  	s25 =	simm.s32 $0x12;
	s3 =	simm.s32 $0x13;
	s24 =	simm.s32 $0x0  }
.LBB2_1:
0x1a: {  	s12 =	rddreg [dreg:$0x3]  }
0x1b: {  	s14 =	rddreg [dreg:$0x4];
	s12 =	sshrl.u32 s12, $0x3  }
0x1c: {  	[spmem:s12], [sflag:s13] =	dma.local [hbm:s14], $0x1400  }
0x1d: {  	_ =	swait.ge [sflag:s26], $0x1400  }
0x1e: {  	[sflag:s26] =	ssyncset.done $0x0  }
0x1f: {  	[sflag:s26] =	ssyncadd.s32 $0xFFFFEC00  }
0x20: {  	[bflag:$0x0] =	sbarrier.arrive $0xFFFF  }
0x21: {  	s20 =	rddreg [dreg:$0x5]  }
0x22: {  	[tilespmem:s2], [sflag:$0x1] =	stream.linear.gather [hbm4b:s20+s2], $0x50, $0x38;
	[tilespmem:$0x107C0] =	vst v63  }
0x23: {  	s15 =	simm.s32 $0x280;
	s21 =	rddreg [dreg:$0x6]  }
0x24: {  	[tilespmem:s15], [sflag:$0x1] =	stream.linear.gather [hbm4b:s21+s2], $0x50, $0x38;
	[tilespmem:$0x107C0] =	vst v63  }
0x25: {  	s16 =	simm.s32 $0x500;
	s28 =	rddreg [dreg:$0x7]  }
0x26: {  	[tilespmem:s16], [sflag:$0x1] =	stream.linear.gather [hbm4b:s28+s2], $0x50, $0x38;
	[tilespmem:$0x107C0] =	vst v63  }
0x27: {  	s17 =	rddreg [dreg:$0x8]  }
0x28: {  	[tilespmem:s30], [sflag:$0x2] =	stream.linear.gather [hbm4b:s17+s2], $0x50, $0x38;
	[tilespmem:$0x107C0] =	vst v63  }
0x29: {  	s18 =	rddreg [dreg:$0x9]  }
0x2a: {  	[tilespmem:s31], [sflag:$0x2] =	stream.linear.gather [hbm4b:s18+s2], $0x50, $0x38;
	[tilespmem:$0x107C0] =	vst v63  }
0x2b: {  	s19 =	rddreg [dreg:$0xa];
	s20 =	simm.s32 $0x550  }
0x2c: {  	[tilespmem:s20], [sflag:$0x2] =	stream.linear.gather [hbm4b:s19+s2], $0x50, $0x38;
	[tilespmem:$0x107C0] =	vst v63  }
0x2d: {  	s21 =	rddreg [dreg:$0xb];
	s28 =	simm.s32 $0xA0  }
0x2e: {  	[tilespmem:s28], [sflag:$0x3] =	stream.linear.gather [hbm4b:s21+s2], $0x50, $0x38;
	[tilespmem:$0x107C0] =	vst v63  }
0x2f: {  	s16 =	rddreg [dreg:$0xc];
	s17 =	simm.s32 $0x320  }
0x30: {  	[tilespmem:s17], [sflag:$0x3] =	stream.linear.gather [hbm4b:s16+s2], $0x50, $0x38;
	[tilespmem:$0x107C0] =	vst v63  }
0x31: {  	s18 =	simm.s32 $0x5A0  }
0x32: {  	[tilespmem:s18], [sflag:$0x3] =	stream.linear.gather [hbm4b:s22+s2], $0x50, $0x38;
	[tilespmem:$0x107C0] =	vst v63  }
0x33: {  	_ =	swait.ge [sflag:s0], $0x50  }
0x34: {  	[sflag:s0] =	ssyncset.done $0x0  }
0x35: {  	[sflag:s0] =	ssyncadd.s32 $0xFFFFFFB0  }
0x36: {  	_ =	swait.ge [sflag:s0], $0x50  }
0x37: {  	[sflag:s0] =	ssyncset.done $0x0  }
0x38: {  	[sflag:s0] =	ssyncadd.s32 $0xFFFFFFB0  }
0x39: {  	_ =	swait.ge [sflag:s0], $0x50  }
0x3a: {  	[sflag:s0] =	ssyncset.done $0x0  }
0x3b: {  	s19 =	simm.s32 $0x780;
	[sflag:s0] =	ssyncadd.s32 $0xFFFFFFB0  }
0x3c: {  	[tilespmem:s19], [sflag:$0x9] =	stream.indirect.gather [hbm4b:s4+s30], $0x40, s2, s30, $0xb8;
	[tilespmem:$0x107C0] =	vst v63  }
0x3d: {  	s20 =	simm.s32 $0x5780  }
0x3e: {  	[tilespmem:s20], [sflag:$0xD] =	stream.indirect.gather [hbm4b:s6+s30], $0x10, s15, s30, $0xb8;
	[tilespmem:$0x107C0] =	vst v63  }
0x3f: {  	_ =	swait.ge [sflag:s23], $0x50  }
0x40: {  	[sflag:s23] =	ssyncset.done $0x0  }
0x41: {  	[sflag:s23] =	ssyncadd.s32 $0xFFFFFFB0  }
0x42: {  	_ =	swait.ge [sflag:s23], $0x50  }
0x43: {  	[sflag:s23] =	ssyncset.done $0x0  }
0x44: {  	[sflag:s23] =	ssyncadd.s32 $0xFFFFFFB0  }
0x45: {  	_ =	swait.ge [sflag:s23], $0x50  }
0x46: {  	[sflag:s23] =	ssyncset.done $0x0  }
0x47: {  	s21 =	simm.s32 $0x1B80;
	[sflag:s23] =	ssyncadd.s32 $0xFFFFFFB0  }
0x48: {  	[tilespmem:s21], [sflag:$0xA] =	stream.indirect.gather [hbm4b:s4+s30], $0x40, s30, s30, $0xb8;
	[tilespmem:$0x107C0] =	vst v63  }
0x49: {  	s14 =	simm.s32 $0x0;
	s28 =	simm.s32 $0x5C80;
	s15 =	simm.s32 $0x0  }
0x4a: {  	[tilespmem:s28], [sflag:$0xE] =	stream.indirect.gather [hbm4b:s6+s30], $0x10, s31, s30, $0xb8;
	[tilespmem:$0x107C0] =	vst v63  }
.LBB2_2:
0x4b: {  	p0 =	slt.u32 s15, $0x7A  }
.Ltmp0:
0x4c: {  	_ = 	snop;
	(pc) =	sbr.rel @!p0 .LBB2_3-.Ltmp0, $1  }
0x4d: {  	_ =	sdelay $0x3  }
0x4e: {  	s16 =	sadd.s32 $0x3, s15  }
0x4f: {  	s17 =	smul.u32 $0x50, s16;
	_ =	sdelay $0x1  }
0x50: {  	s16 =	sand.u32 $0x7, s16;
	s17 =	sadd.s32 s10, s17  }
0x51: {  	s18 =	smul.u32 $0x50, s16;
	s17 =	sshrl.u32 s17, $0x3  }
0x52: {  	s16 =	sadd.s32 $0x1, s16;
	s19 =	sadd.s32 s7, s17  }
0x53: {  	[tilespmem:s18], [sflag:s16] =	stream.linear.gather [hbm4b:s19+s2], $0x50, $0x38;
	[tilespmem:$0x107C0] =	vst v63  }
0x54: {  	p0 =	slt.u32 s15, $0x2;
	s28 =	sadd.s32 $0x280, s18;
	s20 =	sadd.s32 s8, s17  }
0x55: {  	[tilespmem:s28], [sflag:s16] =	stream.linear.gather [hbm4b:s20+s2], $0x50, $0x38;
	[tilespmem:$0x107C0] =	vst v63  }
.Ltmp1:
0x56: {  	_ = 	snop;
	(pc) =	sbr.rel @p0 .LBB2_7-.Ltmp1, $4  }
.Ltmp2:
0x57: {  	s17 =	sadd.s32 s9, s17;
	s18 =	sadd.s32 $0x500, s18;
	(pc) =	sbr.rel @!p0 .LBB2_6-.Ltmp2, $4  }
0x58: {  	[tilespmem:s18], [sflag:s16] =	stream.linear.gather [hbm4b:s17+s2], $0x50, $0x38;
	[tilespmem:$0x107C0] =	vst v63  }
0x59: {  	s17 =	sadd.s32 $0x2, s15  }
0x5a: {  	s16 =	sand.u32 $0x3, s17  }
0x5b: {  	_ = 	snop  }
.LBB2_3:
0x5c: {  	p0 =	seq.s32 s15, $0x7A  }
.Ltmp3:
0x5d: {  	_ = 	snop;
	(pc) =	sbr.rel @!p0 .LBB2_8-.Ltmp3, $1  }
0x5e: {  	_ =	sdelay $0x3  }
0x5f: {  	s17 =	simm.s32 $0x7C;
	s16 =	simm.s32 $0x0  }
.LBB2_6:
0x60: {  	s18 =	sadd.s32 $0x11, s16  }
0x61: {  	_ =	swait.ge [sflag:s18], $0x1400  }
0x62: {  	[sflag:s18] =	ssyncset.done $0x0  }
0x63: {  	[sflag:s18] =	ssyncadd.s32 $0xFFFFEC00  }
.LBB2_7:
0x64: {  	s17 =	sand.u32 $0x7, s17  }
0x65: {  	s18 =	sadd.s32 $0x1, s17  }
0x66: {  	_ =	swait.ge [sflag:s18], $0x50  }
0x67: {  	[sflag:s18] =	ssyncset.done $0x0  }
0x68: {  	[sflag:s18] =	ssyncadd.s32 $0xFFFFFFB0  }
0x69: {  	_ =	swait.ge [sflag:s18], $0x50  }
0x6a: {  	[sflag:s18] =	ssyncset.done $0x0  }
0x6b: {  	s19 =	smul.u32 $0x5000, s16;
	[sflag:s18] =	ssyncadd.s32 $0xFFFFFFB0  }
0x6c: {  	s28 =	sadd.s32 $0x9, s16;
	s20 =	smul.u32 $0x1400, s16;
	_ =	swait.ge [sflag:s18], $0x50  }
0x6d: {  	s17 =	smul.u32 $0x50, s17;
	s21 =	sshrl.u32 s19, $0x2;
	[sflag:s18] =	ssyncset.done $0x0  }
0x6e: {  	[sflag:s18] =	ssyncadd.s32 $0xFFFFFFB0;
	s18 =	sadd.s32 $0x780, s21;
	s21 =	sshrl.u32 s20, $0x2  }
0x6f: {  	[tilespmem:s18], [sflag:s28] =	stream.indirect.gather [hbm4b:s4+s30], $0x40, s17, s30, $0xb8;
	[tilespmem:$0x107C0] =	vst v63  }
0x70: {  	s17 =	sadd.s32 $0x280, s17;
	s18 =	sadd.s32 $0x5780, s21;
	s28 =	sadd.s32 $0xD, s16  }
0x71: {  	[tilespmem:s18], [sflag:s28] =	stream.indirect.gather [hbm4b:s6+s30], $0x10, s17, s30, $0xb8;
	[tilespmem:$0x107C0] =	vst v63  }
.LBB2_8:
0x72: {  	s17 =	sand.u32 $0x3, s14  }
0x73: {  	s16 =	sand.u32 $0x3, s15;
	s18 =	smul.u32 $0x1400, s17  }
0x74: {  	s19 =	sadd.s32 $0x9, s16  }
0x75: {  	_ =	swait.ge [sflag:s19], $0x1400;
	s18 =	sshrl.u32 s18, $0x2  }
0x76: {  	[sflag:s19] =	ssyncset.done $0x0;
	s18 =	sadd.s32 $0x57A0, s18  }
0x77: {  	s28 =	sadd.s32 $0xD, s16;
	s17 =	smul.u32 $0x5000, s17;
	[sflag:s19] =	ssyncadd.s32 $0xFFFFEC00;
	v0 =	vmov s18  }
0x78: {  	_ =	swait.ge [sflag:s28], $0x500  }
0x79: {  	s17 =	sshrl.u32 s17, $0x2;
	[sflag:s28] =	ssyncset.done $0x0  }
0x7a: {  	s21 =	sadd.s32 $0x800, s17;
	[sflag:s28] =	ssyncadd.s32 $0xFFFFFB00  }
0x7b: {  	s18 =	simm.s32 $0x0;
	v2 =	vld [tilespmem:s21+$0xFFFFFF80]  }
0x7c: {  	v1 =	vld.idx.msk [tilespmem:v0+s18+$0xFFFFFFE0 ss:$0x1], $0xffff  }
0x7d: {  	v3 =	vld [tilespmem:s21+$0xFFFFFFB0]  }
0x7e: {  	v4 =	vld [tilespmem:s21+$0xFFFFFF90]  }
0x7f: {  	v5 =	vld [tilespmem:s21+$0xFFFFFFA0];
	_ =	sdelay $0x1  }
0x80: {  	v2 =	vmul.f32 v2, v1  }
0x81: {  	v3 =	vmul.f32 v3, v1  }
0x82: {  	v4 =	vmul.f32 v4, v1;
	[tilespmem:s21+$0xFFFFFF80] =	vst v2  }
0x83: {  	v1 =	vmul.f32 v5, v1;
	[tilespmem:s21+$0xFFFFFFB0] =	vst v3  }
0x84: {  	[tilespmem:s21+$0xFFFFFF90] =	vst v4  }
0x85: {  	[tilespmem:s21+$0xFFFFFFA0] =	vst v1;
	v2 =	vld [tilespmem:s21+$0xFFFFFFC0]  }
0x86: {  	v1 =	vld.idx.msk [tilespmem:v0+s18+$0xFFFFFFF0 ss:$0x1], $0xffff  }
0x87: {  	v3 =	vld [tilespmem:s21+$0xFFFFFFD0]  }
0x88: {  	v60 =	vld [tilespmem:s21+$0xFFFFFFF0]  }
0x89: {  	v61 =	vld [tilespmem:s21+$0xFFFFFFE0];
	_ =	sdelay $0x1  }
0x8a: {  	v2 =	vmul.f32 v2, v1  }
0x8b: {  	v3 =	vmul.f32 v3, v1  }
0x8c: {  	v4 =	vmul.f32 v60, v1;
	[tilespmem:s21+$0xFFFFFFC0] =	vst v2  }
0x8d: {  	v1 =	vmul.f32 v61, v1;
	[tilespmem:s21+$0xFFFFFFD0] =	vst v3  }
0x8e: {  	[tilespmem:s21+$0xFFFFFFF0] =	vst v4  }
0x8f: {  	[tilespmem:s21+$0xFFFFFFE0] =	vst v1;
	v1 =	vld [tilespmem:s21+$0x0]  }
0x90: {  	v3 =	vld.idx.msk [tilespmem:v0+s18+$0x0 ss:$0x1], $0xffff  }
0x91: {  	v2 =	vld [tilespmem:s21+$0x30]  }
0x92: {  	v62 =	vld [tilespmem:s21+$0x10]  }
0x93: {  	v63 =	vld [tilespmem:s21+$0x20];
	_ =	sdelay $0x1  }
0x94: {  	v1 =	vmul.f32 v1, v3  }
0x95: {  	v6 =	vmul.f32 v2, v3  }
0x96: {  	[tilespmem:s21+$0x0] =	vst v1  }
0x97: {  	s20 =	simm.s32 $0x100;
	s19 =	sand.u32 $0x7, s15;
	s17 =	smov.u32 s21;
	v2 =	vmul.f32 v62, v3;
	v1 =	vmul.f32 v63, v3;
	[tilespmem:s21+$0x30] =	vst v6  }
.LBB2_9:
0x98: {  	p0 =	sne.s32 s20, $0x1300  }
0x99: {  	[tilespmem:s21+$0x10] =	vst v2;
	v2 =	vld [tilespmem:s21+$0x70];
	s17 =	sadd.s32 $0x100, s17;
	s28 =	smov.u32 s20;
	s20 =	sadd.s32 $0x100, s20  }
0x9a: {  	[tilespmem:s21+$0x20] =	vst v1;
	v1 =	vld [tilespmem:s21+$0x40]  }
0x9b: {  	v3 =	vld.idx.msk [tilespmem:v0+s18+$0x10 ss:$0x1], $0xffff  }
0x9c: {  	v4 =	vld [tilespmem:s21+$0x50]  }
0x9d: {  	v5 =	vld [tilespmem:s21+$0x60];
	_ =	sdelay $0x3  }
0x9e: {  	v1 =	vmul.f32 v1, v3;
	v4 =	vmul.f32 v4, v3  }
0x9f: {  	v2 =	vmul.f32 v2, v3;
	v5 =	vmul.f32 v5, v3  }
0xa0: {  	[tilespmem:s21+$0x40] =	vst v1  }
0xa1: {  	[tilespmem:s21+$0x70] =	vst v2  }
0xa2: {  	s18 =	sshra.s32 s28, $0x2;
	v1 =	vld [tilespmem:s17+$0xFFFFFFB0];
	[tilespmem:s21+$0x60] =	vst v5  }
0xa3: {  	v2 =	vld [tilespmem:s17+$0xFFFFFFA0];
	[tilespmem:s21+$0x50] =	vst v4;
	s21 =	smov.u32 s17  }
0xa4: {  	v3 =	vld.idx.msk [tilespmem:v0+s18+$0xFFFFFFE0 ss:$0x1], $0xffff  }
0xa5: {  	v4 =	vld [tilespmem:s17+$0xFFFFFF80]  }
0xa6: {  	v5 =	vld [tilespmem:s17+$0xFFFFFF90];
	_ =	sdelay $0x3  }
0xa7: {  	v2 =	vmul.f32 v2, v3;
	v4 =	vmul.f32 v4, v3  }
0xa8: {  	v1 =	vmul.f32 v1, v3;
	v5 =	vmul.f32 v5, v3  }
0xa9: {  	[tilespmem:s17+$0xFFFFFF80] =	vst v4  }
0xaa: {  	[tilespmem:s17+$0xFFFFFFB0] =	vst v1  }
0xab: {  	[tilespmem:s17+$0xFFFFFF90] =	vst v5;
	v1 =	vld [tilespmem:s17+$0xFFFFFFF0]  }
0xac: {  	[tilespmem:s17+$0xFFFFFFA0] =	vst v2;
	v2 =	vld [tilespmem:s17+$0xFFFFFFD0]  }
0xad: {  	v3 =	vld.idx.msk [tilespmem:v0+s18+$0xFFFFFFF0 ss:$0x1], $0xffff  }
0xae: {  	v4 =	vld [tilespmem:s17+$0xFFFFFFC0]  }
0xaf: {  	v5 =	vld [tilespmem:s17+$0xFFFFFFE0];
	_ =	sdelay $0x3  }
0xb0: {  	v2 =	vmul.f32 v2, v3;
	v4 =	vmul.f32 v4, v3  }
0xb1: {  	v1 =	vmul.f32 v1, v3;
	v5 =	vmul.f32 v5, v3  }
0xb2: {  	[tilespmem:s17+$0xFFFFFFC0] =	vst v4  }
0xb3: {  	[tilespmem:s17+$0xFFFFFFD0] =	vst v2  }
0xb4: {  	[tilespmem:s17+$0xFFFFFFF0] =	vst v1;
	v3 =	vld [tilespmem:s17+$0x30]  }
0xb5: {  	[tilespmem:s17+$0xFFFFFFE0] =	vst v5;
	v1 =	vld [tilespmem:s17+$0x0]  }
0xb6: {  	v4 =	vld.idx.msk [tilespmem:v0+s18+$0x0 ss:$0x1], $0xffff  }
0xb7: {  	v2 =	vld [tilespmem:s17+$0x10]  }
0xb8: {  	v5 =	vld [tilespmem:s17+$0x20];
	_ =	sdelay $0x2  }
.Ltmp4:
0xb9: {  	(pc) =	sbr.rel @p0 .LBB2_9-.Ltmp4, $4  }
0xba: {  	v6 =	vmul.f32 v1, v4;
	v2 =	vmul.f32 v2, v4  }
0xbb: {  	v3 =	vmul.f32 v3, v4;
	v1 =	vmul.f32 v5, v4  }
0xbc: {  	[tilespmem:s17+$0x0] =	vst v6  }
0xbd: {  	[tilespmem:s17+$0x30] =	vst v3  }
0xbe: {  	_ =	sdelay $0x1  }
0xbf: {  	[tilespmem:s21+$0x10] =	vst v2  }
0xc0: {  	[tilespmem:s21+$0x20] =	vst v1;
	v62 =	vld [tilespmem:s21+$0x40]  }
0xc1: {  	v0 =	vld.idx.msk [tilespmem:v0+s18+$0x10 ss:$0x1], $0xffff  }
0xc2: {  	v63 =	vld [tilespmem:s21+$0x70]  }
0xc3: {  	v3 =	vld [tilespmem:s21+$0x60]  }
0xc4: {  	v4 =	vld [tilespmem:s21+$0x50];
	_ =	sdelay $0x1  }
0xc5: {  	s17 =	smul.u32 $0x5000, s16;
	s15 =	sadd.s32 $0x1, s15;
	v1 =	vmul.f32 v62, v0  }
0xc6: {  	s20 =	smul.u32 $0x140, s19;
	p0 =	sne.s32 s15, $0x7D;
	v2 =	vmul.f32 v63, v0  }
.Ltmp5:
0xc7: {  	v3 =	vmul.f32 v3, v0;
	[tilespmem:s21+$0x40] =	vst v1;
	(pc) =	sbr.rel @p0 .LBB2_2-.Ltmp5, $4  }
0xc8: {  	v0 =	vmul.f32 v4, v0;
	[tilespmem:s21+$0x70] =	vst v2  }
0xc9: {  	s28 =	sadd.s32 $0x11, s16;
	s17 =	sshrl.u32 s17, $0x2;
	s18 =	sshrl.u32 s20, $0x2;
	[tilespmem:s21+$0x60] =	vst v3  }
0xca: {  	s14 =	sadd.s32 $0x1, s14;
	s17 =	sadd.s32 $0x780, s17;
	s18 =	sadd.s32 $0x500, s18;
	[tilespmem:s21+$0x50] =	vst v0  }
0xcb: {  	[spmem:s1] =	stream.indirect.scatter.add.f32 [tilespmem:s17], [sflag:s28], $0x40, s18, s30, $0xb8;
	[tilespmem:$0x107C0] =	vst v63  }
0xcc: {  	_ =	swait.ge [sflag:s25], $0x1400  }
0xcd: {  	[sflag:s25] =	ssyncset.done $0x0  }
0xce: {  	[sflag:s25] =	ssyncadd.s32 $0xFFFFEC00  }
0xcf: {  	_ =	swait.ge [sflag:s3], $0x1400  }
0xd0: {  	[sflag:s3] =	ssyncset.done $0x0  }
0xd1: {  	[sflag:s3] =	ssyncadd.s32 $0xFFFFEC00  }
0xd2: {  	_ =	swait.ge [sflag:s11], $0x1400  }
0xd3: {  	[sflag:s11] =	ssyncset.done $0x0  }
0xd4: {  	[sflag:s11] =	ssyncadd.s32 $0xFFFFEC00  }
0xd5: {  	_ =	swait.ge [sflag:s29], $0x1400  }
0xd6: {  	[sflag:s29] =	ssyncset.done $0x0  }
0xd7: {  	[sflag:s29] =	ssyncadd.s32 $0xFFFFEC00  }
0xd8: {  	[bflag:$0x0] =	sbarrier.arrive $0xFFFF  }
0xd9: {  	s14 =	rddreg [dreg:$0xd]  }
0xda: {  	[hbm:s14], [sflag:s13] =	dma.local [spmem:s12], $0x1400  }
0xdb: {  	_ =	swait.ge [sflag:s26], $0x1400  }
0xdc: {  	[sflag:s26] =	ssyncset.done $0x0  }
0xdd: {  	[sflag:s26] =	ssyncadd.s32 $0xFFFFEC00  }
0xde: {  	[bflag:$0x0] =	sbarrier.arrive $0xFFFF  }
0xdf: {  	s18 =	rddreg [dreg:$0x4]  }
0xe0: {  	[spmem:s12], [sflag:s13] =	dma.local [hbm:s18], $0x1400  }
0xe1: {  	_ =	swait.ge [sflag:s26], $0x1400  }
0xe2: {  	[sflag:s26] =	ssyncset.done $0x0  }
0xe3: {  	[sflag:s26] =	ssyncadd.s32 $0xFFFFEC00  }
0xe4: {  	[bflag:$0x0] =	sbarrier.arrive $0xFFFF  }
0xe5: {  	s14 =	simm.s32 $0x0;
	s15 =	rddreg [dreg:$0x5]  }
0xe6: {  	[tilespmem:s14], [sflag:$0x1] =	stream.linear.gather [hbm4b:s15+s14], $0x50, $0x38;
	[tilespmem:$0x107C0] =	vst v63  }
0xe7: {  	s16 =	simm.s32 $0x280;
	s19 =	rddreg [dreg:$0x6]  }
0xe8: {  	[tilespmem:s16], [sflag:$0x1] =	stream.linear.gather [hbm4b:s19+s14], $0x50, $0x38;
	[tilespmem:$0x107C0] =	vst v63  }
0xe9: {  	s17 =	simm.s32 $0x500;
	s20 =	rddreg [dreg:$0x7]  }
0xea: {  	[tilespmem:s17], [sflag:$0x1] =	stream.linear.gather [hbm4b:s20+s14], $0x50, $0x38;
	[tilespmem:$0x107C0] =	vst v63  }
0xeb: {  	s21 =	rddreg [dreg:$0x8]  }
0xec: {  	[tilespmem:s30], [sflag:$0x2] =	stream.linear.gather [hbm4b:s21+s14], $0x50, $0x38;
	[tilespmem:$0x107C0] =	vst v63  }
0xed: {  	s28 =	rddreg [dreg:$0x9]  }
0xee: {  	[tilespmem:s31], [sflag:$0x2] =	stream.linear.gather [hbm4b:s28+s14], $0x50, $0x38;
	[tilespmem:$0x107C0] =	vst v63  }
0xef: {  	s18 =	simm.s32 $0x550;
	s17 =	rddreg [dreg:$0xa]  }
0xf0: {  	[tilespmem:s18], [sflag:$0x2] =	stream.linear.gather [hbm4b:s17+s14], $0x50, $0x38;
	[tilespmem:$0x107C0] =	vst v63  }
0xf1: {  	s19 =	rddreg [dreg:$0xb];
	s20 =	simm.s32 $0xA0  }
0xf2: {  	[tilespmem:s20], [sflag:$0x3] =	stream.linear.gather [hbm4b:s19+s14], $0x50, $0x38;
	[tilespmem:$0x107C0] =	vst v63  }
0xf3: {  	s21 =	rddreg [dreg:$0xc];
	s28 =	simm.s32 $0x320  }
0xf4: {  	[tilespmem:s28], [sflag:$0x3] =	stream.linear.gather [hbm4b:s21+s14], $0x50, $0x38;
	[tilespmem:$0x107C0] =	vst v63  }
0xf5: {  	s18 =	simm.s32 $0x5A0  }
0xf6: {  	[tilespmem:s18], [sflag:$0x3] =	stream.linear.gather [hbm4b:s22+s14], $0x50, $0x38;
	[tilespmem:$0x107C0] =	vst v63  }
0xf7: {  	_ =	swait.ge [sflag:s0], $0x50  }
0xf8: {  	[sflag:s0] =	ssyncset.done $0x0  }
0xf9: {  	[sflag:s0] =	ssyncadd.s32 $0xFFFFFFB0  }
0xfa: {  	_ =	swait.ge [sflag:s0], $0x50  }
0xfb: {  	[sflag:s0] =	ssyncset.done $0x0  }
0xfc: {  	[sflag:s0] =	ssyncadd.s32 $0xFFFFFFB0  }
0xfd: {  	_ =	swait.ge [sflag:s0], $0x50  }
0xfe: {  	[sflag:s0] =	ssyncset.done $0x0  }
0xff: {  	s19 =	simm.s32 $0x780;
	[sflag:s0] =	ssyncadd.s32 $0xFFFFFFB0  }
0x100: {  	[tilespmem:s19], [sflag:$0x9] =	stream.indirect.gather [hbm4b:s5+s30], $0x40, s14, s30, $0xb8;
	[tilespmem:$0x107C0] =	vst v63  }
0x101: {  	s20 =	simm.s32 $0x5780  }
0x102: {  	[tilespmem:s20], [sflag:$0xD] =	stream.indirect.gather [hbm4b:s6+s30], $0x10, s16, s30, $0xb8;
	[tilespmem:$0x107C0] =	vst v63  }
0x103: {  	_ =	swait.ge [sflag:s23], $0x50  }
0x104: {  	[sflag:s23] =	ssyncset.done $0x0  }
0x105: {  	[sflag:s23] =	ssyncadd.s32 $0xFFFFFFB0  }
0x106: {  	_ =	swait.ge [sflag:s23], $0x50  }
0x107: {  	[sflag:s23] =	ssyncset.done $0x0  }
0x108: {  	[sflag:s23] =	ssyncadd.s32 $0xFFFFFFB0  }
0x109: {  	_ =	swait.ge [sflag:s23], $0x50  }
0x10a: {  	[sflag:s23] =	ssyncset.done $0x0  }
0x10b: {  	s21 =	simm.s32 $0x1B80;
	[sflag:s23] =	ssyncadd.s32 $0xFFFFFFB0  }
0x10c: {  	[tilespmem:s21], [sflag:$0xA] =	stream.indirect.gather [hbm4b:s5+s30], $0x40, s30, s30, $0xb8;
	[tilespmem:$0x107C0] =	vst v63  }
0x10d: {  	s15 =	simm.s32 $0x0;
	s28 =	simm.s32 $0x5C80  }
0x10e: {  	[tilespmem:s28], [sflag:$0xE] =	stream.indirect.gather [hbm4b:s6+s30], $0x10, s31, s30, $0xb8;
	[tilespmem:$0x107C0] =	vst v63  }
.LBB2_12:
0x10f: {  	p0 =	slt.u32 s15, $0x7A  }
.Ltmp6:
0x110: {  	_ = 	snop;
	(pc) =	sbr.rel @!p0 .LBB2_13-.Ltmp6, $1  }
0x111: {  	_ =	sdelay $0x3  }
0x112: {  	s16 =	sadd.s32 $0x3, s15  }
0x113: {  	s17 =	smul.u32 $0x50, s16;
	_ =	sdelay $0x1  }
0x114: {  	s16 =	sand.u32 $0x7, s16;
	s17 =	sadd.s32 s10, s17  }
0x115: {  	s18 =	smul.u32 $0x50, s16;
	s17 =	sshrl.u32 s17, $0x3  }
0x116: {  	s16 =	sadd.s32 $0x1, s16;
	s19 =	sadd.s32 s7, s17  }
0x117: {  	[tilespmem:s18], [sflag:s16] =	stream.linear.gather [hbm4b:s19+s2], $0x50, $0x38;
	[tilespmem:$0x107C0] =	vst v63  }
0x118: {  	p0 =	slt.u32 s15, $0x2;
	s28 =	sadd.s32 $0x280, s18;
	s20 =	sadd.s32 s8, s17  }
0x119: {  	[tilespmem:s28], [sflag:s16] =	stream.linear.gather [hbm4b:s20+s2], $0x50, $0x38;
	[tilespmem:$0x107C0] =	vst v63  }
.Ltmp7:
0x11a: {  	_ = 	snop;
	(pc) =	sbr.rel @p0 .LBB2_17-.Ltmp7, $4  }
.Ltmp8:
0x11b: {  	s17 =	sadd.s32 s9, s17;
	s18 =	sadd.s32 $0x500, s18;
	(pc) =	sbr.rel @!p0 .LBB2_16-.Ltmp8, $4  }
0x11c: {  	[tilespmem:s18], [sflag:s16] =	stream.linear.gather [hbm4b:s17+s2], $0x50, $0x38;
	[tilespmem:$0x107C0] =	vst v63  }
0x11d: {  	s17 =	sadd.s32 $0x2, s15  }
0x11e: {  	s16 =	sand.u32 $0x3, s17  }
0x11f: {  	_ = 	snop  }
.LBB2_13:
0x120: {  	p0 =	seq.s32 s15, $0x7A  }
.Ltmp9:
0x121: {  	_ = 	snop;
	(pc) =	sbr.rel @!p0 .LBB2_18-.Ltmp9, $1  }
0x122: {  	_ =	sdelay $0x3  }
0x123: {  	s17 =	simm.s32 $0x7C;
	s16 =	simm.s32 $0x0  }
.LBB2_16:
0x124: {  	s18 =	sadd.s32 $0x11, s16  }
0x125: {  	_ =	swait.ge [sflag:s18], $0x1400  }
0x126: {  	[sflag:s18] =	ssyncset.done $0x0  }
0x127: {  	[sflag:s18] =	ssyncadd.s32 $0xFFFFEC00  }
.LBB2_17:
0x128: {  	s17 =	sand.u32 $0x7, s17  }
0x129: {  	s18 =	sadd.s32 $0x1, s17  }
0x12a: {  	_ =	swait.ge [sflag:s18], $0x50  }
0x12b: {  	[sflag:s18] =	ssyncset.done $0x0  }
0x12c: {  	[sflag:s18] =	ssyncadd.s32 $0xFFFFFFB0  }
0x12d: {  	_ =	swait.ge [sflag:s18], $0x50  }
0x12e: {  	[sflag:s18] =	ssyncset.done $0x0  }
0x12f: {  	s19 =	smul.u32 $0x5000, s16;
	[sflag:s18] =	ssyncadd.s32 $0xFFFFFFB0  }
0x130: {  	s28 =	sadd.s32 $0x9, s16;
	s20 =	smul.u32 $0x1400, s16;
	_ =	swait.ge [sflag:s18], $0x50  }
0x131: {  	s17 =	smul.u32 $0x50, s17;
	s21 =	sshrl.u32 s19, $0x2;
	[sflag:s18] =	ssyncset.done $0x0  }
0x132: {  	[sflag:s18] =	ssyncadd.s32 $0xFFFFFFB0;
	s18 =	sadd.s32 $0x780, s21;
	s21 =	sshrl.u32 s20, $0x2  }
0x133: {  	[tilespmem:s18], [sflag:s28] =	stream.indirect.gather [hbm4b:s5+s30], $0x40, s17, s30, $0xb8;
	[tilespmem:$0x107C0] =	vst v63  }
0x134: {  	s17 =	sadd.s32 $0x280, s17;
	s18 =	sadd.s32 $0x5780, s21;
	s28 =	sadd.s32 $0xD, s16  }
0x135: {  	[tilespmem:s18], [sflag:s28] =	stream.indirect.gather [hbm4b:s6+s30], $0x10, s17, s30, $0xb8;
	[tilespmem:$0x107C0] =	vst v63  }
.LBB2_18:
0x136: {  	s17 =	sand.u32 $0x3, s14  }
0x137: {  	s16 =	sand.u32 $0x3, s15;
	s18 =	smul.u32 $0x1400, s17  }
0x138: {  	s19 =	sadd.s32 $0x9, s16  }
0x139: {  	_ =	swait.ge [sflag:s19], $0x1400;
	s18 =	sshrl.u32 s18, $0x2  }
0x13a: {  	[sflag:s19] =	ssyncset.done $0x0;
	s18 =	sadd.s32 $0x57A0, s18  }
0x13b: {  	s28 =	sadd.s32 $0xD, s16;
	s17 =	smul.u32 $0x5000, s17;
	[sflag:s19] =	ssyncadd.s32 $0xFFFFEC00;
	v0 =	vmov s18  }
0x13c: {  	_ =	swait.ge [sflag:s28], $0x500  }
0x13d: {  	s17 =	sshrl.u32 s17, $0x2;
	[sflag:s28] =	ssyncset.done $0x0  }
0x13e: {  	s17 =	sadd.s32 $0x800, s17;
	[sflag:s28] =	ssyncadd.s32 $0xFFFFFB00  }
0x13f: {  	s18 =	simm.s32 $0x0;
	v2 =	vld [tilespmem:s17+$0xFFFFFF80]  }
0x140: {  	v1 =	vld.idx.msk [tilespmem:v0+s18+$0xFFFFFFE0 ss:$0x1], $0xffff  }
0x141: {  	v3 =	vld [tilespmem:s17+$0xFFFFFFB0]  }
0x142: {  	v4 =	vld [tilespmem:s17+$0xFFFFFF90]  }
0x143: {  	v5 =	vld [tilespmem:s17+$0xFFFFFFA0];
	_ =	sdelay $0x1  }
0x144: {  	v2 =	vmul.f32 v2, v1  }
0x145: {  	v3 =	vmul.f32 v3, v1  }
0x146: {  	v4 =	vmul.f32 v4, v1;
	[tilespmem:s17+$0xFFFFFF80] =	vst v2  }
0x147: {  	v1 =	vmul.f32 v5, v1;
	[tilespmem:s17+$0xFFFFFFB0] =	vst v3  }
0x148: {  	[tilespmem:s17+$0xFFFFFF90] =	vst v4  }
0x149: {  	[tilespmem:s17+$0xFFFFFFA0] =	vst v1;
	v2 =	vld [tilespmem:s17+$0xFFFFFFC0]  }
0x14a: {  	v1 =	vld.idx.msk [tilespmem:v0+s18+$0xFFFFFFF0 ss:$0x1], $0xffff  }
0x14b: {  	v3 =	vld [tilespmem:s17+$0xFFFFFFD0]  }
0x14c: {  	v60 =	vld [tilespmem:s17+$0xFFFFFFF0]  }
0x14d: {  	v61 =	vld [tilespmem:s17+$0xFFFFFFE0];
	_ =	sdelay $0x1  }
0x14e: {  	v2 =	vmul.f32 v2, v1  }
0x14f: {  	v3 =	vmul.f32 v3, v1  }
0x150: {  	v4 =	vmul.f32 v60, v1;
	[tilespmem:s17+$0xFFFFFFC0] =	vst v2  }
0x151: {  	v1 =	vmul.f32 v61, v1;
	[tilespmem:s17+$0xFFFFFFD0] =	vst v3  }
0x152: {  	[tilespmem:s17+$0xFFFFFFF0] =	vst v4  }
0x153: {  	[tilespmem:s17+$0xFFFFFFE0] =	vst v1;
	v1 =	vld [tilespmem:s17+$0x0]  }
0x154: {  	v3 =	vld.idx.msk [tilespmem:v0+s18+$0x0 ss:$0x1], $0xffff  }
0x155: {  	v2 =	vld [tilespmem:s17+$0x30]  }
0x156: {  	v62 =	vld [tilespmem:s17+$0x10]  }
0x157: {  	v63 =	vld [tilespmem:s17+$0x20];
	_ =	sdelay $0x1  }
0x158: {  	v1 =	vmul.f32 v1, v3  }
0x159: {  	v6 =	vmul.f32 v2, v3  }
0x15a: {  	[tilespmem:s17+$0x0] =	vst v1  }
0x15b: {  	s20 =	simm.s32 $0x100;
	s19 =	sand.u32 $0x7, s15;
	s21 =	smov.u32 s17;
	v2 =	vmul.f32 v62, v3;
	v1 =	vmul.f32 v63, v3;
	[tilespmem:s17+$0x30] =	vst v6  }
.LBB2_19:
0x15c: {  	p0 =	sne.s32 s20, $0x1300  }
0x15d: {  	[tilespmem:s17+$0x10] =	vst v2;
	v2 =	vld [tilespmem:s17+$0x70];
	s21 =	sadd.s32 $0x100, s21;
	s28 =	smov.u32 s20;
	s20 =	sadd.s32 $0x100, s20  }
0x15e: {  	[tilespmem:s17+$0x20] =	vst v1;
	v1 =	vld [tilespmem:s17+$0x40]  }
0x15f: {  	v3 =	vld.idx.msk [tilespmem:v0+s18+$0x10 ss:$0x1], $0xffff  }
0x160: {  	v4 =	vld [tilespmem:s17+$0x50]  }
0x161: {  	v5 =	vld [tilespmem:s17+$0x60];
	_ =	sdelay $0x3  }
0x162: {  	v1 =	vmul.f32 v1, v3;
	v4 =	vmul.f32 v4, v3  }
0x163: {  	v2 =	vmul.f32 v2, v3;
	v5 =	vmul.f32 v5, v3  }
0x164: {  	[tilespmem:s17+$0x40] =	vst v1  }
0x165: {  	[tilespmem:s17+$0x70] =	vst v2  }
0x166: {  	s18 =	sshra.s32 s28, $0x2;
	v1 =	vld [tilespmem:s21+$0xFFFFFFB0];
	[tilespmem:s17+$0x60] =	vst v5  }
0x167: {  	v2 =	vld [tilespmem:s21+$0xFFFFFFA0];
	[tilespmem:s17+$0x50] =	vst v4;
	s17 =	smov.u32 s21  }
0x168: {  	v3 =	vld.idx.msk [tilespmem:v0+s18+$0xFFFFFFE0 ss:$0x1], $0xffff  }
0x169: {  	v4 =	vld [tilespmem:s21+$0xFFFFFF80]  }
0x16a: {  	v5 =	vld [tilespmem:s21+$0xFFFFFF90];
	_ =	sdelay $0x3  }
0x16b: {  	v2 =	vmul.f32 v2, v3;
	v4 =	vmul.f32 v4, v3  }
0x16c: {  	v1 =	vmul.f32 v1, v3;
	v5 =	vmul.f32 v5, v3  }
0x16d: {  	[tilespmem:s21+$0xFFFFFF80] =	vst v4  }
0x16e: {  	[tilespmem:s21+$0xFFFFFFB0] =	vst v1  }
0x16f: {  	[tilespmem:s21+$0xFFFFFF90] =	vst v5;
	v1 =	vld [tilespmem:s21+$0xFFFFFFF0]  }
0x170: {  	[tilespmem:s21+$0xFFFFFFA0] =	vst v2;
	v2 =	vld [tilespmem:s21+$0xFFFFFFD0]  }
0x171: {  	v3 =	vld.idx.msk [tilespmem:v0+s18+$0xFFFFFFF0 ss:$0x1], $0xffff  }
0x172: {  	v4 =	vld [tilespmem:s21+$0xFFFFFFC0]  }
0x173: {  	v5 =	vld [tilespmem:s21+$0xFFFFFFE0];
	_ =	sdelay $0x3  }
0x174: {  	v2 =	vmul.f32 v2, v3;
	v4 =	vmul.f32 v4, v3  }
0x175: {  	v1 =	vmul.f32 v1, v3;
	v5 =	vmul.f32 v5, v3  }
0x176: {  	[tilespmem:s21+$0xFFFFFFC0] =	vst v4  }
0x177: {  	[tilespmem:s21+$0xFFFFFFD0] =	vst v2  }
0x178: {  	[tilespmem:s21+$0xFFFFFFF0] =	vst v1;
	v3 =	vld [tilespmem:s21+$0x30]  }
0x179: {  	[tilespmem:s21+$0xFFFFFFE0] =	vst v5;
	v1 =	vld [tilespmem:s21+$0x0]  }
0x17a: {  	v4 =	vld.idx.msk [tilespmem:v0+s18+$0x0 ss:$0x1], $0xffff  }
0x17b: {  	v2 =	vld [tilespmem:s21+$0x10]  }
0x17c: {  	v5 =	vld [tilespmem:s21+$0x20];
	_ =	sdelay $0x2  }
.Ltmp10:
0x17d: {  	(pc) =	sbr.rel @p0 .LBB2_19-.Ltmp10, $4  }
0x17e: {  	v6 =	vmul.f32 v1, v4;
	v2 =	vmul.f32 v2, v4  }
0x17f: {  	v3 =	vmul.f32 v3, v4;
	v1 =	vmul.f32 v5, v4  }
0x180: {  	[tilespmem:s21+$0x0] =	vst v6  }
0x181: {  	[tilespmem:s21+$0x30] =	vst v3  }
0x182: {  	_ =	sdelay $0x1  }
0x183: {  	[tilespmem:s17+$0x10] =	vst v2  }
0x184: {  	[tilespmem:s17+$0x20] =	vst v1;
	v62 =	vld [tilespmem:s17+$0x40]  }
0x185: {  	v0 =	vld.idx.msk [tilespmem:v0+s18+$0x10 ss:$0x1], $0xffff  }
0x186: {  	v63 =	vld [tilespmem:s17+$0x70]  }
0x187: {  	v3 =	vld [tilespmem:s17+$0x60]  }
0x188: {  	v4 =	vld [tilespmem:s17+$0x50];
	_ =	sdelay $0x1  }
0x189: {  	s28 =	smul.u32 $0x5000, s16;
	s15 =	sadd.s32 $0x1, s15;
	v1 =	vmul.f32 v62, v0  }
0x18a: {  	s19 =	smul.u32 $0x140, s19;
	p0 =	sne.s32 s15, $0x7D;
	v2 =	vmul.f32 v63, v0  }
.Ltmp11:
0x18b: {  	v3 =	vmul.f32 v3, v0;
	[tilespmem:s17+$0x40] =	vst v1;
	(pc) =	sbr.rel @p0 .LBB2_12-.Ltmp11, $4  }
0x18c: {  	v0 =	vmul.f32 v4, v0;
	[tilespmem:s17+$0x70] =	vst v2  }
0x18d: {  	s14 =	sadd.s32 $0x1, s14;
	s18 =	sshrl.u32 s28, $0x2;
	s19 =	sshrl.u32 s19, $0x2;
	[tilespmem:s17+$0x60] =	vst v3  }
0x18e: {  	s28 =	sadd.s32 $0x11, s16;
	s20 =	sadd.s32 $0x780, s18;
	s21 =	sadd.s32 $0x500, s19;
	[tilespmem:s17+$0x50] =	vst v0  }
0x18f: {  	[spmem:s1] =	stream.indirect.scatter.add.f32 [tilespmem:s20], [sflag:s28], $0x40, s21, s30, $0xb8;
	[tilespmem:$0x107C0] =	vst v63  }
0x190: {  	_ =	swait.ge [sflag:s25], $0x1400  }
0x191: {  	[sflag:s25] =	ssyncset.done $0x0  }
0x192: {  	[sflag:s25] =	ssyncadd.s32 $0xFFFFEC00  }
0x193: {  	_ =	swait.ge [sflag:s3], $0x1400  }
0x194: {  	[sflag:s3] =	ssyncset.done $0x0  }
0x195: {  	[sflag:s3] =	ssyncadd.s32 $0xFFFFEC00  }
0x196: {  	_ =	swait.ge [sflag:s11], $0x1400  }
0x197: {  	[sflag:s11] =	ssyncset.done $0x0  }
0x198: {  	[sflag:s11] =	ssyncadd.s32 $0xFFFFEC00  }
0x199: {  	_ =	swait.ge [sflag:s29], $0x1400  }
0x19a: {  	[sflag:s29] =	ssyncset.done $0x0  }
0x19b: {  	[sflag:s29] =	ssyncadd.s32 $0xFFFFEC00  }
0x19c: {  	[bflag:$0x0] =	sbarrier.arrive $0xFFFF  }
0x19d: {  	s14 =	rddreg [dreg:$0xe]  }
0x19e: {  	[hbm:s14], [sflag:s13] =	dma.local [spmem:s12], $0x1400  }
0x19f: {  	_ =	swait.ge [sflag:s26], $0x1400  }
0x1a0: {  	s24 =	sadd.s32 $0x1, s24;
	s28 =	rddreg [dreg:$0xf]  }
0x1a1: {  	p0 =	sne.s32 s24, s28  }
.Ltmp12:
0x1a2: {  	_ = 	snop;
	(pc) =	sbr.rel @p0 .LBB2_1-.Ltmp12, $3  }
0x1a3: {  	[sflag:s26] =	ssyncset.done $0x0  }
0x1a4: {  	[sflag:s26] =	ssyncadd.s32 $0xFFFFEC00  }
0x1a5: {  	[bflag:$0x0] =	sbarrier.arrive $0xFFFF;
	_ =	sdelay $0x1  }
0x1a6: {  	_ =	sfence.sel $0x180000  }
0x1a7: {  	[bflag:$0x0] =	sbarrier.arrive $0xFFFF  }
0x1a8: {  	_ =	strace $0x9000004A  }
0x1a9: {  	s0 =	stileid.u32;
	[bflag:$0x2] =	sbarrier.arrive $0xFFFF  }
0x1aa: {  	p0 =	sne.s32 s0, $0x0;
	s0 =	rddreg [dreg:$0x2]  }
0x1ab: {  	s0 =	sadd.s32 @!p0 $0x100000, s0  }
0x1ac: {  	[sflag:s0] =	ssyncadd.tile.s32 @!p0 $0x1;
	_ =	shalt  }
.Lfunc_end2:
_tile_overlayer_lowered:
.L_overlay_start_2:
0x1ad: {  	(tag) =	ssettag $0x2  }
0x1ae: {  	s0 =	rddreg [dreg:$0x0];
	s2 =	stileid.u32  }
0x1af: {  	s1 =	rddreg [dreg:$0x1];
	p0 =	sne.s32 s2, $0x0  }
0x1b0: {  	s3 =	rddreg [dreg:$0x2];
	[bflag:$0x3] =	sbarrier.arrive $0xFFFF;
	s2 =	simm.s32 @!p0 $0x1C15  }
0x1b1: {  	[timem:s3], [sflag:s2] =	dma.local @!p0 [hbm:s0], s1  }
0x1b2: {  	s0 =	simm.s32 @!p0 $0x15  }
0x1b3: {  	_ =	swait.ge @!p0 [sflag:s0], s1  }
0x1b4: {  	s1 =	ssub.s32 @!p0 $0x0, s1;
	[sflag:s0] =	ssyncset.done @!p0 $0x0  }
0x1b5: {  	[sflag:s0] =	ssyncadd.s32 @!p0 s1  }
0x1b6: {  	[bflag:$0x3] =	sbarrier.arrive $0xFFFF  }
0x1b7: {  	_ =	shalt  }

// kernel: kernel.16.cloned.1.call-start
scs
__scs_entry_jumppad:
0x0: {  	(pc) =	sbr.rel $0x88, $3  }
0x1: {  	(tag) =	ssettag $0x0;
	lr =	simm.s32 $0x1  }
0x2: {  	[smem:$0x3F96] =	sst lr;
	_ =	strace $0xD0000000  }
0x3: {  	_ = 	snop  }
0x4: {  	_ = 	snop  }
0x5: {  	_ = 	snop  }
0x6: {  	_ = 	snop  }
0x7: {  	_ = 	snop  }
__scs_overlays_trampoline_lowered:
0x8: {  	[smem:$0x3FA5] =	sst s0  }
0x9: {  	[smem:$0x3FA6] =	sst s1  }
0xa: {  	[smem:$0x3FA7] =	sst s2  }
0xb: {  	[smem:$0x3FA8] =	sst s3  }
0xc: {  	[smem:$0x3FA9] =	sst s4  }
0xd: {  	[smem:$0x3FAA] =	sst s5  }
0xe: {  	[smem:$0x3FAB] =	sst s6  }
0xf: {  	[smem:$0x3FAC] =	sst s7  }
0x10: {  	[smem:$0x3FAD] =	sst s8  }
0x11: {  	[smem:$0x3FAE] =	sst s9;
	s0 =	simm.s32 @!p0 $0x0  }
0x12: {  	s1 =	sld [smem:$0x3F94];
	s0 =	simm.s32 @p0 $0x1  }
0x13: {  	[smem:$0x3FAF] =	sst s0;
	s0 =	simm.s32 @!p1 $0x0  }
0x14: {  	s2 =	sld [smem:$0x3F93];
	s0 =	simm.s32 @p1 $0x1  }
0x15: {  	[smem:$0x3FB0] =	sst s0;
	s0 =	simm.s32 @!p2 $0x0  }
0x16: {  	s3 =	sld [smem:$0x3FDB];
	s0 =	simm.s32 @p2 $0x1  }
0x17: {  	s4 =	simm.s32 $0x1BF5;
	[smem:$0x3FB2] =	sst s0  }
0x18: {  	s0 =	sld [smem:$0x3F95];
	_ =	swait.ge [sflag:s4], $0x0  }
0x19: {  	s7 =	sld [smem:$0x3F96]  }
0x1a: {  	s8 =	sadd.s32 $0xFFFFE003, lr  }
0x1b: {  	s9 =	sadd.s32 $0xFFFFFEF7, lr;
	s5 =	simm.s32 $0xFFFFFFFF;
	p2 =	slt.u32 s8, $0xFFFFF086  }
0x1c: {  	p1 =	slt.u32 s9, $0xF7A;
	s5 =	simm.s32 @!p2 $0x0  }
0x1d: {  	s5 =	simm.s32 @p1 $0x1;
	p0 =	seq.s32 s7, s2  }
0x1e: {  	s7 =	smul.u32 @!p0 $0xF7A, s2;
	p2 =	seq.s32 @!p0 s5, $0x0  }
0x1f: {  	s9 =	smul.u32 $0xF7A, s1;
	s8 =	simm.s32 @!p0 $0x1BF5;
	p2 =	por !p2, p0  }
0x20: {  	[sflag:s8] =	ssyncset.s32 @!p0 $0xFFFFF086;
	s6 =	sadd.s32 @!p0 s3, s7;
	s7 =	simm.s32 @!p0 $0x108  }
0x21: {  	s3 =	sadd.s32 s3, s9;
	s6 =	sadd.s32 @!p0 $0x88, s6;
	s7 =	simm.s32 @p2 $0x1082  }
0x22: {  	[simem:s7], [sflag:s8] =	dma.local @!p0 [hbm:s6], $0xF7A  }
0x23: {  	s9 =	sor.u32 $0xD0000000, s2;
	s6 =	simm.s32 $0x108;
	_ =	swait.ge @!p0 [sflag:s8], $0x0  }
0x24: {  	s3 =	sadd.s32 $0x88, s3;
	s6 =	simm.s32 @!p1 $0x1082;
	[sflag:s4] =	ssyncset.s32 $0xFFFFF086  }
0x25: {  	[simem:s6], [sflag:s4] =	dma.local [hbm:s3], $0xF7A  }
0x26: {  	[smem:$0x3F96] =	sst s1;
	(tag) =	ssettag s2;
	_ =	strace s9  }
0x27: {  	s1 =	sld [smem:$0x3FA6]  }
0x28: {  	s2 =	sld [smem:$0x3FA7]  }
0x29: {  	s4 =	sld [smem:$0x3FA9]  }
0x2a: {  	p0 =	seq.s32 s5, $0x0;
	s5 =	sld [smem:$0x3FAA]  }
0x2b: {  	s6 =	sld [smem:$0x3FAB]  }
0x2c: {  	s7 =	sld [smem:$0x3FAC]  }
0x2d: {  	s3 =	simm.s32 $0x108;
	s8 =	sld [smem:$0x3FAD]  }
0x2e: {  	s3 =	simm.s32 @!p0 $0x1082;
	s9 =	sld [smem:$0x3FAE]  }
0x2f: {  	lr =	sadd.s32 s0, s3;
	s0 =	sld [smem:$0x3FA5]  }
0x30: {  	s3 =	sld [smem:$0x3FA8]  }
0x31: {  	[smem:$0x3FB1] =	sst s10  }
0x32: {  	s10 =	sld [smem:$0x3FAF];
	_ =	sdelay $0x3  }
0x33: {  	p0 =	seq.s32 s10, $0x1;
	s10 =	sld [smem:$0x3FB1];
	_ =	sdelay $0x3  }
0x34: {  	[smem:$0x3FB1] =	sst s10  }
0x35: {  	s10 =	sld [smem:$0x3FB0];
	_ =	sdelay $0x3  }
0x36: {  	p1 =	seq.s32 s10, $0x1;
	s10 =	sld [smem:$0x3FB1];
	_ =	sdelay $0x3  }
0x37: {  	[smem:$0x3FB1] =	sst s10  }
0x38: {  	s10 =	sld [smem:$0x3FB2]  }
0x39: {  	_ = 	snop;
	(pc) =	sbr.ind lr, $3  }
0x3a: {  	_ = 	snop  }
0x3b: {  	_ = 	snop  }
0x3c: {  	p2 =	seq.s32 s10, $0x1;
	s10 =	sld [smem:$0x3FB1]  }
0x3d: {  	_ =	shalt  }
0x3e: {  	_ =	shalt  }
0x3f: {  	_ =	shalt  }
0x40: {  	_ =	shalt  }
0x41: {  	_ =	shalt  }
0x42: {  	_ =	shalt  }
0x43: {  	_ =	shalt  }
0x44: {  	_ =	shalt  }
0x45: {  	_ =	shalt  }
0x46: {  	_ =	shalt  }
0x47: {  	_ =	shalt  }
0x48: {  	_ =	shalt  }
0x49: {  	_ =	shalt  }
0x4a: {  	_ =	shalt  }
0x4b: {  	_ =	shalt  }
0x4c: {  	_ =	shalt  }
0x4d: {  	_ =	shalt  }
0x4e: {  	_ =	shalt  }
0x4f: {  	_ =	shalt  }
0x50: {  	_ =	shalt  }
0x51: {  	_ =	shalt  }
0x52: {  	_ =	shalt  }
0x53: {  	_ =	shalt  }
0x54: {  	_ =	shalt  }
0x55: {  	_ =	shalt  }
0x56: {  	_ =	shalt  }
0x57: {  	_ =	shalt  }
0x58: {  	_ =	shalt  }
0x59: {  	_ =	shalt  }
0x5a: {  	_ =	shalt  }
0x5b: {  	_ =	shalt  }
0x5c: {  	_ =	shalt  }
0x5d: {  	_ =	shalt  }
0x5e: {  	_ =	shalt  }
0x5f: {  	_ =	shalt  }
0x60: {  	_ =	shalt  }
0x61: {  	_ =	shalt  }
0x62: {  	_ =	shalt  }
0x63: {  	_ =	shalt  }
0x64: {  	_ =	shalt  }
0x65: {  	_ =	shalt  }
0x66: {  	_ =	shalt  }
0x67: {  	_ =	shalt  }
0x68: {  	_ =	shalt  }
0x69: {  	_ =	shalt  }
0x6a: {  	_ =	shalt  }
0x6b: {  	_ =	shalt  }
0x6c: {  	_ =	shalt  }
0x6d: {  	_ =	shalt  }
0x6e: {  	_ =	shalt  }
0x6f: {  	_ =	shalt  }
0x70: {  	_ =	shalt  }
0x71: {  	_ =	shalt  }
0x72: {  	_ =	shalt  }
0x73: {  	_ =	shalt  }
0x74: {  	_ =	shalt  }
0x75: {  	_ =	shalt  }
0x76: {  	_ =	shalt  }
0x77: {  	_ =	shalt  }
0x78: {  	_ =	shalt  }
0x79: {  	_ =	shalt  }
0x7a: {  	_ =	shalt  }
0x7b: {  	_ =	shalt  }
0x7c: {  	_ =	shalt  }
0x7d: {  	_ =	shalt  }
0x7e: {  	_ =	shalt  }
0x7f: {  	_ =	shalt  }
0x80: {  	_ =	shalt  }
0x81: {  	_ =	shalt  }
0x82: {  	_ =	shalt  }
0x83: {  	_ =	shalt  }
0x84: {  	_ =	shalt  }
0x85: {  	_ =	shalt  }
0x86: {  	_ =	shalt  }
0x87: {  	_ =	shalt  }
.Lfunc_end0:
.L_simem_size_0:
called_computation.2_lowered:
.L_overlay_start_0:
0x88: {  	s2 =	sld [smem:$0x3FD9]  }
0x89: {  	s3 =	sld [smem:$0x3FFE];
	_ =	sdelay $0x1  }
0x8a: {  	s1 =	srdreg.scid  }
0x8b: {  	s0 =	sand.u32 $0x1, s1  }
0x8c: {  	s16 =	sshll.u32 s0, $0xA;
	s2 =	sadd.s32 s3, s2  }
0x8d: {  	s2 =	sadd.s32 s2, s16  }
0x8e: {  	[smem:$0x3FBD] =	sst s2  }
0x8f: {  	_ = 	snop  }
0x90: {  	(tm) =	ssettm $0x1  }
0x91: {  	s17 =	sld [smem:$0x3FFB];
	_ =	sdelay $0x3  }
0x92: {  	_ =	strace s17  }
0x93: {  	s2 =	sld [smem:$0x3FFC];
	_ =	sdelay $0x3  }
0x94: {  	_ =	strace s2  }
0x95: {  	s2 =	sld [smem:$0x3FFD];
	_ =	sdelay $0x3  }
0x96: {  	_ =	strace s2  }
0x97: {  	_ =	strace $0x8FFFFFFF  }
0x98: {  	s18 =	sld [smem:$0x3FDB];
	_ =	sdelay $0x1  }
0x99: {  	s19 =	simm.s32 $_scs_section_size  }
0x9a: {  	s4 =	simm.s32 $_size__tile_overlayer_lowered;
	s5 =	simm.s32 $_tile_overlayer_lowered  }
0x9b: {  	s22 =	simm.s32 $0x1BFF;
	s21 =	sshll.u32 s5, $0x1;
	s2 =	sadd.s32 s19, s18  }
0x9c: {  	s6 =	simm.s32 $0x0;
	s20 =	sshll.u32 s4, $0x1;
	s4 =	sadd.s32 s21, s2  }
0x9d: {  	[timem:s6], [sflag:s22] =	dma.local [hbm:s4], s20  }
0x9e: {  	_ =	swait.ge [sflag:s22], s20  }
0x9f: {  	s3 =	ssub.s32 $0x0, s20;
	[sflag:s22] =	ssyncset.done $0x0  }
0xa0: {  	[sflag:s22] =	ssyncadd.s32 s3;
	_ =	sdelay $0x1  }
0xa1: {  	s23 =	simm.s32 $0x1B8B  }
0xa2: {  	_ =	swait.ge [sflag:s23], $0x1  }
0xa3: {  	[sflag:s23] =	ssyncset.done $0x0  }
0xa4: {  	s25 =	simm.s32 $0x1B8E;
	s24 =	sld [smem:$0x3FFE];
	[sflag:s23] =	ssyncadd.s32 $0xFFFFFFFF  }
0xa5: {  	s26 =	simm.s32 $execute0_lowered;
	[smem:$0x3FD2] =	sst s25  }
0xa6: {  	s4 =	sshll.u32 s26, $0x1;
	_ =	strace $0x8000004C;
	[dreg:$0x1] =	wrdreg $0xFFFFFFFF  }
0xa7: {  	s28 =	simm.s32 $_size_execute0_lowered;
	s2 =	sadd.s32 s2, s4;
	[dreg:$0x0] =	wrdreg $0x0  }
0xa8: {  	s4 =	sshll.u32 s28, $0x1;
	[dreg:$0x2] =	wrdreg s2  }
0xa9: {  	[dreg:$0x3] =	wrdreg s4  }
0xaa: {  	[dreg:$0x4] =	wrdreg $0xC0  }
0xab: {  	_ =	task [dreg:s6], $0x5FFFF  }
0xac: {  	[dreg:$0x1] =	wrdreg $0xFFFFFFFF  }
0xad: {  	[dreg:$0x0] =	wrdreg $0x60  }
0xae: {  	[dreg:$0x2] =	wrdreg s24  }
0xaf: {  	[dreg:$0x3] =	wrdreg $0x6B800  }
0xb0: {  	[dreg:$0x4] =	wrdreg $0x9  }
0xb1: {  	_ =	task.clear_ibuf [dreg:s6], $0x5FFFF;
	_ =	strace $0x9000004C  }
0xb2: {  	s29 =	simm.s32 $0x9;
	_ =	strace $0x8000004E  }
0xb3: {  	_ =	swait.ge [sflag:s29], $0x1  }
0xb4: {  	[sflag:s29] =	ssyncadd.s32 $0xFFFFFFFF  }
0xb5: {  	_ =	strace $0x9000004E  }
0xb6: {  	_ =	sfence  }
0xb7: {  	s30 =	sld [smem:$0x0];
	_ =	sdelay $0x2  }
0xb8: {  	s31 =	sshll.u32 s1, $0xD;
	s1 =	sshrl.u32 s1, $0x2  }
0xb9: {  	s3 =	sand.u32 $0x4000, s31;
	s1 =	sadd.s32 s1, s30  }
0xba: {  	s0 =	sor.u32 s3, s0;
	s1 =	sshll.u32 s1, $0x11  }
0xbb: {  	s0 =	sor.u32 s1, s0  }
0xbc: {  	s0 =	sadd.s32 $0x8F2B, s0  }
0xbd: {  	[sflag:s0] =	ssyncadd.remote.s32 $0x1  }
0xbe: {  	_ =	sfence.sel $0xFFFF  }
0xbf: {  	[dreg:$0x0] =	wrdreg $0xFFFFFFFF;
	(pc) =	sbr.abs _section_cstart, $3  }
0xc0: {  	[dreg:$0x1] =	wrdreg $0xFFFFFFFF  }
0xc1: {  	_ =	task.clear_ibuf [dreg:s6], $0x2FFFF;
	_ =	strace $0x9FFFFFFF  }
0xc2: {  	(tm) =	ssettm $0x7FFFFFFF  }
0xc3: {  	_ =	shalt  }
tec
execute0_lowered:
.L_overlay_start_1:
0x0: {  	(tag) =	ssettag $0x1  }
0x1: {  	s0 =	rddreg [dreg:$0x0]  }
0x2: {  	s1 =	rddreg [dreg:$0x1]  }
0x3: {  	s2 =	simm.s32 $0x0;
	s15 =	stileid.u32;
	s9 =	srdreg.scid  }
0x4: {  	s30 =	simm.s32 $0x50;
	s31 =	simm.s32 $0x2D0;
	s29 =	simm.s32 $0x11  }
0x5: {  	[smem:$0x7FF] =	sst s2;
	s4 =	sadd.s32 $0x10E400, s0;
	s3 =	smul.u32 $0x280, s15  }
0x6: {  	s7 =	sadd.s32 $0x1A000, s0;
	s10 =	sand.u32 $0x1, s9;
	_ =	strace $0x8000004D  }
0x7: {  	s11 =	smul.u32 $0x9C400, s10;
	s13 =	sshll.u32 s10, $0x4;
	s14 =	ssub.s32 $0x2, s10  }
0x8: {  	s3 =	smin.u32 s3, $0x2490;
	s25 =	sor.u32 s15, s13;
	s26 =	sshrl.u32 s14, $0x1  }
0x9: {  	s12 =	sshll.u32 s3, $0x3;
	s3 =	sshll.u32 s3, $0x6;
	s10 =	smul.u32 $0x2710, s25  }
0xa: {  	s28 =	ssub.s32 s14, s26;
	s11 =	sadd.s32 s11, s3;
	s3 =	sadd.s32 s3, s1  }
0xb: {  	s12 =	sadd.s32 s12, s0;
	s28 =	smax.u32 s28, $0x1;
	[dreg:$0x3] =	wrdreg s3  }
0xc: {  	s16 =	sshrl.u32 s10, $0x3;
	s12 =	sadd.s32 $0x1C2600, s12;
	[dreg:$0xf] =	wrdreg s28  }
0xd: {  	s8 =	sadd.s32 $0x10200, s0;
	[dreg:$0x4] =	wrdreg s12;
	s17 =	sadd.s32 s7, s16  }
0xe: {  	s9 =	sadd.s32 $0x6400, s0;
	s18 =	sadd.s32 s8, s16;
	[dreg:$0x5] =	wrdreg s17  }
0xf: {  	s19 =	sadd.s32 s9, s16;
	s20 =	sadd.s32 $0xA, s16;
	[dreg:$0x6] =	wrdreg s18  }
0x10: {  	s5 =	sadd.s32 $0xC0200, s0;
	[dreg:$0x7] =	wrdreg s19;
	s21 =	sadd.s32 s7, s20  }
0x11: {  	s6 =	sadd.s32 $0x1AE600, s0;
	s22 =	sadd.s32 s8, s20;
	[dreg:$0x8] =	wrdreg s21  }
0x12: {  	s23 =	sadd.s32 $0x14, s16;
	s3 =	sadd.s32 s9, s20;
	[dreg:$0x9] =	wrdreg s22  }
0x13: {  	s11 =	sshrl.u32 s11, $0x3;
	s24 =	sadd.s32 s7, s23;
	[dreg:$0xa] =	wrdreg s3  }
0x14: {  	s0 =	sadd.s32 s11, s0;
	s25 =	sadd.s32 s8, s23;
	[dreg:$0xb] =	wrdreg s24  }
0x15: {  	s15 =	sshll.u32 s15, $0x6;
	s26 =	sadd.s32 $0x15C600, s0;
	[dreg:$0xc] =	wrdreg s25  }
0x16: {  	s13 =	sor.u32 $0x1C15, s15;
	s0 =	sadd.s32 $0x183700, s0;
	[dreg:$0xd] =	wrdreg s26  }
0x17: {  	s11 =	simm.s32 $0x14;
	s22 =	sadd.s32 s9, s23;
	[dreg:$0xe] =	wrdreg s0  }
0x18: {  	s26 =	simm.s32 $0x15;
	s0 =	simm.s32 $0x1;
	s23 =	simm.s32 $0x2  }
0x19: {  	s25 =	simm.s32 $0x12;
	s3 =	simm.s32 $0x13;
	s24 =	simm.s32 $0x0  }
.LBB2_1:
0x1a: {  	s12 =	rddreg [dreg:$0x3]  }
0x1b: {  	s14 =	rddreg [dreg:$0x4];
	s12 =	sshrl.u32 s12, $0x3  }
0x1c: {  	[spmem:s12], [sflag:s13] =	dma.local [hbm:s14], $0x1400  }
0x1d: {  	_ =	swait.ge [sflag:s26], $0x1400  }
0x1e: {  	[sflag:s26] =	ssyncset.done $0x0  }
0x1f: {  	[sflag:s26] =	ssyncadd.s32 $0xFFFFEC00  }
0x20: {  	[bflag:$0x0] =	sbarrier.arrive $0xFFFF  }
0x21: {  	s20 =	rddreg [dreg:$0x5]  }
0x22: {  	[tilespmem:s2], [sflag:$0x1] =	stream.linear.gather [hbm4b:s20+s2], $0x50, $0x38;
	[tilespmem:$0x107C0] =	vst v63  }
0x23: {  	s15 =	simm.s32 $0x280;
	s21 =	rddreg [dreg:$0x6]  }
0x24: {  	[tilespmem:s15], [sflag:$0x1] =	stream.linear.gather [hbm4b:s21+s2], $0x50, $0x38;
	[tilespmem:$0x107C0] =	vst v63  }
0x25: {  	s16 =	simm.s32 $0x500;
	s28 =	rddreg [dreg:$0x7]  }
0x26: {  	[tilespmem:s16], [sflag:$0x1] =	stream.linear.gather [hbm4b:s28+s2], $0x50, $0x38;
	[tilespmem:$0x107C0] =	vst v63  }
0x27: {  	s17 =	rddreg [dreg:$0x8]  }
0x28: {  	[tilespmem:s30], [sflag:$0x2] =	stream.linear.gather [hbm4b:s17+s2], $0x50, $0x38;
	[tilespmem:$0x107C0] =	vst v63  }
0x29: {  	s18 =	rddreg [dreg:$0x9]  }
0x2a: {  	[tilespmem:s31], [sflag:$0x2] =	stream.linear.gather [hbm4b:s18+s2], $0x50, $0x38;
	[tilespmem:$0x107C0] =	vst v63  }
0x2b: {  	s19 =	rddreg [dreg:$0xa];
	s20 =	simm.s32 $0x550  }
0x2c: {  	[tilespmem:s20], [sflag:$0x2] =	stream.linear.gather [hbm4b:s19+s2], $0x50, $0x38;
	[tilespmem:$0x107C0] =	vst v63  }
0x2d: {  	s21 =	rddreg [dreg:$0xb];
	s28 =	simm.s32 $0xA0  }
0x2e: {  	[tilespmem:s28], [sflag:$0x3] =	stream.linear.gather [hbm4b:s21+s2], $0x50, $0x38;
	[tilespmem:$0x107C0] =	vst v63  }
0x2f: {  	s16 =	rddreg [dreg:$0xc];
	s17 =	simm.s32 $0x320  }
0x30: {  	[tilespmem:s17], [sflag:$0x3] =	stream.linear.gather [hbm4b:s16+s2], $0x50, $0x38;
	[tilespmem:$0x107C0] =	vst v63  }
0x31: {  	s18 =	simm.s32 $0x5A0  }
0x32: {  	[tilespmem:s18], [sflag:$0x3] =	stream.linear.gather [hbm4b:s22+s2], $0x50, $0x38;
	[tilespmem:$0x107C0] =	vst v63  }
0x33: {  	_ =	swait.ge [sflag:s0], $0x50  }
0x34: {  	[sflag:s0] =	ssyncset.done $0x0  }
0x35: {  	[sflag:s0] =	ssyncadd.s32 $0xFFFFFFB0  }
0x36: {  	_ =	swait.ge [sflag:s0], $0x50  }
0x37: {  	[sflag:s0] =	ssyncset.done $0x0  }
0x38: {  	[sflag:s0] =	ssyncadd.s32 $0xFFFFFFB0  }
0x39: {  	_ =	swait.ge [sflag:s0], $0x50  }
0x3a: {  	[sflag:s0] =	ssyncset.done $0x0  }
0x3b: {  	s19 =	simm.s32 $0x780;
	[sflag:s0] =	ssyncadd.s32 $0xFFFFFFB0  }
0x3c: {  	[tilespmem:s19], [sflag:$0x9] =	stream.indirect.gather [hbm4b:s4+s30], $0x40, s2, s30, $0xb8;
	[tilespmem:$0x107C0] =	vst v63  }
0x3d: {  	s20 =	simm.s32 $0x5780  }
0x3e: {  	[tilespmem:s20], [sflag:$0xD] =	stream.indirect.gather [hbm4b:s6+s30], $0x10, s15, s30, $0xb8;
	[tilespmem:$0x107C0] =	vst v63  }
0x3f: {  	_ =	swait.ge [sflag:s23], $0x50  }
0x40: {  	[sflag:s23] =	ssyncset.done $0x0  }
0x41: {  	[sflag:s23] =	ssyncadd.s32 $0xFFFFFFB0  }
0x42: {  	_ =	swait.ge [sflag:s23], $0x50  }
0x43: {  	[sflag:s23] =	ssyncset.done $0x0  }
0x44: {  	[sflag:s23] =	ssyncadd.s32 $0xFFFFFFB0  }
0x45: {  	_ =	swait.ge [sflag:s23], $0x50  }
0x46: {  	[sflag:s23] =	ssyncset.done $0x0  }
0x47: {  	s21 =	simm.s32 $0x1B80;
	[sflag:s23] =	ssyncadd.s32 $0xFFFFFFB0  }
0x48: {  	[tilespmem:s21], [sflag:$0xA] =	stream.indirect.gather [hbm4b:s4+s30], $0x40, s30, s30, $0xb8;
	[tilespmem:$0x107C0] =	vst v63  }
0x49: {  	s14 =	simm.s32 $0x0;
	s28 =	simm.s32 $0x5C80;
	s15 =	simm.s32 $0x0  }
0x4a: {  	[tilespmem:s28], [sflag:$0xE] =	stream.indirect.gather [hbm4b:s6+s30], $0x10, s31, s30, $0xb8;
	[tilespmem:$0x107C0] =	vst v63  }
.LBB2_2:
0x4b: {  	p0 =	slt.u32 s15, $0x7A  }
.Ltmp0:
0x4c: {  	_ = 	snop;
	(pc) =	sbr.rel @!p0 .LBB2_3-.Ltmp0, $1  }
0x4d: {  	_ =	sdelay $0x3  }
0x4e: {  	s16 =	sadd.s32 $0x3, s15  }
0x4f: {  	s17 =	smul.u32 $0x50, s16;
	_ =	sdelay $0x1  }
0x50: {  	s16 =	sand.u32 $0x7, s16;
	s17 =	sadd.s32 s10, s17  }
0x51: {  	s18 =	smul.u32 $0x50, s16;
	s17 =	sshrl.u32 s17, $0x3  }
0x52: {  	s16 =	sadd.s32 $0x1, s16;
	s19 =	sadd.s32 s7, s17  }
0x53: {  	[tilespmem:s18], [sflag:s16] =	stream.linear.gather [hbm4b:s19+s2], $0x50, $0x38;
	[tilespmem:$0x107C0] =	vst v63  }
0x54: {  	p0 =	slt.u32 s15, $0x2;
	s28 =	sadd.s32 $0x280, s18;
	s20 =	sadd.s32 s8, s17  }
0x55: {  	[tilespmem:s28], [sflag:s16] =	stream.linear.gather [hbm4b:s20+s2], $0x50, $0x38;
	[tilespmem:$0x107C0] =	vst v63  }
.Ltmp1:
0x56: {  	_ = 	snop;
	(pc) =	sbr.rel @p0 .LBB2_7-.Ltmp1, $4  }
.Ltmp2:
0x57: {  	s17 =	sadd.s32 s9, s17;
	s18 =	sadd.s32 $0x500, s18;
	(pc) =	sbr.rel @!p0 .LBB2_6-.Ltmp2, $4  }
0x58: {  	[tilespmem:s18], [sflag:s16] =	stream.linear.gather [hbm4b:s17+s2], $0x50, $0x38;
	[tilespmem:$0x107C0] =	vst v63  }
0x59: {  	s17 =	sadd.s32 $0x2, s15  }
0x5a: {  	s16 =	sand.u32 $0x3, s17  }
0x5b: {  	_ = 	snop  }
.LBB2_3:
0x5c: {  	p0 =	seq.s32 s15, $0x7A  }
.Ltmp3:
0x5d: {  	_ = 	snop;
	(pc) =	sbr.rel @!p0 .LBB2_8-.Ltmp3, $1  }
0x5e: {  	_ =	sdelay $0x3  }
0x5f: {  	s17 =	simm.s32 $0x7C;
	s16 =	simm.s32 $0x0  }
.LBB2_6:
0x60: {  	s18 =	sadd.s32 $0x11, s16  }
0x61: {  	_ =	swait.ge [sflag:s18], $0x1400  }
0x62: {  	[sflag:s18] =	ssyncset.done $0x0  }
0x63: {  	[sflag:s18] =	ssyncadd.s32 $0xFFFFEC00  }
.LBB2_7:
0x64: {  	s17 =	sand.u32 $0x7, s17  }
0x65: {  	s18 =	sadd.s32 $0x1, s17  }
0x66: {  	_ =	swait.ge [sflag:s18], $0x50  }
0x67: {  	[sflag:s18] =	ssyncset.done $0x0  }
0x68: {  	[sflag:s18] =	ssyncadd.s32 $0xFFFFFFB0  }
0x69: {  	_ =	swait.ge [sflag:s18], $0x50  }
0x6a: {  	[sflag:s18] =	ssyncset.done $0x0  }
0x6b: {  	s19 =	smul.u32 $0x5000, s16;
	[sflag:s18] =	ssyncadd.s32 $0xFFFFFFB0  }
0x6c: {  	s28 =	sadd.s32 $0x9, s16;
	s20 =	smul.u32 $0x1400, s16;
	_ =	swait.ge [sflag:s18], $0x50  }
0x6d: {  	s17 =	smul.u32 $0x50, s17;
	s21 =	sshrl.u32 s19, $0x2;
	[sflag:s18] =	ssyncset.done $0x0  }
0x6e: {  	[sflag:s18] =	ssyncadd.s32 $0xFFFFFFB0;
	s18 =	sadd.s32 $0x780, s21;
	s21 =	sshrl.u32 s20, $0x2  }
0x6f: {  	[tilespmem:s18], [sflag:s28] =	stream.indirect.gather [hbm4b:s4+s30], $0x40, s17, s30, $0xb8;
	[tilespmem:$0x107C0] =	vst v63  }
0x70: {  	s17 =	sadd.s32 $0x280, s17;
	s18 =	sadd.s32 $0x5780, s21;
	s28 =	sadd.s32 $0xD, s16  }
0x71: {  	[tilespmem:s18], [sflag:s28] =	stream.indirect.gather [hbm4b:s6+s30], $0x10, s17, s30, $0xb8;
	[tilespmem:$0x107C0] =	vst v63  }
.LBB2_8:
0x72: {  	s17 =	sand.u32 $0x3, s14  }
0x73: {  	s16 =	sand.u32 $0x3, s15;
	s18 =	smul.u32 $0x1400, s17  }
0x74: {  	s19 =	sadd.s32 $0x9, s16  }
0x75: {  	_ =	swait.ge [sflag:s19], $0x1400;
	s18 =	sshrl.u32 s18, $0x2  }
0x76: {  	[sflag:s19] =	ssyncset.done $0x0;
	s18 =	sadd.s32 $0x57A0, s18  }
0x77: {  	s28 =	sadd.s32 $0xD, s16;
	s17 =	smul.u32 $0x5000, s17;
	[sflag:s19] =	ssyncadd.s32 $0xFFFFEC00;
	v0 =	vmov s18  }
0x78: {  	_ =	swait.ge [sflag:s28], $0x500  }
0x79: {  	s17 =	sshrl.u32 s17, $0x2;
	[sflag:s28] =	ssyncset.done $0x0  }
0x7a: {  	s21 =	sadd.s32 $0x800, s17;
	[sflag:s28] =	ssyncadd.s32 $0xFFFFFB00  }
0x7b: {  	s18 =	simm.s32 $0x0;
	v2 =	vld [tilespmem:s21+$0xFFFFFF80]  }
0x7c: {  	v1 =	vld.idx.msk [tilespmem:v0+s18+$0xFFFFFFE0 ss:$0x1], $0xffff  }
0x7d: {  	v3 =	vld [tilespmem:s21+$0xFFFFFFB0]  }
0x7e: {  	v4 =	vld [tilespmem:s21+$0xFFFFFF90]  }
0x7f: {  	v5 =	vld [tilespmem:s21+$0xFFFFFFA0];
	_ =	sdelay $0x1  }
0x80: {  	v2 =	vmul.f32 v2, v1  }
0x81: {  	v3 =	vmul.f32 v3, v1  }
0x82: {  	v4 =	vmul.f32 v4, v1;
	[tilespmem:s21+$0xFFFFFF80] =	vst v2  }
0x83: {  	v1 =	vmul.f32 v5, v1;
	[tilespmem:s21+$0xFFFFFFB0] =	vst v3  }
0x84: {  	[tilespmem:s21+$0xFFFFFF90] =	vst v4  }
0x85: {  	[tilespmem:s21+$0xFFFFFFA0] =	vst v1;
	v2 =	vld [tilespmem:s21+$0xFFFFFFC0]  }
0x86: {  	v1 =	vld.idx.msk [tilespmem:v0+s18+$0xFFFFFFF0 ss:$0x1], $0xffff  }
0x87: {  	v3 =	vld [tilespmem:s21+$0xFFFFFFD0]  }
0x88: {  	v60 =	vld [tilespmem:s21+$0xFFFFFFF0]  }
0x89: {  	v61 =	vld [tilespmem:s21+$0xFFFFFFE0];
	_ =	sdelay $0x1  }
0x8a: {  	v2 =	vmul.f32 v2, v1  }
0x8b: {  	v3 =	vmul.f32 v3, v1  }
0x8c: {  	v4 =	vmul.f32 v60, v1;
	[tilespmem:s21+$0xFFFFFFC0] =	vst v2  }
0x8d: {  	v1 =	vmul.f32 v61, v1;
	[tilespmem:s21+$0xFFFFFFD0] =	vst v3  }
0x8e: {  	[tilespmem:s21+$0xFFFFFFF0] =	vst v4  }
0x8f: {  	[tilespmem:s21+$0xFFFFFFE0] =	vst v1;
	v1 =	vld [tilespmem:s21+$0x0]  }
0x90: {  	v3 =	vld.idx.msk [tilespmem:v0+s18+$0x0 ss:$0x1], $0xffff  }
0x91: {  	v2 =	vld [tilespmem:s21+$0x30]  }
0x92: {  	v62 =	vld [tilespmem:s21+$0x10]  }
0x93: {  	v63 =	vld [tilespmem:s21+$0x20];
	_ =	sdelay $0x1  }
0x94: {  	v1 =	vmul.f32 v1, v3  }
0x95: {  	v6 =	vmul.f32 v2, v3  }
0x96: {  	[tilespmem:s21+$0x0] =	vst v1  }
0x97: {  	s20 =	simm.s32 $0x100;
	s19 =	sand.u32 $0x7, s15;
	s17 =	smov.u32 s21;
	v2 =	vmul.f32 v62, v3;
	v1 =	vmul.f32 v63, v3;
	[tilespmem:s21+$0x30] =	vst v6  }
.LBB2_9:
0x98: {  	p0 =	sne.s32 s20, $0x1300  }
0x99: {  	[tilespmem:s21+$0x10] =	vst v2;
	v2 =	vld [tilespmem:s21+$0x70];
	s17 =	sadd.s32 $0x100, s17;
	s28 =	smov.u32 s20;
	s20 =	sadd.s32 $0x100, s20  }
0x9a: {  	[tilespmem:s21+$0x20] =	vst v1;
	v1 =	vld [tilespmem:s21+$0x40]  }
0x9b: {  	v3 =	vld.idx.msk [tilespmem:v0+s18+$0x10 ss:$0x1], $0xffff  }
0x9c: {  	v4 =	vld [tilespmem:s21+$0x50]  }
0x9d: {  	v5 =	vld [tilespmem:s21+$0x60];
	_ =	sdelay $0x3  }
0x9e: {  	v1 =	vmul.f32 v1, v3;
	v4 =	vmul.f32 v4, v3  }
0x9f: {  	v2 =	vmul.f32 v2, v3;
	v5 =	vmul.f32 v5, v3  }
0xa0: {  	[tilespmem:s21+$0x40] =	vst v1  }
0xa1: {  	[tilespmem:s21+$0x70] =	vst v2  }
0xa2: {  	s18 =	sshra.s32 s28, $0x2;
	v1 =	vld [tilespmem:s17+$0xFFFFFFB0];
	[tilespmem:s21+$0x60] =	vst v5  }
0xa3: {  	v2 =	vld [tilespmem:s17+$0xFFFFFFA0];
	[tilespmem:s21+$0x50] =	vst v4;
	s21 =	smov.u32 s17  }
0xa4: {  	v3 =	vld.idx.msk [tilespmem:v0+s18+$0xFFFFFFE0 ss:$0x1], $0xffff  }
0xa5: {  	v4 =	vld [tilespmem:s17+$0xFFFFFF80]  }
0xa6: {  	v5 =	vld [tilespmem:s17+$0xFFFFFF90];
	_ =	sdelay $0x3  }
0xa7: {  	v2 =	vmul.f32 v2, v3;
	v4 =	vmul.f32 v4, v3  }
0xa8: {  	v1 =	vmul.f32 v1, v3;
	v5 =	vmul.f32 v5, v3  }
0xa9: {  	[tilespmem:s17+$0xFFFFFF80] =	vst v4  }
0xaa: {  	[tilespmem:s17+$0xFFFFFFB0] =	vst v1  }
0xab: {  	[tilespmem:s17+$0xFFFFFF90] =	vst v5;
	v1 =	vld [tilespmem:s17+$0xFFFFFFF0]  }
0xac: {  	[tilespmem:s17+$0xFFFFFFA0] =	vst v2;
	v2 =	vld [tilespmem:s17+$0xFFFFFFD0]  }
0xad: {  	v3 =	vld.idx.msk [tilespmem:v0+s18+$0xFFFFFFF0 ss:$0x1], $0xffff  }
0xae: {  	v4 =	vld [tilespmem:s17+$0xFFFFFFC0]  }
0xaf: {  	v5 =	vld [tilespmem:s17+$0xFFFFFFE0];
	_ =	sdelay $0x3  }
0xb0: {  	v2 =	vmul.f32 v2, v3;
	v4 =	vmul.f32 v4, v3  }
0xb1: {  	v1 =	vmul.f32 v1, v3;
	v5 =	vmul.f32 v5, v3  }
0xb2: {  	[tilespmem:s17+$0xFFFFFFC0] =	vst v4  }
0xb3: {  	[tilespmem:s17+$0xFFFFFFD0] =	vst v2  }
0xb4: {  	[tilespmem:s17+$0xFFFFFFF0] =	vst v1;
	v3 =	vld [tilespmem:s17+$0x30]  }
0xb5: {  	[tilespmem:s17+$0xFFFFFFE0] =	vst v5;
	v1 =	vld [tilespmem:s17+$0x0]  }
0xb6: {  	v4 =	vld.idx.msk [tilespmem:v0+s18+$0x0 ss:$0x1], $0xffff  }
0xb7: {  	v2 =	vld [tilespmem:s17+$0x10]  }
0xb8: {  	v5 =	vld [tilespmem:s17+$0x20];
	_ =	sdelay $0x2  }
.Ltmp4:
0xb9: {  	(pc) =	sbr.rel @p0 .LBB2_9-.Ltmp4, $4  }
0xba: {  	v6 =	vmul.f32 v1, v4;
	v2 =	vmul.f32 v2, v4  }
0xbb: {  	v3 =	vmul.f32 v3, v4;
	v1 =	vmul.f32 v5, v4  }
0xbc: {  	[tilespmem:s17+$0x0] =	vst v6  }
0xbd: {  	[tilespmem:s17+$0x30] =	vst v3  }
0xbe: {  	_ =	sdelay $0x1  }
0xbf: {  	[tilespmem:s21+$0x10] =	vst v2  }
0xc0: {  	[tilespmem:s21+$0x20] =	vst v1;
	v62 =	vld [tilespmem:s21+$0x40]  }
0xc1: {  	v0 =	vld.idx.msk [tilespmem:v0+s18+$0x10 ss:$0x1], $0xffff  }
0xc2: {  	v63 =	vld [tilespmem:s21+$0x70]  }
0xc3: {  	v3 =	vld [tilespmem:s21+$0x60]  }
0xc4: {  	v4 =	vld [tilespmem:s21+$0x50];
	_ =	sdelay $0x1  }
0xc5: {  	s17 =	smul.u32 $0x5000, s16;
	s15 =	sadd.s32 $0x1, s15;
	v1 =	vmul.f32 v62, v0  }
0xc6: {  	s20 =	smul.u32 $0x140, s19;
	p0 =	sne.s32 s15, $0x7D;
	v2 =	vmul.f32 v63, v0  }
.Ltmp5:
0xc7: {  	v3 =	vmul.f32 v3, v0;
	[tilespmem:s21+$0x40] =	vst v1;
	(pc) =	sbr.rel @p0 .LBB2_2-.Ltmp5, $4  }
0xc8: {  	v0 =	vmul.f32 v4, v0;
	[tilespmem:s21+$0x70] =	vst v2  }
0xc9: {  	s28 =	sadd.s32 $0x11, s16;
	s17 =	sshrl.u32 s17, $0x2;
	s18 =	sshrl.u32 s20, $0x2;
	[tilespmem:s21+$0x60] =	vst v3  }
0xca: {  	s14 =	sadd.s32 $0x1, s14;
	s17 =	sadd.s32 $0x780, s17;
	s18 =	sadd.s32 $0x500, s18;
	[tilespmem:s21+$0x50] =	vst v0  }
0xcb: {  	[spmem:s1] =	stream.indirect.scatter.add.f32 [tilespmem:s17], [sflag:s28], $0x40, s18, s30, $0xb8;
	[tilespmem:$0x107C0] =	vst v63  }
0xcc: {  	_ =	swait.ge [sflag:s25], $0x1400  }
0xcd: {  	[sflag:s25] =	ssyncset.done $0x0  }
0xce: {  	[sflag:s25] =	ssyncadd.s32 $0xFFFFEC00  }
0xcf: {  	_ =	swait.ge [sflag:s3], $0x1400  }
0xd0: {  	[sflag:s3] =	ssyncset.done $0x0  }
0xd1: {  	[sflag:s3] =	ssyncadd.s32 $0xFFFFEC00  }
0xd2: {  	_ =	swait.ge [sflag:s11], $0x1400  }
0xd3: {  	[sflag:s11] =	ssyncset.done $0x0  }
0xd4: {  	[sflag:s11] =	ssyncadd.s32 $0xFFFFEC00  }
0xd5: {  	_ =	swait.ge [sflag:s29], $0x1400  }
0xd6: {  	[sflag:s29] =	ssyncset.done $0x0  }
0xd7: {  	[sflag:s29] =	ssyncadd.s32 $0xFFFFEC00  }
0xd8: {  	[bflag:$0x0] =	sbarrier.arrive $0xFFFF  }
0xd9: {  	s14 =	rddreg [dreg:$0xd]  }
0xda: {  	[hbm:s14], [sflag:s13] =	dma.local [spmem:s12], $0x1400  }
0xdb: {  	_ =	swait.ge [sflag:s26], $0x1400  }
0xdc: {  	[sflag:s26] =	ssyncset.done $0x0  }
0xdd: {  	[sflag:s26] =	ssyncadd.s32 $0xFFFFEC00  }
0xde: {  	[bflag:$0x0] =	sbarrier.arrive $0xFFFF  }
0xdf: {  	s18 =	rddreg [dreg:$0x4]  }
0xe0: {  	[spmem:s12], [sflag:s13] =	dma.local [hbm:s18], $0x1400  }
0xe1: {  	_ =	swait.ge [sflag:s26], $0x1400  }
0xe2: {  	[sflag:s26] =	ssyncset.done $0x0  }
0xe3: {  	[sflag:s26] =	ssyncadd.s32 $0xFFFFEC00  }
0xe4: {  	[bflag:$0x0] =	sbarrier.arrive $0xFFFF  }
0xe5: {  	s14 =	simm.s32 $0x0;
	s15 =	rddreg [dreg:$0x5]  }
0xe6: {  	[tilespmem:s14], [sflag:$0x1] =	stream.linear.gather [hbm4b:s15+s14], $0x50, $0x38;
	[tilespmem:$0x107C0] =	vst v63  }
0xe7: {  	s16 =	simm.s32 $0x280;
	s19 =	rddreg [dreg:$0x6]  }
0xe8: {  	[tilespmem:s16], [sflag:$0x1] =	stream.linear.gather [hbm4b:s19+s14], $0x50, $0x38;
	[tilespmem:$0x107C0] =	vst v63  }
0xe9: {  	s17 =	simm.s32 $0x500;
	s20 =	rddreg [dreg:$0x7]  }
0xea: {  	[tilespmem:s17], [sflag:$0x1] =	stream.linear.gather [hbm4b:s20+s14], $0x50, $0x38;
	[tilespmem:$0x107C0] =	vst v63  }
0xeb: {  	s21 =	rddreg [dreg:$0x8]  }
0xec: {  	[tilespmem:s30], [sflag:$0x2] =	stream.linear.gather [hbm4b:s21+s14], $0x50, $0x38;
	[tilespmem:$0x107C0] =	vst v63  }
0xed: {  	s28 =	rddreg [dreg:$0x9]  }
0xee: {  	[tilespmem:s31], [sflag:$0x2] =	stream.linear.gather [hbm4b:s28+s14], $0x50, $0x38;
	[tilespmem:$0x107C0] =	vst v63  }
0xef: {  	s18 =	simm.s32 $0x550;
	s17 =	rddreg [dreg:$0xa]  }
0xf0: {  	[tilespmem:s18], [sflag:$0x2] =	stream.linear.gather [hbm4b:s17+s14], $0x50, $0x38;
	[tilespmem:$0x107C0] =	vst v63  }
0xf1: {  	s19 =	rddreg [dreg:$0xb];
	s20 =	simm.s32 $0xA0  }
0xf2: {  	[tilespmem:s20], [sflag:$0x3] =	stream.linear.gather [hbm4b:s19+s14], $0x50, $0x38;
	[tilespmem:$0x107C0] =	vst v63  }
0xf3: {  	s21 =	rddreg [dreg:$0xc];
	s28 =	simm.s32 $0x320  }
0xf4: {  	[tilespmem:s28], [sflag:$0x3] =	stream.linear.gather [hbm4b:s21+s14], $0x50, $0x38;
	[tilespmem:$0x107C0] =	vst v63  }
0xf5: {  	s18 =	simm.s32 $0x5A0  }
0xf6: {  	[tilespmem:s18], [sflag:$0x3] =	stream.linear.gather [hbm4b:s22+s14], $0x50, $0x38;
	[tilespmem:$0x107C0] =	vst v63  }
0xf7: {  	_ =	swait.ge [sflag:s0], $0x50  }
0xf8: {  	[sflag:s0] =	ssyncset.done $0x0  }
0xf9: {  	[sflag:s0] =	ssyncadd.s32 $0xFFFFFFB0  }
0xfa: {  	_ =	swait.ge [sflag:s0], $0x50  }
0xfb: {  	[sflag:s0] =	ssyncset.done $0x0  }
0xfc: {  	[sflag:s0] =	ssyncadd.s32 $0xFFFFFFB0  }
0xfd: {  	_ =	swait.ge [sflag:s0], $0x50  }
0xfe: {  	[sflag:s0] =	ssyncset.done $0x0  }
0xff: {  	s19 =	simm.s32 $0x780;
	[sflag:s0] =	ssyncadd.s32 $0xFFFFFFB0  }
0x100: {  	[tilespmem:s19], [sflag:$0x9] =	stream.indirect.gather [hbm4b:s5+s30], $0x40, s14, s30, $0xb8;
	[tilespmem:$0x107C0] =	vst v63  }
0x101: {  	s20 =	simm.s32 $0x5780  }
0x102: {  	[tilespmem:s20], [sflag:$0xD] =	stream.indirect.gather [hbm4b:s6+s30], $0x10, s16, s30, $0xb8;
	[tilespmem:$0x107C0] =	vst v63  }
0x103: {  	_ =	swait.ge [sflag:s23], $0x50  }
0x104: {  	[sflag:s23] =	ssyncset.done $0x0  }
0x105: {  	[sflag:s23] =	ssyncadd.s32 $0xFFFFFFB0  }
0x106: {  	_ =	swait.ge [sflag:s23], $0x50  }
0x107: {  	[sflag:s23] =	ssyncset.done $0x0  }
0x108: {  	[sflag:s23] =	ssyncadd.s32 $0xFFFFFFB0  }
0x109: {  	_ =	swait.ge [sflag:s23], $0x50  }
0x10a: {  	[sflag:s23] =	ssyncset.done $0x0  }
0x10b: {  	s21 =	simm.s32 $0x1B80;
	[sflag:s23] =	ssyncadd.s32 $0xFFFFFFB0  }
0x10c: {  	[tilespmem:s21], [sflag:$0xA] =	stream.indirect.gather [hbm4b:s5+s30], $0x40, s30, s30, $0xb8;
	[tilespmem:$0x107C0] =	vst v63  }
0x10d: {  	s15 =	simm.s32 $0x0;
	s28 =	simm.s32 $0x5C80  }
0x10e: {  	[tilespmem:s28], [sflag:$0xE] =	stream.indirect.gather [hbm4b:s6+s30], $0x10, s31, s30, $0xb8;
	[tilespmem:$0x107C0] =	vst v63  }
.LBB2_12:
0x10f: {  	p0 =	slt.u32 s15, $0x7A  }
.Ltmp6:
0x110: {  	_ = 	snop;
	(pc) =	sbr.rel @!p0 .LBB2_13-.Ltmp6, $1  }
0x111: {  	_ =	sdelay $0x3  }
0x112: {  	s16 =	sadd.s32 $0x3, s15  }
0x113: {  	s17 =	smul.u32 $0x50, s16;
	_ =	sdelay $0x1  }
0x114: {  	s16 =	sand.u32 $0x7, s16;
	s17 =	sadd.s32 s10, s17  }
0x115: {  	s18 =	smul.u32 $0x50, s16;
	s17 =	sshrl.u32 s17, $0x3  }
0x116: {  	s16 =	sadd.s32 $0x1, s16;
	s19 =	sadd.s32 s7, s17  }
0x117: {  	[tilespmem:s18], [sflag:s16] =	stream.linear.gather [hbm4b:s19+s2], $0x50, $0x38;
	[tilespmem:$0x107C0] =	vst v63  }
0x118: {  	p0 =	slt.u32 s15, $0x2;
	s28 =	sadd.s32 $0x280, s18;
	s20 =	sadd.s32 s8, s17  }
0x119: {  	[tilespmem:s28], [sflag:s16] =	stream.linear.gather [hbm4b:s20+s2], $0x50, $0x38;
	[tilespmem:$0x107C0] =	vst v63  }
.Ltmp7:
0x11a: {  	_ = 	snop;
	(pc) =	sbr.rel @p0 .LBB2_17-.Ltmp7, $4  }
.Ltmp8:
0x11b: {  	s17 =	sadd.s32 s9, s17;
	s18 =	sadd.s32 $0x500, s18;
	(pc) =	sbr.rel @!p0 .LBB2_16-.Ltmp8, $4  }
0x11c: {  	[tilespmem:s18], [sflag:s16] =	stream.linear.gather [hbm4b:s17+s2], $0x50, $0x38;
	[tilespmem:$0x107C0] =	vst v63  }
0x11d: {  	s17 =	sadd.s32 $0x2, s15  }
0x11e: {  	s16 =	sand.u32 $0x3, s17  }
0x11f: {  	_ = 	snop  }
.LBB2_13:
0x120: {  	p0 =	seq.s32 s15, $0x7A  }
.Ltmp9:
0x121: {  	_ = 	snop;
	(pc) =	sbr.rel @!p0 .LBB2_18-.Ltmp9, $1  }
0x122: {  	_ =	sdelay $0x3  }
0x123: {  	s17 =	simm.s32 $0x7C;
	s16 =	simm.s32 $0x0  }
.LBB2_16:
0x124: {  	s18 =	sadd.s32 $0x11, s16  }
0x125: {  	_ =	swait.ge [sflag:s18], $0x1400  }
0x126: {  	[sflag:s18] =	ssyncset.done $0x0  }
0x127: {  	[sflag:s18] =	ssyncadd.s32 $0xFFFFEC00  }
.LBB2_17:
0x128: {  	s17 =	sand.u32 $0x7, s17  }
0x129: {  	s18 =	sadd.s32 $0x1, s17  }
0x12a: {  	_ =	swait.ge [sflag:s18], $0x50  }
0x12b: {  	[sflag:s18] =	ssyncset.done $0x0  }
0x12c: {  	[sflag:s18] =	ssyncadd.s32 $0xFFFFFFB0  }
0x12d: {  	_ =	swait.ge [sflag:s18], $0x50  }
0x12e: {  	[sflag:s18] =	ssyncset.done $0x0  }
0x12f: {  	s19 =	smul.u32 $0x5000, s16;
	[sflag:s18] =	ssyncadd.s32 $0xFFFFFFB0  }
0x130: {  	s28 =	sadd.s32 $0x9, s16;
	s20 =	smul.u32 $0x1400, s16;
	_ =	swait.ge [sflag:s18], $0x50  }
0x131: {  	s17 =	smul.u32 $0x50, s17;
	s21 =	sshrl.u32 s19, $0x2;
	[sflag:s18] =	ssyncset.done $0x0  }
0x132: {  	[sflag:s18] =	ssyncadd.s32 $0xFFFFFFB0;
	s18 =	sadd.s32 $0x780, s21;
	s21 =	sshrl.u32 s20, $0x2  }
0x133: {  	[tilespmem:s18], [sflag:s28] =	stream.indirect.gather [hbm4b:s5+s30], $0x40, s17, s30, $0xb8;
	[tilespmem:$0x107C0] =	vst v63  }
0x134: {  	s17 =	sadd.s32 $0x280, s17;
	s18 =	sadd.s32 $0x5780, s21;
	s28 =	sadd.s32 $0xD, s16  }
0x135: {  	[tilespmem:s18], [sflag:s28] =	stream.indirect.gather [hbm4b:s6+s30], $0x10, s17, s30, $0xb8;
	[tilespmem:$0x107C0] =	vst v63  }
.LBB2_18:
0x136: {  	s17 =	sand.u32 $0x3, s14  }
0x137: {  	s16 =	sand.u32 $0x3, s15;
	s18 =	smul.u32 $0x1400, s17  }
0x138: {  	s19 =	sadd.s32 $0x9, s16  }
0x139: {  	_ =	swait.ge [sflag:s19], $0x1400;
	s18 =	sshrl.u32 s18, $0x2  }
0x13a: {  	[sflag:s19] =	ssyncset.done $0x0;
	s18 =	sadd.s32 $0x57A0, s18  }
0x13b: {  	s28 =	sadd.s32 $0xD, s16;
	s17 =	smul.u32 $0x5000, s17;
	[sflag:s19] =	ssyncadd.s32 $0xFFFFEC00;
	v0 =	vmov s18  }
0x13c: {  	_ =	swait.ge [sflag:s28], $0x500  }
0x13d: {  	s17 =	sshrl.u32 s17, $0x2;
	[sflag:s28] =	ssyncset.done $0x0  }
0x13e: {  	s17 =	sadd.s32 $0x800, s17;
	[sflag:s28] =	ssyncadd.s32 $0xFFFFFB00  }
0x13f: {  	s18 =	simm.s32 $0x0;
	v2 =	vld [tilespmem:s17+$0xFFFFFF80]  }
0x140: {  	v1 =	vld.idx.msk [tilespmem:v0+s18+$0xFFFFFFE0 ss:$0x1], $0xffff  }
0x141: {  	v3 =	vld [tilespmem:s17+$0xFFFFFFB0]  }
0x142: {  	v4 =	vld [tilespmem:s17+$0xFFFFFF90]  }
0x143: {  	v5 =	vld [tilespmem:s17+$0xFFFFFFA0];
	_ =	sdelay $0x1  }
0x144: {  	v2 =	vmul.f32 v2, v1  }
0x145: {  	v3 =	vmul.f32 v3, v1  }
0x146: {  	v4 =	vmul.f32 v4, v1;
	[tilespmem:s17+$0xFFFFFF80] =	vst v2  }
0x147: {  	v1 =	vmul.f32 v5, v1;
	[tilespmem:s17+$0xFFFFFFB0] =	vst v3  }
0x148: {  	[tilespmem:s17+$0xFFFFFF90] =	vst v4  }
0x149: {  	[tilespmem:s17+$0xFFFFFFA0] =	vst v1;
	v2 =	vld [tilespmem:s17+$0xFFFFFFC0]  }
0x14a: {  	v1 =	vld.idx.msk [tilespmem:v0+s18+$0xFFFFFFF0 ss:$0x1], $0xffff  }
0x14b: {  	v3 =	vld [tilespmem:s17+$0xFFFFFFD0]  }
0x14c: {  	v60 =	vld [tilespmem:s17+$0xFFFFFFF0]  }
0x14d: {  	v61 =	vld [tilespmem:s17+$0xFFFFFFE0];
	_ =	sdelay $0x1  }
0x14e: {  	v2 =	vmul.f32 v2, v1  }
0x14f: {  	v3 =	vmul.f32 v3, v1  }
0x150: {  	v4 =	vmul.f32 v60, v1;
	[tilespmem:s17+$0xFFFFFFC0] =	vst v2  }
0x151: {  	v1 =	vmul.f32 v61, v1;
	[tilespmem:s17+$0xFFFFFFD0] =	vst v3  }
0x152: {  	[tilespmem:s17+$0xFFFFFFF0] =	vst v4  }
0x153: {  	[tilespmem:s17+$0xFFFFFFE0] =	vst v1;
	v1 =	vld [tilespmem:s17+$0x0]  }
0x154: {  	v3 =	vld.idx.msk [tilespmem:v0+s18+$0x0 ss:$0x1], $0xffff  }
0x155: {  	v2 =	vld [tilespmem:s17+$0x30]  }
0x156: {  	v62 =	vld [tilespmem:s17+$0x10]  }
0x157: {  	v63 =	vld [tilespmem:s17+$0x20];
	_ =	sdelay $0x1  }
0x158: {  	v1 =	vmul.f32 v1, v3  }
0x159: {  	v6 =	vmul.f32 v2, v3  }
0x15a: {  	[tilespmem:s17+$0x0] =	vst v1  }
0x15b: {  	s20 =	simm.s32 $0x100;
	s19 =	sand.u32 $0x7, s15;
	s21 =	smov.u32 s17;
	v2 =	vmul.f32 v62, v3;
	v1 =	vmul.f32 v63, v3;
	[tilespmem:s17+$0x30] =	vst v6  }
.LBB2_19:
0x15c: {  	p0 =	sne.s32 s20, $0x1300  }
0x15d: {  	[tilespmem:s17+$0x10] =	vst v2;
	v2 =	vld [tilespmem:s17+$0x70];
	s21 =	sadd.s32 $0x100, s21;
	s28 =	smov.u32 s20;
	s20 =	sadd.s32 $0x100, s20  }
0x15e: {  	[tilespmem:s17+$0x20] =	vst v1;
	v1 =	vld [tilespmem:s17+$0x40]  }
0x15f: {  	v3 =	vld.idx.msk [tilespmem:v0+s18+$0x10 ss:$0x1], $0xffff  }
0x160: {  	v4 =	vld [tilespmem:s17+$0x50]  }
0x161: {  	v5 =	vld [tilespmem:s17+$0x60];
	_ =	sdelay $0x3  }
0x162: {  	v1 =	vmul.f32 v1, v3;
	v4 =	vmul.f32 v4, v3  }
0x163: {  	v2 =	vmul.f32 v2, v3;
	v5 =	vmul.f32 v5, v3  }
0x164: {  	[tilespmem:s17+$0x40] =	vst v1  }
0x165: {  	[tilespmem:s17+$0x70] =	vst v2  }
0x166: {  	s18 =	sshra.s32 s28, $0x2;
	v1 =	vld [tilespmem:s21+$0xFFFFFFB0];
	[tilespmem:s17+$0x60] =	vst v5  }
0x167: {  	v2 =	vld [tilespmem:s21+$0xFFFFFFA0];
	[tilespmem:s17+$0x50] =	vst v4;
	s17 =	smov.u32 s21  }
0x168: {  	v3 =	vld.idx.msk [tilespmem:v0+s18+$0xFFFFFFE0 ss:$0x1], $0xffff  }
0x169: {  	v4 =	vld [tilespmem:s21+$0xFFFFFF80]  }
0x16a: {  	v5 =	vld [tilespmem:s21+$0xFFFFFF90];
	_ =	sdelay $0x3  }
0x16b: {  	v2 =	vmul.f32 v2, v3;
	v4 =	vmul.f32 v4, v3  }
0x16c: {  	v1 =	vmul.f32 v1, v3;
	v5 =	vmul.f32 v5, v3  }
0x16d: {  	[tilespmem:s21+$0xFFFFFF80] =	vst v4  }
0x16e: {  	[tilespmem:s21+$0xFFFFFFB0] =	vst v1  }
0x16f: {  	[tilespmem:s21+$0xFFFFFF90] =	vst v5;
	v1 =	vld [tilespmem:s21+$0xFFFFFFF0]  }
0x170: {  	[tilespmem:s21+$0xFFFFFFA0] =	vst v2;
	v2 =	vld [tilespmem:s21+$0xFFFFFFD0]  }
0x171: {  	v3 =	vld.idx.msk [tilespmem:v0+s18+$0xFFFFFFF0 ss:$0x1], $0xffff  }
0x172: {  	v4 =	vld [tilespmem:s21+$0xFFFFFFC0]  }
0x173: {  	v5 =	vld [tilespmem:s21+$0xFFFFFFE0];
	_ =	sdelay $0x3  }
0x174: {  	v2 =	vmul.f32 v2, v3;
	v4 =	vmul.f32 v4, v3  }
0x175: {  	v1 =	vmul.f32 v1, v3;
	v5 =	vmul.f32 v5, v3  }
0x176: {  	[tilespmem:s21+$0xFFFFFFC0] =	vst v4  }
0x177: {  	[tilespmem:s21+$0xFFFFFFD0] =	vst v2  }
0x178: {  	[tilespmem:s21+$0xFFFFFFF0] =	vst v1;
	v3 =	vld [tilespmem:s21+$0x30]  }
0x179: {  	[tilespmem:s21+$0xFFFFFFE0] =	vst v5;
	v1 =	vld [tilespmem:s21+$0x0]  }
0x17a: {  	v4 =	vld.idx.msk [tilespmem:v0+s18+$0x0 ss:$0x1], $0xffff  }
0x17b: {  	v2 =	vld [tilespmem:s21+$0x10]  }
0x17c: {  	v5 =	vld [tilespmem:s21+$0x20];
	_ =	sdelay $0x2  }
.Ltmp10:
0x17d: {  	(pc) =	sbr.rel @p0 .LBB2_19-.Ltmp10, $4  }
0x17e: {  	v6 =	vmul.f32 v1, v4;
	v2 =	vmul.f32 v2, v4  }
0x17f: {  	v3 =	vmul.f32 v3, v4;
	v1 =	vmul.f32 v5, v4  }
0x180: {  	[tilespmem:s21+$0x0] =	vst v6  }
0x181: {  	[tilespmem:s21+$0x30] =	vst v3  }
0x182: {  	_ =	sdelay $0x1  }
0x183: {  	[tilespmem:s17+$0x10] =	vst v2  }
0x184: {  	[tilespmem:s17+$0x20] =	vst v1;
	v62 =	vld [tilespmem:s17+$0x40]  }
0x185: {  	v0 =	vld.idx.msk [tilespmem:v0+s18+$0x10 ss:$0x1], $0xffff  }
0x186: {  	v63 =	vld [tilespmem:s17+$0x70]  }
0x187: {  	v3 =	vld [tilespmem:s17+$0x60]  }
0x188: {  	v4 =	vld [tilespmem:s17+$0x50];
	_ =	sdelay $0x1  }
0x189: {  	s28 =	smul.u32 $0x5000, s16;
	s15 =	sadd.s32 $0x1, s15;
	v1 =	vmul.f32 v62, v0  }
0x18a: {  	s19 =	smul.u32 $0x140, s19;
	p0 =	sne.s32 s15, $0x7D;
	v2 =	vmul.f32 v63, v0  }
.Ltmp11:
0x18b: {  	v3 =	vmul.f32 v3, v0;
	[tilespmem:s17+$0x40] =	vst v1;
	(pc) =	sbr.rel @p0 .LBB2_12-.Ltmp11, $4  }
0x18c: {  	v0 =	vmul.f32 v4, v0;
	[tilespmem:s17+$0x70] =	vst v2  }
0x18d: {  	s14 =	sadd.s32 $0x1, s14;
	s18 =	sshrl.u32 s28, $0x2;
	s19 =	sshrl.u32 s19, $0x2;
	[tilespmem:s17+$0x60] =	vst v3  }
0x18e: {  	s28 =	sadd.s32 $0x11, s16;
	s20 =	sadd.s32 $0x780, s18;
	s21 =	sadd.s32 $0x500, s19;
	[tilespmem:s17+$0x50] =	vst v0  }
0x18f: {  	[spmem:s1] =	stream.indirect.scatter.add.f32 [tilespmem:s20], [sflag:s28], $0x40, s21, s30, $0xb8;
	[tilespmem:$0x107C0] =	vst v63  }
0x190: {  	_ =	swait.ge [sflag:s25], $0x1400  }
0x191: {  	[sflag:s25] =	ssyncset.done $0x0  }
0x192: {  	[sflag:s25] =	ssyncadd.s32 $0xFFFFEC00  }
0x193: {  	_ =	swait.ge [sflag:s3], $0x1400  }
0x194: {  	[sflag:s3] =	ssyncset.done $0x0  }
0x195: {  	[sflag:s3] =	ssyncadd.s32 $0xFFFFEC00  }
0x196: {  	_ =	swait.ge [sflag:s11], $0x1400  }
0x197: {  	[sflag:s11] =	ssyncset.done $0x0  }
0x198: {  	[sflag:s11] =	ssyncadd.s32 $0xFFFFEC00  }
0x199: {  	_ =	swait.ge [sflag:s29], $0x1400  }
0x19a: {  	[sflag:s29] =	ssyncset.done $0x0  }
0x19b: {  	[sflag:s29] =	ssyncadd.s32 $0xFFFFEC00  }
0x19c: {  	[bflag:$0x0] =	sbarrier.arrive $0xFFFF  }
0x19d: {  	s14 =	rddreg [dreg:$0xe]  }
0x19e: {  	[hbm:s14], [sflag:s13] =	dma.local [spmem:s12], $0x1400  }
0x19f: {  	_ =	swait.ge [sflag:s26], $0x1400  }
0x1a0: {  	s24 =	sadd.s32 $0x1, s24;
	s28 =	rddreg [dreg:$0xf]  }
0x1a1: {  	p0 =	sne.s32 s24, s28  }
.Ltmp12:
0x1a2: {  	_ = 	snop;
	(pc) =	sbr.rel @p0 .LBB2_1-.Ltmp12, $3  }
0x1a3: {  	[sflag:s26] =	ssyncset.done $0x0  }
0x1a4: {  	[sflag:s26] =	ssyncadd.s32 $0xFFFFEC00  }
0x1a5: {  	[bflag:$0x0] =	sbarrier.arrive $0xFFFF;
	_ =	sdelay $0x1  }
0x1a6: {  	_ =	sfence.sel $0x180000  }
0x1a7: {  	[bflag:$0x0] =	sbarrier.arrive $0xFFFF  }
0x1a8: {  	_ =	strace $0x9000004D  }
0x1a9: {  	s0 =	stileid.u32;
	[bflag:$0x2] =	sbarrier.arrive $0xFFFF  }
0x1aa: {  	p0 =	sne.s32 s0, $0x0;
	s0 =	rddreg [dreg:$0x2]  }
0x1ab: {  	s0 =	sadd.s32 @!p0 $0x100000, s0  }
0x1ac: {  	[sflag:s0] =	ssyncadd.tile.s32 @!p0 $0x1;
	_ =	shalt  }
.Lfunc_end2:
_tile_overlayer_lowered:
.L_overlay_start_2:
0x1ad: {  	(tag) =	ssettag $0x2  }
0x1ae: {  	s0 =	rddreg [dreg:$0x0];
	s2 =	stileid.u32  }
0x1af: {  	s1 =	rddreg [dreg:$0x1];
	p0 =	sne.s32 s2, $0x0  }
0x1b0: {  	s3 =	rddreg [dreg:$0x2];
	[bflag:$0x3] =	sbarrier.arrive $0xFFFF;
	s2 =	simm.s32 @!p0 $0x1C15  }
0x1b1: {  	[timem:s3], [sflag:s2] =	dma.local @!p0 [hbm:s0], s1  }
0x1b2: {  	s0 =	simm.s32 @!p0 $0x15  }
0x1b3: {  	_ =	swait.ge @!p0 [sflag:s0], s1  }
0x1b4: {  	s1 =	ssub.s32 @!p0 $0x0, s1;
	[sflag:s0] =	ssyncset.done @!p0 $0x0  }
0x1b5: {  	[sflag:s0] =	ssyncadd.s32 @!p0 s1  }
0x1b6: {  	[bflag:$0x3] =	sbarrier.arrive $0xFFFF  }
0x1b7: {  	_ =	shalt  }

</sc_bundles>
